<compile_context>
chip_gen: v7x
topology: tpu7x:2x2x1
jax: 0.10.2.dev20260603
libtpu: 0.0.44.dev20260713+nightly
codegen_flags: <defaults>
</compile_context>

<pallas_src>
import functools

import jax
import jax.numpy as jnp
from jax import lax
from jax.experimental import pallas as pl
from jax.experimental.pallas import tpu as pltpu
from jax.experimental.pallas import tpu_sc as plsc

_KEEP_RATE = 0.8
_EPS = 1e-5
_BS = 512
_L = 16
_NC = 2
_CH = 64


def _lnscore_body(x_ref, g_ref, b_ref, o_ref, s_ref):
    x = x_ref[0]
    s = jnp.sqrt(jnp.sum(x * x, axis=-1))
    s_ref[...] = lax.bitcast_convert_type(s, jnp.int32)[None, None, :]
    mu = jnp.mean(x, axis=-1, keepdims=True)
    var = jnp.mean((x - mu) ** 2, axis=-1, keepdims=True)
    xhat = (x - mu) / jnp.sqrt(var + _EPS)
    o_ref[0] = xhat * g_ref[...] + b_ref[...]


def _scan_vreg(h, cum_above, need, iota):
    rev = lax.rev(h, (0,))
    cs = plsc.cumsum(rev)
    cse = cs - rev
    above = cum_above + cse
    cross = ((cum_above + cs) >= need) & (above < need)
    crossi = cross.astype(jnp.int32)
    anyv = jnp.sum(crossi)
    lane = jnp.sum(jnp.where(cross, iota, 0))
    boff = 15 - lane
    n_above = jnp.sum(jnp.where(cross, above, 0))
    return anyv, boff, n_above


def _sc_level(bits_v, hist_v, tot_v, nv, shift, nbits, pmask, prefix,
              n_gt, keep_k):
    nbuck = 1 << nbits
    zeros = jnp.zeros((_L,), jnp.int32)
    ones = jnp.ones((_L,), jnp.int32)
    iota = lax.iota(jnp.int32, _L)
    lane_base = iota * nbuck

    @plsc.parallel_loop(0, (nbuck * _L) // _L, unroll=8)
    def _(j):
        hist_v[pl.ds(j * _L, _L)] = zeros

    @plsc.parallel_loop(0, nv, unroll=8)
    def _(j):
        b = bits_v[pl.ds(j * _L, _L)]
        inr = (b & pmask) == prefix
        buck = (b >> shift) & (nbuck - 1)
        plsc.addupdate_scatter(hist_v, [lane_base + buck], ones, mask=inr)

    @plsc.parallel_loop(0, nbuck // _L, unroll=2)
    def _(j):
        acc = hist_v[pl.ds(j * _L, _L)]
        for l in range(1, _L):
            acc = acc + hist_v[pl.ds(l * nbuck + j * _L, _L)]
        tot_v[pl.ds(j * _L, _L)] = acc

    need = keep_k - n_gt

    def cscan(jj, carry):
        found, b_star, n_above, cum = carry
        g = nbuck // _L - 1 - jj
        h = tot_v[pl.ds(g * _L, _L)]
        anyv, boff, na = _scan_vreg(h, cum, need, iota)
        hit = (anyv > 0) & (found == 0)
        b_star = jnp.where(hit, g * _L + boff, b_star)
        n_above = jnp.where(hit, na, n_above)
        found = found | anyv
        cum = cum + jnp.sum(h)
        return found, b_star, n_above, cum

    init = (jnp.int32(0), jnp.int32(0), jnp.int32(0), jnp.int32(0))
    _, b_star, n_above_f, _ = lax.fori_loop(0, nbuck // _L, cscan, init)

    n_gt_new = n_gt + n_above_f
    prefix_new = prefix | (b_star << shift)
    return prefix_new, n_gt_new


def _sc_prune_body(bits_hbm, betarep_hbm, ln_hbm, bits_v, hist_v, tot_v,
                   idx1_v, idx2_v, beta_v, sh_idx, sem, *, keep_k, seq,
                   batch, n_drop, nch, tpr, rps):
    c = lax.axis_index("c")
    s = lax.axis_index("s")
    wid2 = c * 16 + s
    row = wid2 // tpr
    t = wid2 % tpr
    row_local = row % rps

    fill = pltpu.make_async_copy(betarep_hbm, beta_v, sem)
    fill.start()

    @pl.when((t == 0) & (row < batch))
    def _():
        pltpu.sync_copy(bits_hbm.at[row], bits_v)
        nv = seq // _L
        prefix, n_gt = jnp.int32(0), jnp.int32(0)
        prefix, n_gt = _sc_level(bits_v, hist_v, tot_v, nv, 23, 8,
                                 jnp.int32(0), prefix, n_gt, keep_k)
        prefix, n_gt = _sc_level(bits_v, hist_v, tot_v, nv, 15, 8,
                                 jnp.int32(0x7F800000), prefix, n_gt, keep_k)
        prefix, n_gt = _sc_level(bits_v, hist_v, tot_v, nv, 7, 8,
                                 jnp.int32(0x7FFF8000), prefix, n_gt, keep_k)
        prefix, n_gt = _sc_level(bits_v, hist_v, tot_v, nv, 0, 7,
                                 jnp.int32(0x7FFFFF80), prefix, n_gt, keep_k)
        thresh = prefix
        need_eq = keep_k - n_gt
        iota = lax.iota(jnp.int32, _L)
        base = row * seq

        zsplat = jnp.zeros((_L,), jnp.int32)

        @plsc.parallel_loop(0, nv, unroll=8, carry=(zsplat, zsplat))
        def _(j, carry):
            run_v, off_v = carry
            b = bits_v[pl.ds(j * _L, _L)]
            gt = b > thresh
            eq = b == thresh
            eqi = eq.astype(jnp.int32)
            cs = plsc.cumsum(eqi)
            keep_eq = eq & ((run_v + cs) <= need_eq)
            dropped = jnp.logical_not(gt | keep_eq)
            di = dropped.astype(jnp.int32)
            dcs = plsc.cumsum(di)
            pos = off_v + dcs - di
            gidx = base + j * _L + iota
            plsc.store_scatter(idx1_v, [pos], gidx, mask=dropped)
            run_v = run_v + plsc.all_reduce_population_count(eq)
            off_v = off_v + plsc.all_reduce_population_count(dropped)
            return run_v, off_v

        pad0 = plsc.load_gather(idx1_v, [jnp.zeros((_L,), jnp.int32)])
        for u in range((nch * _CH - n_drop + _L - 1) // _L):
            idx1_v[pl.ds(n_drop + u * _L, _L)] = pad0
        for u in range(nch):
            for v in range(_CH // _L):
                idx2_v[u, pl.ds(v * _L, _L)] = \
                    idx1_v[pl.ds(u * _CH + v * _L, _L)]
        pltpu.sync_copy(idx2_v, sh_idx.at[row_local])

    plsc.subcore_barrier()
    pltpu.sync_copy(sh_idx.at[row_local], idx2_v)
    fill.wait()
    nslots = -(-nch // tpr)
    for i in range(nslots):
        r = i * tpr + t

        @pl.when((r < nch) & (row < batch))
        def _(r=r):
            pltpu.make_async_copy(
                beta_v, ln_hbm.at[idx2_v.at[r]], sem).start()
    for i in range(nslots):
        r = i * tpr + t

        @pl.when((r < nch) & (row < batch))
        def _(r=r):
            pltpu.make_async_copy(
                beta_v, ln_hbm.at[idx2_v.at[r]], sem).wait()


def kernel(hidden_states, gamma, beta):
    batch, seq, dim = hidden_states.shape
    keep_k = max(1, int(seq * _KEEP_RATE))
    n_drop = seq - keep_k
    bs = min(_BS, seq)
    nblk = (batch * seq) // bs
    x3 = hidden_states.reshape(nblk, bs, dim)

    ln, bits = pl.pallas_call(
        _lnscore_body,
        grid=(nblk,),
        in_specs=[
            pl.BlockSpec((1, bs, dim), lambda i: (i, 0, 0)),
            pl.BlockSpec((dim,), lambda i: (0,)),
            pl.BlockSpec((dim,), lambda i: (0,)),
        ],
        out_specs=[
            pl.BlockSpec((1, bs, dim), lambda i: (i, 0, 0)),
            pl.BlockSpec((1, 1, bs), lambda i: (i, 0, 0)),
        ],
        out_shape=[
            jax.ShapeDtypeStruct((nblk, bs, dim), jnp.float32),
            jax.ShapeDtypeStruct((nblk, 1, bs), jnp.int32),
        ],
    )(x3, gamma, beta)
    bits2 = bits.reshape(batch, seq)

    if n_drop == 0:
        return ln.reshape(batch, seq, dim)

    nch = -(-n_drop // _CH)
    tpr = max(1, 32 // max(1, batch))
    while 16 % tpr != 0:
        tpr -= 1
    rps = max(1, 16 // tpr)
    mesh = plsc.VectorSubcoreMesh(core_axis_name="c", subcore_axis_name="s")
    sck = pl.kernel(
        functools.partial(_sc_prune_body, keep_k=keep_k, seq=seq,
                          batch=batch, n_drop=n_drop, nch=nch, tpr=tpr,
                          rps=rps),
        out_type=(),
        mesh=mesh,
        compiler_params=pltpu.CompilerParams(needs_layout_passes=False),
        scratch_types=[
            pltpu.VMEM((seq,), jnp.int32),
            pltpu.VMEM((256 * _L,), jnp.int32),
            pltpu.VMEM((256,), jnp.int32),
            pltpu.VMEM((seq + 8 * _L,), jnp.int32),
            pltpu.VMEM((nch, _CH), jnp.int32),
            pltpu.VMEM((_CH, dim), jnp.float32),
            pltpu.VMEM_SHARED((rps, nch, _CH), jnp.int32),
            pltpu.SemaphoreType.DMA,
        ],
    )
    beta_rep = jnp.broadcast_to(beta, (_CH, dim))
    ln_ref = jax.new_ref(ln.reshape(batch * seq, dim))
    sck(bits2, beta_rep, ln_ref)
    return ln_ref[...].reshape(batch, seq, dim)

# --- scband reference (transcript-rebuilt; emitter-appended) ---
"""Pipeline reference for scband-token-pruning-layer-27839978013416 (READ-ONLY COPY).

The authoritative reference and input builder live on the scoring server;
editing this copy changes nothing except your own understanding.
"""

import jax, jax.numpy as jnp
import numpy as np

KEEP_RATE = 0.8
B, S, D = 4, 8192, 1024
EPS = 1e-5

def setup_inputs(seed: int = 0) -> dict:
    key = jax.random.key(seed)
    k1, _ = jax.random.split(key)
    hidden_states = jax.random.normal(k1, (B, S, D), dtype=jnp.float32)
    gamma = jnp.ones((D,), dtype=jnp.float32)
    beta = jnp.zeros((D,), dtype=jnp.float32)
    return {"hidden_states": hidden_states, "gamma": gamma, "beta": beta}

def _layer_norm(x, gamma, beta):
    mu = jnp.mean(x, axis=-1, keepdims=True)
    var = jnp.mean((x - mu) ** 2, axis=-1, keepdims=True)
    xhat = (x - mu) / jnp.sqrt(var + EPS)
    return xhat * gamma + beta

def reference(hidden_states, gamma, beta):
    batch, seq, dim = hidden_states.shape
    keep_k = max(1, int(seq * KEEP_RATE))
    # token importance scores: L2 norm over feature dim
    scores = jnp.sqrt(jnp.sum(hidden_states * hidden_states, axis=-1))  # [B, S]
    _, top_indices = jax.lax.top_k(scores, keep_k)  # [B, keep_k]
    # scatter 1.0 into mask at top-k positions (scatter-overwrite)
    mask = jnp.zeros((batch, seq), dtype=hidden_states.dtype)
    rows = jnp.arange(batch)[:, None]
    mask = mask.at[rows, top_indices].set(1.0)
    masked_hidden = hidden_states * mask[..., None]
    out_h = _layer_norm(masked_hidden, gamma, beta)
    return out_h

if __name__ == "__main__":
    import jax
    _d = setup_inputs()
    print(jax.jit(kernel)(*tuple(_d.values())))

</pallas_src>

<mosaic_0001>
#map = affine_map<(d0, d1) -> (0, 0)>
module attributes {stable_mosaic.version = 14 : i64} {
  func.func @new_body(%arg0: i32, %arg1: i32, %arg2: memref<4x8192xi32, #tpu.memory_space<hbm>>, %arg3: memref<64x1024xf32, #tpu.memory_space<hbm>>, %arg4: memref<32768x1024xf32, #tpu.memory_space<hbm>>, %arg5: memref<32768x1024xf32, #tpu.memory_space<hbm>>, %arg6: memref<8192xi32, #tpu.memory_space<vmem>>, %arg7: memref<4096xi32, #tpu.memory_space<vmem>>, %arg8: memref<256xi32, #tpu.memory_space<vmem>>, %arg9: memref<8320xi32, #tpu.memory_space<vmem>>, %arg10: memref<26x64xi32, #tpu.memory_space<vmem>>, %arg11: memref<64x1024xf32, #tpu.memory_space<vmem>>, %arg12: memref<2x26x64xi32, #tpu.memory_space<vmem_shared>>, %arg13: memref<!tpu.dma_semaphore, #tpu.memory_space<semaphore_mem>>) attributes {dimension_semantics = [#tpu.dimension_semantics<core_parallel>, #tpu.dimension_semantics<subcore_parallel>], iteration_bounds = array<i64: 2, 16>, scalar_prefetch = 0 : i64, scratch_operands = 8 : i64, tpu.core_type = #tpu.core_type<sc_vector_subcore>, window_params = [{transform_indices = #map}, {transform_indices = #map}, {transform_indices = #map}, {transform_indices = #map}]} {
    %mul3A = arith.constant 16 : i32
    %mul3A_0 = arith.muli %arg0, %mul3A : i32
    %add3A = arith.addi %mul3A_0, %arg1 : i32
    %jit3A = arith.constant 8 : i32
    %div3A = arith.divsi %add3A, %jit3A : i32
    %sign3A = arith.constant 0 : i32
    %sign3A_1 = arith.cmpi sgt, %add3A, %sign3A : i32
    %sign3A_2 = arith.extui %sign3A_1 : i1 to i32
    %sign3A_3 = arith.constant 0 : i32
    %sign3A_4 = arith.cmpi slt, %add3A, %sign3A_3 : i32
    %sign3A_5 = arith.extui %sign3A_4 : i1 to i32
    %sign3A_6 = arith.subi %sign3A_2, %sign3A_5 : i32
    %sign3A_7 = arith.constant 0 : i32
    %sign3A_8 = arith.cmpi sgt, %jit3A, %sign3A_7 : i32
    %sign3A_9 = arith.extui %sign3A_8 : i1 to i32
    %sign3A_10 = arith.constant 0 : i32
    %sign3A_11 = arith.cmpi slt, %jit3A, %sign3A_10 : i32
    %sign3A_12 = arith.extui %sign3A_11 : i1 to i32
    %sign3A_13 = arith.subi %sign3A_9, %sign3A_12 : i32
    %ne3A = arith.cmpi ne, %sign3A_6, %sign3A_13 : i32
    %rem3A = arith.remsi %add3A, %jit3A : i32
    %ne3A_14 = arith.constant 0 : i32
    %ne3A_15 = arith.cmpi ne, %rem3A, %ne3A_14 : i32
    %and3A = arith.andi %ne3A, %ne3A_15 : i1
    %sub3A = arith.constant 1 : i32
    %sub3A_16 = arith.subi %div3A, %sub3A : i32
    %select_n3A = arith.select %and3A, %sub3A_16, %div3A : i32
    %jit3A_17 = arith.constant 8 : i32
    %eq3A = arith.constant 0 : i32
    %eq3A_18 = arith.cmpi eq, %jit3A_17, %eq3A : i32
    %jit3A_19 = arith.constant 1 : i32
    %select_n3A_20 = arith.select %eq3A_18, %jit3A_19, %jit3A_17 : i32
    %rem3A_21 = arith.remsi %add3A, %select_n3A_20 : i32
    %ne3A_22 = arith.constant 0 : i32
    %ne3A_23 = arith.cmpi ne, %rem3A_21, %ne3A_22 : i32
    %lt3A = arith.constant 0 : i32
    %lt3A_24 = arith.cmpi slt, %rem3A_21, %lt3A : i32
    %lt3A_25 = arith.constant 0 : i32
    %lt3A_26 = arith.cmpi slt, %select_n3A_20, %lt3A_25 : i32
    %ne3A_27 = arith.xori %lt3A_24, %lt3A_26 : i1
    %and3A_28 = arith.andi %ne3A_27, %ne3A_23 : i1
    %add3A_29 = arith.addi %rem3A_21, %select_n3A_20 : i32
    %select_n3A_30 = arith.select %and3A_28, %add3A_29, %rem3A_21 : i32
    %jit3A_31 = arith.constant 2 : i32
    %eq3A_32 = arith.constant 0 : i32
    %eq3A_33 = arith.cmpi eq, %jit3A_31, %eq3A_32 : i32
    %jit3A_34 = arith.constant 1 : i32
    %select_n3A_35 = arith.select %eq3A_33, %jit3A_34, %jit3A_31 : i32
    %rem3A_36 = arith.remsi %select_n3A, %select_n3A_35 : i32
    %ne3A_37 = arith.constant 0 : i32
    %ne3A_38 = arith.cmpi ne, %rem3A_36, %ne3A_37 : i32
    %lt3A_39 = arith.constant 0 : i32
    %lt3A_40 = arith.cmpi slt, %rem3A_36, %lt3A_39 : i32
    %lt3A_41 = arith.constant 0 : i32
    %lt3A_42 = arith.cmpi slt, %select_n3A_35, %lt3A_41 : i32
    %ne3A_43 = arith.xori %lt3A_40, %lt3A_42 : i1
    %and3A_44 = arith.andi %ne3A_43, %ne3A_38 : i1
    %add3A_45 = arith.addi %rem3A_36, %select_n3A_35 : i32
    %select_n3A_46 = arith.select %and3A_44, %add3A_45, %rem3A_36 : i32
    tpu.enqueue_dma source(%arg3 : memref<64x1024xf32, #tpu.memory_space<hbm>>) target(%arg11 : memref<64x1024xf32, #tpu.memory_space<vmem>>) target_semaphore(%arg13 : memref<!tpu.dma_semaphore, #tpu.memory_space<semaphore_mem>>)
    %eq3A_47 = arith.constant 0 : i32
    %eq3A_48 = arith.cmpi eq, %select_n3A_30, %eq3A_47 : i32
    %lt3A_49 = arith.constant 4 : i32
    %lt3A_50 = arith.cmpi slt, %select_n3A, %lt3A_49 : i32
    %and3A_51 = arith.andi %eq3A_48, %lt3A_50 : i1
    %convert_element_type3A = arith.extui %and3A_51 : i1 to i32
    %cond3A = arith.constant 0 : i32
    %cond3A_52 = arith.cmpi ne, %convert_element_type3A, %cond3A : i32
    scf.if %cond3A_52 {
      "tpu.region"() ({
        %run_scoped3A = tpu.sem_alloc : memref<!tpu.dma_semaphore, #tpu.memory_space<semaphore_mem>>
        %dma_start3A = arith.constant 0 : i32
        %dma_start3A_906 = tpu.memref_slice %arg2[%select_n3A, %dma_start3A] : memref<4x8192xi32, #tpu.memory_space<hbm>> -> memref<1x8192xi32, #tpu.memory_space<hbm>>
        %dma_start3A_907 = tpu.memref_squeeze %dma_start3A_906 : memref<1x8192xi32, #tpu.memory_space<hbm>> -> memref<8192xi32, #tpu.memory_space<hbm>>
        %dma_start3A_908 = arith.constant 0 : i32
        %dma_start3A_909 = tpu.memref_slice %arg2[%select_n3A, %dma_start3A_908] : memref<4x8192xi32, #tpu.memory_space<hbm>> -> memref<1x8192xi32, #tpu.memory_space<hbm>>
        %dma_start3A_910 = tpu.memref_squeeze %dma_start3A_909 : memref<1x8192xi32, #tpu.memory_space<hbm>> -> memref<8192xi32, #tpu.memory_space<hbm>>
        tpu.enqueue_dma source(%dma_start3A_910 : memref<8192xi32, #tpu.memory_space<hbm>>) target(%arg6 : memref<8192xi32, #tpu.memory_space<vmem>>) target_semaphore(%run_scoped3A : memref<!tpu.dma_semaphore, #tpu.memory_space<semaphore_mem>>)
        %dma_wait3A = arith.constant 0 : i32
        %dma_wait3A_911 = tpu.memref_slice %arg2[%select_n3A, %dma_wait3A] : memref<4x8192xi32, #tpu.memory_space<hbm>> -> memref<1x8192xi32, #tpu.memory_space<hbm>>
        %dma_wait3A_912 = tpu.memref_squeeze %dma_wait3A_911 : memref<1x8192xi32, #tpu.memory_space<hbm>> -> memref<8192xi32, #tpu.memory_space<hbm>>
        %dma_wait3A_913 = arith.constant 0 : i32
        %dma_wait3A_914 = tpu.memref_slice %arg2[%select_n3A, %dma_wait3A_913] : memref<4x8192xi32, #tpu.memory_space<hbm>> -> memref<1x8192xi32, #tpu.memory_space<hbm>>
        %dma_wait3A_915 = tpu.memref_squeeze %dma_wait3A_914 : memref<1x8192xi32, #tpu.memory_space<hbm>> -> memref<8192xi32, #tpu.memory_space<hbm>>
        tpu.wait_dma2 semaphore(%run_scoped3A : memref<!tpu.dma_semaphore, #tpu.memory_space<semaphore_mem>>) src(%dma_wait3A_915 : memref<8192xi32, #tpu.memory_space<hbm>>) dst(%arg6 : memref<8192xi32, #tpu.memory_space<vmem>>)
        tpu.yield
      }) : () -> ()
      %broadcast_in_dim3A = arith.constant 0 : i32
      %broadcast_in_dim3A_133 = vector.broadcast %broadcast_in_dim3A : i32 to vector<16xi32>
      %broadcast_in_dim3A_134 = arith.constant 1 : i32
      %broadcast_in_dim3A_135 = vector.broadcast %broadcast_in_dim3A_134 : i32 to vector<16xi32>
      %iota3A = tpu.iota {dimensions = array<i32: 0>} : vector<16xi32>
      %mul3A_136 = arith.constant 256 : i32
      %mul3A_137 = vector.broadcast %mul3A_136 : i32 to vector<16xi32>
      %mul3A_138 = arith.muli %iota3A, %mul3A_137 : vector<16xi32>
      %parallel_loop3A = arith.constant 0 : i32
      %parallel_loop3A_139 = arith.constant 256 : i32
      %parallel_loop3A_140 = arith.constant 1 : i32
      scf.for %parallel_loop3A_906 = %parallel_loop3A to %parallel_loop3A_139 step %parallel_loop3A_140  : i32 {
        %parallel_loop3A_907 = arith.constant 16 : i32
        %parallel_loop3A_908 = arith.muli %parallel_loop3A_906, %parallel_loop3A_907 : i32
        %parallel_loop3A_909 = arith.index_cast %parallel_loop3A_908 : i32 to index
        %parallel_loop3A_910 = tpu.vector_load %arg7[%parallel_loop3A_909] {strides = array<i32>} : memref<4096xi32, #tpu.memory_space<vmem>>, vector<16xi32>,
        tpu.vector_store %arg7[%parallel_loop3A_909], %broadcast_in_dim3A_133 {strides = array<i32>} : memref<4096xi32, #tpu.memory_space<vmem>>, vector<16xi32>,
      } {sc.loop_unroll_factor = 8 : i64, sc.parallel_access}
      %parallel_loop3A_141 = arith.constant 0 : i32
      %parallel_loop3A_142 = arith.constant 512 : i32
      %parallel_loop3A_143 = arith.constant 1 : i32
      %parallel_loop3A_144 = arith.constant 0 : i32
      %parallel_loop3A_145 = arith.constant 0 : i32
      scf.for %parallel_loop3A_906 = %parallel_loop3A_141 to %parallel_loop3A_142 step %parallel_loop3A_143  : i32 {
        %parallel_loop3A_907 = arith.constant 16 : i32
        %parallel_loop3A_908 = arith.muli %parallel_loop3A_906, %parallel_loop3A_907 : i32
        %parallel_loop3A_909 = arith.index_cast %parallel_loop3A_908 : i32 to index
        %parallel_loop3A_910 = tpu.vector_load %arg6[%parallel_loop3A_909] {strides = array<i32>} : memref<8192xi32, #tpu.memory_space<vmem>>, vector<16xi32>,
        %parallel_loop3A_911 = vector.broadcast %parallel_loop3A_144 : i32 to vector<16xi32>
        %parallel_loop3A_912 = arith.andi %parallel_loop3A_910, %parallel_loop3A_911 : vector<16xi32>
        %parallel_loop3A_913 = vector.broadcast %parallel_loop3A_145 : i32 to vector<16xi32>
        %parallel_loop3A_914 = arith.cmpi eq, %parallel_loop3A_912, %parallel_loop3A_913 : vector<16xi32>
        %parallel_loop3A_915 = arith.constant 23 : i32
        %parallel_loop3A_916 = vector.broadcast %parallel_loop3A_915 : i32 to vector<16xi32>
        %parallel_loop3A_917 = arith.shrsi %parallel_loop3A_910, %parallel_loop3A_916 : vector<16xi32>
        %parallel_loop3A_918 = arith.constant 255 : i32
        %parallel_loop3A_919 = vector.broadcast %parallel_loop3A_918 : i32 to vector<16xi32>
        %parallel_loop3A_920 = arith.andi %parallel_loop3A_917, %parallel_loop3A_919 : vector<16xi32>
        %parallel_loop3A_921 = arith.addi %mul3A_138, %parallel_loop3A_920 : vector<16xi32>
        tpu.vector_store_idx %arg7[%parallel_loop3A_921], %broadcast_in_dim3A_135 masked %parallel_loop3A_914 {add = true} : memref<4096xi32, #tpu.memory_space<vmem>>[vector<16xi32>], vector<16xi32>, vector<16xi1>
      } {sc.loop_unroll_factor = 8 : i64, sc.parallel_access}
      %parallel_loop3A_146 = arith.constant 0 : i32
      %parallel_loop3A_147 = arith.constant 16 : i32
      %parallel_loop3A_148 = arith.constant 1 : i32
      scf.for %parallel_loop3A_906 = %parallel_loop3A_146 to %parallel_loop3A_147 step %parallel_loop3A_148  : i32 {
        %parallel_loop3A_907 = arith.constant 16 : i32
        %parallel_loop3A_908 = arith.muli %parallel_loop3A_906, %parallel_loop3A_907 : i32
        %parallel_loop3A_909 = arith.index_cast %parallel_loop3A_908 : i32 to index
        %parallel_loop3A_910 = tpu.vector_load %arg7[%parallel_loop3A_909] {strides = array<i32>} : memref<4096xi32, #tpu.memory_space<vmem>>, vector<16xi32>,
        %parallel_loop3A_911 = arith.constant 16 : i32
        %parallel_loop3A_912 = arith.muli %parallel_loop3A_906, %parallel_loop3A_911 : i32
        %parallel_loop3A_913 = arith.constant 256 : i32
        %parallel_loop3A_914 = arith.addi %parallel_loop3A_913, %parallel_loop3A_912 : i32
        %parallel_loop3A_915 = arith.index_cast %parallel_loop3A_914 : i32 to index
        %parallel_loop3A_916 = tpu.vector_load %arg7[%parallel_loop3A_915] {strides = array<i32>} : memref<4096xi32, #tpu.memory_space<vmem>>, vector<16xi32>,
        %parallel_loop3A_917 = arith.addi %parallel_loop3A_910, %parallel_loop3A_916 : vector<16xi32>
        %parallel_loop3A_918 = arith.constant 16 : i32
        %parallel_loop3A_919 = arith.muli %parallel_loop3A_906, %parallel_loop3A_918 : i32
        %parallel_loop3A_920 = arith.constant 512 : i32
        %parallel_loop3A_921 = arith.addi %parallel_loop3A_920, %parallel_loop3A_919 : i32
        %parallel_loop3A_922 = arith.index_cast %parallel_loop3A_921 : i32 to index
        %parallel_loop3A_923 = tpu.vector_load %arg7[%parallel_loop3A_922] {strides = array<i32>} : memref<4096xi32, #tpu.memory_space<vmem>>, vector<16xi32>,
        %parallel_loop3A_924 = arith.addi %parallel_loop3A_917, %parallel_loop3A_923 : vector<16xi32>
        %parallel_loop3A_925 = arith.constant 16 : i32
        %parallel_loop3A_926 = arith.muli %parallel_loop3A_906, %parallel_loop3A_925 : i32
        %parallel_loop3A_927 = arith.constant 768 : i32
        %parallel_loop3A_928 = arith.addi %parallel_loop3A_927, %parallel_loop3A_926 : i32
        %parallel_loop3A_929 = arith.index_cast %parallel_loop3A_928 : i32 to index
        %parallel_loop3A_930 = tpu.vector_load %arg7[%parallel_loop3A_929] {strides = array<i32>} : memref<4096xi32, #tpu.memory_space<vmem>>, vector<16xi32>,
        %parallel_loop3A_931 = arith.addi %parallel_loop3A_924, %parallel_loop3A_930 : vector<16xi32>
        %parallel_loop3A_932 = arith.constant 16 : i32
        %parallel_loop3A_933 = arith.muli %parallel_loop3A_906, %parallel_loop3A_932 : i32
        %parallel_loop3A_934 = arith.constant 1024 : i32
        %parallel_loop3A_935 = arith.addi %parallel_loop3A_934, %parallel_loop3A_933 : i32
        %parallel_loop3A_936 = arith.index_cast %parallel_loop3A_935 : i32 to index
        %parallel_loop3A_937 = tpu.vector_load %arg7[%parallel_loop3A_936] {strides = array<i32>} : memref<4096xi32, #tpu.memory_space<vmem>>, vector<16xi32>,
        %parallel_loop3A_938 = arith.addi %parallel_loop3A_931, %parallel_loop3A_937 : vector<16xi32>
        %parallel_loop3A_939 = arith.constant 16 : i32
        %parallel_loop3A_940 = arith.muli %parallel_loop3A_906, %parallel_loop3A_939 : i32
        %parallel_loop3A_941 = arith.constant 1280 : i32
        %parallel_loop3A_942 = arith.addi %parallel_loop3A_941, %parallel_loop3A_940 : i32
        %parallel_loop3A_943 = arith.index_cast %parallel_loop3A_942 : i32 to index
        %parallel_loop3A_944 = tpu.vector_load %arg7[%parallel_loop3A_943] {strides = array<i32>} : memref<4096xi32, #tpu.memory_space<vmem>>, vector<16xi32>,
        %parallel_loop3A_945 = arith.addi %parallel_loop3A_938, %parallel_loop3A_944 : vector<16xi32>
        %parallel_loop3A_946 = arith.constant 16 : i32
        %parallel_loop3A_947 = arith.muli %parallel_loop3A_906, %parallel_loop3A_946 : i32
        %parallel_loop3A_948 = arith.constant 1536 : i32
        %parallel_loop3A_949 = arith.addi %parallel_loop3A_948, %parallel_loop3A_947 : i32
        %parallel_loop3A_950 = arith.index_cast %parallel_loop3A_949 : i32 to index
        %parallel_loop3A_951 = tpu.vector_load %arg7[%parallel_loop3A_950] {strides = array<i32>} : memref<4096xi32, #tpu.memory_space<vmem>>, vector<16xi32>,
        %parallel_loop3A_952 = arith.addi %parallel_loop3A_945, %parallel_loop3A_951 : vector<16xi32>
        %parallel_loop3A_953 = arith.constant 16 : i32
        %parallel_loop3A_954 = arith.muli %parallel_loop3A_906, %parallel_loop3A_953 : i32
        %parallel_loop3A_955 = arith.constant 1792 : i32
        %parallel_loop3A_956 = arith.addi %parallel_loop3A_955, %parallel_loop3A_954 : i32
        %parallel_loop3A_957 = arith.index_cast %parallel_loop3A_956 : i32 to index
        %parallel_loop3A_958 = tpu.vector_load %arg7[%parallel_loop3A_957] {strides = array<i32>} : memref<4096xi32, #tpu.memory_space<vmem>>, vector<16xi32>,
        %parallel_loop3A_959 = arith.addi %parallel_loop3A_952, %parallel_loop3A_958 : vector<16xi32>
        %parallel_loop3A_960 = arith.constant 16 : i32
        %parallel_loop3A_961 = arith.muli %parallel_loop3A_906, %parallel_loop3A_960 : i32
        %parallel_loop3A_962 = arith.constant 2048 : i32
        %parallel_loop3A_963 = arith.addi %parallel_loop3A_962, %parallel_loop3A_961 : i32
        %parallel_loop3A_964 = arith.index_cast %parallel_loop3A_963 : i32 to index
        %parallel_loop3A_965 = tpu.vector_load %arg7[%parallel_loop3A_964] {strides = array<i32>} : memref<4096xi32, #tpu.memory_space<vmem>>, vector<16xi32>,
        %parallel_loop3A_966 = arith.addi %parallel_loop3A_959, %parallel_loop3A_965 : vector<16xi32>
        %parallel_loop3A_967 = arith.constant 16 : i32
        %parallel_loop3A_968 = arith.muli %parallel_loop3A_906, %parallel_loop3A_967 : i32
        %parallel_loop3A_969 = arith.constant 2304 : i32
        %parallel_loop3A_970 = arith.addi %parallel_loop3A_969, %parallel_loop3A_968 : i32
        %parallel_loop3A_971 = arith.index_cast %parallel_loop3A_970 : i32 to index
        %parallel_loop3A_972 = tpu.vector_load %arg7[%parallel_loop3A_971] {strides = array<i32>} : memref<4096xi32, #tpu.memory_space<vmem>>, vector<16xi32>,
        %parallel_loop3A_973 = arith.addi %parallel_loop3A_966, %parallel_loop3A_972 : vector<16xi32>
        %parallel_loop3A_974 = arith.constant 16 : i32
        %parallel_loop3A_975 = arith.muli %parallel_loop3A_906, %parallel_loop3A_974 : i32
        %parallel_loop3A_976 = arith.constant 2560 : i32
        %parallel_loop3A_977 = arith.addi %parallel_loop3A_976, %parallel_loop3A_975 : i32
        %parallel_loop3A_978 = arith.index_cast %parallel_loop3A_977 : i32 to index
        %parallel_loop3A_979 = tpu.vector_load %arg7[%parallel_loop3A_978] {strides = array<i32>} : memref<4096xi32, #tpu.memory_space<vmem>>, vector<16xi32>,
        %parallel_loop3A_980 = arith.addi %parallel_loop3A_973, %parallel_loop3A_979 : vector<16xi32>
        %parallel_loop3A_981 = arith.constant 16 : i32
        %parallel_loop3A_982 = arith.muli %parallel_loop3A_906, %parallel_loop3A_981 : i32
        %parallel_loop3A_983 = arith.constant 2816 : i32
        %parallel_loop3A_984 = arith.addi %parallel_loop3A_983, %parallel_loop3A_982 : i32
        %parallel_loop3A_985 = arith.index_cast %parallel_loop3A_984 : i32 to index
        %parallel_loop3A_986 = tpu.vector_load %arg7[%parallel_loop3A_985] {strides = array<i32>} : memref<4096xi32, #tpu.memory_space<vmem>>, vector<16xi32>,
        %parallel_loop3A_987 = arith.addi %parallel_loop3A_980, %parallel_loop3A_986 : vector<16xi32>
        %parallel_loop3A_988 = arith.constant 16 : i32
        %parallel_loop3A_989 = arith.muli %parallel_loop3A_906, %parallel_loop3A_988 : i32
        %parallel_loop3A_990 = arith.constant 3072 : i32
        %parallel_loop3A_991 = arith.addi %parallel_loop3A_990, %parallel_loop3A_989 : i32
        %parallel_loop3A_992 = arith.index_cast %parallel_loop3A_991 : i32 to index
        %parallel_loop3A_993 = tpu.vector_load %arg7[%parallel_loop3A_992] {strides = array<i32>} : memref<4096xi32, #tpu.memory_space<vmem>>, vector<16xi32>,
        %parallel_loop3A_994 = arith.addi %parallel_loop3A_987, %parallel_loop3A_993 : vector<16xi32>
        %parallel_loop3A_995 = arith.constant 16 : i32
        %parallel_loop3A_996 = arith.muli %parallel_loop3A_906, %parallel_loop3A_995 : i32
        %parallel_loop3A_997 = arith.constant 3328 : i32
        %parallel_loop3A_998 = arith.addi %parallel_loop3A_997, %parallel_loop3A_996 : i32
        %parallel_loop3A_999 = arith.index_cast %parallel_loop3A_998 : i32 to index
        %parallel_loop3A_1000 = tpu.vector_load %arg7[%parallel_loop3A_999] {strides = array<i32>} : memref<4096xi32, #tpu.memory_space<vmem>>, vector<16xi32>,
        %parallel_loop3A_1001 = arith.addi %parallel_loop3A_994, %parallel_loop3A_1000 : vector<16xi32>
        %parallel_loop3A_1002 = arith.constant 16 : i32
        %parallel_loop3A_1003 = arith.muli %parallel_loop3A_906, %parallel_loop3A_1002 : i32
        %parallel_loop3A_1004 = arith.constant 3584 : i32
        %parallel_loop3A_1005 = arith.addi %parallel_loop3A_1004, %parallel_loop3A_1003 : i32
        %parallel_loop3A_1006 = arith.index_cast %parallel_loop3A_1005 : i32 to index
        %parallel_loop3A_1007 = tpu.vector_load %arg7[%parallel_loop3A_1006] {strides = array<i32>} : memref<4096xi32, #tpu.memory_space<vmem>>, vector<16xi32>,
        %parallel_loop3A_1008 = arith.addi %parallel_loop3A_1001, %parallel_loop3A_1007 : vector<16xi32>
        %parallel_loop3A_1009 = arith.constant 16 : i32
        %parallel_loop3A_1010 = arith.muli %parallel_loop3A_906, %parallel_loop3A_1009 : i32
        %parallel_loop3A_1011 = arith.constant 3840 : i32
        %parallel_loop3A_1012 = arith.addi %parallel_loop3A_1011, %parallel_loop3A_1010 : i32
        %parallel_loop3A_1013 = arith.index_cast %parallel_loop3A_1012 : i32 to index
        %parallel_loop3A_1014 = tpu.vector_load %arg7[%parallel_loop3A_1013] {strides = array<i32>} : memref<4096xi32, #tpu.memory_space<vmem>>, vector<16xi32>,
        %parallel_loop3A_1015 = arith.addi %parallel_loop3A_1008, %parallel_loop3A_1014 : vector<16xi32>
        %parallel_loop3A_1016 = arith.constant 16 : i32
        %parallel_loop3A_1017 = arith.muli %parallel_loop3A_906, %parallel_loop3A_1016 : i32
        %parallel_loop3A_1018 = arith.index_cast %parallel_loop3A_1017 : i32 to index
        %parallel_loop3A_1019 = tpu.vector_load %arg8[%parallel_loop3A_1018] {strides = array<i32>} : memref<256xi32, #tpu.memory_space<vmem>>, vector<16xi32>,
        tpu.vector_store %arg8[%parallel_loop3A_1018], %parallel_loop3A_1015 {strides = array<i32>} : memref<256xi32, #tpu.memory_space<vmem>>, vector<16xi32>,
      } {sc.loop_unroll_factor = 2 : i64, sc.parallel_access}
      %sub3A_149 = arith.constant 6553 : i32
      %sub3A_150 = arith.constant 0 : i32
      %sub3A_151 = arith.subi %sub3A_149, %sub3A_150 : i32
      %scan3A = arith.constant 0 : i32
      %scan3A_152 = arith.constant 0 : i32
      %scan3A_153 = arith.constant 0 : i32
      %scan3A_154 = arith.constant 0 : i32
      %scan3A_155 = arith.constant 0 : i32
      %scan3A_156 = arith.constant 16 : i32
      %scan3A_157 = arith.addi %scan3A_155, %scan3A_156 : i32
      %scan3A_158 = arith.constant 1 : i32
      %scan3A_159:4 = scf.for %scan3A_906 = %scan3A_155 to %scan3A_157 step %scan3A_158 iter_args(%scan3A_907 = %scan3A, %scan3A_908 = %scan3A_152, %scan3A_909 = %scan3A_153, %scan3A_910 = %scan3A_154) -> (i32, i32, i32, i32)  : i32 {
        %sub3A_911 = arith.constant 15 : i32
        %sub3A_912 = arith.subi %sub3A_911, %scan3A_906 : i32
        %mul3A_913 = arith.constant 16 : i32
        %mul3A_914 = arith.muli %sub3A_912, %mul3A_913 : i32
        %get3A_915 = arith.index_cast %mul3A_914 : i32 to index
        %get3A_916 = tpu.vector_load %arg8[%get3A_915] {strides = array<i32>} : memref<256xi32, #tpu.memory_space<vmem>>, vector<16xi32>,
        %rev3A = arith.constant 15 : i32
        %rev3A_917 = vector.broadcast %rev3A : i32 to vector<16xi32>
        %rev3A_918 = tpu.iota {dimensions = array<i32: 0>} : vector<16xi32>
        %rev3A_919 = arith.subi %rev3A_917, %rev3A_918 : vector<16xi32>
        %rev3A_920 = tpu.dynamic_gather %get3A_916[%rev3A_919] in [0] : vector<16xi32>, vector<16xi32> -> vector<16xi32>
        %broadcast_in_dim3A_921 = arith.constant true
        %broadcast_in_dim3A_922 = vector.broadcast %broadcast_in_dim3A_921 : i1 to vector<16xi1>
        %masked_cumsum3A = tpu.scan <sum>, %rev3A_920 masked %broadcast_in_dim3A_922 : vector<16xi32>, vector<16xi1> -> vector<16xi32>
        %sub3A_923 = arith.subi %masked_cumsum3A, %rev3A_920 : vector<16xi32>
        %add3A_924 = vector.broadcast %scan3A_910 : i32 to vector<16xi32>
        %add3A_925 = arith.addi %add3A_924, %sub3A_923 : vector<16xi32>
        %add3A_926 = vector.broadcast %scan3A_910 : i32 to vector<16xi32>
        %add3A_927 = arith.addi %add3A_926, %masked_cumsum3A : vector<16xi32>
        %ge3A = vector.broadcast %sub3A_151 : i32 to vector<16xi32>
        %ge3A_928 = arith.cmpi sge, %add3A_927, %ge3A : vector<16xi32>
        %lt3A_929 = vector.broadcast %sub3A_151 : i32 to vector<16xi32>
        %lt3A_930 = arith.cmpi slt, %add3A_925, %lt3A_929 : vector<16xi32>
        %and3A_931 = arith.andi %ge3A_928, %lt3A_930 : vector<16xi1>
        %convert_element_type3A_932 = arith.extui %and3A_931 : vector<16xi1> to vector<16xi32>
        %reduce_sum3A = arith.constant true
        %reduce_sum3A_933 = vector.broadcast %reduce_sum3A : i1 to vector<16xi1>
        %reduce_sum3A_934 = tpu.scan <sum>, %convert_element_type3A_932 masked %reduce_sum3A_933 : vector<16xi32>, vector<16xi1> -> vector<16xi32>
        %reduce_sum3A_935 = vector.extract %reduce_sum3A_934[15] : i32 from vector<16xi32>
        %jit3A_936 = arith.constant 0 : i32
        %broadcast_in_dim3A_937 = vector.broadcast %jit3A_936 : i32 to vector<16xi32>
        %select_n3A_938 = arith.select %and3A_931, %iota3A, %broadcast_in_dim3A_937 : vector<16xi1>, vector<16xi32>
        %reduce_sum3A_939 = arith.constant true
        %reduce_sum3A_940 = vector.broadcast %reduce_sum3A_939 : i1 to vector<16xi1>
        %reduce_sum3A_941 = tpu.scan <sum>, %select_n3A_938 masked %reduce_sum3A_940 : vector<16xi32>, vector<16xi1> -> vector<16xi32>
        %reduce_sum3A_942 = vector.extract %reduce_sum3A_941[15] : i32 from vector<16xi32>
        %sub3A_943 = arith.constant 15 : i32
        %sub3A_944 = arith.subi %sub3A_943, %reduce_sum3A_942 : i32
        %jit3A_945 = arith.constant 0 : i32
        %broadcast_in_dim3A_946 = vector.broadcast %jit3A_945 : i32 to vector<16xi32>
        %select_n3A_947 = arith.select %and3A_931, %add3A_925, %broadcast_in_dim3A_946 : vector<16xi1>, vector<16xi32>
        %reduce_sum3A_948 = arith.constant true
        %reduce_sum3A_949 = vector.broadcast %reduce_sum3A_948 : i1 to vector<16xi1>
        %reduce_sum3A_950 = tpu.scan <sum>, %select_n3A_947 masked %reduce_sum3A_949 : vector<16xi32>, vector<16xi1> -> vector<16xi32>
        %reduce_sum3A_951 = vector.extract %reduce_sum3A_950[15] : i32 from vector<16xi32>
        %gt3A = arith.constant 0 : i32
        %gt3A_952 = arith.cmpi sgt, %reduce_sum3A_935, %gt3A : i32
        %eq3A_953 = arith.constant 0 : i32
        %eq3A_954 = arith.cmpi eq, %scan3A_907, %eq3A_953 : i32
        %and3A_955 = arith.andi %gt3A_952, %eq3A_954 : i1
        %mul3A_956 = arith.constant 16 : i32
        %mul3A_957 = arith.muli %sub3A_912, %mul3A_956 : i32
        %add3A_958 = arith.addi %mul3A_957, %sub3A_944 : i32
        %select_n3A_959 = arith.select %and3A_955, %add3A_958, %scan3A_908 : i32
        %select_n3A_960 = arith.select %and3A_955, %reduce_sum3A_951, %scan3A_909 : i32
        %or3A_961 = arith.ori %scan3A_907, %reduce_sum3A_935 : i32
        %reduce_sum3A_962 = arith.constant true
        %reduce_sum3A_963 = vector.broadcast %reduce_sum3A_962 : i1 to vector<16xi1>
        %reduce_sum3A_964 = tpu.scan <sum>, %get3A_916 masked %reduce_sum3A_963 : vector<16xi32>, vector<16xi1> -> vector<16xi32>
        %reduce_sum3A_965 = vector.extract %reduce_sum3A_964[15] : i32 from vector<16xi32>
        %add3A_966 = arith.addi %scan3A_910, %reduce_sum3A_965 : i32
        scf.yield %or3A_961, %select_n3A_959, %select_n3A_960, %add3A_966 : i32, i32, i32, i32
      }
      %scan3A_160 = arith.constant 16 : i32
      %add3A_161 = arith.constant 0 : i32
      %add3A_162 = arith.addi %add3A_161, %scan3A_159#2 : i32
      %shift_left3A = arith.constant 23 : i32
      %shift_left3A_163 = arith.shli %scan3A_159#1, %shift_left3A : i32
      %or3A = arith.constant 0 : i32
      %or3A_164 = arith.ori %or3A, %shift_left3A_163 : i32
      %broadcast_in_dim3A_165 = arith.constant 0 : i32
      %broadcast_in_dim3A_166 = vector.broadcast %broadcast_in_dim3A_165 : i32 to vector<16xi32>
      %broadcast_in_dim3A_167 = arith.constant 1 : i32
      %broadcast_in_dim3A_168 = vector.broadcast %broadcast_in_dim3A_167 : i32 to vector<16xi32>
      %iota3A_169 = tpu.iota {dimensions = array<i32: 0>} : vector<16xi32>
      %mul3A_170 = arith.constant 256 : i32
      %mul3A_171 = vector.broadcast %mul3A_170 : i32 to vector<16xi32>
      %mul3A_172 = arith.muli %iota3A_169, %mul3A_171 : vector<16xi32>
      %parallel_loop3A_173 = arith.constant 0 : i32
      %parallel_loop3A_174 = arith.constant 256 : i32
      %parallel_loop3A_175 = arith.constant 1 : i32
      scf.for %parallel_loop3A_906 = %parallel_loop3A_173 to %parallel_loop3A_174 step %parallel_loop3A_175  : i32 {
        %parallel_loop3A_907 = arith.constant 16 : i32
        %parallel_loop3A_908 = arith.muli %parallel_loop3A_906, %parallel_loop3A_907 : i32
        %parallel_loop3A_909 = arith.index_cast %parallel_loop3A_908 : i32 to index
        %parallel_loop3A_910 = tpu.vector_load %arg7[%parallel_loop3A_909] {strides = array<i32>} : memref<4096xi32, #tpu.memory_space<vmem>>, vector<16xi32>,
        tpu.vector_store %arg7[%parallel_loop3A_909], %broadcast_in_dim3A_166 {strides = array<i32>} : memref<4096xi32, #tpu.memory_space<vmem>>, vector<16xi32>,
      } {sc.loop_unroll_factor = 8 : i64, sc.parallel_access}
      %parallel_loop3A_176 = arith.constant 0 : i32
      %parallel_loop3A_177 = arith.constant 512 : i32
      %parallel_loop3A_178 = arith.constant 1 : i32
      %parallel_loop3A_179 = arith.constant 2139095040 : i32
      scf.for %parallel_loop3A_906 = %parallel_loop3A_176 to %parallel_loop3A_177 step %parallel_loop3A_178  : i32 {
        %parallel_loop3A_907 = arith.constant 16 : i32
        %parallel_loop3A_908 = arith.muli %parallel_loop3A_906, %parallel_loop3A_907 : i32
        %parallel_loop3A_909 = arith.index_cast %parallel_loop3A_908 : i32 to index
        %parallel_loop3A_910 = tpu.vector_load %arg6[%parallel_loop3A_909] {strides = array<i32>} : memref<8192xi32, #tpu.memory_space<vmem>>, vector<16xi32>,
        %parallel_loop3A_911 = vector.broadcast %parallel_loop3A_179 : i32 to vector<16xi32>
        %parallel_loop3A_912 = arith.andi %parallel_loop3A_910, %parallel_loop3A_911 : vector<16xi32>
        %parallel_loop3A_913 = vector.broadcast %or3A_164 : i32 to vector<16xi32>
        %parallel_loop3A_914 = arith.cmpi eq, %parallel_loop3A_912, %parallel_loop3A_913 : vector<16xi32>
        %parallel_loop3A_915 = arith.constant 15 : i32
        %parallel_loop3A_916 = vector.broadcast %parallel_loop3A_915 : i32 to vector<16xi32>
        %parallel_loop3A_917 = arith.shrsi %parallel_loop3A_910, %parallel_loop3A_916 : vector<16xi32>
        %parallel_loop3A_918 = arith.constant 255 : i32
        %parallel_loop3A_919 = vector.broadcast %parallel_loop3A_918 : i32 to vector<16xi32>
        %parallel_loop3A_920 = arith.andi %parallel_loop3A_917, %parallel_loop3A_919 : vector<16xi32>
        %parallel_loop3A_921 = arith.addi %mul3A_172, %parallel_loop3A_920 : vector<16xi32>
        tpu.vector_store_idx %arg7[%parallel_loop3A_921], %broadcast_in_dim3A_168 masked %parallel_loop3A_914 {add = true} : memref<4096xi32, #tpu.memory_space<vmem>>[vector<16xi32>], vector<16xi32>, vector<16xi1>
      } {sc.loop_unroll_factor = 8 : i64, sc.parallel_access}
      %parallel_loop3A_180 = arith.constant 0 : i32
      %parallel_loop3A_181 = arith.constant 16 : i32
      %parallel_loop3A_182 = arith.constant 1 : i32
      scf.for %parallel_loop3A_906 = %parallel_loop3A_180 to %parallel_loop3A_181 step %parallel_loop3A_182  : i32 {
        %parallel_loop3A_907 = arith.constant 16 : i32
        %parallel_loop3A_908 = arith.muli %parallel_loop3A_906, %parallel_loop3A_907 : i32
        %parallel_loop3A_909 = arith.index_cast %parallel_loop3A_908 : i32 to index
        %parallel_loop3A_910 = tpu.vector_load %arg7[%parallel_loop3A_909] {strides = array<i32>} : memref<4096xi32, #tpu.memory_space<vmem>>, vector<16xi32>,
        %parallel_loop3A_911 = arith.constant 16 : i32
        %parallel_loop3A_912 = arith.muli %parallel_loop3A_906, %parallel_loop3A_911 : i32
        %parallel_loop3A_913 = arith.constant 256 : i32
        %parallel_loop3A_914 = arith.addi %parallel_loop3A_913, %parallel_loop3A_912 : i32
        %parallel_loop3A_915 = arith.index_cast %parallel_loop3A_914 : i32 to index
        %parallel_loop3A_916 = tpu.vector_load %arg7[%parallel_loop3A_915] {strides = array<i32>} : memref<4096xi32, #tpu.memory_space<vmem>>, vector<16xi32>,
        %parallel_loop3A_917 = arith.addi %parallel_loop3A_910, %parallel_loop3A_916 : vector<16xi32>
        %parallel_loop3A_918 = arith.constant 16 : i32
        %parallel_loop3A_919 = arith.muli %parallel_loop3A_906, %parallel_loop3A_918 : i32
        %parallel_loop3A_920 = arith.constant 512 : i32
        %parallel_loop3A_921 = arith.addi %parallel_loop3A_920, %parallel_loop3A_919 : i32
        %parallel_loop3A_922 = arith.index_cast %parallel_loop3A_921 : i32 to index
        %parallel_loop3A_923 = tpu.vector_load %arg7[%parallel_loop3A_922] {strides = array<i32>} : memref<4096xi32, #tpu.memory_space<vmem>>, vector<16xi32>,
        %parallel_loop3A_924 = arith.addi %parallel_loop3A_917, %parallel_loop3A_923 : vector<16xi32>
        %parallel_loop3A_925 = arith.constant 16 : i32
        %parallel_loop3A_926 = arith.muli %parallel_loop3A_906, %parallel_loop3A_925 : i32
        %parallel_loop3A_927 = arith.constant 768 : i32
        %parallel_loop3A_928 = arith.addi %parallel_loop3A_927, %parallel_loop3A_926 : i32
        %parallel_loop3A_929 = arith.index_cast %parallel_loop3A_928 : i32 to index
        %parallel_loop3A_930 = tpu.vector_load %arg7[%parallel_loop3A_929] {strides = array<i32>} : memref<4096xi32, #tpu.memory_space<vmem>>, vector<16xi32>,
        %parallel_loop3A_931 = arith.addi %parallel_loop3A_924, %parallel_loop3A_930 : vector<16xi32>
        %parallel_loop3A_932 = arith.constant 16 : i32
        %parallel_loop3A_933 = arith.muli %parallel_loop3A_906, %parallel_loop3A_932 : i32
        %parallel_loop3A_934 = arith.constant 1024 : i32
        %parallel_loop3A_935 = arith.addi %parallel_loop3A_934, %parallel_loop3A_933 : i32
        %parallel_loop3A_936 = arith.index_cast %parallel_loop3A_935 : i32 to index
        %parallel_loop3A_937 = tpu.vector_load %arg7[%parallel_loop3A_936] {strides = array<i32>} : memref<4096xi32, #tpu.memory_space<vmem>>, vector<16xi32>,
        %parallel_loop3A_938 = arith.addi %parallel_loop3A_931, %parallel_loop3A_937 : vector<16xi32>
        %parallel_loop3A_939 = arith.constant 16 : i32
        %parallel_loop3A_940 = arith.muli %parallel_loop3A_906, %parallel_loop3A_939 : i32
        %parallel_loop3A_941 = arith.constant 1280 : i32
        %parallel_loop3A_942 = arith.addi %parallel_loop3A_941, %parallel_loop3A_940 : i32
        %parallel_loop3A_943 = arith.index_cast %parallel_loop3A_942 : i32 to index
        %parallel_loop3A_944 = tpu.vector_load %arg7[%parallel_loop3A_943] {strides = array<i32>} : memref<4096xi32, #tpu.memory_space<vmem>>, vector<16xi32>,
        %parallel_loop3A_945 = arith.addi %parallel_loop3A_938, %parallel_loop3A_944 : vector<16xi32>
        %parallel_loop3A_946 = arith.constant 16 : i32
        %parallel_loop3A_947 = arith.muli %parallel_loop3A_906, %parallel_loop3A_946 : i32
        %parallel_loop3A_948 = arith.constant 1536 : i32
        %parallel_loop3A_949 = arith.addi %parallel_loop3A_948, %parallel_loop3A_947 : i32
        %parallel_loop3A_950 = arith.index_cast %parallel_loop3A_949 : i32 to index
        %parallel_loop3A_951 = tpu.vector_load %arg7[%parallel_loop3A_950] {strides = array<i32>} : memref<4096xi32, #tpu.memory_space<vmem>>, vector<16xi32>,
        %parallel_loop3A_952 = arith.addi %parallel_loop3A_945, %parallel_loop3A_951 : vector<16xi32>
        %parallel_loop3A_953 = arith.constant 16 : i32
        %parallel_loop3A_954 = arith.muli %parallel_loop3A_906, %parallel_loop3A_953 : i32
        %parallel_loop3A_955 = arith.constant 1792 : i32
        %parallel_loop3A_956 = arith.addi %parallel_loop3A_955, %parallel_loop3A_954 : i32
        %parallel_loop3A_957 = arith.index_cast %parallel_loop3A_956 : i32 to index
        %parallel_loop3A_958 = tpu.vector_load %arg7[%parallel_loop3A_957] {strides = array<i32>} : memref<4096xi32, #tpu.memory_space<vmem>>, vector<16xi32>,
        %parallel_loop3A_959 = arith.addi %parallel_loop3A_952, %parallel_loop3A_958 : vector<16xi32>
        %parallel_loop3A_960 = arith.constant 16 : i32
        %parallel_loop3A_961 = arith.muli %parallel_loop3A_906, %parallel_loop3A_960 : i32
        %parallel_loop3A_962 = arith.constant 2048 : i32
        %parallel_loop3A_963 = arith.addi %parallel_loop3A_962, %parallel_loop3A_961 : i32
        %parallel_loop3A_964 = arith.index_cast %parallel_loop3A_963 : i32 to index
        %parallel_loop3A_965 = tpu.vector_load %arg7[%parallel_loop3A_964] {strides = array<i32>} : memref<4096xi32, #tpu.memory_space<vmem>>, vector<16xi32>,
        %parallel_loop3A_966 = arith.addi %parallel_loop3A_959, %parallel_loop3A_965 : vector<16xi32>
        %parallel_loop3A_967 = arith.constant 16 : i32
        %parallel_loop3A_968 = arith.muli %parallel_loop3A_906, %parallel_loop3A_967 : i32
        %parallel_loop3A_969 = arith.constant 2304 : i32
        %parallel_loop3A_970 = arith.addi %parallel_loop3A_969, %parallel_loop3A_968 : i32
        %parallel_loop3A_971 = arith.index_cast %parallel_loop3A_970 : i32 to index
        %parallel_loop3A_972 = tpu.vector_load %arg7[%parallel_loop3A_971] {strides = array<i32>} : memref<4096xi32, #tpu.memory_space<vmem>>, vector<16xi32>,
        %parallel_loop3A_973 = arith.addi %parallel_loop3A_966, %parallel_loop3A_972 : vector<16xi32>
        %parallel_loop3A_974 = arith.constant 16 : i32
        %parallel_loop3A_975 = arith.muli %parallel_loop3A_906, %parallel_loop3A_974 : i32
        %parallel_loop3A_976 = arith.constant 2560 : i32
        %parallel_loop3A_977 = arith.addi %parallel_loop3A_976, %parallel_loop3A_975 : i32
        %parallel_loop3A_978 = arith.index_cast %parallel_loop3A_977 : i32 to index
        %parallel_loop3A_979 = tpu.vector_load %arg7[%parallel_loop3A_978] {strides = array<i32>} : memref<4096xi32, #tpu.memory_space<vmem>>, vector<16xi32>,
        %parallel_loop3A_980 = arith.addi %parallel_loop3A_973, %parallel_loop3A_979 : vector<16xi32>
        %parallel_loop3A_981 = arith.constant 16 : i32
        %parallel_loop3A_982 = arith.muli %parallel_loop3A_906, %parallel_loop3A_981 : i32
        %parallel_loop3A_983 = arith.constant 2816 : i32
        %parallel_loop3A_984 = arith.addi %parallel_loop3A_983, %parallel_loop3A_982 : i32
        %parallel_loop3A_985 = arith.index_cast %parallel_loop3A_984 : i32 to index
        %parallel_loop3A_986 = tpu.vector_load %arg7[%parallel_loop3A_985] {strides = array<i32>} : memref<4096xi32, #tpu.memory_space<vmem>>, vector<16xi32>,
        %parallel_loop3A_987 = arith.addi %parallel_loop3A_980, %parallel_loop3A_986 : vector<16xi32>
        %parallel_loop3A_988 = arith.constant 16 : i32
        %parallel_loop3A_989 = arith.muli %parallel_loop3A_906, %parallel_loop3A_988 : i32
        %parallel_loop3A_990 = arith.constant 3072 : i32
        %parallel_loop3A_991 = arith.addi %parallel_loop3A_990, %parallel_loop3A_989 : i32
        %parallel_loop3A_992 = arith.index_cast %parallel_loop3A_991 : i32 to index
        %parallel_loop3A_993 = tpu.vector_load %arg7[%parallel_loop3A_992] {strides = array<i32>} : memref<4096xi32, #tpu.memory_space<vmem>>, vector<16xi32>,
        %parallel_loop3A_994 = arith.addi %parallel_loop3A_987, %parallel_loop3A_993 : vector<16xi32>
        %parallel_loop3A_995 = arith.constant 16 : i32
        %parallel_loop3A_996 = arith.muli %parallel_loop3A_906, %parallel_loop3A_995 : i32
        %parallel_loop3A_997 = arith.constant 3328 : i32
        %parallel_loop3A_998 = arith.addi %parallel_loop3A_997, %parallel_loop3A_996 : i32
        %parallel_loop3A_999 = arith.index_cast %parallel_loop3A_998 : i32 to index
        %parallel_loop3A_1000 = tpu.vector_load %arg7[%parallel_loop3A_999] {strides = array<i32>} : memref<4096xi32, #tpu.memory_space<vmem>>, vector<16xi32>,
        %parallel_loop3A_1001 = arith.addi %parallel_loop3A_994, %parallel_loop3A_1000 : vector<16xi32>
        %parallel_loop3A_1002 = arith.constant 16 : i32
        %parallel_loop3A_1003 = arith.muli %parallel_loop3A_906, %parallel_loop3A_1002 : i32
        %parallel_loop3A_1004 = arith.constant 3584 : i32
        %parallel_loop3A_1005 = arith.addi %parallel_loop3A_1004, %parallel_loop3A_1003 : i32
        %parallel_loop3A_1006 = arith.index_cast %parallel_loop3A_1005 : i32 to index
        %parallel_loop3A_1007 = tpu.vector_load %arg7[%parallel_loop3A_1006] {strides = array<i32>} : memref<4096xi32, #tpu.memory_space<vmem>>, vector<16xi32>,
        %parallel_loop3A_1008 = arith.addi %parallel_loop3A_1001, %parallel_loop3A_1007 : vector<16xi32>
        %parallel_loop3A_1009 = arith.constant 16 : i32
        %parallel_loop3A_1010 = arith.muli %parallel_loop3A_906, %parallel_loop3A_1009 : i32
        %parallel_loop3A_1011 = arith.constant 3840 : i32
        %parallel_loop3A_1012 = arith.addi %parallel_loop3A_1011, %parallel_loop3A_1010 : i32
        %parallel_loop3A_1013 = arith.index_cast %parallel_loop3A_1012 : i32 to index
        %parallel_loop3A_1014 = tpu.vector_load %arg7[%parallel_loop3A_1013] {strides = array<i32>} : memref<4096xi32, #tpu.memory_space<vmem>>, vector<16xi32>,
        %parallel_loop3A_1015 = arith.addi %parallel_loop3A_1008, %parallel_loop3A_1014 : vector<16xi32>
        %parallel_loop3A_1016 = arith.constant 16 : i32
        %parallel_loop3A_1017 = arith.muli %parallel_loop3A_906, %parallel_loop3A_1016 : i32
        %parallel_loop3A_1018 = arith.index_cast %parallel_loop3A_1017 : i32 to index
        %parallel_loop3A_1019 = tpu.vector_load %arg8[%parallel_loop3A_1018] {strides = array<i32>} : memref<256xi32, #tpu.memory_space<vmem>>, vector<16xi32>,
        tpu.vector_store %arg8[%parallel_loop3A_1018], %parallel_loop3A_1015 {strides = array<i32>} : memref<256xi32, #tpu.memory_space<vmem>>, vector<16xi32>,
      } {sc.loop_unroll_factor = 2 : i64, sc.parallel_access}
      %sub3A_183 = arith.constant 6553 : i32
      %sub3A_184 = arith.subi %sub3A_183, %add3A_162 : i32
      %scan3A_185 = arith.constant 0 : i32
      %scan3A_186 = arith.constant 0 : i32
      %scan3A_187 = arith.constant 0 : i32
      %scan3A_188 = arith.constant 0 : i32
      %scan3A_189 = arith.constant 0 : i32
      %scan3A_190 = arith.constant 16 : i32
      %scan3A_191 = arith.addi %scan3A_189, %scan3A_190 : i32
      %scan3A_192 = arith.constant 1 : i32
      %scan3A_193:4 = scf.for %scan3A_906 = %scan3A_189 to %scan3A_191 step %scan3A_192 iter_args(%scan3A_907 = %scan3A_185, %scan3A_908 = %scan3A_186, %scan3A_909 = %scan3A_187, %scan3A_910 = %scan3A_188) -> (i32, i32, i32, i32)  : i32 {
        %sub3A_911 = arith.constant 15 : i32
        %sub3A_912 = arith.subi %sub3A_911, %scan3A_906 : i32
        %mul3A_913 = arith.constant 16 : i32
        %mul3A_914 = arith.muli %sub3A_912, %mul3A_913 : i32
        %get3A_915 = arith.index_cast %mul3A_914 : i32 to index
        %get3A_916 = tpu.vector_load %arg8[%get3A_915] {strides = array<i32>} : memref<256xi32, #tpu.memory_space<vmem>>, vector<16xi32>,
        %rev3A = arith.constant 15 : i32
        %rev3A_917 = vector.broadcast %rev3A : i32 to vector<16xi32>
        %rev3A_918 = tpu.iota {dimensions = array<i32: 0>} : vector<16xi32>
        %rev3A_919 = arith.subi %rev3A_917, %rev3A_918 : vector<16xi32>
        %rev3A_920 = tpu.dynamic_gather %get3A_916[%rev3A_919] in [0] : vector<16xi32>, vector<16xi32> -> vector<16xi32>
        %broadcast_in_dim3A_921 = arith.constant true
        %broadcast_in_dim3A_922 = vector.broadcast %broadcast_in_dim3A_921 : i1 to vector<16xi1>
        %masked_cumsum3A = tpu.scan <sum>, %rev3A_920 masked %broadcast_in_dim3A_922 : vector<16xi32>, vector<16xi1> -> vector<16xi32>
        %sub3A_923 = arith.subi %masked_cumsum3A, %rev3A_920 : vector<16xi32>
        %add3A_924 = vector.broadcast %scan3A_910 : i32 to vector<16xi32>
        %add3A_925 = arith.addi %add3A_924, %sub3A_923 : vector<16xi32>
        %add3A_926 = vector.broadcast %scan3A_910 : i32 to vector<16xi32>
        %add3A_927 = arith.addi %add3A_926, %masked_cumsum3A : vector<16xi32>
        %ge3A = vector.broadcast %sub3A_184 : i32 to vector<16xi32>
        %ge3A_928 = arith.cmpi sge, %add3A_927, %ge3A : vector<16xi32>
        %lt3A_929 = vector.broadcast %sub3A_184 : i32 to vector<16xi32>
        %lt3A_930 = arith.cmpi slt, %add3A_925, %lt3A_929 : vector<16xi32>
        %and3A_931 = arith.andi %ge3A_928, %lt3A_930 : vector<16xi1>
        %convert_element_type3A_932 = arith.extui %and3A_931 : vector<16xi1> to vector<16xi32>
        %reduce_sum3A = arith.constant true
        %reduce_sum3A_933 = vector.broadcast %reduce_sum3A : i1 to vector<16xi1>
        %reduce_sum3A_934 = tpu.scan <sum>, %convert_element_type3A_932 masked %reduce_sum3A_933 : vector<16xi32>, vector<16xi1> -> vector<16xi32>
        %reduce_sum3A_935 = vector.extract %reduce_sum3A_934[15] : i32 from vector<16xi32>
        %jit3A_936 = arith.constant 0 : i32
        %broadcast_in_dim3A_937 = vector.broadcast %jit3A_936 : i32 to vector<16xi32>
        %select_n3A_938 = arith.select %and3A_931, %iota3A_169, %broadcast_in_dim3A_937 : vector<16xi1>, vector<16xi32>
        %reduce_sum3A_939 = arith.constant true
        %reduce_sum3A_940 = vector.broadcast %reduce_sum3A_939 : i1 to vector<16xi1>
        %reduce_sum3A_941 = tpu.scan <sum>, %select_n3A_938 masked %reduce_sum3A_940 : vector<16xi32>, vector<16xi1> -> vector<16xi32>
        %reduce_sum3A_942 = vector.extract %reduce_sum3A_941[15] : i32 from vector<16xi32>
        %sub3A_943 = arith.constant 15 : i32
        %sub3A_944 = arith.subi %sub3A_943, %reduce_sum3A_942 : i32
        %jit3A_945 = arith.constant 0 : i32
        %broadcast_in_dim3A_946 = vector.broadcast %jit3A_945 : i32 to vector<16xi32>
        %select_n3A_947 = arith.select %and3A_931, %add3A_925, %broadcast_in_dim3A_946 : vector<16xi1>, vector<16xi32>
        %reduce_sum3A_948 = arith.constant true
        %reduce_sum3A_949 = vector.broadcast %reduce_sum3A_948 : i1 to vector<16xi1>
        %reduce_sum3A_950 = tpu.scan <sum>, %select_n3A_947 masked %reduce_sum3A_949 : vector<16xi32>, vector<16xi1> -> vector<16xi32>
        %reduce_sum3A_951 = vector.extract %reduce_sum3A_950[15] : i32 from vector<16xi32>
        %gt3A = arith.constant 0 : i32
        %gt3A_952 = arith.cmpi sgt, %reduce_sum3A_935, %gt3A : i32
        %eq3A_953 = arith.constant 0 : i32
        %eq3A_954 = arith.cmpi eq, %scan3A_907, %eq3A_953 : i32
        %and3A_955 = arith.andi %gt3A_952, %eq3A_954 : i1
        %mul3A_956 = arith.constant 16 : i32
        %mul3A_957 = arith.muli %sub3A_912, %mul3A_956 : i32
        %add3A_958 = arith.addi %mul3A_957, %sub3A_944 : i32
        %select_n3A_959 = arith.select %and3A_955, %add3A_958, %scan3A_908 : i32
        %select_n3A_960 = arith.select %and3A_955, %reduce_sum3A_951, %scan3A_909 : i32
        %or3A_961 = arith.ori %scan3A_907, %reduce_sum3A_935 : i32
        %reduce_sum3A_962 = arith.constant true
        %reduce_sum3A_963 = vector.broadcast %reduce_sum3A_962 : i1 to vector<16xi1>
        %reduce_sum3A_964 = tpu.scan <sum>, %get3A_916 masked %reduce_sum3A_963 : vector<16xi32>, vector<16xi1> -> vector<16xi32>
        %reduce_sum3A_965 = vector.extract %reduce_sum3A_964[15] : i32 from vector<16xi32>
        %add3A_966 = arith.addi %scan3A_910, %reduce_sum3A_965 : i32
        scf.yield %or3A_961, %select_n3A_959, %select_n3A_960, %add3A_966 : i32, i32, i32, i32
      }
      %scan3A_194 = arith.constant 16 : i32
      %add3A_195 = arith.addi %add3A_162, %scan3A_193#2 : i32
      %shift_left3A_196 = arith.constant 15 : i32
      %shift_left3A_197 = arith.shli %scan3A_193#1, %shift_left3A_196 : i32
      %or3A_198 = arith.ori %or3A_164, %shift_left3A_197 : i32
      %broadcast_in_dim3A_199 = arith.constant 0 : i32
      %broadcast_in_dim3A_200 = vector.broadcast %broadcast_in_dim3A_199 : i32 to vector<16xi32>
      %broadcast_in_dim3A_201 = arith.constant 1 : i32
      %broadcast_in_dim3A_202 = vector.broadcast %broadcast_in_dim3A_201 : i32 to vector<16xi32>
      %iota3A_203 = tpu.iota {dimensions = array<i32: 0>} : vector<16xi32>
      %mul3A_204 = arith.constant 256 : i32
      %mul3A_205 = vector.broadcast %mul3A_204 : i32 to vector<16xi32>
      %mul3A_206 = arith.muli %iota3A_203, %mul3A_205 : vector<16xi32>
      %parallel_loop3A_207 = arith.constant 0 : i32
      %parallel_loop3A_208 = arith.constant 256 : i32
      %parallel_loop3A_209 = arith.constant 1 : i32
      scf.for %parallel_loop3A_906 = %parallel_loop3A_207 to %parallel_loop3A_208 step %parallel_loop3A_209  : i32 {
        %parallel_loop3A_907 = arith.constant 16 : i32
        %parallel_loop3A_908 = arith.muli %parallel_loop3A_906, %parallel_loop3A_907 : i32
        %parallel_loop3A_909 = arith.index_cast %parallel_loop3A_908 : i32 to index
        %parallel_loop3A_910 = tpu.vector_load %arg7[%parallel_loop3A_909] {strides = array<i32>} : memref<4096xi32, #tpu.memory_space<vmem>>, vector<16xi32>,
        tpu.vector_store %arg7[%parallel_loop3A_909], %broadcast_in_dim3A_200 {strides = array<i32>} : memref<4096xi32, #tpu.memory_space<vmem>>, vector<16xi32>,
      } {sc.loop_unroll_factor = 8 : i64, sc.parallel_access}
      %parallel_loop3A_210 = arith.constant 0 : i32
      %parallel_loop3A_211 = arith.constant 512 : i32
      %parallel_loop3A_212 = arith.constant 1 : i32
      %parallel_loop3A_213 = arith.constant 2147450880 : i32
      scf.for %parallel_loop3A_906 = %parallel_loop3A_210 to %parallel_loop3A_211 step %parallel_loop3A_212  : i32 {
        %parallel_loop3A_907 = arith.constant 16 : i32
        %parallel_loop3A_908 = arith.muli %parallel_loop3A_906, %parallel_loop3A_907 : i32
        %parallel_loop3A_909 = arith.index_cast %parallel_loop3A_908 : i32 to index
        %parallel_loop3A_910 = tpu.vector_load %arg6[%parallel_loop3A_909] {strides = array<i32>} : memref<8192xi32, #tpu.memory_space<vmem>>, vector<16xi32>,
        %parallel_loop3A_911 = vector.broadcast %parallel_loop3A_213 : i32 to vector<16xi32>
        %parallel_loop3A_912 = arith.andi %parallel_loop3A_910, %parallel_loop3A_911 : vector<16xi32>
        %parallel_loop3A_913 = vector.broadcast %or3A_198 : i32 to vector<16xi32>
        %parallel_loop3A_914 = arith.cmpi eq, %parallel_loop3A_912, %parallel_loop3A_913 : vector<16xi32>
        %parallel_loop3A_915 = arith.constant 7 : i32
        %parallel_loop3A_916 = vector.broadcast %parallel_loop3A_915 : i32 to vector<16xi32>
        %parallel_loop3A_917 = arith.shrsi %parallel_loop3A_910, %parallel_loop3A_916 : vector<16xi32>
        %parallel_loop3A_918 = arith.constant 255 : i32
        %parallel_loop3A_919 = vector.broadcast %parallel_loop3A_918 : i32 to vector<16xi32>
        %parallel_loop3A_920 = arith.andi %parallel_loop3A_917, %parallel_loop3A_919 : vector<16xi32>
        %parallel_loop3A_921 = arith.addi %mul3A_206, %parallel_loop3A_920 : vector<16xi32>
        tpu.vector_store_idx %arg7[%parallel_loop3A_921], %broadcast_in_dim3A_202 masked %parallel_loop3A_914 {add = true} : memref<4096xi32, #tpu.memory_space<vmem>>[vector<16xi32>], vector<16xi32>, vector<16xi1>
      } {sc.loop_unroll_factor = 8 : i64, sc.parallel_access}
      %parallel_loop3A_214 = arith.constant 0 : i32
      %parallel_loop3A_215 = arith.constant 16 : i32
      %parallel_loop3A_216 = arith.constant 1 : i32
      scf.for %parallel_loop3A_906 = %parallel_loop3A_214 to %parallel_loop3A_215 step %parallel_loop3A_216  : i32 {
        %parallel_loop3A_907 = arith.constant 16 : i32
        %parallel_loop3A_908 = arith.muli %parallel_loop3A_906, %parallel_loop3A_907 : i32
        %parallel_loop3A_909 = arith.index_cast %parallel_loop3A_908 : i32 to index
        %parallel_loop3A_910 = tpu.vector_load %arg7[%parallel_loop3A_909] {strides = array<i32>} : memref<4096xi32, #tpu.memory_space<vmem>>, vector<16xi32>,
        %parallel_loop3A_911 = arith.constant 16 : i32
        %parallel_loop3A_912 = arith.muli %parallel_loop3A_906, %parallel_loop3A_911 : i32
        %parallel_loop3A_913 = arith.constant 256 : i32
        %parallel_loop3A_914 = arith.addi %parallel_loop3A_913, %parallel_loop3A_912 : i32
        %parallel_loop3A_915 = arith.index_cast %parallel_loop3A_914 : i32 to index
        %parallel_loop3A_916 = tpu.vector_load %arg7[%parallel_loop3A_915] {strides = array<i32>} : memref<4096xi32, #tpu.memory_space<vmem>>, vector<16xi32>,
        %parallel_loop3A_917 = arith.addi %parallel_loop3A_910, %parallel_loop3A_916 : vector<16xi32>
        %parallel_loop3A_918 = arith.constant 16 : i32
        %parallel_loop3A_919 = arith.muli %parallel_loop3A_906, %parallel_loop3A_918 : i32
        %parallel_loop3A_920 = arith.constant 512 : i32
        %parallel_loop3A_921 = arith.addi %parallel_loop3A_920, %parallel_loop3A_919 : i32
        %parallel_loop3A_922 = arith.index_cast %parallel_loop3A_921 : i32 to index
        %parallel_loop3A_923 = tpu.vector_load %arg7[%parallel_loop3A_922] {strides = array<i32>} : memref<4096xi32, #tpu.memory_space<vmem>>, vector<16xi32>,
        %parallel_loop3A_924 = arith.addi %parallel_loop3A_917, %parallel_loop3A_923 : vector<16xi32>
        %parallel_loop3A_925 = arith.constant 16 : i32
        %parallel_loop3A_926 = arith.muli %parallel_loop3A_906, %parallel_loop3A_925 : i32
        %parallel_loop3A_927 = arith.constant 768 : i32
        %parallel_loop3A_928 = arith.addi %parallel_loop3A_927, %parallel_loop3A_926 : i32
        %parallel_loop3A_929 = arith.index_cast %parallel_loop3A_928 : i32 to index
        %parallel_loop3A_930 = tpu.vector_load %arg7[%parallel_loop3A_929] {strides = array<i32>} : memref<4096xi32, #tpu.memory_space<vmem>>, vector<16xi32>,
        %parallel_loop3A_931 = arith.addi %parallel_loop3A_924, %parallel_loop3A_930 : vector<16xi32>
        %parallel_loop3A_932 = arith.constant 16 : i32
        %parallel_loop3A_933 = arith.muli %parallel_loop3A_906, %parallel_loop3A_932 : i32
        %parallel_loop3A_934 = arith.constant 1024 : i32
        %parallel_loop3A_935 = arith.addi %parallel_loop3A_934, %parallel_loop3A_933 : i32
        %parallel_loop3A_936 = arith.index_cast %parallel_loop3A_935 : i32 to index
        %parallel_loop3A_937 = tpu.vector_load %arg7[%parallel_loop3A_936] {strides = array<i32>} : memref<4096xi32, #tpu.memory_space<vmem>>, vector<16xi32>,
        %parallel_loop3A_938 = arith.addi %parallel_loop3A_931, %parallel_loop3A_937 : vector<16xi32>
        %parallel_loop3A_939 = arith.constant 16 : i32
        %parallel_loop3A_940 = arith.muli %parallel_loop3A_906, %parallel_loop3A_939 : i32
        %parallel_loop3A_941 = arith.constant 1280 : i32
        %parallel_loop3A_942 = arith.addi %parallel_loop3A_941, %parallel_loop3A_940 : i32
        %parallel_loop3A_943 = arith.index_cast %parallel_loop3A_942 : i32 to index
        %parallel_loop3A_944 = tpu.vector_load %arg7[%parallel_loop3A_943] {strides = array<i32>} : memref<4096xi32, #tpu.memory_space<vmem>>, vector<16xi32>,
        %parallel_loop3A_945 = arith.addi %parallel_loop3A_938, %parallel_loop3A_944 : vector<16xi32>
        %parallel_loop3A_946 = arith.constant 16 : i32
        %parallel_loop3A_947 = arith.muli %parallel_loop3A_906, %parallel_loop3A_946 : i32
        %parallel_loop3A_948 = arith.constant 1536 : i32
        %parallel_loop3A_949 = arith.addi %parallel_loop3A_948, %parallel_loop3A_947 : i32
        %parallel_loop3A_950 = arith.index_cast %parallel_loop3A_949 : i32 to index
        %parallel_loop3A_951 = tpu.vector_load %arg7[%parallel_loop3A_950] {strides = array<i32>} : memref<4096xi32, #tpu.memory_space<vmem>>, vector<16xi32>,
        %parallel_loop3A_952 = arith.addi %parallel_loop3A_945, %parallel_loop3A_951 : vector<16xi32>
        %parallel_loop3A_953 = arith.constant 16 : i32
        %parallel_loop3A_954 = arith.muli %parallel_loop3A_906, %parallel_loop3A_953 : i32
        %parallel_loop3A_955 = arith.constant 1792 : i32
        %parallel_loop3A_956 = arith.addi %parallel_loop3A_955, %parallel_loop3A_954 : i32
        %parallel_loop3A_957 = arith.index_cast %parallel_loop3A_956 : i32 to index
        %parallel_loop3A_958 = tpu.vector_load %arg7[%parallel_loop3A_957] {strides = array<i32>} : memref<4096xi32, #tpu.memory_space<vmem>>, vector<16xi32>,
        %parallel_loop3A_959 = arith.addi %parallel_loop3A_952, %parallel_loop3A_958 : vector<16xi32>
        %parallel_loop3A_960 = arith.constant 16 : i32
        %parallel_loop3A_961 = arith.muli %parallel_loop3A_906, %parallel_loop3A_960 : i32
        %parallel_loop3A_962 = arith.constant 2048 : i32
        %parallel_loop3A_963 = arith.addi %parallel_loop3A_962, %parallel_loop3A_961 : i32
        %parallel_loop3A_964 = arith.index_cast %parallel_loop3A_963 : i32 to index
        %parallel_loop3A_965 = tpu.vector_load %arg7[%parallel_loop3A_964] {strides = array<i32>} : memref<4096xi32, #tpu.memory_space<vmem>>, vector<16xi32>,
        %parallel_loop3A_966 = arith.addi %parallel_loop3A_959, %parallel_loop3A_965 : vector<16xi32>
        %parallel_loop3A_967 = arith.constant 16 : i32
        %parallel_loop3A_968 = arith.muli %parallel_loop3A_906, %parallel_loop3A_967 : i32
        %parallel_loop3A_969 = arith.constant 2304 : i32
        %parallel_loop3A_970 = arith.addi %parallel_loop3A_969, %parallel_loop3A_968 : i32
        %parallel_loop3A_971 = arith.index_cast %parallel_loop3A_970 : i32 to index
        %parallel_loop3A_972 = tpu.vector_load %arg7[%parallel_loop3A_971] {strides = array<i32>} : memref<4096xi32, #tpu.memory_space<vmem>>, vector<16xi32>,
        %parallel_loop3A_973 = arith.addi %parallel_loop3A_966, %parallel_loop3A_972 : vector<16xi32>
        %parallel_loop3A_974 = arith.constant 16 : i32
        %parallel_loop3A_975 = arith.muli %parallel_loop3A_906, %parallel_loop3A_974 : i32
        %parallel_loop3A_976 = arith.constant 2560 : i32
        %parallel_loop3A_977 = arith.addi %parallel_loop3A_976, %parallel_loop3A_975 : i32
        %parallel_loop3A_978 = arith.index_cast %parallel_loop3A_977 : i32 to index
        %parallel_loop3A_979 = tpu.vector_load %arg7[%parallel_loop3A_978] {strides = array<i32>} : memref<4096xi32, #tpu.memory_space<vmem>>, vector<16xi32>,
        %parallel_loop3A_980 = arith.addi %parallel_loop3A_973, %parallel_loop3A_979 : vector<16xi32>
        %parallel_loop3A_981 = arith.constant 16 : i32
        %parallel_loop3A_982 = arith.muli %parallel_loop3A_906, %parallel_loop3A_981 : i32
        %parallel_loop3A_983 = arith.constant 2816 : i32
        %parallel_loop3A_984 = arith.addi %parallel_loop3A_983, %parallel_loop3A_982 : i32
        %parallel_loop3A_985 = arith.index_cast %parallel_loop3A_984 : i32 to index
        %parallel_loop3A_986 = tpu.vector_load %arg7[%parallel_loop3A_985] {strides = array<i32>} : memref<4096xi32, #tpu.memory_space<vmem>>, vector<16xi32>,
        %parallel_loop3A_987 = arith.addi %parallel_loop3A_980, %parallel_loop3A_986 : vector<16xi32>
        %parallel_loop3A_988 = arith.constant 16 : i32
        %parallel_loop3A_989 = arith.muli %parallel_loop3A_906, %parallel_loop3A_988 : i32
        %parallel_loop3A_990 = arith.constant 3072 : i32
        %parallel_loop3A_991 = arith.addi %parallel_loop3A_990, %parallel_loop3A_989 : i32
        %parallel_loop3A_992 = arith.index_cast %parallel_loop3A_991 : i32 to index
        %parallel_loop3A_993 = tpu.vector_load %arg7[%parallel_loop3A_992] {strides = array<i32>} : memref<4096xi32, #tpu.memory_space<vmem>>, vector<16xi32>,
        %parallel_loop3A_994 = arith.addi %parallel_loop3A_987, %parallel_loop3A_993 : vector<16xi32>
        %parallel_loop3A_995 = arith.constant 16 : i32
        %parallel_loop3A_996 = arith.muli %parallel_loop3A_906, %parallel_loop3A_995 : i32
        %parallel_loop3A_997 = arith.constant 3328 : i32
        %parallel_loop3A_998 = arith.addi %parallel_loop3A_997, %parallel_loop3A_996 : i32
        %parallel_loop3A_999 = arith.index_cast %parallel_loop3A_998 : i32 to index
        %parallel_loop3A_1000 = tpu.vector_load %arg7[%parallel_loop3A_999] {strides = array<i32>} : memref<4096xi32, #tpu.memory_space<vmem>>, vector<16xi32>,
        %parallel_loop3A_1001 = arith.addi %parallel_loop3A_994, %parallel_loop3A_1000 : vector<16xi32>
        %parallel_loop3A_1002 = arith.constant 16 : i32
        %parallel_loop3A_1003 = arith.muli %parallel_loop3A_906, %parallel_loop3A_1002 : i32
        %parallel_loop3A_1004 = arith.constant 3584 : i32
        %parallel_loop3A_1005 = arith.addi %parallel_loop3A_1004, %parallel_loop3A_1003 : i32
        %parallel_loop3A_1006 = arith.index_cast %parallel_loop3A_1005 : i32 to index
        %parallel_loop3A_1007 = tpu.vector_load %arg7[%parallel_loop3A_1006] {strides = array<i32>} : memref<4096xi32, #tpu.memory_space<vmem>>, vector<16xi32>,
        %parallel_loop3A_1008 = arith.addi %parallel_loop3A_1001, %parallel_loop3A_1007 : vector<16xi32>
        %parallel_loop3A_1009 = arith.constant 16 : i32
        %parallel_loop3A_1010 = arith.muli %parallel_loop3A_906, %parallel_loop3A_1009 : i32
        %parallel_loop3A_1011 = arith.constant 3840 : i32
        %parallel_loop3A_1012 = arith.addi %parallel_loop3A_1011, %parallel_loop3A_1010 : i32
        %parallel_loop3A_1013 = arith.index_cast %parallel_loop3A_1012 : i32 to index
        %parallel_loop3A_1014 = tpu.vector_load %arg7[%parallel_loop3A_1013] {strides = array<i32>} : memref<4096xi32, #tpu.memory_space<vmem>>, vector<16xi32>,
        %parallel_loop3A_1015 = arith.addi %parallel_loop3A_1008, %parallel_loop3A_1014 : vector<16xi32>
        %parallel_loop3A_1016 = arith.constant 16 : i32
        %parallel_loop3A_1017 = arith.muli %parallel_loop3A_906, %parallel_loop3A_1016 : i32
        %parallel_loop3A_1018 = arith.index_cast %parallel_loop3A_1017 : i32 to index
        %parallel_loop3A_1019 = tpu.vector_load %arg8[%parallel_loop3A_1018] {strides = array<i32>} : memref<256xi32, #tpu.memory_space<vmem>>, vector<16xi32>,
        tpu.vector_store %arg8[%parallel_loop3A_1018], %parallel_loop3A_1015 {strides = array<i32>} : memref<256xi32, #tpu.memory_space<vmem>>, vector<16xi32>,
      } {sc.loop_unroll_factor = 2 : i64, sc.parallel_access}
      %sub3A_217 = arith.constant 6553 : i32
      %sub3A_218 = arith.subi %sub3A_217, %add3A_195 : i32
      %scan3A_219 = arith.constant 0 : i32
      %scan3A_220 = arith.constant 0 : i32
      %scan3A_221 = arith.constant 0 : i32
      %scan3A_222 = arith.constant 0 : i32
      %scan3A_223 = arith.constant 0 : i32
      %scan3A_224 = arith.constant 16 : i32
      %scan3A_225 = arith.addi %scan3A_223, %scan3A_224 : i32
      %scan3A_226 = arith.constant 1 : i32
      %scan3A_227:4 = scf.for %scan3A_906 = %scan3A_223 to %scan3A_225 step %scan3A_226 iter_args(%scan3A_907 = %scan3A_219, %scan3A_908 = %scan3A_220, %scan3A_909 = %scan3A_221, %scan3A_910 = %scan3A_222) -> (i32, i32, i32, i32)  : i32 {
        %sub3A_911 = arith.constant 15 : i32
        %sub3A_912 = arith.subi %sub3A_911, %scan3A_906 : i32
        %mul3A_913 = arith.constant 16 : i32
        %mul3A_914 = arith.muli %sub3A_912, %mul3A_913 : i32
        %get3A_915 = arith.index_cast %mul3A_914 : i32 to index
        %get3A_916 = tpu.vector_load %arg8[%get3A_915] {strides = array<i32>} : memref<256xi32, #tpu.memory_space<vmem>>, vector<16xi32>,
        %rev3A = arith.constant 15 : i32
        %rev3A_917 = vector.broadcast %rev3A : i32 to vector<16xi32>
        %rev3A_918 = tpu.iota {dimensions = array<i32: 0>} : vector<16xi32>
        %rev3A_919 = arith.subi %rev3A_917, %rev3A_918 : vector<16xi32>
        %rev3A_920 = tpu.dynamic_gather %get3A_916[%rev3A_919] in [0] : vector<16xi32>, vector<16xi32> -> vector<16xi32>
        %broadcast_in_dim3A_921 = arith.constant true
        %broadcast_in_dim3A_922 = vector.broadcast %broadcast_in_dim3A_921 : i1 to vector<16xi1>
        %masked_cumsum3A = tpu.scan <sum>, %rev3A_920 masked %broadcast_in_dim3A_922 : vector<16xi32>, vector<16xi1> -> vector<16xi32>
        %sub3A_923 = arith.subi %masked_cumsum3A, %rev3A_920 : vector<16xi32>
        %add3A_924 = vector.broadcast %scan3A_910 : i32 to vector<16xi32>
        %add3A_925 = arith.addi %add3A_924, %sub3A_923 : vector<16xi32>
        %add3A_926 = vector.broadcast %scan3A_910 : i32 to vector<16xi32>
        %add3A_927 = arith.addi %add3A_926, %masked_cumsum3A : vector<16xi32>
        %ge3A = vector.broadcast %sub3A_218 : i32 to vector<16xi32>
        %ge3A_928 = arith.cmpi sge, %add3A_927, %ge3A : vector<16xi32>
        %lt3A_929 = vector.broadcast %sub3A_218 : i32 to vector<16xi32>
        %lt3A_930 = arith.cmpi slt, %add3A_925, %lt3A_929 : vector<16xi32>
        %and3A_931 = arith.andi %ge3A_928, %lt3A_930 : vector<16xi1>
        %convert_element_type3A_932 = arith.extui %and3A_931 : vector<16xi1> to vector<16xi32>
        %reduce_sum3A = arith.constant true
        %reduce_sum3A_933 = vector.broadcast %reduce_sum3A : i1 to vector<16xi1>
        %reduce_sum3A_934 = tpu.scan <sum>, %convert_element_type3A_932 masked %reduce_sum3A_933 : vector<16xi32>, vector<16xi1> -> vector<16xi32>
        %reduce_sum3A_935 = vector.extract %reduce_sum3A_934[15] : i32 from vector<16xi32>
        %jit3A_936 = arith.constant 0 : i32
        %broadcast_in_dim3A_937 = vector.broadcast %jit3A_936 : i32 to vector<16xi32>
        %select_n3A_938 = arith.select %and3A_931, %iota3A_203, %broadcast_in_dim3A_937 : vector<16xi1>, vector<16xi32>
        %reduce_sum3A_939 = arith.constant true
        %reduce_sum3A_940 = vector.broadcast %reduce_sum3A_939 : i1 to vector<16xi1>
        %reduce_sum3A_941 = tpu.scan <sum>, %select_n3A_938 masked %reduce_sum3A_940 : vector<16xi32>, vector<16xi1> -> vector<16xi32>
        %reduce_sum3A_942 = vector.extract %reduce_sum3A_941[15] : i32 from vector<16xi32>
        %sub3A_943 = arith.constant 15 : i32
        %sub3A_944 = arith.subi %sub3A_943, %reduce_sum3A_942 : i32
        %jit3A_945 = arith.constant 0 : i32
        %broadcast_in_dim3A_946 = vector.broadcast %jit3A_945 : i32 to vector<16xi32>
        %select_n3A_947 = arith.select %and3A_931, %add3A_925, %broadcast_in_dim3A_946 : vector<16xi1>, vector<16xi32>
        %reduce_sum3A_948 = arith.constant true
        %reduce_sum3A_949 = vector.broadcast %reduce_sum3A_948 : i1 to vector<16xi1>
        %reduce_sum3A_950 = tpu.scan <sum>, %select_n3A_947 masked %reduce_sum3A_949 : vector<16xi32>, vector<16xi1> -> vector<16xi32>
        %reduce_sum3A_951 = vector.extract %reduce_sum3A_950[15] : i32 from vector<16xi32>
        %gt3A = arith.constant 0 : i32
        %gt3A_952 = arith.cmpi sgt, %reduce_sum3A_935, %gt3A : i32
        %eq3A_953 = arith.constant 0 : i32
        %eq3A_954 = arith.cmpi eq, %scan3A_907, %eq3A_953 : i32
        %and3A_955 = arith.andi %gt3A_952, %eq3A_954 : i1
        %mul3A_956 = arith.constant 16 : i32
        %mul3A_957 = arith.muli %sub3A_912, %mul3A_956 : i32
        %add3A_958 = arith.addi %mul3A_957, %sub3A_944 : i32
        %select_n3A_959 = arith.select %and3A_955, %add3A_958, %scan3A_908 : i32
        %select_n3A_960 = arith.select %and3A_955, %reduce_sum3A_951, %scan3A_909 : i32
        %or3A_961 = arith.ori %scan3A_907, %reduce_sum3A_935 : i32
        %reduce_sum3A_962 = arith.constant true
        %reduce_sum3A_963 = vector.broadcast %reduce_sum3A_962 : i1 to vector<16xi1>
        %reduce_sum3A_964 = tpu.scan <sum>, %get3A_916 masked %reduce_sum3A_963 : vector<16xi32>, vector<16xi1> -> vector<16xi32>
        %reduce_sum3A_965 = vector.extract %reduce_sum3A_964[15] : i32 from vector<16xi32>
        %add3A_966 = arith.addi %scan3A_910, %reduce_sum3A_965 : i32
        scf.yield %or3A_961, %select_n3A_959, %select_n3A_960, %add3A_966 : i32, i32, i32, i32
      }
      %scan3A_228 = arith.constant 16 : i32
      %add3A_229 = arith.addi %add3A_195, %scan3A_227#2 : i32
      %shift_left3A_230 = arith.constant 7 : i32
      %shift_left3A_231 = arith.shli %scan3A_227#1, %shift_left3A_230 : i32
      %or3A_232 = arith.ori %or3A_198, %shift_left3A_231 : i32
      %broadcast_in_dim3A_233 = arith.constant 0 : i32
      %broadcast_in_dim3A_234 = vector.broadcast %broadcast_in_dim3A_233 : i32 to vector<16xi32>
      %broadcast_in_dim3A_235 = arith.constant 1 : i32
      %broadcast_in_dim3A_236 = vector.broadcast %broadcast_in_dim3A_235 : i32 to vector<16xi32>
      %iota3A_237 = tpu.iota {dimensions = array<i32: 0>} : vector<16xi32>
      %mul3A_238 = arith.constant 128 : i32
      %mul3A_239 = vector.broadcast %mul3A_238 : i32 to vector<16xi32>
      %mul3A_240 = arith.muli %iota3A_237, %mul3A_239 : vector<16xi32>
      %parallel_loop3A_241 = arith.constant 0 : i32
      %parallel_loop3A_242 = arith.constant 128 : i32
      %parallel_loop3A_243 = arith.constant 1 : i32
      scf.for %parallel_loop3A_906 = %parallel_loop3A_241 to %parallel_loop3A_242 step %parallel_loop3A_243  : i32 {
        %parallel_loop3A_907 = arith.constant 16 : i32
        %parallel_loop3A_908 = arith.muli %parallel_loop3A_906, %parallel_loop3A_907 : i32
        %parallel_loop3A_909 = arith.index_cast %parallel_loop3A_908 : i32 to index
        %parallel_loop3A_910 = tpu.vector_load %arg7[%parallel_loop3A_909] {strides = array<i32>} : memref<4096xi32, #tpu.memory_space<vmem>>, vector<16xi32>,
        tpu.vector_store %arg7[%parallel_loop3A_909], %broadcast_in_dim3A_234 {strides = array<i32>} : memref<4096xi32, #tpu.memory_space<vmem>>, vector<16xi32>,
      } {sc.loop_unroll_factor = 8 : i64, sc.parallel_access}
      %parallel_loop3A_244 = arith.constant 0 : i32
      %parallel_loop3A_245 = arith.constant 512 : i32
      %parallel_loop3A_246 = arith.constant 1 : i32
      %parallel_loop3A_247 = arith.constant 2147483520 : i32
      scf.for %parallel_loop3A_906 = %parallel_loop3A_244 to %parallel_loop3A_245 step %parallel_loop3A_246  : i32 {
        %parallel_loop3A_907 = arith.constant 16 : i32
        %parallel_loop3A_908 = arith.muli %parallel_loop3A_906, %parallel_loop3A_907 : i32
        %parallel_loop3A_909 = arith.index_cast %parallel_loop3A_908 : i32 to index
        %parallel_loop3A_910 = tpu.vector_load %arg6[%parallel_loop3A_909] {strides = array<i32>} : memref<8192xi32, #tpu.memory_space<vmem>>, vector<16xi32>,
        %parallel_loop3A_911 = vector.broadcast %parallel_loop3A_247 : i32 to vector<16xi32>
        %parallel_loop3A_912 = arith.andi %parallel_loop3A_910, %parallel_loop3A_911 : vector<16xi32>
        %parallel_loop3A_913 = vector.broadcast %or3A_232 : i32 to vector<16xi32>
        %parallel_loop3A_914 = arith.cmpi eq, %parallel_loop3A_912, %parallel_loop3A_913 : vector<16xi32>
        %parallel_loop3A_915 = arith.constant 0 : i32
        %parallel_loop3A_916 = vector.broadcast %parallel_loop3A_915 : i32 to vector<16xi32>
        %parallel_loop3A_917 = arith.shrsi %parallel_loop3A_910, %parallel_loop3A_916 : vector<16xi32>
        %parallel_loop3A_918 = arith.constant 127 : i32
        %parallel_loop3A_919 = vector.broadcast %parallel_loop3A_918 : i32 to vector<16xi32>
        %parallel_loop3A_920 = arith.andi %parallel_loop3A_917, %parallel_loop3A_919 : vector<16xi32>
        %parallel_loop3A_921 = arith.addi %mul3A_240, %parallel_loop3A_920 : vector<16xi32>
        tpu.vector_store_idx %arg7[%parallel_loop3A_921], %broadcast_in_dim3A_236 masked %parallel_loop3A_914 {add = true} : memref<4096xi32, #tpu.memory_space<vmem>>[vector<16xi32>], vector<16xi32>, vector<16xi1>
      } {sc.loop_unroll_factor = 8 : i64, sc.parallel_access}
      %parallel_loop3A_248 = arith.constant 0 : i32
      %parallel_loop3A_249 = arith.constant 8 : i32
      %parallel_loop3A_250 = arith.constant 1 : i32
      scf.for %parallel_loop3A_906 = %parallel_loop3A_248 to %parallel_loop3A_249 step %parallel_loop3A_250  : i32 {
        %parallel_loop3A_907 = arith.constant 16 : i32
        %parallel_loop3A_908 = arith.muli %parallel_loop3A_906, %parallel_loop3A_907 : i32
        %parallel_loop3A_909 = arith.index_cast %parallel_loop3A_908 : i32 to index
        %parallel_loop3A_910 = tpu.vector_load %arg7[%parallel_loop3A_909] {strides = array<i32>} : memref<4096xi32, #tpu.memory_space<vmem>>, vector<16xi32>,
        %parallel_loop3A_911 = arith.constant 16 : i32
        %parallel_loop3A_912 = arith.muli %parallel_loop3A_906, %parallel_loop3A_911 : i32
        %parallel_loop3A_913 = arith.constant 128 : i32
        %parallel_loop3A_914 = arith.addi %parallel_loop3A_913, %parallel_loop3A_912 : i32
        %parallel_loop3A_915 = arith.index_cast %parallel_loop3A_914 : i32 to index
        %parallel_loop3A_916 = tpu.vector_load %arg7[%parallel_loop3A_915] {strides = array<i32>} : memref<4096xi32, #tpu.memory_space<vmem>>, vector<16xi32>,
        %parallel_loop3A_917 = arith.addi %parallel_loop3A_910, %parallel_loop3A_916 : vector<16xi32>
        %parallel_loop3A_918 = arith.constant 16 : i32
        %parallel_loop3A_919 = arith.muli %parallel_loop3A_906, %parallel_loop3A_918 : i32
        %parallel_loop3A_920 = arith.constant 256 : i32
        %parallel_loop3A_921 = arith.addi %parallel_loop3A_920, %parallel_loop3A_919 : i32
        %parallel_loop3A_922 = arith.index_cast %parallel_loop3A_921 : i32 to index
        %parallel_loop3A_923 = tpu.vector_load %arg7[%parallel_loop3A_922] {strides = array<i32>} : memref<4096xi32, #tpu.memory_space<vmem>>, vector<16xi32>,
        %parallel_loop3A_924 = arith.addi %parallel_loop3A_917, %parallel_loop3A_923 : vector<16xi32>
        %parallel_loop3A_925 = arith.constant 16 : i32
        %parallel_loop3A_926 = arith.muli %parallel_loop3A_906, %parallel_loop3A_925 : i32
        %parallel_loop3A_927 = arith.constant 384 : i32
        %parallel_loop3A_928 = arith.addi %parallel_loop3A_927, %parallel_loop3A_926 : i32
        %parallel_loop3A_929 = arith.index_cast %parallel_loop3A_928 : i32 to index
        %parallel_loop3A_930 = tpu.vector_load %arg7[%parallel_loop3A_929] {strides = array<i32>} : memref<4096xi32, #tpu.memory_space<vmem>>, vector<16xi32>,
        %parallel_loop3A_931 = arith.addi %parallel_loop3A_924, %parallel_loop3A_930 : vector<16xi32>
        %parallel_loop3A_932 = arith.constant 16 : i32
        %parallel_loop3A_933 = arith.muli %parallel_loop3A_906, %parallel_loop3A_932 : i32
        %parallel_loop3A_934 = arith.constant 512 : i32
        %parallel_loop3A_935 = arith.addi %parallel_loop3A_934, %parallel_loop3A_933 : i32
        %parallel_loop3A_936 = arith.index_cast %parallel_loop3A_935 : i32 to index
        %parallel_loop3A_937 = tpu.vector_load %arg7[%parallel_loop3A_936] {strides = array<i32>} : memref<4096xi32, #tpu.memory_space<vmem>>, vector<16xi32>,
        %parallel_loop3A_938 = arith.addi %parallel_loop3A_931, %parallel_loop3A_937 : vector<16xi32>
        %parallel_loop3A_939 = arith.constant 16 : i32
        %parallel_loop3A_940 = arith.muli %parallel_loop3A_906, %parallel_loop3A_939 : i32
        %parallel_loop3A_941 = arith.constant 640 : i32
        %parallel_loop3A_942 = arith.addi %parallel_loop3A_941, %parallel_loop3A_940 : i32
        %parallel_loop3A_943 = arith.index_cast %parallel_loop3A_942 : i32 to index
        %parallel_loop3A_944 = tpu.vector_load %arg7[%parallel_loop3A_943] {strides = array<i32>} : memref<4096xi32, #tpu.memory_space<vmem>>, vector<16xi32>,
        %parallel_loop3A_945 = arith.addi %parallel_loop3A_938, %parallel_loop3A_944 : vector<16xi32>
        %parallel_loop3A_946 = arith.constant 16 : i32
        %parallel_loop3A_947 = arith.muli %parallel_loop3A_906, %parallel_loop3A_946 : i32
        %parallel_loop3A_948 = arith.constant 768 : i32
        %parallel_loop3A_949 = arith.addi %parallel_loop3A_948, %parallel_loop3A_947 : i32
        %parallel_loop3A_950 = arith.index_cast %parallel_loop3A_949 : i32 to index
        %parallel_loop3A_951 = tpu.vector_load %arg7[%parallel_loop3A_950] {strides = array<i32>} : memref<4096xi32, #tpu.memory_space<vmem>>, vector<16xi32>,
        %parallel_loop3A_952 = arith.addi %parallel_loop3A_945, %parallel_loop3A_951 : vector<16xi32>
        %parallel_loop3A_953 = arith.constant 16 : i32
        %parallel_loop3A_954 = arith.muli %parallel_loop3A_906, %parallel_loop3A_953 : i32
        %parallel_loop3A_955 = arith.constant 896 : i32
        %parallel_loop3A_956 = arith.addi %parallel_loop3A_955, %parallel_loop3A_954 : i32
        %parallel_loop3A_957 = arith.index_cast %parallel_loop3A_956 : i32 to index
        %parallel_loop3A_958 = tpu.vector_load %arg7[%parallel_loop3A_957] {strides = array<i32>} : memref<4096xi32, #tpu.memory_space<vmem>>, vector<16xi32>,
        %parallel_loop3A_959 = arith.addi %parallel_loop3A_952, %parallel_loop3A_958 : vector<16xi32>
        %parallel_loop3A_960 = arith.constant 16 : i32
        %parallel_loop3A_961 = arith.muli %parallel_loop3A_906, %parallel_loop3A_960 : i32
        %parallel_loop3A_962 = arith.constant 1024 : i32
        %parallel_loop3A_963 = arith.addi %parallel_loop3A_962, %parallel_loop3A_961 : i32
        %parallel_loop3A_964 = arith.index_cast %parallel_loop3A_963 : i32 to index
        %parallel_loop3A_965 = tpu.vector_load %arg7[%parallel_loop3A_964] {strides = array<i32>} : memref<4096xi32, #tpu.memory_space<vmem>>, vector<16xi32>,
        %parallel_loop3A_966 = arith.addi %parallel_loop3A_959, %parallel_loop3A_965 : vector<16xi32>
        %parallel_loop3A_967 = arith.constant 16 : i32
        %parallel_loop3A_968 = arith.muli %parallel_loop3A_906, %parallel_loop3A_967 : i32
        %parallel_loop3A_969 = arith.constant 1152 : i32
        %parallel_loop3A_970 = arith.addi %parallel_loop3A_969, %parallel_loop3A_968 : i32
        %parallel_loop3A_971 = arith.index_cast %parallel_loop3A_970 : i32 to index
        %parallel_loop3A_972 = tpu.vector_load %arg7[%parallel_loop3A_971] {strides = array<i32>} : memref<4096xi32, #tpu.memory_space<vmem>>, vector<16xi32>,
        %parallel_loop3A_973 = arith.addi %parallel_loop3A_966, %parallel_loop3A_972 : vector<16xi32>
        %parallel_loop3A_974 = arith.constant 16 : i32
        %parallel_loop3A_975 = arith.muli %parallel_loop3A_906, %parallel_loop3A_974 : i32
        %parallel_loop3A_976 = arith.constant 1280 : i32
        %parallel_loop3A_977 = arith.addi %parallel_loop3A_976, %parallel_loop3A_975 : i32
        %parallel_loop3A_978 = arith.index_cast %parallel_loop3A_977 : i32 to index
        %parallel_loop3A_979 = tpu.vector_load %arg7[%parallel_loop3A_978] {strides = array<i32>} : memref<4096xi32, #tpu.memory_space<vmem>>, vector<16xi32>,
        %parallel_loop3A_980 = arith.addi %parallel_loop3A_973, %parallel_loop3A_979 : vector<16xi32>
        %parallel_loop3A_981 = arith.constant 16 : i32
        %parallel_loop3A_982 = arith.muli %parallel_loop3A_906, %parallel_loop3A_981 : i32
        %parallel_loop3A_983 = arith.constant 1408 : i32
        %parallel_loop3A_984 = arith.addi %parallel_loop3A_983, %parallel_loop3A_982 : i32
        %parallel_loop3A_985 = arith.index_cast %parallel_loop3A_984 : i32 to index
        %parallel_loop3A_986 = tpu.vector_load %arg7[%parallel_loop3A_985] {strides = array<i32>} : memref<4096xi32, #tpu.memory_space<vmem>>, vector<16xi32>,
        %parallel_loop3A_987 = arith.addi %parallel_loop3A_980, %parallel_loop3A_986 : vector<16xi32>
        %parallel_loop3A_988 = arith.constant 16 : i32
        %parallel_loop3A_989 = arith.muli %parallel_loop3A_906, %parallel_loop3A_988 : i32
        %parallel_loop3A_990 = arith.constant 1536 : i32
        %parallel_loop3A_991 = arith.addi %parallel_loop3A_990, %parallel_loop3A_989 : i32
        %parallel_loop3A_992 = arith.index_cast %parallel_loop3A_991 : i32 to index
        %parallel_loop3A_993 = tpu.vector_load %arg7[%parallel_loop3A_992] {strides = array<i32>} : memref<4096xi32, #tpu.memory_space<vmem>>, vector<16xi32>,
        %parallel_loop3A_994 = arith.addi %parallel_loop3A_987, %parallel_loop3A_993 : vector<16xi32>
        %parallel_loop3A_995 = arith.constant 16 : i32
        %parallel_loop3A_996 = arith.muli %parallel_loop3A_906, %parallel_loop3A_995 : i32
        %parallel_loop3A_997 = arith.constant 1664 : i32
        %parallel_loop3A_998 = arith.addi %parallel_loop3A_997, %parallel_loop3A_996 : i32
        %parallel_loop3A_999 = arith.index_cast %parallel_loop3A_998 : i32 to index
        %parallel_loop3A_1000 = tpu.vector_load %arg7[%parallel_loop3A_999] {strides = array<i32>} : memref<4096xi32, #tpu.memory_space<vmem>>, vector<16xi32>,
        %parallel_loop3A_1001 = arith.addi %parallel_loop3A_994, %parallel_loop3A_1000 : vector<16xi32>
        %parallel_loop3A_1002 = arith.constant 16 : i32
        %parallel_loop3A_1003 = arith.muli %parallel_loop3A_906, %parallel_loop3A_1002 : i32
        %parallel_loop3A_1004 = arith.constant 1792 : i32
        %parallel_loop3A_1005 = arith.addi %parallel_loop3A_1004, %parallel_loop3A_1003 : i32
        %parallel_loop3A_1006 = arith.index_cast %parallel_loop3A_1005 : i32 to index
        %parallel_loop3A_1007 = tpu.vector_load %arg7[%parallel_loop3A_1006] {strides = array<i32>} : memref<4096xi32, #tpu.memory_space<vmem>>, vector<16xi32>,
        %parallel_loop3A_1008 = arith.addi %parallel_loop3A_1001, %parallel_loop3A_1007 : vector<16xi32>
        %parallel_loop3A_1009 = arith.constant 16 : i32
        %parallel_loop3A_1010 = arith.muli %parallel_loop3A_906, %parallel_loop3A_1009 : i32
        %parallel_loop3A_1011 = arith.constant 1920 : i32
        %parallel_loop3A_1012 = arith.addi %parallel_loop3A_1011, %parallel_loop3A_1010 : i32
        %parallel_loop3A_1013 = arith.index_cast %parallel_loop3A_1012 : i32 to index
        %parallel_loop3A_1014 = tpu.vector_load %arg7[%parallel_loop3A_1013] {strides = array<i32>} : memref<4096xi32, #tpu.memory_space<vmem>>, vector<16xi32>,
        %parallel_loop3A_1015 = arith.addi %parallel_loop3A_1008, %parallel_loop3A_1014 : vector<16xi32>
        %parallel_loop3A_1016 = arith.constant 16 : i32
        %parallel_loop3A_1017 = arith.muli %parallel_loop3A_906, %parallel_loop3A_1016 : i32
        %parallel_loop3A_1018 = arith.index_cast %parallel_loop3A_1017 : i32 to index
        %parallel_loop3A_1019 = tpu.vector_load %arg8[%parallel_loop3A_1018] {strides = array<i32>} : memref<256xi32, #tpu.memory_space<vmem>>, vector<16xi32>,
        tpu.vector_store %arg8[%parallel_loop3A_1018], %parallel_loop3A_1015 {strides = array<i32>} : memref<256xi32, #tpu.memory_space<vmem>>, vector<16xi32>,
      } {sc.loop_unroll_factor = 2 : i64, sc.parallel_access}
      %sub3A_251 = arith.constant 6553 : i32
      %sub3A_252 = arith.subi %sub3A_251, %add3A_229 : i32
      %scan3A_253 = arith.constant 0 : i32
      %scan3A_254 = arith.constant 0 : i32
      %scan3A_255 = arith.constant 0 : i32
      %scan3A_256 = arith.constant 0 : i32
      %scan3A_257 = arith.constant 0 : i32
      %scan3A_258 = arith.constant 8 : i32
      %scan3A_259 = arith.addi %scan3A_257, %scan3A_258 : i32
      %scan3A_260 = arith.constant 1 : i32
      %scan3A_261:4 = scf.for %scan3A_906 = %scan3A_257 to %scan3A_259 step %scan3A_260 iter_args(%scan3A_907 = %scan3A_253, %scan3A_908 = %scan3A_254, %scan3A_909 = %scan3A_255, %scan3A_910 = %scan3A_256) -> (i32, i32, i32, i32)  : i32 {
        %sub3A_911 = arith.constant 7 : i32
        %sub3A_912 = arith.subi %sub3A_911, %scan3A_906 : i32
        %mul3A_913 = arith.constant 16 : i32
        %mul3A_914 = arith.muli %sub3A_912, %mul3A_913 : i32
        %get3A_915 = arith.index_cast %mul3A_914 : i32 to index
        %get3A_916 = tpu.vector_load %arg8[%get3A_915] {strides = array<i32>} : memref<256xi32, #tpu.memory_space<vmem>>, vector<16xi32>,
        %rev3A = arith.constant 15 : i32
        %rev3A_917 = vector.broadcast %rev3A : i32 to vector<16xi32>
        %rev3A_918 = tpu.iota {dimensions = array<i32: 0>} : vector<16xi32>
        %rev3A_919 = arith.subi %rev3A_917, %rev3A_918 : vector<16xi32>
        %rev3A_920 = tpu.dynamic_gather %get3A_916[%rev3A_919] in [0] : vector<16xi32>, vector<16xi32> -> vector<16xi32>
        %broadcast_in_dim3A_921 = arith.constant true
        %broadcast_in_dim3A_922 = vector.broadcast %broadcast_in_dim3A_921 : i1 to vector<16xi1>
        %masked_cumsum3A = tpu.scan <sum>, %rev3A_920 masked %broadcast_in_dim3A_922 : vector<16xi32>, vector<16xi1> -> vector<16xi32>
        %sub3A_923 = arith.subi %masked_cumsum3A, %rev3A_920 : vector<16xi32>
        %add3A_924 = vector.broadcast %scan3A_910 : i32 to vector<16xi32>
        %add3A_925 = arith.addi %add3A_924, %sub3A_923 : vector<16xi32>
        %add3A_926 = vector.broadcast %scan3A_910 : i32 to vector<16xi32>
        %add3A_927 = arith.addi %add3A_926, %masked_cumsum3A : vector<16xi32>
        %ge3A = vector.broadcast %sub3A_252 : i32 to vector<16xi32>
        %ge3A_928 = arith.cmpi sge, %add3A_927, %ge3A : vector<16xi32>
        %lt3A_929 = vector.broadcast %sub3A_252 : i32 to vector<16xi32>
        %lt3A_930 = arith.cmpi slt, %add3A_925, %lt3A_929 : vector<16xi32>
        %and3A_931 = arith.andi %ge3A_928, %lt3A_930 : vector<16xi1>
        %convert_element_type3A_932 = arith.extui %and3A_931 : vector<16xi1> to vector<16xi32>
        %reduce_sum3A = arith.constant true
        %reduce_sum3A_933 = vector.broadcast %reduce_sum3A : i1 to vector<16xi1>
        %reduce_sum3A_934 = tpu.scan <sum>, %convert_element_type3A_932 masked %reduce_sum3A_933 : vector<16xi32>, vector<16xi1> -> vector<16xi32>
        %reduce_sum3A_935 = vector.extract %reduce_sum3A_934[15] : i32 from vector<16xi32>
        %jit3A_936 = arith.constant 0 : i32
        %broadcast_in_dim3A_937 = vector.broadcast %jit3A_936 : i32 to vector<16xi32>
        %select_n3A_938 = arith.select %and3A_931, %iota3A_237, %broadcast_in_dim3A_937 : vector<16xi1>, vector<16xi32>
        %reduce_sum3A_939 = arith.constant true
        %reduce_sum3A_940 = vector.broadcast %reduce_sum3A_939 : i1 to vector<16xi1>
        %reduce_sum3A_941 = tpu.scan <sum>, %select_n3A_938 masked %reduce_sum3A_940 : vector<16xi32>, vector<16xi1> -> vector<16xi32>
        %reduce_sum3A_942 = vector.extract %reduce_sum3A_941[15] : i32 from vector<16xi32>
        %sub3A_943 = arith.constant 15 : i32
        %sub3A_944 = arith.subi %sub3A_943, %reduce_sum3A_942 : i32
        %jit3A_945 = arith.constant 0 : i32
        %broadcast_in_dim3A_946 = vector.broadcast %jit3A_945 : i32 to vector<16xi32>
        %select_n3A_947 = arith.select %and3A_931, %add3A_925, %broadcast_in_dim3A_946 : vector<16xi1>, vector<16xi32>
        %reduce_sum3A_948 = arith.constant true
        %reduce_sum3A_949 = vector.broadcast %reduce_sum3A_948 : i1 to vector<16xi1>
        %reduce_sum3A_950 = tpu.scan <sum>, %select_n3A_947 masked %reduce_sum3A_949 : vector<16xi32>, vector<16xi1> -> vector<16xi32>
        %reduce_sum3A_951 = vector.extract %reduce_sum3A_950[15] : i32 from vector<16xi32>
        %gt3A = arith.constant 0 : i32
        %gt3A_952 = arith.cmpi sgt, %reduce_sum3A_935, %gt3A : i32
        %eq3A_953 = arith.constant 0 : i32
        %eq3A_954 = arith.cmpi eq, %scan3A_907, %eq3A_953 : i32
        %and3A_955 = arith.andi %gt3A_952, %eq3A_954 : i1
        %mul3A_956 = arith.constant 16 : i32
        %mul3A_957 = arith.muli %sub3A_912, %mul3A_956 : i32
        %add3A_958 = arith.addi %mul3A_957, %sub3A_944 : i32
        %select_n3A_959 = arith.select %and3A_955, %add3A_958, %scan3A_908 : i32
        %select_n3A_960 = arith.select %and3A_955, %reduce_sum3A_951, %scan3A_909 : i32
        %or3A_961 = arith.ori %scan3A_907, %reduce_sum3A_935 : i32
        %reduce_sum3A_962 = arith.constant true
        %reduce_sum3A_963 = vector.broadcast %reduce_sum3A_962 : i1 to vector<16xi1>
        %reduce_sum3A_964 = tpu.scan <sum>, %get3A_916 masked %reduce_sum3A_963 : vector<16xi32>, vector<16xi1> -> vector<16xi32>
        %reduce_sum3A_965 = vector.extract %reduce_sum3A_964[15] : i32 from vector<16xi32>
        %add3A_966 = arith.addi %scan3A_910, %reduce_sum3A_965 : i32
        scf.yield %or3A_961, %select_n3A_959, %select_n3A_960, %add3A_966 : i32, i32, i32, i32
      }
      %scan3A_262 = arith.constant 8 : i32
      %add3A_263 = arith.addi %add3A_229, %scan3A_261#2 : i32
      %shift_left3A_264 = arith.constant 0 : i32
      %shift_left3A_265 = arith.shli %scan3A_261#1, %shift_left3A_264 : i32
      %or3A_266 = arith.ori %or3A_232, %shift_left3A_265 : i32
      %sub3A_267 = arith.constant 6553 : i32
      %sub3A_268 = arith.subi %sub3A_267, %add3A_263 : i32
      %iota3A_269 = tpu.iota {dimensions = array<i32: 0>} : vector<16xi32>
      %mul3A_270 = arith.constant 8192 : i32
      %mul3A_271 = arith.muli %select_n3A, %mul3A_270 : i32
      %broadcast_in_dim3A_272 = arith.constant 0 : i32
      %broadcast_in_dim3A_273 = vector.broadcast %broadcast_in_dim3A_272 : i32 to vector<16xi32>
      %parallel_loop3A_274 = arith.constant 0 : i32
      %parallel_loop3A_275 = arith.constant 512 : i32
      %parallel_loop3A_276 = arith.constant 1 : i32
      %parallel_loop3A_277:2 = scf.for %parallel_loop3A_906 = %parallel_loop3A_274 to %parallel_loop3A_275 step %parallel_loop3A_276 iter_args(%parallel_loop3A_907 = %broadcast_in_dim3A_273, %parallel_loop3A_908 = %broadcast_in_dim3A_273) -> (vector<16xi32>, vector<16xi32>)  : i32 {
        %parallel_loop3A_909 = arith.constant 16 : i32
        %parallel_loop3A_910 = arith.muli %parallel_loop3A_906, %parallel_loop3A_909 : i32
        %parallel_loop3A_911 = arith.index_cast %parallel_loop3A_910 : i32 to index
        %parallel_loop3A_912 = tpu.vector_load %arg6[%parallel_loop3A_911] {strides = array<i32>} : memref<8192xi32, #tpu.memory_space<vmem>>, vector<16xi32>,
        %parallel_loop3A_913 = vector.broadcast %or3A_266 : i32 to vector<16xi32>
        %parallel_loop3A_914 = arith.cmpi sgt, %parallel_loop3A_912, %parallel_loop3A_913 : vector<16xi32>
        %parallel_loop3A_915 = vector.broadcast %or3A_266 : i32 to vector<16xi32>
        %parallel_loop3A_916 = arith.cmpi eq, %parallel_loop3A_912, %parallel_loop3A_915 : vector<16xi32>
        %parallel_loop3A_917 = arith.extui %parallel_loop3A_916 : vector<16xi1> to vector<16xi32>
        %parallel_loop3A_918 = arith.constant true
        %parallel_loop3A_919 = vector.broadcast %parallel_loop3A_918 : i1 to vector<16xi1>
        %parallel_loop3A_920 = tpu.scan <sum>, %parallel_loop3A_917 masked %parallel_loop3A_919 : vector<16xi32>, vector<16xi1> -> vector<16xi32>
        %parallel_loop3A_921 = arith.addi %parallel_loop3A_907, %parallel_loop3A_920 : vector<16xi32>
        %parallel_loop3A_922 = vector.broadcast %sub3A_268 : i32 to vector<16xi32>
        %parallel_loop3A_923 = arith.cmpi sle, %parallel_loop3A_921, %parallel_loop3A_922 : vector<16xi32>
        %parallel_loop3A_924 = arith.andi %parallel_loop3A_916, %parallel_loop3A_923 : vector<16xi1>
        %parallel_loop3A_925 = arith.ori %parallel_loop3A_914, %parallel_loop3A_924 : vector<16xi1>
        %parallel_loop3A_926 = arith.constant dense<true> : vector<16xi1>
        %parallel_loop3A_927 = arith.xori %parallel_loop3A_925, %parallel_loop3A_926 : vector<16xi1>
        %parallel_loop3A_928 = arith.extui %parallel_loop3A_927 : vector<16xi1> to vector<16xi32>
        %parallel_loop3A_929 = arith.constant true
        %parallel_loop3A_930 = vector.broadcast %parallel_loop3A_929 : i1 to vector<16xi1>
        %parallel_loop3A_931 = tpu.scan <sum>, %parallel_loop3A_928 masked %parallel_loop3A_930 : vector<16xi32>, vector<16xi1> -> vector<16xi32>
        %parallel_loop3A_932 = arith.addi %parallel_loop3A_908, %parallel_loop3A_931 : vector<16xi32>
        %parallel_loop3A_933 = arith.subi %parallel_loop3A_932, %parallel_loop3A_928 : vector<16xi32>
        %parallel_loop3A_934 = arith.constant 16 : i32
        %parallel_loop3A_935 = arith.muli %parallel_loop3A_906, %parallel_loop3A_934 : i32
        %parallel_loop3A_936 = arith.addi %mul3A_271, %parallel_loop3A_935 : i32
        %parallel_loop3A_937 = vector.broadcast %parallel_loop3A_936 : i32 to vector<16xi32>
        %parallel_loop3A_938 = arith.addi %parallel_loop3A_937, %iota3A_269 : vector<16xi32>
        tpu.vector_store_idx %arg9[%parallel_loop3A_933], %parallel_loop3A_938 masked %parallel_loop3A_927 : memref<8320xi32, #tpu.memory_space<vmem>>[vector<16xi32>], vector<16xi32>, vector<16xi1>
        %parallel_loop3A_939 = tpu.all_reduce %parallel_loop3A_916 {dim = 0 : i64, kind = #tpu.reduction_kind<sum>} : vector<16xi1> -> vector<16xi32>
        %parallel_loop3A_940 = arith.addi %parallel_loop3A_907, %parallel_loop3A_939 : vector<16xi32>
        %parallel_loop3A_941 = tpu.all_reduce %parallel_loop3A_927 {dim = 0 : i64, kind = #tpu.reduction_kind<sum>} : vector<16xi1> -> vector<16xi32>
        %parallel_loop3A_942 = arith.addi %parallel_loop3A_908, %parallel_loop3A_941 : vector<16xi32>
        scf.yield %parallel_loop3A_940, %parallel_loop3A_942 : vector<16xi32>, vector<16xi32>
      } {sc.loop_unroll_factor = 8 : i64, sc.parallel_access}
      %broadcast_in_dim3A_278 = arith.constant 0 : i32
      %broadcast_in_dim3A_279 = vector.broadcast %broadcast_in_dim3A_278 : i32 to vector<16xi32>
      %gather3A = tpu.vector_load_idx %arg9[%broadcast_in_dim3A_279] : memref<8320xi32, #tpu.memory_space<vmem>>[vector<16xi32>], vector<16xi32>,
      %swap3A = arith.constant 1639 : index
      %swap3A_280 = tpu.vector_load %arg9[%swap3A] {strides = array<i32>} : memref<8320xi32, #tpu.memory_space<vmem>>, vector<16xi32>,
      tpu.vector_store %arg9[%swap3A], %gather3A {strides = array<i32>} : memref<8320xi32, #tpu.memory_space<vmem>>, vector<16xi32>,
      %swap3A_281 = arith.constant 1655 : index
      %swap3A_282 = tpu.vector_load %arg9[%swap3A_281] {strides = array<i32>} : memref<8320xi32, #tpu.memory_space<vmem>>, vector<16xi32>,
      tpu.vector_store %arg9[%swap3A_281], %gather3A {strides = array<i32>} : memref<8320xi32, #tpu.memory_space<vmem>>, vector<16xi32>,
      %get3A = arith.constant 0 : index
      %get3A_283 = tpu.vector_load %arg9[%get3A] {strides = array<i32>} : memref<8320xi32, #tpu.memory_space<vmem>>, vector<16xi32>,
      %swap3A_284 = arith.constant 0 : i32
      %swap3A_285 = arith.index_cast %swap3A_284 : i32 to index
      %swap3A_286 = arith.constant 0 : index
      %swap3A_287 = tpu.vector_load %arg10[%swap3A_285, %swap3A_286] {strides = array<i32>} : memref<26x64xi32, #tpu.memory_space<vmem>>, vector<16xi32>,
      tpu.vector_store %arg10[%swap3A_285, %swap3A_286], %get3A_283 {strides = array<i32>} : memref<26x64xi32, #tpu.memory_space<vmem>>, vector<16xi32>,
      %get3A_288 = arith.constant 16 : index
      %get3A_289 = tpu.vector_load %arg9[%get3A_288] {strides = array<i32>} : memref<8320xi32, #tpu.memory_space<vmem>>, vector<16xi32>,
      %swap3A_290 = arith.constant 0 : i32
      %swap3A_291 = arith.index_cast %swap3A_290 : i32 to index
      %swap3A_292 = arith.constant 16 : index
      %swap3A_293 = tpu.vector_load %arg10[%swap3A_291, %swap3A_292] {strides = array<i32>} : memref<26x64xi32, #tpu.memory_space<vmem>>, vector<16xi32>,
      tpu.vector_store %arg10[%swap3A_291, %swap3A_292], %get3A_289 {strides = array<i32>} : memref<26x64xi32, #tpu.memory_space<vmem>>, vector<16xi32>,
      %get3A_294 = arith.constant 32 : index
      %get3A_295 = tpu.vector_load %arg9[%get3A_294] {strides = array<i32>} : memref<8320xi32, #tpu.memory_space<vmem>>, vector<16xi32>,
      %swap3A_296 = arith.constant 0 : i32
      %swap3A_297 = arith.index_cast %swap3A_296 : i32 to index
      %swap3A_298 = arith.constant 32 : index
      %swap3A_299 = tpu.vector_load %arg10[%swap3A_297, %swap3A_298] {strides = array<i32>} : memref<26x64xi32, #tpu.memory_space<vmem>>, vector<16xi32>,
      tpu.vector_store %arg10[%swap3A_297, %swap3A_298], %get3A_295 {strides = array<i32>} : memref<26x64xi32, #tpu.memory_space<vmem>>, vector<16xi32>,
      %get3A_300 = arith.constant 48 : index
      %get3A_301 = tpu.vector_load %arg9[%get3A_300] {strides = array<i32>} : memref<8320xi32, #tpu.memory_space<vmem>>, vector<16xi32>,
      %swap3A_302 = arith.constant 0 : i32
      %swap3A_303 = arith.index_cast %swap3A_302 : i32 to index
      %swap3A_304 = arith.constant 48 : index
      %swap3A_305 = tpu.vector_load %arg10[%swap3A_303, %swap3A_304] {strides = array<i32>} : memref<26x64xi32, #tpu.memory_space<vmem>>, vector<16xi32>,
      tpu.vector_store %arg10[%swap3A_303, %swap3A_304], %get3A_301 {strides = array<i32>} : memref<26x64xi32, #tpu.memory_space<vmem>>, vector<16xi32>,
      %get3A_306 = arith.constant 64 : index
      %get3A_307 = tpu.vector_load %arg9[%get3A_306] {strides = array<i32>} : memref<8320xi32, #tpu.memory_space<vmem>>, vector<16xi32>,
      %swap3A_308 = arith.constant 1 : i32
      %swap3A_309 = arith.index_cast %swap3A_308 : i32 to index
      %swap3A_310 = arith.constant 0 : index
      %swap3A_311 = tpu.vector_load %arg10[%swap3A_309, %swap3A_310] {strides = array<i32>} : memref<26x64xi32, #tpu.memory_space<vmem>>, vector<16xi32>,
      tpu.vector_store %arg10[%swap3A_309, %swap3A_310], %get3A_307 {strides = array<i32>} : memref<26x64xi32, #tpu.memory_space<vmem>>, vector<16xi32>,
      %get3A_312 = arith.constant 80 : index
      %get3A_313 = tpu.vector_load %arg9[%get3A_312] {strides = array<i32>} : memref<8320xi32, #tpu.memory_space<vmem>>, vector<16xi32>,
      %swap3A_314 = arith.constant 1 : i32
      %swap3A_315 = arith.index_cast %swap3A_314 : i32 to index
      %swap3A_316 = arith.constant 16 : index
      %swap3A_317 = tpu.vector_load %arg10[%swap3A_315, %swap3A_316] {strides = array<i32>} : memref<26x64xi32, #tpu.memory_space<vmem>>, vector<16xi32>,
      tpu.vector_store %arg10[%swap3A_315, %swap3A_316], %get3A_313 {strides = array<i32>} : memref<26x64xi32, #tpu.memory_space<vmem>>, vector<16xi32>,
      %get3A_318 = arith.constant 96 : index
      %get3A_319 = tpu.vector_load %arg9[%get3A_318] {strides = array<i32>} : memref<8320xi32, #tpu.memory_space<vmem>>, vector<16xi32>,
      %swap3A_320 = arith.constant 1 : i32
      %swap3A_321 = arith.index_cast %swap3A_320 : i32 to index
      %swap3A_322 = arith.constant 32 : index
      %swap3A_323 = tpu.vector_load %arg10[%swap3A_321, %swap3A_322] {strides = array<i32>} : memref<26x64xi32, #tpu.memory_space<vmem>>, vector<16xi32>,
      tpu.vector_store %arg10[%swap3A_321, %swap3A_322], %get3A_319 {strides = array<i32>} : memref<26x64xi32, #tpu.memory_space<vmem>>, vector<16xi32>,
      %get3A_324 = arith.constant 112 : index
      %get3A_325 = tpu.vector_load %arg9[%get3A_324] {strides = array<i32>} : memref<8320xi32, #tpu.memory_space<vmem>>, vector<16xi32>,
      %swap3A_326 = arith.constant 1 : i32
      %swap3A_327 = arith.index_cast %swap3A_326 : i32 to index
      %swap3A_328 = arith.constant 48 : index
      %swap3A_329 = tpu.vector_load %arg10[%swap3A_327, %swap3A_328] {strides = array<i32>} : memref<26x64xi32, #tpu.memory_space<vmem>>, vector<16xi32>,
      tpu.vector_store %arg10[%swap3A_327, %swap3A_328], %get3A_325 {strides = array<i32>} : memref<26x64xi32, #tpu.memory_space<vmem>>, vector<16xi32>,
      %get3A_330 = arith.constant 128 : index
      %get3A_331 = tpu.vector_load %arg9[%get3A_330] {strides = array<i32>} : memref<8320xi32, #tpu.memory_space<vmem>>, vector<16xi32>,
      %swap3A_332 = arith.constant 2 : i32
      %swap3A_333 = arith.index_cast %swap3A_332 : i32 to index
      %swap3A_334 = arith.constant 0 : index
      %swap3A_335 = tpu.vector_load %arg10[%swap3A_333, %swap3A_334] {strides = array<i32>} : memref<26x64xi32, #tpu.memory_space<vmem>>, vector<16xi32>,
      tpu.vector_store %arg10[%swap3A_333, %swap3A_334], %get3A_331 {strides = array<i32>} : memref<26x64xi32, #tpu.memory_space<vmem>>, vector<16xi32>,
      %get3A_336 = arith.constant 144 : index
      %get3A_337 = tpu.vector_load %arg9[%get3A_336] {strides = array<i32>} : memref<8320xi32, #tpu.memory_space<vmem>>, vector<16xi32>,
      %swap3A_338 = arith.constant 2 : i32
      %swap3A_339 = arith.index_cast %swap3A_338 : i32 to index
      %swap3A_340 = arith.constant 16 : index
      %swap3A_341 = tpu.vector_load %arg10[%swap3A_339, %swap3A_340] {strides = array<i32>} : memref<26x64xi32, #tpu.memory_space<vmem>>, vector<16xi32>,
      tpu.vector_store %arg10[%swap3A_339, %swap3A_340], %get3A_337 {strides = array<i32>} : memref<26x64xi32, #tpu.memory_space<vmem>>, vector<16xi32>,
      %get3A_342 = arith.constant 160 : index
      %get3A_343 = tpu.vector_load %arg9[%get3A_342] {strides = array<i32>} : memref<8320xi32, #tpu.memory_space<vmem>>, vector<16xi32>,
      %swap3A_344 = arith.constant 2 : i32
      %swap3A_345 = arith.index_cast %swap3A_344 : i32 to index
      %swap3A_346 = arith.constant 32 : index
      %swap3A_347 = tpu.vector_load %arg10[%swap3A_345, %swap3A_346] {strides = array<i32>} : memref<26x64xi32, #tpu.memory_space<vmem>>, vector<16xi32>,
      tpu.vector_store %arg10[%swap3A_345, %swap3A_346], %get3A_343 {strides = array<i32>} : memref<26x64xi32, #tpu.memory_space<vmem>>, vector<16xi32>,
      %get3A_348 = arith.constant 176 : index
      %get3A_349 = tpu.vector_load %arg9[%get3A_348] {strides = array<i32>} : memref<8320xi32, #tpu.memory_space<vmem>>, vector<16xi32>,
      %swap3A_350 = arith.constant 2 : i32
      %swap3A_351 = arith.index_cast %swap3A_350 : i32 to index
      %swap3A_352 = arith.constant 48 : index
      %swap3A_353 = tpu.vector_load %arg10[%swap3A_351, %swap3A_352] {strides = array<i32>} : memref<26x64xi32, #tpu.memory_space<vmem>>, vector<16xi32>,
      tpu.vector_store %arg10[%swap3A_351, %swap3A_352], %get3A_349 {strides = array<i32>} : memref<26x64xi32, #tpu.memory_space<vmem>>, vector<16xi32>,
      %get3A_354 = arith.constant 192 : index
      %get3A_355 = tpu.vector_load %arg9[%get3A_354] {strides = array<i32>} : memref<8320xi32, #tpu.memory_space<vmem>>, vector<16xi32>,
      %swap3A_356 = arith.constant 3 : i32
      %swap3A_357 = arith.index_cast %swap3A_356 : i32 to index
      %swap3A_358 = arith.constant 0 : index
      %swap3A_359 = tpu.vector_load %arg10[%swap3A_357, %swap3A_358] {strides = array<i32>} : memref<26x64xi32, #tpu.memory_space<vmem>>, vector<16xi32>,
      tpu.vector_store %arg10[%swap3A_357, %swap3A_358], %get3A_355 {strides = array<i32>} : memref<26x64xi32, #tpu.memory_space<vmem>>, vector<16xi32>,
      %get3A_360 = arith.constant 208 : index
      %get3A_361 = tpu.vector_load %arg9[%get3A_360] {strides = array<i32>} : memref<8320xi32, #tpu.memory_space<vmem>>, vector<16xi32>,
      %swap3A_362 = arith.constant 3 : i32
      %swap3A_363 = arith.index_cast %swap3A_362 : i32 to index
      %swap3A_364 = arith.constant 16 : index
      %swap3A_365 = tpu.vector_load %arg10[%swap3A_363, %swap3A_364] {strides = array<i32>} : memref<26x64xi32, #tpu.memory_space<vmem>>, vector<16xi32>,
      tpu.vector_store %arg10[%swap3A_363, %swap3A_364], %get3A_361 {strides = array<i32>} : memref<26x64xi32, #tpu.memory_space<vmem>>, vector<16xi32>,
      %get3A_366 = arith.constant 224 : index
      %get3A_367 = tpu.vector_load %arg9[%get3A_366] {strides = array<i32>} : memref<8320xi32, #tpu.memory_space<vmem>>, vector<16xi32>,
      %swap3A_368 = arith.constant 3 : i32
      %swap3A_369 = arith.index_cast %swap3A_368 : i32 to index
      %swap3A_370 = arith.constant 32 : index
      %swap3A_371 = tpu.vector_load %arg10[%swap3A_369, %swap3A_370] {strides = array<i32>} : memref<26x64xi32, #tpu.memory_space<vmem>>, vector<16xi32>,
      tpu.vector_store %arg10[%swap3A_369, %swap3A_370], %get3A_367 {strides = array<i32>} : memref<26x64xi32, #tpu.memory_space<vmem>>, vector<16xi32>,
      %get3A_372 = arith.constant 240 : index
      %get3A_373 = tpu.vector_load %arg9[%get3A_372] {strides = array<i32>} : memref<8320xi32, #tpu.memory_space<vmem>>, vector<16xi32>,
      %swap3A_374 = arith.constant 3 : i32
      %swap3A_375 = arith.index_cast %swap3A_374 : i32 to index
      %swap3A_376 = arith.constant 48 : index
      %swap3A_377 = tpu.vector_load %arg10[%swap3A_375, %swap3A_376] {strides = array<i32>} : memref<26x64xi32, #tpu.memory_space<vmem>>, vector<16xi32>,
      tpu.vector_store %arg10[%swap3A_375, %swap3A_376], %get3A_373 {strides = array<i32>} : memref<26x64xi32, #tpu.memory_space<vmem>>, vector<16xi32>,
      %get3A_378 = arith.constant 256 : index
      %get3A_379 = tpu.vector_load %arg9[%get3A_378] {strides = array<i32>} : memref<8320xi32, #tpu.memory_space<vmem>>, vector<16xi32>,
      %swap3A_380 = arith.constant 4 : i32
      %swap3A_381 = arith.index_cast %swap3A_380 : i32 to index
      %swap3A_382 = arith.constant 0 : index
      %swap3A_383 = tpu.vector_load %arg10[%swap3A_381, %swap3A_382] {strides = array<i32>} : memref<26x64xi32, #tpu.memory_space<vmem>>, vector<16xi32>,
      tpu.vector_store %arg10[%swap3A_381, %swap3A_382], %get3A_379 {strides = array<i32>} : memref<26x64xi32, #tpu.memory_space<vmem>>, vector<16xi32>,
      %get3A_384 = arith.constant 272 : index
      %get3A_385 = tpu.vector_load %arg9[%get3A_384] {strides = array<i32>} : memref<8320xi32, #tpu.memory_space<vmem>>, vector<16xi32>,
      %swap3A_386 = arith.constant 4 : i32
      %swap3A_387 = arith.index_cast %swap3A_386 : i32 to index
      %swap3A_388 = arith.constant 16 : index
      %swap3A_389 = tpu.vector_load %arg10[%swap3A_387, %swap3A_388] {strides = array<i32>} : memref<26x64xi32, #tpu.memory_space<vmem>>, vector<16xi32>,
      tpu.vector_store %arg10[%swap3A_387, %swap3A_388], %get3A_385 {strides = array<i32>} : memref<26x64xi32, #tpu.memory_space<vmem>>, vector<16xi32>,
      %get3A_390 = arith.constant 288 : index
      %get3A_391 = tpu.vector_load %arg9[%get3A_390] {strides = array<i32>} : memref<8320xi32, #tpu.memory_space<vmem>>, vector<16xi32>,
      %swap3A_392 = arith.constant 4 : i32
      %swap3A_393 = arith.index_cast %swap3A_392 : i32 to index
      %swap3A_394 = arith.constant 32 : index
      %swap3A_395 = tpu.vector_load %arg10[%swap3A_393, %swap3A_394] {strides = array<i32>} : memref<26x64xi32, #tpu.memory_space<vmem>>, vector<16xi32>,
      tpu.vector_store %arg10[%swap3A_393, %swap3A_394], %get3A_391 {strides = array<i32>} : memref<26x64xi32, #tpu.memory_space<vmem>>, vector<16xi32>,
      %get3A_396 = arith.constant 304 : index
      %get3A_397 = tpu.vector_load %arg9[%get3A_396] {strides = array<i32>} : memref<8320xi32, #tpu.memory_space<vmem>>, vector<16xi32>,
      %swap3A_398 = arith.constant 4 : i32
      %swap3A_399 = arith.index_cast %swap3A_398 : i32 to index
      %swap3A_400 = arith.constant 48 : index
      %swap3A_401 = tpu.vector_load %arg10[%swap3A_399, %swap3A_400] {strides = array<i32>} : memref<26x64xi32, #tpu.memory_space<vmem>>, vector<16xi32>,
      tpu.vector_store %arg10[%swap3A_399, %swap3A_400], %get3A_397 {strides = array<i32>} : memref<26x64xi32, #tpu.memory_space<vmem>>, vector<16xi32>,
      %get3A_402 = arith.constant 320 : index
      %get3A_403 = tpu.vector_load %arg9[%get3A_402] {strides = array<i32>} : memref<8320xi32, #tpu.memory_space<vmem>>, vector<16xi32>,
      %swap3A_404 = arith.constant 5 : i32
      %swap3A_405 = arith.index_cast %swap3A_404 : i32 to index
      %swap3A_406 = arith.constant 0 : index
      %swap3A_407 = tpu.vector_load %arg10[%swap3A_405, %swap3A_406] {strides = array<i32>} : memref<26x64xi32, #tpu.memory_space<vmem>>, vector<16xi32>,
      tpu.vector_store %arg10[%swap3A_405, %swap3A_406], %get3A_403 {strides = array<i32>} : memref<26x64xi32, #tpu.memory_space<vmem>>, vector<16xi32>,
      %get3A_408 = arith.constant 336 : index
      %get3A_409 = tpu.vector_load %arg9[%get3A_408] {strides = array<i32>} : memref<8320xi32, #tpu.memory_space<vmem>>, vector<16xi32>,
      %swap3A_410 = arith.constant 5 : i32
      %swap3A_411 = arith.index_cast %swap3A_410 : i32 to index
      %swap3A_412 = arith.constant 16 : index
      %swap3A_413 = tpu.vector_load %arg10[%swap3A_411, %swap3A_412] {strides = array<i32>} : memref<26x64xi32, #tpu.memory_space<vmem>>, vector<16xi32>,
      tpu.vector_store %arg10[%swap3A_411, %swap3A_412], %get3A_409 {strides = array<i32>} : memref<26x64xi32, #tpu.memory_space<vmem>>, vector<16xi32>,
      %get3A_414 = arith.constant 352 : index
      %get3A_415 = tpu.vector_load %arg9[%get3A_414] {strides = array<i32>} : memref<8320xi32, #tpu.memory_space<vmem>>, vector<16xi32>,
      %swap3A_416 = arith.constant 5 : i32
      %swap3A_417 = arith.index_cast %swap3A_416 : i32 to index
      %swap3A_418 = arith.constant 32 : index
      %swap3A_419 = tpu.vector_load %arg10[%swap3A_417, %swap3A_418] {strides = array<i32>} : memref<26x64xi32, #tpu.memory_space<vmem>>, vector<16xi32>,
      tpu.vector_store %arg10[%swap3A_417, %swap3A_418], %get3A_415 {strides = array<i32>} : memref<26x64xi32, #tpu.memory_space<vmem>>, vector<16xi32>,
      %get3A_420 = arith.constant 368 : index
      %get3A_421 = tpu.vector_load %arg9[%get3A_420] {strides = array<i32>} : memref<8320xi32, #tpu.memory_space<vmem>>, vector<16xi32>,
      %swap3A_422 = arith.constant 5 : i32
      %swap3A_423 = arith.index_cast %swap3A_422 : i32 to index
      %swap3A_424 = arith.constant 48 : index
      %swap3A_425 = tpu.vector_load %arg10[%swap3A_423, %swap3A_424] {strides = array<i32>} : memref<26x64xi32, #tpu.memory_space<vmem>>, vector<16xi32>,
      tpu.vector_store %arg10[%swap3A_423, %swap3A_424], %get3A_421 {strides = array<i32>} : memref<26x64xi32, #tpu.memory_space<vmem>>, vector<16xi32>,
      %get3A_426 = arith.constant 384 : index
      %get3A_427 = tpu.vector_load %arg9[%get3A_426] {strides = array<i32>} : memref<8320xi32, #tpu.memory_space<vmem>>, vector<16xi32>,
      %swap3A_428 = arith.constant 6 : i32
      %swap3A_429 = arith.index_cast %swap3A_428 : i32 to index
      %swap3A_430 = arith.constant 0 : index
      %swap3A_431 = tpu.vector_load %arg10[%swap3A_429, %swap3A_430] {strides = array<i32>} : memref<26x64xi32, #tpu.memory_space<vmem>>, vector<16xi32>,
      tpu.vector_store %arg10[%swap3A_429, %swap3A_430], %get3A_427 {strides = array<i32>} : memref<26x64xi32, #tpu.memory_space<vmem>>, vector<16xi32>,
      %get3A_432 = arith.constant 400 : index
      %get3A_433 = tpu.vector_load %arg9[%get3A_432] {strides = array<i32>} : memref<8320xi32, #tpu.memory_space<vmem>>, vector<16xi32>,
      %swap3A_434 = arith.constant 6 : i32
      %swap3A_435 = arith.index_cast %swap3A_434 : i32 to index
      %swap3A_436 = arith.constant 16 : index
      %swap3A_437 = tpu.vector_load %arg10[%swap3A_435, %swap3A_436] {strides = array<i32>} : memref<26x64xi32, #tpu.memory_space<vmem>>, vector<16xi32>,
      tpu.vector_store %arg10[%swap3A_435, %swap3A_436], %get3A_433 {strides = array<i32>} : memref<26x64xi32, #tpu.memory_space<vmem>>, vector<16xi32>,
      %get3A_438 = arith.constant 416 : index
      %get3A_439 = tpu.vector_load %arg9[%get3A_438] {strides = array<i32>} : memref<8320xi32, #tpu.memory_space<vmem>>, vector<16xi32>,
      %swap3A_440 = arith.constant 6 : i32
      %swap3A_441 = arith.index_cast %swap3A_440 : i32 to index
      %swap3A_442 = arith.constant 32 : index
      %swap3A_443 = tpu.vector_load %arg10[%swap3A_441, %swap3A_442] {strides = array<i32>} : memref<26x64xi32, #tpu.memory_space<vmem>>, vector<16xi32>,
      tpu.vector_store %arg10[%swap3A_441, %swap3A_442], %get3A_439 {strides = array<i32>} : memref<26x64xi32, #tpu.memory_space<vmem>>, vector<16xi32>,
      %get3A_444 = arith.constant 432 : index
      %get3A_445 = tpu.vector_load %arg9[%get3A_444] {strides = array<i32>} : memref<8320xi32, #tpu.memory_space<vmem>>, vector<16xi32>,
      %swap3A_446 = arith.constant 6 : i32
      %swap3A_447 = arith.index_cast %swap3A_446 : i32 to index
      %swap3A_448 = arith.constant 48 : index
      %swap3A_449 = tpu.vector_load %arg10[%swap3A_447, %swap3A_448] {strides = array<i32>} : memref<26x64xi32, #tpu.memory_space<vmem>>, vector<16xi32>,
      tpu.vector_store %arg10[%swap3A_447, %swap3A_448], %get3A_445 {strides = array<i32>} : memref<26x64xi32, #tpu.memory_space<vmem>>, vector<16xi32>,
      %get3A_450 = arith.constant 448 : index
      %get3A_451 = tpu.vector_load %arg9[%get3A_450] {strides = array<i32>} : memref<8320xi32, #tpu.memory_space<vmem>>, vector<16xi32>,
      %swap3A_452 = arith.constant 7 : i32
      %swap3A_453 = arith.index_cast %swap3A_452 : i32 to index
      %swap3A_454 = arith.constant 0 : index
      %swap3A_455 = tpu.vector_load %arg10[%swap3A_453, %swap3A_454] {strides = array<i32>} : memref<26x64xi32, #tpu.memory_space<vmem>>, vector<16xi32>,
      tpu.vector_store %arg10[%swap3A_453, %swap3A_454], %get3A_451 {strides = array<i32>} : memref<26x64xi32, #tpu.memory_space<vmem>>, vector<16xi32>,
      %get3A_456 = arith.constant 464 : index
      %get3A_457 = tpu.vector_load %arg9[%get3A_456] {strides = array<i32>} : memref<8320xi32, #tpu.memory_space<vmem>>, vector<16xi32>,
      %swap3A_458 = arith.constant 7 : i32
      %swap3A_459 = arith.index_cast %swap3A_458 : i32 to index
      %swap3A_460 = arith.constant 16 : index
      %swap3A_461 = tpu.vector_load %arg10[%swap3A_459, %swap3A_460] {strides = array<i32>} : memref<26x64xi32, #tpu.memory_space<vmem>>, vector<16xi32>,
      tpu.vector_store %arg10[%swap3A_459, %swap3A_460], %get3A_457 {strides = array<i32>} : memref<26x64xi32, #tpu.memory_space<vmem>>, vector<16xi32>,
      %get3A_462 = arith.constant 480 : index
      %get3A_463 = tpu.vector_load %arg9[%get3A_462] {strides = array<i32>} : memref<8320xi32, #tpu.memory_space<vmem>>, vector<16xi32>,
      %swap3A_464 = arith.constant 7 : i32
      %swap3A_465 = arith.index_cast %swap3A_464 : i32 to index
      %swap3A_466 = arith.constant 32 : index
      %swap3A_467 = tpu.vector_load %arg10[%swap3A_465, %swap3A_466] {strides = array<i32>} : memref<26x64xi32, #tpu.memory_space<vmem>>, vector<16xi32>,
      tpu.vector_store %arg10[%swap3A_465, %swap3A_466], %get3A_463 {strides = array<i32>} : memref<26x64xi32, #tpu.memory_space<vmem>>, vector<16xi32>,
      %get3A_468 = arith.constant 496 : index
      %get3A_469 = tpu.vector_load %arg9[%get3A_468] {strides = array<i32>} : memref<8320xi32, #tpu.memory_space<vmem>>, vector<16xi32>,
      %swap3A_470 = arith.constant 7 : i32
      %swap3A_471 = arith.index_cast %swap3A_470 : i32 to index
      %swap3A_472 = arith.constant 48 : index
      %swap3A_473 = tpu.vector_load %arg10[%swap3A_471, %swap3A_472] {strides = array<i32>} : memref<26x64xi32, #tpu.memory_space<vmem>>, vector<16xi32>,
      tpu.vector_store %arg10[%swap3A_471, %swap3A_472], %get3A_469 {strides = array<i32>} : memref<26x64xi32, #tpu.memory_space<vmem>>, vector<16xi32>,
      %get3A_474 = arith.constant 512 : index
      %get3A_475 = tpu.vector_load %arg9[%get3A_474] {strides = array<i32>} : memref<8320xi32, #tpu.memory_space<vmem>>, vector<16xi32>,
      %swap3A_476 = arith.constant 8 : i32
      %swap3A_477 = arith.index_cast %swap3A_476 : i32 to index
      %swap3A_478 = arith.constant 0 : index
      %swap3A_479 = tpu.vector_load %arg10[%swap3A_477, %swap3A_478] {strides = array<i32>} : memref<26x64xi32, #tpu.memory_space<vmem>>, vector<16xi32>,
      tpu.vector_store %arg10[%swap3A_477, %swap3A_478], %get3A_475 {strides = array<i32>} : memref<26x64xi32, #tpu.memory_space<vmem>>, vector<16xi32>,
      %get3A_480 = arith.constant 528 : index
      %get3A_481 = tpu.vector_load %arg9[%get3A_480] {strides = array<i32>} : memref<8320xi32, #tpu.memory_space<vmem>>, vector<16xi32>,
      %swap3A_482 = arith.constant 8 : i32
      %swap3A_483 = arith.index_cast %swap3A_482 : i32 to index
      %swap3A_484 = arith.constant 16 : index
      %swap3A_485 = tpu.vector_load %arg10[%swap3A_483, %swap3A_484] {strides = array<i32>} : memref<26x64xi32, #tpu.memory_space<vmem>>, vector<16xi32>,
      tpu.vector_store %arg10[%swap3A_483, %swap3A_484], %get3A_481 {strides = array<i32>} : memref<26x64xi32, #tpu.memory_space<vmem>>, vector<16xi32>,
      %get3A_486 = arith.constant 544 : index
      %get3A_487 = tpu.vector_load %arg9[%get3A_486] {strides = array<i32>} : memref<8320xi32, #tpu.memory_space<vmem>>, vector<16xi32>,
      %swap3A_488 = arith.constant 8 : i32
      %swap3A_489 = arith.index_cast %swap3A_488 : i32 to index
      %swap3A_490 = arith.constant 32 : index
      %swap3A_491 = tpu.vector_load %arg10[%swap3A_489, %swap3A_490] {strides = array<i32>} : memref<26x64xi32, #tpu.memory_space<vmem>>, vector<16xi32>,
      tpu.vector_store %arg10[%swap3A_489, %swap3A_490], %get3A_487 {strides = array<i32>} : memref<26x64xi32, #tpu.memory_space<vmem>>, vector<16xi32>,
      %get3A_492 = arith.constant 560 : index
      %get3A_493 = tpu.vector_load %arg9[%get3A_492] {strides = array<i32>} : memref<8320xi32, #tpu.memory_space<vmem>>, vector<16xi32>,
      %swap3A_494 = arith.constant 8 : i32
      %swap3A_495 = arith.index_cast %swap3A_494 : i32 to index
      %swap3A_496 = arith.constant 48 : index
      %swap3A_497 = tpu.vector_load %arg10[%swap3A_495, %swap3A_496] {strides = array<i32>} : memref<26x64xi32, #tpu.memory_space<vmem>>, vector<16xi32>,
      tpu.vector_store %arg10[%swap3A_495, %swap3A_496], %get3A_493 {strides = array<i32>} : memref<26x64xi32, #tpu.memory_space<vmem>>, vector<16xi32>,
      %get3A_498 = arith.constant 576 : index
      %get3A_499 = tpu.vector_load %arg9[%get3A_498] {strides = array<i32>} : memref<8320xi32, #tpu.memory_space<vmem>>, vector<16xi32>,
      %swap3A_500 = arith.constant 9 : i32
      %swap3A_501 = arith.index_cast %swap3A_500 : i32 to index
      %swap3A_502 = arith.constant 0 : index
      %swap3A_503 = tpu.vector_load %arg10[%swap3A_501, %swap3A_502] {strides = array<i32>} : memref<26x64xi32, #tpu.memory_space<vmem>>, vector<16xi32>,
      tpu.vector_store %arg10[%swap3A_501, %swap3A_502], %get3A_499 {strides = array<i32>} : memref<26x64xi32, #tpu.memory_space<vmem>>, vector<16xi32>,
      %get3A_504 = arith.constant 592 : index
      %get3A_505 = tpu.vector_load %arg9[%get3A_504] {strides = array<i32>} : memref<8320xi32, #tpu.memory_space<vmem>>, vector<16xi32>,
      %swap3A_506 = arith.constant 9 : i32
      %swap3A_507 = arith.index_cast %swap3A_506 : i32 to index
      %swap3A_508 = arith.constant 16 : index
      %swap3A_509 = tpu.vector_load %arg10[%swap3A_507, %swap3A_508] {strides = array<i32>} : memref<26x64xi32, #tpu.memory_space<vmem>>, vector<16xi32>,
      tpu.vector_store %arg10[%swap3A_507, %swap3A_508], %get3A_505 {strides = array<i32>} : memref<26x64xi32, #tpu.memory_space<vmem>>, vector<16xi32>,
      %get3A_510 = arith.constant 608 : index
      %get3A_511 = tpu.vector_load %arg9[%get3A_510] {strides = array<i32>} : memref<8320xi32, #tpu.memory_space<vmem>>, vector<16xi32>,
      %swap3A_512 = arith.constant 9 : i32
      %swap3A_513 = arith.index_cast %swap3A_512 : i32 to index
      %swap3A_514 = arith.constant 32 : index
      %swap3A_515 = tpu.vector_load %arg10[%swap3A_513, %swap3A_514] {strides = array<i32>} : memref<26x64xi32, #tpu.memory_space<vmem>>, vector<16xi32>,
      tpu.vector_store %arg10[%swap3A_513, %swap3A_514], %get3A_511 {strides = array<i32>} : memref<26x64xi32, #tpu.memory_space<vmem>>, vector<16xi32>,
      %get3A_516 = arith.constant 624 : index
      %get3A_517 = tpu.vector_load %arg9[%get3A_516] {strides = array<i32>} : memref<8320xi32, #tpu.memory_space<vmem>>, vector<16xi32>,
      %swap3A_518 = arith.constant 9 : i32
      %swap3A_519 = arith.index_cast %swap3A_518 : i32 to index
      %swap3A_520 = arith.constant 48 : index
      %swap3A_521 = tpu.vector_load %arg10[%swap3A_519, %swap3A_520] {strides = array<i32>} : memref<26x64xi32, #tpu.memory_space<vmem>>, vector<16xi32>,
      tpu.vector_store %arg10[%swap3A_519, %swap3A_520], %get3A_517 {strides = array<i32>} : memref<26x64xi32, #tpu.memory_space<vmem>>, vector<16xi32>,
      %get3A_522 = arith.constant 640 : index
      %get3A_523 = tpu.vector_load %arg9[%get3A_522] {strides = array<i32>} : memref<8320xi32, #tpu.memory_space<vmem>>, vector<16xi32>,
      %swap3A_524 = arith.constant 10 : i32
      %swap3A_525 = arith.index_cast %swap3A_524 : i32 to index
      %swap3A_526 = arith.constant 0 : index
      %swap3A_527 = tpu.vector_load %arg10[%swap3A_525, %swap3A_526] {strides = array<i32>} : memref<26x64xi32, #tpu.memory_space<vmem>>, vector<16xi32>,
      tpu.vector_store %arg10[%swap3A_525, %swap3A_526], %get3A_523 {strides = array<i32>} : memref<26x64xi32, #tpu.memory_space<vmem>>, vector<16xi32>,
      %get3A_528 = arith.constant 656 : index
      %get3A_529 = tpu.vector_load %arg9[%get3A_528] {strides = array<i32>} : memref<8320xi32, #tpu.memory_space<vmem>>, vector<16xi32>,
      %swap3A_530 = arith.constant 10 : i32
      %swap3A_531 = arith.index_cast %swap3A_530 : i32 to index
      %swap3A_532 = arith.constant 16 : index
      %swap3A_533 = tpu.vector_load %arg10[%swap3A_531, %swap3A_532] {strides = array<i32>} : memref<26x64xi32, #tpu.memory_space<vmem>>, vector<16xi32>,
      tpu.vector_store %arg10[%swap3A_531, %swap3A_532], %get3A_529 {strides = array<i32>} : memref<26x64xi32, #tpu.memory_space<vmem>>, vector<16xi32>,
      %get3A_534 = arith.constant 672 : index
      %get3A_535 = tpu.vector_load %arg9[%get3A_534] {strides = array<i32>} : memref<8320xi32, #tpu.memory_space<vmem>>, vector<16xi32>,
      %swap3A_536 = arith.constant 10 : i32
      %swap3A_537 = arith.index_cast %swap3A_536 : i32 to index
      %swap3A_538 = arith.constant 32 : index
      %swap3A_539 = tpu.vector_load %arg10[%swap3A_537, %swap3A_538] {strides = array<i32>} : memref<26x64xi32, #tpu.memory_space<vmem>>, vector<16xi32>,
      tpu.vector_store %arg10[%swap3A_537, %swap3A_538], %get3A_535 {strides = array<i32>} : memref<26x64xi32, #tpu.memory_space<vmem>>, vector<16xi32>,
      %get3A_540 = arith.constant 688 : index
      %get3A_541 = tpu.vector_load %arg9[%get3A_540] {strides = array<i32>} : memref<8320xi32, #tpu.memory_space<vmem>>, vector<16xi32>,
      %swap3A_542 = arith.constant 10 : i32
      %swap3A_543 = arith.index_cast %swap3A_542 : i32 to index
      %swap3A_544 = arith.constant 48 : index
      %swap3A_545 = tpu.vector_load %arg10[%swap3A_543, %swap3A_544] {strides = array<i32>} : memref<26x64xi32, #tpu.memory_space<vmem>>, vector<16xi32>,
      tpu.vector_store %arg10[%swap3A_543, %swap3A_544], %get3A_541 {strides = array<i32>} : memref<26x64xi32, #tpu.memory_space<vmem>>, vector<16xi32>,
      %get3A_546 = arith.constant 704 : index
      %get3A_547 = tpu.vector_load %arg9[%get3A_546] {strides = array<i32>} : memref<8320xi32, #tpu.memory_space<vmem>>, vector<16xi32>,
      %swap3A_548 = arith.constant 11 : i32
      %swap3A_549 = arith.index_cast %swap3A_548 : i32 to index
      %swap3A_550 = arith.constant 0 : index
      %swap3A_551 = tpu.vector_load %arg10[%swap3A_549, %swap3A_550] {strides = array<i32>} : memref<26x64xi32, #tpu.memory_space<vmem>>, vector<16xi32>,
      tpu.vector_store %arg10[%swap3A_549, %swap3A_550], %get3A_547 {strides = array<i32>} : memref<26x64xi32, #tpu.memory_space<vmem>>, vector<16xi32>,
      %get3A_552 = arith.constant 720 : index
      %get3A_553 = tpu.vector_load %arg9[%get3A_552] {strides = array<i32>} : memref<8320xi32, #tpu.memory_space<vmem>>, vector<16xi32>,
      %swap3A_554 = arith.constant 11 : i32
      %swap3A_555 = arith.index_cast %swap3A_554 : i32 to index
      %swap3A_556 = arith.constant 16 : index
      %swap3A_557 = tpu.vector_load %arg10[%swap3A_555, %swap3A_556] {strides = array<i32>} : memref<26x64xi32, #tpu.memory_space<vmem>>, vector<16xi32>,
      tpu.vector_store %arg10[%swap3A_555, %swap3A_556], %get3A_553 {strides = array<i32>} : memref<26x64xi32, #tpu.memory_space<vmem>>, vector<16xi32>,
      %get3A_558 = arith.constant 736 : index
      %get3A_559 = tpu.vector_load %arg9[%get3A_558] {strides = array<i32>} : memref<8320xi32, #tpu.memory_space<vmem>>, vector<16xi32>,
      %swap3A_560 = arith.constant 11 : i32
      %swap3A_561 = arith.index_cast %swap3A_560 : i32 to index
      %swap3A_562 = arith.constant 32 : index
      %swap3A_563 = tpu.vector_load %arg10[%swap3A_561, %swap3A_562] {strides = array<i32>} : memref<26x64xi32, #tpu.memory_space<vmem>>, vector<16xi32>,
      tpu.vector_store %arg10[%swap3A_561, %swap3A_562], %get3A_559 {strides = array<i32>} : memref<26x64xi32, #tpu.memory_space<vmem>>, vector<16xi32>,
      %get3A_564 = arith.constant 752 : index
      %get3A_565 = tpu.vector_load %arg9[%get3A_564] {strides = array<i32>} : memref<8320xi32, #tpu.memory_space<vmem>>, vector<16xi32>,
      %swap3A_566 = arith.constant 11 : i32
      %swap3A_567 = arith.index_cast %swap3A_566 : i32 to index
      %swap3A_568 = arith.constant 48 : index
      %swap3A_569 = tpu.vector_load %arg10[%swap3A_567, %swap3A_568] {strides = array<i32>} : memref<26x64xi32, #tpu.memory_space<vmem>>, vector<16xi32>,
      tpu.vector_store %arg10[%swap3A_567, %swap3A_568], %get3A_565 {strides = array<i32>} : memref<26x64xi32, #tpu.memory_space<vmem>>, vector<16xi32>,
      %get3A_570 = arith.constant 768 : index
      %get3A_571 = tpu.vector_load %arg9[%get3A_570] {strides = array<i32>} : memref<8320xi32, #tpu.memory_space<vmem>>, vector<16xi32>,
      %swap3A_572 = arith.constant 12 : i32
      %swap3A_573 = arith.index_cast %swap3A_572 : i32 to index
      %swap3A_574 = arith.constant 0 : index
      %swap3A_575 = tpu.vector_load %arg10[%swap3A_573, %swap3A_574] {strides = array<i32>} : memref<26x64xi32, #tpu.memory_space<vmem>>, vector<16xi32>,
      tpu.vector_store %arg10[%swap3A_573, %swap3A_574], %get3A_571 {strides = array<i32>} : memref<26x64xi32, #tpu.memory_space<vmem>>, vector<16xi32>,
      %get3A_576 = arith.constant 784 : index
      %get3A_577 = tpu.vector_load %arg9[%get3A_576] {strides = array<i32>} : memref<8320xi32, #tpu.memory_space<vmem>>, vector<16xi32>,
      %swap3A_578 = arith.constant 12 : i32
      %swap3A_579 = arith.index_cast %swap3A_578 : i32 to index
      %swap3A_580 = arith.constant 16 : index
      %swap3A_581 = tpu.vector_load %arg10[%swap3A_579, %swap3A_580] {strides = array<i32>} : memref<26x64xi32, #tpu.memory_space<vmem>>, vector<16xi32>,
      tpu.vector_store %arg10[%swap3A_579, %swap3A_580], %get3A_577 {strides = array<i32>} : memref<26x64xi32, #tpu.memory_space<vmem>>, vector<16xi32>,
      %get3A_582 = arith.constant 800 : index
      %get3A_583 = tpu.vector_load %arg9[%get3A_582] {strides = array<i32>} : memref<8320xi32, #tpu.memory_space<vmem>>, vector<16xi32>,
      %swap3A_584 = arith.constant 12 : i32
      %swap3A_585 = arith.index_cast %swap3A_584 : i32 to index
      %swap3A_586 = arith.constant 32 : index
      %swap3A_587 = tpu.vector_load %arg10[%swap3A_585, %swap3A_586] {strides = array<i32>} : memref<26x64xi32, #tpu.memory_space<vmem>>, vector<16xi32>,
      tpu.vector_store %arg10[%swap3A_585, %swap3A_586], %get3A_583 {strides = array<i32>} : memref<26x64xi32, #tpu.memory_space<vmem>>, vector<16xi32>,
      %get3A_588 = arith.constant 816 : index
      %get3A_589 = tpu.vector_load %arg9[%get3A_588] {strides = array<i32>} : memref<8320xi32, #tpu.memory_space<vmem>>, vector<16xi32>,
      %swap3A_590 = arith.constant 12 : i32
      %swap3A_591 = arith.index_cast %swap3A_590 : i32 to index
      %swap3A_592 = arith.constant 48 : index
      %swap3A_593 = tpu.vector_load %arg10[%swap3A_591, %swap3A_592] {strides = array<i32>} : memref<26x64xi32, #tpu.memory_space<vmem>>, vector<16xi32>,
      tpu.vector_store %arg10[%swap3A_591, %swap3A_592], %get3A_589 {strides = array<i32>} : memref<26x64xi32, #tpu.memory_space<vmem>>, vector<16xi32>,
      %get3A_594 = arith.constant 832 : index
      %get3A_595 = tpu.vector_load %arg9[%get3A_594] {strides = array<i32>} : memref<8320xi32, #tpu.memory_space<vmem>>, vector<16xi32>,
      %swap3A_596 = arith.constant 13 : i32
      %swap3A_597 = arith.index_cast %swap3A_596 : i32 to index
      %swap3A_598 = arith.constant 0 : index
      %swap3A_599 = tpu.vector_load %arg10[%swap3A_597, %swap3A_598] {strides = array<i32>} : memref<26x64xi32, #tpu.memory_space<vmem>>, vector<16xi32>,
      tpu.vector_store %arg10[%swap3A_597, %swap3A_598], %get3A_595 {strides = array<i32>} : memref<26x64xi32, #tpu.memory_space<vmem>>, vector<16xi32>,
      %get3A_600 = arith.constant 848 : index
      %get3A_601 = tpu.vector_load %arg9[%get3A_600] {strides = array<i32>} : memref<8320xi32, #tpu.memory_space<vmem>>, vector<16xi32>,
      %swap3A_602 = arith.constant 13 : i32
      %swap3A_603 = arith.index_cast %swap3A_602 : i32 to index
      %swap3A_604 = arith.constant 16 : index
      %swap3A_605 = tpu.vector_load %arg10[%swap3A_603, %swap3A_604] {strides = array<i32>} : memref<26x64xi32, #tpu.memory_space<vmem>>, vector<16xi32>,
      tpu.vector_store %arg10[%swap3A_603, %swap3A_604], %get3A_601 {strides = array<i32>} : memref<26x64xi32, #tpu.memory_space<vmem>>, vector<16xi32>,
      %get3A_606 = arith.constant 864 : index
      %get3A_607 = tpu.vector_load %arg9[%get3A_606] {strides = array<i32>} : memref<8320xi32, #tpu.memory_space<vmem>>, vector<16xi32>,
      %swap3A_608 = arith.constant 13 : i32
      %swap3A_609 = arith.index_cast %swap3A_608 : i32 to index
      %swap3A_610 = arith.constant 32 : index
      %swap3A_611 = tpu.vector_load %arg10[%swap3A_609, %swap3A_610] {strides = array<i32>} : memref<26x64xi32, #tpu.memory_space<vmem>>, vector<16xi32>,
      tpu.vector_store %arg10[%swap3A_609, %swap3A_610], %get3A_607 {strides = array<i32>} : memref<26x64xi32, #tpu.memory_space<vmem>>, vector<16xi32>,
      %get3A_612 = arith.constant 880 : index
      %get3A_613 = tpu.vector_load %arg9[%get3A_612] {strides = array<i32>} : memref<8320xi32, #tpu.memory_space<vmem>>, vector<16xi32>,
      %swap3A_614 = arith.constant 13 : i32
      %swap3A_615 = arith.index_cast %swap3A_614 : i32 to index
      %swap3A_616 = arith.constant 48 : index
      %swap3A_617 = tpu.vector_load %arg10[%swap3A_615, %swap3A_616] {strides = array<i32>} : memref<26x64xi32, #tpu.memory_space<vmem>>, vector<16xi32>,
      tpu.vector_store %arg10[%swap3A_615, %swap3A_616], %get3A_613 {strides = array<i32>} : memref<26x64xi32, #tpu.memory_space<vmem>>, vector<16xi32>,
      %get3A_618 = arith.constant 896 : index
      %get3A_619 = tpu.vector_load %arg9[%get3A_618] {strides = array<i32>} : memref<8320xi32, #tpu.memory_space<vmem>>, vector<16xi32>,
      %swap3A_620 = arith.constant 14 : i32
      %swap3A_621 = arith.index_cast %swap3A_620 : i32 to index
      %swap3A_622 = arith.constant 0 : index
      %swap3A_623 = tpu.vector_load %arg10[%swap3A_621, %swap3A_622] {strides = array<i32>} : memref<26x64xi32, #tpu.memory_space<vmem>>, vector<16xi32>,
      tpu.vector_store %arg10[%swap3A_621, %swap3A_622], %get3A_619 {strides = array<i32>} : memref<26x64xi32, #tpu.memory_space<vmem>>, vector<16xi32>,
      %get3A_624 = arith.constant 912 : index
      %get3A_625 = tpu.vector_load %arg9[%get3A_624] {strides = array<i32>} : memref<8320xi32, #tpu.memory_space<vmem>>, vector<16xi32>,
      %swap3A_626 = arith.constant 14 : i32
      %swap3A_627 = arith.index_cast %swap3A_626 : i32 to index
      %swap3A_628 = arith.constant 16 : index
      %swap3A_629 = tpu.vector_load %arg10[%swap3A_627, %swap3A_628] {strides = array<i32>} : memref<26x64xi32, #tpu.memory_space<vmem>>, vector<16xi32>,
      tpu.vector_store %arg10[%swap3A_627, %swap3A_628], %get3A_625 {strides = array<i32>} : memref<26x64xi32, #tpu.memory_space<vmem>>, vector<16xi32>,
      %get3A_630 = arith.constant 928 : index
      %get3A_631 = tpu.vector_load %arg9[%get3A_630] {strides = array<i32>} : memref<8320xi32, #tpu.memory_space<vmem>>, vector<16xi32>,
      %swap3A_632 = arith.constant 14 : i32
      %swap3A_633 = arith.index_cast %swap3A_632 : i32 to index
      %swap3A_634 = arith.constant 32 : index
      %swap3A_635 = tpu.vector_load %arg10[%swap3A_633, %swap3A_634] {strides = array<i32>} : memref<26x64xi32, #tpu.memory_space<vmem>>, vector<16xi32>,
      tpu.vector_store %arg10[%swap3A_633, %swap3A_634], %get3A_631 {strides = array<i32>} : memref<26x64xi32, #tpu.memory_space<vmem>>, vector<16xi32>,
      %get3A_636 = arith.constant 944 : index
      %get3A_637 = tpu.vector_load %arg9[%get3A_636] {strides = array<i32>} : memref<8320xi32, #tpu.memory_space<vmem>>, vector<16xi32>,
      %swap3A_638 = arith.constant 14 : i32
      %swap3A_639 = arith.index_cast %swap3A_638 : i32 to index
      %swap3A_640 = arith.constant 48 : index
      %swap3A_641 = tpu.vector_load %arg10[%swap3A_639, %swap3A_640] {strides = array<i32>} : memref<26x64xi32, #tpu.memory_space<vmem>>, vector<16xi32>,
      tpu.vector_store %arg10[%swap3A_639, %swap3A_640], %get3A_637 {strides = array<i32>} : memref<26x64xi32, #tpu.memory_space<vmem>>, vector<16xi32>,
      %get3A_642 = arith.constant 960 : index
      %get3A_643 = tpu.vector_load %arg9[%get3A_642] {strides = array<i32>} : memref<8320xi32, #tpu.memory_space<vmem>>, vector<16xi32>,
      %swap3A_644 = arith.constant 15 : i32
      %swap3A_645 = arith.index_cast %swap3A_644 : i32 to index
      %swap3A_646 = arith.constant 0 : index
      %swap3A_647 = tpu.vector_load %arg10[%swap3A_645, %swap3A_646] {strides = array<i32>} : memref<26x64xi32, #tpu.memory_space<vmem>>, vector<16xi32>,
      tpu.vector_store %arg10[%swap3A_645, %swap3A_646], %get3A_643 {strides = array<i32>} : memref<26x64xi32, #tpu.memory_space<vmem>>, vector<16xi32>,
      %get3A_648 = arith.constant 976 : index
      %get3A_649 = tpu.vector_load %arg9[%get3A_648] {strides = array<i32>} : memref<8320xi32, #tpu.memory_space<vmem>>, vector<16xi32>,
      %swap3A_650 = arith.constant 15 : i32
      %swap3A_651 = arith.index_cast %swap3A_650 : i32 to index
      %swap3A_652 = arith.constant 16 : index
      %swap3A_653 = tpu.vector_load %arg10[%swap3A_651, %swap3A_652] {strides = array<i32>} : memref<26x64xi32, #tpu.memory_space<vmem>>, vector<16xi32>,
      tpu.vector_store %arg10[%swap3A_651, %swap3A_652], %get3A_649 {strides = array<i32>} : memref<26x64xi32, #tpu.memory_space<vmem>>, vector<16xi32>,
      %get3A_654 = arith.constant 992 : index
      %get3A_655 = tpu.vector_load %arg9[%get3A_654] {strides = array<i32>} : memref<8320xi32, #tpu.memory_space<vmem>>, vector<16xi32>,
      %swap3A_656 = arith.constant 15 : i32
      %swap3A_657 = arith.index_cast %swap3A_656 : i32 to index
      %swap3A_658 = arith.constant 32 : index
      %swap3A_659 = tpu.vector_load %arg10[%swap3A_657, %swap3A_658] {strides = array<i32>} : memref<26x64xi32, #tpu.memory_space<vmem>>, vector<16xi32>,
      tpu.vector_store %arg10[%swap3A_657, %swap3A_658], %get3A_655 {strides = array<i32>} : memref<26x64xi32, #tpu.memory_space<vmem>>, vector<16xi32>,
      %get3A_660 = arith.constant 1008 : index
      %get3A_661 = tpu.vector_load %arg9[%get3A_660] {strides = array<i32>} : memref<8320xi32, #tpu.memory_space<vmem>>, vector<16xi32>,
      %swap3A_662 = arith.constant 15 : i32
      %swap3A_663 = arith.index_cast %swap3A_662 : i32 to index
      %swap3A_664 = arith.constant 48 : index
      %swap3A_665 = tpu.vector_load %arg10[%swap3A_663, %swap3A_664] {strides = array<i32>} : memref<26x64xi32, #tpu.memory_space<vmem>>, vector<16xi32>,
      tpu.vector_store %arg10[%swap3A_663, %swap3A_664], %get3A_661 {strides = array<i32>} : memref<26x64xi32, #tpu.memory_space<vmem>>, vector<16xi32>,
      %get3A_666 = arith.constant 1024 : index
      %get3A_667 = tpu.vector_load %arg9[%get3A_666] {strides = array<i32>} : memref<8320xi32, #tpu.memory_space<vmem>>, vector<16xi32>,
      %swap3A_668 = arith.constant 16 : i32
      %swap3A_669 = arith.index_cast %swap3A_668 : i32 to index
      %swap3A_670 = arith.constant 0 : index
      %swap3A_671 = tpu.vector_load %arg10[%swap3A_669, %swap3A_670] {strides = array<i32>} : memref<26x64xi32, #tpu.memory_space<vmem>>, vector<16xi32>,
      tpu.vector_store %arg10[%swap3A_669, %swap3A_670], %get3A_667 {strides = array<i32>} : memref<26x64xi32, #tpu.memory_space<vmem>>, vector<16xi32>,
      %get3A_672 = arith.constant 1040 : index
      %get3A_673 = tpu.vector_load %arg9[%get3A_672] {strides = array<i32>} : memref<8320xi32, #tpu.memory_space<vmem>>, vector<16xi32>,
      %swap3A_674 = arith.constant 16 : i32
      %swap3A_675 = arith.index_cast %swap3A_674 : i32 to index
      %swap3A_676 = arith.constant 16 : index
      %swap3A_677 = tpu.vector_load %arg10[%swap3A_675, %swap3A_676] {strides = array<i32>} : memref<26x64xi32, #tpu.memory_space<vmem>>, vector<16xi32>,
      tpu.vector_store %arg10[%swap3A_675, %swap3A_676], %get3A_673 {strides = array<i32>} : memref<26x64xi32, #tpu.memory_space<vmem>>, vector<16xi32>,
      %get3A_678 = arith.constant 1056 : index
      %get3A_679 = tpu.vector_load %arg9[%get3A_678] {strides = array<i32>} : memref<8320xi32, #tpu.memory_space<vmem>>, vector<16xi32>,
      %swap3A_680 = arith.constant 16 : i32
      %swap3A_681 = arith.index_cast %swap3A_680 : i32 to index
      %swap3A_682 = arith.constant 32 : index
      %swap3A_683 = tpu.vector_load %arg10[%swap3A_681, %swap3A_682] {strides = array<i32>} : memref<26x64xi32, #tpu.memory_space<vmem>>, vector<16xi32>,
      tpu.vector_store %arg10[%swap3A_681, %swap3A_682], %get3A_679 {strides = array<i32>} : memref<26x64xi32, #tpu.memory_space<vmem>>, vector<16xi32>,
      %get3A_684 = arith.constant 1072 : index
      %get3A_685 = tpu.vector_load %arg9[%get3A_684] {strides = array<i32>} : memref<8320xi32, #tpu.memory_space<vmem>>, vector<16xi32>,
      %swap3A_686 = arith.constant 16 : i32
      %swap3A_687 = arith.index_cast %swap3A_686 : i32 to index
      %swap3A_688 = arith.constant 48 : index
      %swap3A_689 = tpu.vector_load %arg10[%swap3A_687, %swap3A_688] {strides = array<i32>} : memref<26x64xi32, #tpu.memory_space<vmem>>, vector<16xi32>,
      tpu.vector_store %arg10[%swap3A_687, %swap3A_688], %get3A_685 {strides = array<i32>} : memref<26x64xi32, #tpu.memory_space<vmem>>, vector<16xi32>,
      %get3A_690 = arith.constant 1088 : index
      %get3A_691 = tpu.vector_load %arg9[%get3A_690] {strides = array<i32>} : memref<8320xi32, #tpu.memory_space<vmem>>, vector<16xi32>,
      %swap3A_692 = arith.constant 17 : i32
      %swap3A_693 = arith.index_cast %swap3A_692 : i32 to index
      %swap3A_694 = arith.constant 0 : index
      %swap3A_695 = tpu.vector_load %arg10[%swap3A_693, %swap3A_694] {strides = array<i32>} : memref<26x64xi32, #tpu.memory_space<vmem>>, vector<16xi32>,
      tpu.vector_store %arg10[%swap3A_693, %swap3A_694], %get3A_691 {strides = array<i32>} : memref<26x64xi32, #tpu.memory_space<vmem>>, vector<16xi32>,
      %get3A_696 = arith.constant 1104 : index
      %get3A_697 = tpu.vector_load %arg9[%get3A_696] {strides = array<i32>} : memref<8320xi32, #tpu.memory_space<vmem>>, vector<16xi32>,
      %swap3A_698 = arith.constant 17 : i32
      %swap3A_699 = arith.index_cast %swap3A_698 : i32 to index
      %swap3A_700 = arith.constant 16 : index
      %swap3A_701 = tpu.vector_load %arg10[%swap3A_699, %swap3A_700] {strides = array<i32>} : memref<26x64xi32, #tpu.memory_space<vmem>>, vector<16xi32>,
      tpu.vector_store %arg10[%swap3A_699, %swap3A_700], %get3A_697 {strides = array<i32>} : memref<26x64xi32, #tpu.memory_space<vmem>>, vector<16xi32>,
      %get3A_702 = arith.constant 1120 : index
      %get3A_703 = tpu.vector_load %arg9[%get3A_702] {strides = array<i32>} : memref<8320xi32, #tpu.memory_space<vmem>>, vector<16xi32>,
      %swap3A_704 = arith.constant 17 : i32
      %swap3A_705 = arith.index_cast %swap3A_704 : i32 to index
      %swap3A_706 = arith.constant 32 : index
      %swap3A_707 = tpu.vector_load %arg10[%swap3A_705, %swap3A_706] {strides = array<i32>} : memref<26x64xi32, #tpu.memory_space<vmem>>, vector<16xi32>,
      tpu.vector_store %arg10[%swap3A_705, %swap3A_706], %get3A_703 {strides = array<i32>} : memref<26x64xi32, #tpu.memory_space<vmem>>, vector<16xi32>,
      %get3A_708 = arith.constant 1136 : index
      %get3A_709 = tpu.vector_load %arg9[%get3A_708] {strides = array<i32>} : memref<8320xi32, #tpu.memory_space<vmem>>, vector<16xi32>,
      %swap3A_710 = arith.constant 17 : i32
      %swap3A_711 = arith.index_cast %swap3A_710 : i32 to index
      %swap3A_712 = arith.constant 48 : index
      %swap3A_713 = tpu.vector_load %arg10[%swap3A_711, %swap3A_712] {strides = array<i32>} : memref<26x64xi32, #tpu.memory_space<vmem>>, vector<16xi32>,
      tpu.vector_store %arg10[%swap3A_711, %swap3A_712], %get3A_709 {strides = array<i32>} : memref<26x64xi32, #tpu.memory_space<vmem>>, vector<16xi32>,
      %get3A_714 = arith.constant 1152 : index
      %get3A_715 = tpu.vector_load %arg9[%get3A_714] {strides = array<i32>} : memref<8320xi32, #tpu.memory_space<vmem>>, vector<16xi32>,
      %swap3A_716 = arith.constant 18 : i32
      %swap3A_717 = arith.index_cast %swap3A_716 : i32 to index
      %swap3A_718 = arith.constant 0 : index
      %swap3A_719 = tpu.vector_load %arg10[%swap3A_717, %swap3A_718] {strides = array<i32>} : memref<26x64xi32, #tpu.memory_space<vmem>>, vector<16xi32>,
      tpu.vector_store %arg10[%swap3A_717, %swap3A_718], %get3A_715 {strides = array<i32>} : memref<26x64xi32, #tpu.memory_space<vmem>>, vector<16xi32>,
      %get3A_720 = arith.constant 1168 : index
      %get3A_721 = tpu.vector_load %arg9[%get3A_720] {strides = array<i32>} : memref<8320xi32, #tpu.memory_space<vmem>>, vector<16xi32>,
      %swap3A_722 = arith.constant 18 : i32
      %swap3A_723 = arith.index_cast %swap3A_722 : i32 to index
      %swap3A_724 = arith.constant 16 : index
      %swap3A_725 = tpu.vector_load %arg10[%swap3A_723, %swap3A_724] {strides = array<i32>} : memref<26x64xi32, #tpu.memory_space<vmem>>, vector<16xi32>,
      tpu.vector_store %arg10[%swap3A_723, %swap3A_724], %get3A_721 {strides = array<i32>} : memref<26x64xi32, #tpu.memory_space<vmem>>, vector<16xi32>,
      %get3A_726 = arith.constant 1184 : index
      %get3A_727 = tpu.vector_load %arg9[%get3A_726] {strides = array<i32>} : memref<8320xi32, #tpu.memory_space<vmem>>, vector<16xi32>,
      %swap3A_728 = arith.constant 18 : i32
      %swap3A_729 = arith.index_cast %swap3A_728 : i32 to index
      %swap3A_730 = arith.constant 32 : index
      %swap3A_731 = tpu.vector_load %arg10[%swap3A_729, %swap3A_730] {strides = array<i32>} : memref<26x64xi32, #tpu.memory_space<vmem>>, vector<16xi32>,
      tpu.vector_store %arg10[%swap3A_729, %swap3A_730], %get3A_727 {strides = array<i32>} : memref<26x64xi32, #tpu.memory_space<vmem>>, vector<16xi32>,
      %get3A_732 = arith.constant 1200 : index
      %get3A_733 = tpu.vector_load %arg9[%get3A_732] {strides = array<i32>} : memref<8320xi32, #tpu.memory_space<vmem>>, vector<16xi32>,
      %swap3A_734 = arith.constant 18 : i32
      %swap3A_735 = arith.index_cast %swap3A_734 : i32 to index
      %swap3A_736 = arith.constant 48 : index
      %swap3A_737 = tpu.vector_load %arg10[%swap3A_735, %swap3A_736] {strides = array<i32>} : memref<26x64xi32, #tpu.memory_space<vmem>>, vector<16xi32>,
      tpu.vector_store %arg10[%swap3A_735, %swap3A_736], %get3A_733 {strides = array<i32>} : memref<26x64xi32, #tpu.memory_space<vmem>>, vector<16xi32>,
      %get3A_738 = arith.constant 1216 : index
      %get3A_739 = tpu.vector_load %arg9[%get3A_738] {strides = array<i32>} : memref<8320xi32, #tpu.memory_space<vmem>>, vector<16xi32>,
      %swap3A_740 = arith.constant 19 : i32
      %swap3A_741 = arith.index_cast %swap3A_740 : i32 to index
      %swap3A_742 = arith.constant 0 : index
      %swap3A_743 = tpu.vector_load %arg10[%swap3A_741, %swap3A_742] {strides = array<i32>} : memref<26x64xi32, #tpu.memory_space<vmem>>, vector<16xi32>,
      tpu.vector_store %arg10[%swap3A_741, %swap3A_742], %get3A_739 {strides = array<i32>} : memref<26x64xi32, #tpu.memory_space<vmem>>, vector<16xi32>,
      %get3A_744 = arith.constant 1232 : index
      %get3A_745 = tpu.vector_load %arg9[%get3A_744] {strides = array<i32>} : memref<8320xi32, #tpu.memory_space<vmem>>, vector<16xi32>,
      %swap3A_746 = arith.constant 19 : i32
      %swap3A_747 = arith.index_cast %swap3A_746 : i32 to index
      %swap3A_748 = arith.constant 16 : index
      %swap3A_749 = tpu.vector_load %arg10[%swap3A_747, %swap3A_748] {strides = array<i32>} : memref<26x64xi32, #tpu.memory_space<vmem>>, vector<16xi32>,
      tpu.vector_store %arg10[%swap3A_747, %swap3A_748], %get3A_745 {strides = array<i32>} : memref<26x64xi32, #tpu.memory_space<vmem>>, vector<16xi32>,
      %get3A_750 = arith.constant 1248 : index
      %get3A_751 = tpu.vector_load %arg9[%get3A_750] {strides = array<i32>} : memref<8320xi32, #tpu.memory_space<vmem>>, vector<16xi32>,
      %swap3A_752 = arith.constant 19 : i32
      %swap3A_753 = arith.index_cast %swap3A_752 : i32 to index
      %swap3A_754 = arith.constant 32 : index
      %swap3A_755 = tpu.vector_load %arg10[%swap3A_753, %swap3A_754] {strides = array<i32>} : memref<26x64xi32, #tpu.memory_space<vmem>>, vector<16xi32>,
      tpu.vector_store %arg10[%swap3A_753, %swap3A_754], %get3A_751 {strides = array<i32>} : memref<26x64xi32, #tpu.memory_space<vmem>>, vector<16xi32>,
      %get3A_756 = arith.constant 1264 : index
      %get3A_757 = tpu.vector_load %arg9[%get3A_756] {strides = array<i32>} : memref<8320xi32, #tpu.memory_space<vmem>>, vector<16xi32>,
      %swap3A_758 = arith.constant 19 : i32
      %swap3A_759 = arith.index_cast %swap3A_758 : i32 to index
      %swap3A_760 = arith.constant 48 : index
      %swap3A_761 = tpu.vector_load %arg10[%swap3A_759, %swap3A_760] {strides = array<i32>} : memref<26x64xi32, #tpu.memory_space<vmem>>, vector<16xi32>,
      tpu.vector_store %arg10[%swap3A_759, %swap3A_760], %get3A_757 {strides = array<i32>} : memref<26x64xi32, #tpu.memory_space<vmem>>, vector<16xi32>,
      %get3A_762 = arith.constant 1280 : index
      %get3A_763 = tpu.vector_load %arg9[%get3A_762] {strides = array<i32>} : memref<8320xi32, #tpu.memory_space<vmem>>, vector<16xi32>,
      %swap3A_764 = arith.constant 20 : i32
      %swap3A_765 = arith.index_cast %swap3A_764 : i32 to index
      %swap3A_766 = arith.constant 0 : index
      %swap3A_767 = tpu.vector_load %arg10[%swap3A_765, %swap3A_766] {strides = array<i32>} : memref<26x64xi32, #tpu.memory_space<vmem>>, vector<16xi32>,
      tpu.vector_store %arg10[%swap3A_765, %swap3A_766], %get3A_763 {strides = array<i32>} : memref<26x64xi32, #tpu.memory_space<vmem>>, vector<16xi32>,
      %get3A_768 = arith.constant 1296 : index
      %get3A_769 = tpu.vector_load %arg9[%get3A_768] {strides = array<i32>} : memref<8320xi32, #tpu.memory_space<vmem>>, vector<16xi32>,
      %swap3A_770 = arith.constant 20 : i32
      %swap3A_771 = arith.index_cast %swap3A_770 : i32 to index
      %swap3A_772 = arith.constant 16 : index
      %swap3A_773 = tpu.vector_load %arg10[%swap3A_771, %swap3A_772] {strides = array<i32>} : memref<26x64xi32, #tpu.memory_space<vmem>>, vector<16xi32>,
      tpu.vector_store %arg10[%swap3A_771, %swap3A_772], %get3A_769 {strides = array<i32>} : memref<26x64xi32, #tpu.memory_space<vmem>>, vector<16xi32>,
      %get3A_774 = arith.constant 1312 : index
      %get3A_775 = tpu.vector_load %arg9[%get3A_774] {strides = array<i32>} : memref<8320xi32, #tpu.memory_space<vmem>>, vector<16xi32>,
      %swap3A_776 = arith.constant 20 : i32
      %swap3A_777 = arith.index_cast %swap3A_776 : i32 to index
      %swap3A_778 = arith.constant 32 : index
      %swap3A_779 = tpu.vector_load %arg10[%swap3A_777, %swap3A_778] {strides = array<i32>} : memref<26x64xi32, #tpu.memory_space<vmem>>, vector<16xi32>,
      tpu.vector_store %arg10[%swap3A_777, %swap3A_778], %get3A_775 {strides = array<i32>} : memref<26x64xi32, #tpu.memory_space<vmem>>, vector<16xi32>,
      %get3A_780 = arith.constant 1328 : index
      %get3A_781 = tpu.vector_load %arg9[%get3A_780] {strides = array<i32>} : memref<8320xi32, #tpu.memory_space<vmem>>, vector<16xi32>,
      %swap3A_782 = arith.constant 20 : i32
      %swap3A_783 = arith.index_cast %swap3A_782 : i32 to index
      %swap3A_784 = arith.constant 48 : index
      %swap3A_785 = tpu.vector_load %arg10[%swap3A_783, %swap3A_784] {strides = array<i32>} : memref<26x64xi32, #tpu.memory_space<vmem>>, vector<16xi32>,
      tpu.vector_store %arg10[%swap3A_783, %swap3A_784], %get3A_781 {strides = array<i32>} : memref<26x64xi32, #tpu.memory_space<vmem>>, vector<16xi32>,
      %get3A_786 = arith.constant 1344 : index
      %get3A_787 = tpu.vector_load %arg9[%get3A_786] {strides = array<i32>} : memref<8320xi32, #tpu.memory_space<vmem>>, vector<16xi32>,
      %swap3A_788 = arith.constant 21 : i32
      %swap3A_789 = arith.index_cast %swap3A_788 : i32 to index
      %swap3A_790 = arith.constant 0 : index
      %swap3A_791 = tpu.vector_load %arg10[%swap3A_789, %swap3A_790] {strides = array<i32>} : memref<26x64xi32, #tpu.memory_space<vmem>>, vector<16xi32>,
      tpu.vector_store %arg10[%swap3A_789, %swap3A_790], %get3A_787 {strides = array<i32>} : memref<26x64xi32, #tpu.memory_space<vmem>>, vector<16xi32>,
      %get3A_792 = arith.constant 1360 : index
      %get3A_793 = tpu.vector_load %arg9[%get3A_792] {strides = array<i32>} : memref<8320xi32, #tpu.memory_space<vmem>>, vector<16xi32>,
      %swap3A_794 = arith.constant 21 : i32
      %swap3A_795 = arith.index_cast %swap3A_794 : i32 to index
      %swap3A_796 = arith.constant 16 : index
      %swap3A_797 = tpu.vector_load %arg10[%swap3A_795, %swap3A_796] {strides = array<i32>} : memref<26x64xi32, #tpu.memory_space<vmem>>, vector<16xi32>,
      tpu.vector_store %arg10[%swap3A_795, %swap3A_796], %get3A_793 {strides = array<i32>} : memref<26x64xi32, #tpu.memory_space<vmem>>, vector<16xi32>,
      %get3A_798 = arith.constant 1376 : index
      %get3A_799 = tpu.vector_load %arg9[%get3A_798] {strides = array<i32>} : memref<8320xi32, #tpu.memory_space<vmem>>, vector<16xi32>,
      %swap3A_800 = arith.constant 21 : i32
      %swap3A_801 = arith.index_cast %swap3A_800 : i32 to index
      %swap3A_802 = arith.constant 32 : index
      %swap3A_803 = tpu.vector_load %arg10[%swap3A_801, %swap3A_802] {strides = array<i32>} : memref<26x64xi32, #tpu.memory_space<vmem>>, vector<16xi32>,
      tpu.vector_store %arg10[%swap3A_801, %swap3A_802], %get3A_799 {strides = array<i32>} : memref<26x64xi32, #tpu.memory_space<vmem>>, vector<16xi32>,
      %get3A_804 = arith.constant 1392 : index
      %get3A_805 = tpu.vector_load %arg9[%get3A_804] {strides = array<i32>} : memref<8320xi32, #tpu.memory_space<vmem>>, vector<16xi32>,
      %swap3A_806 = arith.constant 21 : i32
      %swap3A_807 = arith.index_cast %swap3A_806 : i32 to index
      %swap3A_808 = arith.constant 48 : index
      %swap3A_809 = tpu.vector_load %arg10[%swap3A_807, %swap3A_808] {strides = array<i32>} : memref<26x64xi32, #tpu.memory_space<vmem>>, vector<16xi32>,
      tpu.vector_store %arg10[%swap3A_807, %swap3A_808], %get3A_805 {strides = array<i32>} : memref<26x64xi32, #tpu.memory_space<vmem>>, vector<16xi32>,
      %get3A_810 = arith.constant 1408 : index
      %get3A_811 = tpu.vector_load %arg9[%get3A_810] {strides = array<i32>} : memref<8320xi32, #tpu.memory_space<vmem>>, vector<16xi32>,
      %swap3A_812 = arith.constant 22 : i32
      %swap3A_813 = arith.index_cast %swap3A_812 : i32 to index
      %swap3A_814 = arith.constant 0 : index
      %swap3A_815 = tpu.vector_load %arg10[%swap3A_813, %swap3A_814] {strides = array<i32>} : memref<26x64xi32, #tpu.memory_space<vmem>>, vector<16xi32>,
      tpu.vector_store %arg10[%swap3A_813, %swap3A_814], %get3A_811 {strides = array<i32>} : memref<26x64xi32, #tpu.memory_space<vmem>>, vector<16xi32>,
      %get3A_816 = arith.constant 1424 : index
      %get3A_817 = tpu.vector_load %arg9[%get3A_816] {strides = array<i32>} : memref<8320xi32, #tpu.memory_space<vmem>>, vector<16xi32>,
      %swap3A_818 = arith.constant 22 : i32
      %swap3A_819 = arith.index_cast %swap3A_818 : i32 to index
      %swap3A_820 = arith.constant 16 : index
      %swap3A_821 = tpu.vector_load %arg10[%swap3A_819, %swap3A_820] {strides = array<i32>} : memref<26x64xi32, #tpu.memory_space<vmem>>, vector<16xi32>,
      tpu.vector_store %arg10[%swap3A_819, %swap3A_820], %get3A_817 {strides = array<i32>} : memref<26x64xi32, #tpu.memory_space<vmem>>, vector<16xi32>,
      %get3A_822 = arith.constant 1440 : index
      %get3A_823 = tpu.vector_load %arg9[%get3A_822] {strides = array<i32>} : memref<8320xi32, #tpu.memory_space<vmem>>, vector<16xi32>,
      %swap3A_824 = arith.constant 22 : i32
      %swap3A_825 = arith.index_cast %swap3A_824 : i32 to index
      %swap3A_826 = arith.constant 32 : index
      %swap3A_827 = tpu.vector_load %arg10[%swap3A_825, %swap3A_826] {strides = array<i32>} : memref<26x64xi32, #tpu.memory_space<vmem>>, vector<16xi32>,
      tpu.vector_store %arg10[%swap3A_825, %swap3A_826], %get3A_823 {strides = array<i32>} : memref<26x64xi32, #tpu.memory_space<vmem>>, vector<16xi32>,
      %get3A_828 = arith.constant 1456 : index
      %get3A_829 = tpu.vector_load %arg9[%get3A_828] {strides = array<i32>} : memref<8320xi32, #tpu.memory_space<vmem>>, vector<16xi32>,
      %swap3A_830 = arith.constant 22 : i32
      %swap3A_831 = arith.index_cast %swap3A_830 : i32 to index
      %swap3A_832 = arith.constant 48 : index
      %swap3A_833 = tpu.vector_load %arg10[%swap3A_831, %swap3A_832] {strides = array<i32>} : memref<26x64xi32, #tpu.memory_space<vmem>>, vector<16xi32>,
      tpu.vector_store %arg10[%swap3A_831, %swap3A_832], %get3A_829 {strides = array<i32>} : memref<26x64xi32, #tpu.memory_space<vmem>>, vector<16xi32>,
      %get3A_834 = arith.constant 1472 : index
      %get3A_835 = tpu.vector_load %arg9[%get3A_834] {strides = array<i32>} : memref<8320xi32, #tpu.memory_space<vmem>>, vector<16xi32>,
      %swap3A_836 = arith.constant 23 : i32
      %swap3A_837 = arith.index_cast %swap3A_836 : i32 to index
      %swap3A_838 = arith.constant 0 : index
      %swap3A_839 = tpu.vector_load %arg10[%swap3A_837, %swap3A_838] {strides = array<i32>} : memref<26x64xi32, #tpu.memory_space<vmem>>, vector<16xi32>,
      tpu.vector_store %arg10[%swap3A_837, %swap3A_838], %get3A_835 {strides = array<i32>} : memref<26x64xi32, #tpu.memory_space<vmem>>, vector<16xi32>,
      %get3A_840 = arith.constant 1488 : index
      %get3A_841 = tpu.vector_load %arg9[%get3A_840] {strides = array<i32>} : memref<8320xi32, #tpu.memory_space<vmem>>, vector<16xi32>,
      %swap3A_842 = arith.constant 23 : i32
      %swap3A_843 = arith.index_cast %swap3A_842 : i32 to index
      %swap3A_844 = arith.constant 16 : index
      %swap3A_845 = tpu.vector_load %arg10[%swap3A_843, %swap3A_844] {strides = array<i32>} : memref<26x64xi32, #tpu.memory_space<vmem>>, vector<16xi32>,
      tpu.vector_store %arg10[%swap3A_843, %swap3A_844], %get3A_841 {strides = array<i32>} : memref<26x64xi32, #tpu.memory_space<vmem>>, vector<16xi32>,
      %get3A_846 = arith.constant 1504 : index
      %get3A_847 = tpu.vector_load %arg9[%get3A_846] {strides = array<i32>} : memref<8320xi32, #tpu.memory_space<vmem>>, vector<16xi32>,
      %swap3A_848 = arith.constant 23 : i32
      %swap3A_849 = arith.index_cast %swap3A_848 : i32 to index
      %swap3A_850 = arith.constant 32 : index
      %swap3A_851 = tpu.vector_load %arg10[%swap3A_849, %swap3A_850] {strides = array<i32>} : memref<26x64xi32, #tpu.memory_space<vmem>>, vector<16xi32>,
      tpu.vector_store %arg10[%swap3A_849, %swap3A_850], %get3A_847 {strides = array<i32>} : memref<26x64xi32, #tpu.memory_space<vmem>>, vector<16xi32>,
      %get3A_852 = arith.constant 1520 : index
      %get3A_853 = tpu.vector_load %arg9[%get3A_852] {strides = array<i32>} : memref<8320xi32, #tpu.memory_space<vmem>>, vector<16xi32>,
      %swap3A_854 = arith.constant 23 : i32
      %swap3A_855 = arith.index_cast %swap3A_854 : i32 to index
      %swap3A_856 = arith.constant 48 : index
      %swap3A_857 = tpu.vector_load %arg10[%swap3A_855, %swap3A_856] {strides = array<i32>} : memref<26x64xi32, #tpu.memory_space<vmem>>, vector<16xi32>,
      tpu.vector_store %arg10[%swap3A_855, %swap3A_856], %get3A_853 {strides = array<i32>} : memref<26x64xi32, #tpu.memory_space<vmem>>, vector<16xi32>,
      %get3A_858 = arith.constant 1536 : index
      %get3A_859 = tpu.vector_load %arg9[%get3A_858] {strides = array<i32>} : memref<8320xi32, #tpu.memory_space<vmem>>, vector<16xi32>,
      %swap3A_860 = arith.constant 24 : i32
      %swap3A_861 = arith.index_cast %swap3A_860 : i32 to index
      %swap3A_862 = arith.constant 0 : index
      %swap3A_863 = tpu.vector_load %arg10[%swap3A_861, %swap3A_862] {strides = array<i32>} : memref<26x64xi32, #tpu.memory_space<vmem>>, vector<16xi32>,
      tpu.vector_store %arg10[%swap3A_861, %swap3A_862], %get3A_859 {strides = array<i32>} : memref<26x64xi32, #tpu.memory_space<vmem>>, vector<16xi32>,
      %get3A_864 = arith.constant 1552 : index
      %get3A_865 = tpu.vector_load %arg9[%get3A_864] {strides = array<i32>} : memref<8320xi32, #tpu.memory_space<vmem>>, vector<16xi32>,
      %swap3A_866 = arith.constant 24 : i32
      %swap3A_867 = arith.index_cast %swap3A_866 : i32 to index
      %swap3A_868 = arith.constant 16 : index
      %swap3A_869 = tpu.vector_load %arg10[%swap3A_867, %swap3A_868] {strides = array<i32>} : memref<26x64xi32, #tpu.memory_space<vmem>>, vector<16xi32>,
      tpu.vector_store %arg10[%swap3A_867, %swap3A_868], %get3A_865 {strides = array<i32>} : memref<26x64xi32, #tpu.memory_space<vmem>>, vector<16xi32>,
      %get3A_870 = arith.constant 1568 : index
      %get3A_871 = tpu.vector_load %arg9[%get3A_870] {strides = array<i32>} : memref<8320xi32, #tpu.memory_space<vmem>>, vector<16xi32>,
      %swap3A_872 = arith.constant 24 : i32
      %swap3A_873 = arith.index_cast %swap3A_872 : i32 to index
      %swap3A_874 = arith.constant 32 : index
      %swap3A_875 = tpu.vector_load %arg10[%swap3A_873, %swap3A_874] {strides = array<i32>} : memref<26x64xi32, #tpu.memory_space<vmem>>, vector<16xi32>,
      tpu.vector_store %arg10[%swap3A_873, %swap3A_874], %get3A_871 {strides = array<i32>} : memref<26x64xi32, #tpu.memory_space<vmem>>, vector<16xi32>,
      %get3A_876 = arith.constant 1584 : index
      %get3A_877 = tpu.vector_load %arg9[%get3A_876] {strides = array<i32>} : memref<8320xi32, #tpu.memory_space<vmem>>, vector<16xi32>,
      %swap3A_878 = arith.constant 24 : i32
      %swap3A_879 = arith.index_cast %swap3A_878 : i32 to index
      %swap3A_880 = arith.constant 48 : index
      %swap3A_881 = tpu.vector_load %arg10[%swap3A_879, %swap3A_880] {strides = array<i32>} : memref<26x64xi32, #tpu.memory_space<vmem>>, vector<16xi32>,
      tpu.vector_store %arg10[%swap3A_879, %swap3A_880], %get3A_877 {strides = array<i32>} : memref<26x64xi32, #tpu.memory_space<vmem>>, vector<16xi32>,
      %get3A_882 = arith.constant 1600 : index
      %get3A_883 = tpu.vector_load %arg9[%get3A_882] {strides = array<i32>} : memref<8320xi32, #tpu.memory_space<vmem>>, vector<16xi32>,
      %swap3A_884 = arith.constant 25 : i32
      %swap3A_885 = arith.index_cast %swap3A_884 : i32 to index
      %swap3A_886 = arith.constant 0 : index
      %swap3A_887 = tpu.vector_load %arg10[%swap3A_885, %swap3A_886] {strides = array<i32>} : memref<26x64xi32, #tpu.memory_space<vmem>>, vector<16xi32>,
      tpu.vector_store %arg10[%swap3A_885, %swap3A_886], %get3A_883 {strides = array<i32>} : memref<26x64xi32, #tpu.memory_space<vmem>>, vector<16xi32>,
      %get3A_888 = arith.constant 1616 : index
      %get3A_889 = tpu.vector_load %arg9[%get3A_888] {strides = array<i32>} : memref<8320xi32, #tpu.memory_space<vmem>>, vector<16xi32>,
      %swap3A_890 = arith.constant 25 : i32
      %swap3A_891 = arith.index_cast %swap3A_890 : i32 to index
      %swap3A_892 = arith.constant 16 : index
      %swap3A_893 = tpu.vector_load %arg10[%swap3A_891, %swap3A_892] {strides = array<i32>} : memref<26x64xi32, #tpu.memory_space<vmem>>, vector<16xi32>,
      tpu.vector_store %arg10[%swap3A_891, %swap3A_892], %get3A_889 {strides = array<i32>} : memref<26x64xi32, #tpu.memory_space<vmem>>, vector<16xi32>,
      %get3A_894 = arith.constant 1632 : index
      %get3A_895 = tpu.vector_load %arg9[%get3A_894] {strides = array<i32>} : memref<8320xi32, #tpu.memory_space<vmem>>, vector<16xi32>,
      %swap3A_896 = arith.constant 25 : i32
      %swap3A_897 = arith.index_cast %swap3A_896 : i32 to index
      %swap3A_898 = arith.constant 32 : index
      %swap3A_899 = tpu.vector_load %arg10[%swap3A_897, %swap3A_898] {strides = array<i32>} : memref<26x64xi32, #tpu.memory_space<vmem>>, vector<16xi32>,
      tpu.vector_store %arg10[%swap3A_897, %swap3A_898], %get3A_895 {strides = array<i32>} : memref<26x64xi32, #tpu.memory_space<vmem>>, vector<16xi32>,
      %get3A_900 = arith.constant 1648 : index
      %get3A_901 = tpu.vector_load %arg9[%get3A_900] {strides = array<i32>} : memref<8320xi32, #tpu.memory_space<vmem>>, vector<16xi32>,
      %swap3A_902 = arith.constant 25 : i32
      %swap3A_903 = arith.index_cast %swap3A_902 : i32 to index
      %swap3A_904 = arith.constant 48 : index
      %swap3A_905 = tpu.vector_load %arg10[%swap3A_903, %swap3A_904] {strides = array<i32>} : memref<26x64xi32, #tpu.memory_space<vmem>>, vector<16xi32>,
      tpu.vector_store %arg10[%swap3A_903, %swap3A_904], %get3A_901 {strides = array<i32>} : memref<26x64xi32, #tpu.memory_space<vmem>>, vector<16xi32>,
      "tpu.region"() ({
        %run_scoped3A = tpu.sem_alloc : memref<!tpu.dma_semaphore, #tpu.memory_space<semaphore_mem>>
        %dma_start3A = arith.constant 0 : i32
        %dma_start3A_906 = arith.constant 0 : i32
        %dma_start3A_907 = tpu.memref_slice %arg12[%select_n3A_46, %dma_start3A, %dma_start3A_906] : memref<2x26x64xi32, #tpu.memory_space<vmem_shared>> -> memref<1x26x64xi32, #tpu.memory_space<vmem_shared>>
        %dma_start3A_908 = tpu.memref_squeeze %dma_start3A_907 : memref<1x26x64xi32, #tpu.memory_space<vmem_shared>> -> memref<26x64xi32, #tpu.memory_space<vmem_shared>>
        %dma_start3A_909 = arith.constant 0 : i32
        %dma_start3A_910 = arith.constant 0 : i32
        %dma_start3A_911 = tpu.memref_slice %arg12[%select_n3A_46, %dma_start3A_909, %dma_start3A_910] : memref<2x26x64xi32, #tpu.memory_space<vmem_shared>> -> memref<1x26x64xi32, #tpu.memory_space<vmem_shared>>
        %dma_start3A_912 = tpu.memref_squeeze %dma_start3A_911 : memref<1x26x64xi32, #tpu.memory_space<vmem_shared>> -> memref<26x64xi32, #tpu.memory_space<vmem_shared>>
        tpu.enqueue_dma source(%arg10 : memref<26x64xi32, #tpu.memory_space<vmem>>) target(%dma_start3A_912 : memref<26x64xi32, #tpu.memory_space<vmem_shared>>) target_semaphore(%run_scoped3A : memref<!tpu.dma_semaphore, #tpu.memory_space<semaphore_mem>>)
        %dma_wait3A = arith.constant 0 : i32
        %dma_wait3A_913 = arith.constant 0 : i32
        %dma_wait3A_914 = tpu.memref_slice %arg12[%select_n3A_46, %dma_wait3A, %dma_wait3A_913] : memref<2x26x64xi32, #tpu.memory_space<vmem_shared>> -> memref<1x26x64xi32, #tpu.memory_space<vmem_shared>>
        %dma_wait3A_915 = tpu.memref_squeeze %dma_wait3A_914 : memref<1x26x64xi32, #tpu.memory_space<vmem_shared>> -> memref<26x64xi32, #tpu.memory_space<vmem_shared>>
        %dma_wait3A_916 = arith.constant 0 : i32
        %dma_wait3A_917 = arith.constant 0 : i32
        %dma_wait3A_918 = tpu.memref_slice %arg12[%select_n3A_46, %dma_wait3A_916, %dma_wait3A_917] : memref<2x26x64xi32, #tpu.memory_space<vmem_shared>> -> memref<1x26x64xi32, #tpu.memory_space<vmem_shared>>
        %dma_wait3A_919 = tpu.memref_squeeze %dma_wait3A_918 : memref<1x26x64xi32, #tpu.memory_space<vmem_shared>> -> memref<26x64xi32, #tpu.memory_space<vmem_shared>>
        tpu.wait_dma2 semaphore(%run_scoped3A : memref<!tpu.dma_semaphore, #tpu.memory_space<semaphore_mem>>) src(%arg10 : memref<26x64xi32, #tpu.memory_space<vmem>>) dst(%dma_wait3A_919 : memref<26x64xi32, #tpu.memory_space<vmem_shared>>)
        tpu.yield
      }) : () -> ()
    } else {
    }
    %barrier3A = arith.constant 0 : index
    tpu.barrier barrier_id(%barrier3A)
    "tpu.region"() ({
      %run_scoped3A = tpu.sem_alloc : memref<!tpu.dma_semaphore, #tpu.memory_space<semaphore_mem>>
      %dma_start3A = arith.constant 0 : i32
      %dma_start3A_133 = arith.constant 0 : i32
      %dma_start3A_134 = tpu.memref_slice %arg12[%select_n3A_46, %dma_start3A, %dma_start3A_133] : memref<2x26x64xi32, #tpu.memory_space<vmem_shared>> -> memref<1x26x64xi32, #tpu.memory_space<vmem_shared>>
      %dma_start3A_135 = tpu.memref_squeeze %dma_start3A_134 : memref<1x26x64xi32, #tpu.memory_space<vmem_shared>> -> memref<26x64xi32, #tpu.memory_space<vmem_shared>>
      %dma_start3A_136 = arith.constant 0 : i32
      %dma_start3A_137 = arith.constant 0 : i32
      %dma_start3A_138 = tpu.memref_slice %arg12[%select_n3A_46, %dma_start3A_136, %dma_start3A_137] : memref<2x26x64xi32, #tpu.memory_space<vmem_shared>> -> memref<1x26x64xi32, #tpu.memory_space<vmem_shared>>
      %dma_start3A_139 = tpu.memref_squeeze %dma_start3A_138 : memref<1x26x64xi32, #tpu.memory_space<vmem_shared>> -> memref<26x64xi32, #tpu.memory_space<vmem_shared>>
      tpu.enqueue_dma source(%dma_start3A_139 : memref<26x64xi32, #tpu.memory_space<vmem_shared>>) target(%arg10 : memref<26x64xi32, #tpu.memory_space<vmem>>) target_semaphore(%run_scoped3A : memref<!tpu.dma_semaphore, #tpu.memory_space<semaphore_mem>>)
      %dma_wait3A = arith.constant 0 : i32
      %dma_wait3A_140 = arith.constant 0 : i32
      %dma_wait3A_141 = tpu.memref_slice %arg12[%select_n3A_46, %dma_wait3A, %dma_wait3A_140] : memref<2x26x64xi32, #tpu.memory_space<vmem_shared>> -> memref<1x26x64xi32, #tpu.memory_space<vmem_shared>>
      %dma_wait3A_142 = tpu.memref_squeeze %dma_wait3A_141 : memref<1x26x64xi32, #tpu.memory_space<vmem_shared>> -> memref<26x64xi32, #tpu.memory_space<vmem_shared>>
      %dma_wait3A_143 = arith.constant 0 : i32
      %dma_wait3A_144 = arith.constant 0 : i32
      %dma_wait3A_145 = tpu.memref_slice %arg12[%select_n3A_46, %dma_wait3A_143, %dma_wait3A_144] : memref<2x26x64xi32, #tpu.memory_space<vmem_shared>> -> memref<1x26x64xi32, #tpu.memory_space<vmem_shared>>
      %dma_wait3A_146 = tpu.memref_squeeze %dma_wait3A_145 : memref<1x26x64xi32, #tpu.memory_space<vmem_shared>> -> memref<26x64xi32, #tpu.memory_space<vmem_shared>>
      tpu.wait_dma2 semaphore(%run_scoped3A : memref<!tpu.dma_semaphore, #tpu.memory_space<semaphore_mem>>) src(%dma_wait3A_146 : memref<26x64xi32, #tpu.memory_space<vmem_shared>>) dst(%arg10 : memref<26x64xi32, #tpu.memory_space<vmem>>)
      tpu.yield
    }) : () -> ()
    tpu.wait_dma2 semaphore(%arg13 : memref<!tpu.dma_semaphore, #tpu.memory_space<semaphore_mem>>) src(%arg3 : memref<64x1024xf32, #tpu.memory_space<hbm>>) dst(%arg11 : memref<64x1024xf32, #tpu.memory_space<vmem>>)
    %add3A_53 = arith.constant 0 : i32
    %add3A_54 = arith.addi %add3A_53, %select_n3A_30 : i32
    %lt3A_55 = arith.constant 26 : i32
    %lt3A_56 = arith.cmpi slt, %add3A_54, %lt3A_55 : i32
    %lt3A_57 = arith.constant 4 : i32
    %lt3A_58 = arith.cmpi slt, %select_n3A, %lt3A_57 : i32
    %and3A_59 = arith.andi %lt3A_56, %lt3A_58 : i1
    %convert_element_type3A_60 = arith.extui %and3A_59 : i1 to i32
    %cond3A_61 = arith.constant 0 : i32
    %cond3A_62 = arith.cmpi ne, %convert_element_type3A_60, %cond3A_61 : i32
    scf.if %cond3A_62 {
      %dma_start3A = arith.constant 0 : i32
      %dma_start3A_133 = tpu.memref_slice %arg10[%add3A_54, %dma_start3A] : memref<26x64xi32, #tpu.memory_space<vmem>> -> memref<1x64xi32, #tpu.memory_space<vmem>>
      %dma_start3A_134 = tpu.memref_squeeze %dma_start3A_133 : memref<1x64xi32, #tpu.memory_space<vmem>> -> memref<64xi32, #tpu.memory_space<vmem>>
      %dma_start3A_135 = arith.constant 0 : i32
      %dma_start3A_136 = arith.constant 0 : i32
      %dma_start3A_137 = tpu.memref_slice %arg4[%dma_start3A_135, %dma_start3A_136] : memref<32768x1024xf32, #tpu.memory_space<hbm>> -> memref<32768x1024xf32, #tpu.memory_space<hbm>>
      tpu.enqueue_indirect_dma source(%arg11 : memref<64x1024xf32, #tpu.memory_space<vmem>>) target(%dma_start3A_137 : memref<32768x1024xf32, #tpu.memory_space<hbm>>) offsets(%dma_start3A_134 : memref<64xi32, #tpu.memory_space<vmem>>) semaphore(%arg13 : memref<!tpu.dma_semaphore, #tpu.memory_space<semaphore_mem>>)
    } else {
    }
    %add3A_63 = arith.constant 8 : i32
    %add3A_64 = arith.addi %add3A_63, %select_n3A_30 : i32
    %lt3A_65 = arith.constant 26 : i32
    %lt3A_66 = arith.cmpi slt, %add3A_64, %lt3A_65 : i32
    %lt3A_67 = arith.constant 4 : i32
    %lt3A_68 = arith.cmpi slt, %select_n3A, %lt3A_67 : i32
    %and3A_69 = arith.andi %lt3A_66, %lt3A_68 : i1
    %convert_element_type3A_70 = arith.extui %and3A_69 : i1 to i32
    %cond3A_71 = arith.constant 0 : i32
    %cond3A_72 = arith.cmpi ne, %convert_element_type3A_70, %cond3A_71 : i32
    scf.if %cond3A_72 {
      %dma_start3A = arith.constant 0 : i32
      %dma_start3A_133 = tpu.memref_slice %arg10[%add3A_64, %dma_start3A] : memref<26x64xi32, #tpu.memory_space<vmem>> -> memref<1x64xi32, #tpu.memory_space<vmem>>
      %dma_start3A_134 = tpu.memref_squeeze %dma_start3A_133 : memref<1x64xi32, #tpu.memory_space<vmem>> -> memref<64xi32, #tpu.memory_space<vmem>>
      %dma_start3A_135 = arith.constant 0 : i32
      %dma_start3A_136 = arith.constant 0 : i32
      %dma_start3A_137 = tpu.memref_slice %arg4[%dma_start3A_135, %dma_start3A_136] : memref<32768x1024xf32, #tpu.memory_space<hbm>> -> memref<32768x1024xf32, #tpu.memory_space<hbm>>
      tpu.enqueue_indirect_dma source(%arg11 : memref<64x1024xf32, #tpu.memory_space<vmem>>) target(%dma_start3A_137 : memref<32768x1024xf32, #tpu.memory_space<hbm>>) offsets(%dma_start3A_134 : memref<64xi32, #tpu.memory_space<vmem>>) semaphore(%arg13 : memref<!tpu.dma_semaphore, #tpu.memory_space<semaphore_mem>>)
    } else {
    }
    %add3A_73 = arith.constant 16 : i32
    %add3A_74 = arith.addi %add3A_73, %select_n3A_30 : i32
    %lt3A_75 = arith.constant 26 : i32
    %lt3A_76 = arith.cmpi slt, %add3A_74, %lt3A_75 : i32
    %lt3A_77 = arith.constant 4 : i32
    %lt3A_78 = arith.cmpi slt, %select_n3A, %lt3A_77 : i32
    %and3A_79 = arith.andi %lt3A_76, %lt3A_78 : i1
    %convert_element_type3A_80 = arith.extui %and3A_79 : i1 to i32
    %cond3A_81 = arith.constant 0 : i32
    %cond3A_82 = arith.cmpi ne, %convert_element_type3A_80, %cond3A_81 : i32
    scf.if %cond3A_82 {
      %dma_start3A = arith.constant 0 : i32
      %dma_start3A_133 = tpu.memref_slice %arg10[%add3A_74, %dma_start3A] : memref<26x64xi32, #tpu.memory_space<vmem>> -> memref<1x64xi32, #tpu.memory_space<vmem>>
      %dma_start3A_134 = tpu.memref_squeeze %dma_start3A_133 : memref<1x64xi32, #tpu.memory_space<vmem>> -> memref<64xi32, #tpu.memory_space<vmem>>
      %dma_start3A_135 = arith.constant 0 : i32
      %dma_start3A_136 = arith.constant 0 : i32
      %dma_start3A_137 = tpu.memref_slice %arg4[%dma_start3A_135, %dma_start3A_136] : memref<32768x1024xf32, #tpu.memory_space<hbm>> -> memref<32768x1024xf32, #tpu.memory_space<hbm>>
      tpu.enqueue_indirect_dma source(%arg11 : memref<64x1024xf32, #tpu.memory_space<vmem>>) target(%dma_start3A_137 : memref<32768x1024xf32, #tpu.memory_space<hbm>>) offsets(%dma_start3A_134 : memref<64xi32, #tpu.memory_space<vmem>>) semaphore(%arg13 : memref<!tpu.dma_semaphore, #tpu.memory_space<semaphore_mem>>)
    } else {
    }
    %add3A_83 = arith.constant 24 : i32
    %add3A_84 = arith.addi %add3A_83, %select_n3A_30 : i32
    %lt3A_85 = arith.constant 26 : i32
    %lt3A_86 = arith.cmpi slt, %add3A_84, %lt3A_85 : i32
    %lt3A_87 = arith.constant 4 : i32
    %lt3A_88 = arith.cmpi slt, %select_n3A, %lt3A_87 : i32
    %and3A_89 = arith.andi %lt3A_86, %lt3A_88 : i1
    %convert_element_type3A_90 = arith.extui %and3A_89 : i1 to i32
    %cond3A_91 = arith.constant 0 : i32
    %cond3A_92 = arith.cmpi ne, %convert_element_type3A_90, %cond3A_91 : i32
    scf.if %cond3A_92 {
      %dma_start3A = arith.constant 0 : i32
      %dma_start3A_133 = tpu.memref_slice %arg10[%add3A_84, %dma_start3A] : memref<26x64xi32, #tpu.memory_space<vmem>> -> memref<1x64xi32, #tpu.memory_space<vmem>>
      %dma_start3A_134 = tpu.memref_squeeze %dma_start3A_133 : memref<1x64xi32, #tpu.memory_space<vmem>> -> memref<64xi32, #tpu.memory_space<vmem>>
      %dma_start3A_135 = arith.constant 0 : i32
      %dma_start3A_136 = arith.constant 0 : i32
      %dma_start3A_137 = tpu.memref_slice %arg4[%dma_start3A_135, %dma_start3A_136] : memref<32768x1024xf32, #tpu.memory_space<hbm>> -> memref<32768x1024xf32, #tpu.memory_space<hbm>>
      tpu.enqueue_indirect_dma source(%arg11 : memref<64x1024xf32, #tpu.memory_space<vmem>>) target(%dma_start3A_137 : memref<32768x1024xf32, #tpu.memory_space<hbm>>) offsets(%dma_start3A_134 : memref<64xi32, #tpu.memory_space<vmem>>) semaphore(%arg13 : memref<!tpu.dma_semaphore, #tpu.memory_space<semaphore_mem>>)
    } else {
    }
    %add3A_93 = arith.constant 0 : i32
    %add3A_94 = arith.addi %add3A_93, %select_n3A_30 : i32
    %lt3A_95 = arith.constant 26 : i32
    %lt3A_96 = arith.cmpi slt, %add3A_94, %lt3A_95 : i32
    %lt3A_97 = arith.constant 4 : i32
    %lt3A_98 = arith.cmpi slt, %select_n3A, %lt3A_97 : i32
    %and3A_99 = arith.andi %lt3A_96, %lt3A_98 : i1
    %convert_element_type3A_100 = arith.extui %and3A_99 : i1 to i32
    %cond3A_101 = arith.constant 0 : i32
    %cond3A_102 = arith.cmpi ne, %convert_element_type3A_100, %cond3A_101 : i32
    scf.if %cond3A_102 {
      %dma_wait3A = arith.constant 0 : i32
      %dma_wait3A_133 = tpu.memref_slice %arg10[%add3A_94, %dma_wait3A] : memref<26x64xi32, #tpu.memory_space<vmem>> -> memref<1x64xi32, #tpu.memory_space<vmem>>
      %dma_wait3A_134 = tpu.memref_squeeze %dma_wait3A_133 : memref<1x64xi32, #tpu.memory_space<vmem>> -> memref<64xi32, #tpu.memory_space<vmem>>
      %dma_wait3A_135 = arith.constant 0 : i32
      %dma_wait3A_136 = arith.constant 0 : i32
      %dma_wait3A_137 = tpu.memref_slice %arg4[%dma_wait3A_135, %dma_wait3A_136] : memref<32768x1024xf32, #tpu.memory_space<hbm>> -> memref<32768x1024xf32, #tpu.memory_space<hbm>>
      tpu.wait_indirect_dma semaphore(%arg13 : memref<!tpu.dma_semaphore, #tpu.memory_space<semaphore_mem>>) src(%arg11 : memref<64x1024xf32, #tpu.memory_space<vmem>>) dst(%dma_wait3A_137 : memref<32768x1024xf32, #tpu.memory_space<hbm>>)
    } else {
    }
    %add3A_103 = arith.constant 8 : i32
    %add3A_104 = arith.addi %add3A_103, %select_n3A_30 : i32
    %lt3A_105 = arith.constant 26 : i32
    %lt3A_106 = arith.cmpi slt, %add3A_104, %lt3A_105 : i32
    %lt3A_107 = arith.constant 4 : i32
    %lt3A_108 = arith.cmpi slt, %select_n3A, %lt3A_107 : i32
    %and3A_109 = arith.andi %lt3A_106, %lt3A_108 : i1
    %convert_element_type3A_110 = arith.extui %and3A_109 : i1 to i32
    %cond3A_111 = arith.constant 0 : i32
    %cond3A_112 = arith.cmpi ne, %convert_element_type3A_110, %cond3A_111 : i32
    scf.if %cond3A_112 {
      %dma_wait3A = arith.constant 0 : i32
      %dma_wait3A_133 = tpu.memref_slice %arg10[%add3A_104, %dma_wait3A] : memref<26x64xi32, #tpu.memory_space<vmem>> -> memref<1x64xi32, #tpu.memory_space<vmem>>
      %dma_wait3A_134 = tpu.memref_squeeze %dma_wait3A_133 : memref<1x64xi32, #tpu.memory_space<vmem>> -> memref<64xi32, #tpu.memory_space<vmem>>
      %dma_wait3A_135 = arith.constant 0 : i32
      %dma_wait3A_136 = arith.constant 0 : i32
      %dma_wait3A_137 = tpu.memref_slice %arg4[%dma_wait3A_135, %dma_wait3A_136] : memref<32768x1024xf32, #tpu.memory_space<hbm>> -> memref<32768x1024xf32, #tpu.memory_space<hbm>>
      tpu.wait_indirect_dma semaphore(%arg13 : memref<!tpu.dma_semaphore, #tpu.memory_space<semaphore_mem>>) src(%arg11 : memref<64x1024xf32, #tpu.memory_space<vmem>>) dst(%dma_wait3A_137 : memref<32768x1024xf32, #tpu.memory_space<hbm>>)
    } else {
    }
    %add3A_113 = arith.constant 16 : i32
    %add3A_114 = arith.addi %add3A_113, %select_n3A_30 : i32
    %lt3A_115 = arith.constant 26 : i32
    %lt3A_116 = arith.cmpi slt, %add3A_114, %lt3A_115 : i32
    %lt3A_117 = arith.constant 4 : i32
    %lt3A_118 = arith.cmpi slt, %select_n3A, %lt3A_117 : i32
    %and3A_119 = arith.andi %lt3A_116, %lt3A_118 : i1
    %convert_element_type3A_120 = arith.extui %and3A_119 : i1 to i32
    %cond3A_121 = arith.constant 0 : i32
    %cond3A_122 = arith.cmpi ne, %convert_element_type3A_120, %cond3A_121 : i32
    scf.if %cond3A_122 {
      %dma_wait3A = arith.constant 0 : i32
      %dma_wait3A_133 = tpu.memref_slice %arg10[%add3A_114, %dma_wait3A] : memref<26x64xi32, #tpu.memory_space<vmem>> -> memref<1x64xi32, #tpu.memory_space<vmem>>
      %dma_wait3A_134 = tpu.memref_squeeze %dma_wait3A_133 : memref<1x64xi32, #tpu.memory_space<vmem>> -> memref<64xi32, #tpu.memory_space<vmem>>
      %dma_wait3A_135 = arith.constant 0 : i32
      %dma_wait3A_136 = arith.constant 0 : i32
      %dma_wait3A_137 = tpu.memref_slice %arg4[%dma_wait3A_135, %dma_wait3A_136] : memref<32768x1024xf32, #tpu.memory_space<hbm>> -> memref<32768x1024xf32, #tpu.memory_space<hbm>>
      tpu.wait_indirect_dma semaphore(%arg13 : memref<!tpu.dma_semaphore, #tpu.memory_space<semaphore_mem>>) src(%arg11 : memref<64x1024xf32, #tpu.memory_space<vmem>>) dst(%dma_wait3A_137 : memref<32768x1024xf32, #tpu.memory_space<hbm>>)
    } else {
    }
    %add3A_123 = arith.constant 24 : i32
    %add3A_124 = arith.addi %add3A_123, %select_n3A_30 : i32
    %lt3A_125 = arith.constant 26 : i32
    %lt3A_126 = arith.cmpi slt, %add3A_124, %lt3A_125 : i32
    %lt3A_127 = arith.constant 4 : i32
    %lt3A_128 = arith.cmpi slt, %select_n3A, %lt3A_127 : i32
    %and3A_129 = arith.andi %lt3A_126, %lt3A_128 : i1
    %convert_element_type3A_130 = arith.extui %and3A_129 : i1 to i32
    %cond3A_131 = arith.constant 0 : i32
    %cond3A_132 = arith.cmpi ne, %convert_element_type3A_130, %cond3A_131 : i32
    scf.if %cond3A_132 {
      %dma_wait3A = arith.constant 0 : i32
      %dma_wait3A_133 = tpu.memref_slice %arg10[%add3A_124, %dma_wait3A] : memref<26x64xi32, #tpu.memory_space<vmem>> -> memref<1x64xi32, #tpu.memory_space<vmem>>
      %dma_wait3A_134 = tpu.memref_squeeze %dma_wait3A_133 : memref<1x64xi32, #tpu.memory_space<vmem>> -> memref<64xi32, #tpu.memory_space<vmem>>
      %dma_wait3A_135 = arith.constant 0 : i32
      %dma_wait3A_136 = arith.constant 0 : i32
      %dma_wait3A_137 = tpu.memref_slice %arg4[%dma_wait3A_135, %dma_wait3A_136] : memref<32768x1024xf32, #tpu.memory_space<hbm>> -> memref<32768x1024xf32, #tpu.memory_space<hbm>>
      tpu.wait_indirect_dma semaphore(%arg13 : memref<!tpu.dma_semaphore, #tpu.memory_space<semaphore_mem>>) src(%arg11 : memref<64x1024xf32, #tpu.memory_space<vmem>>) dst(%dma_wait3A_137 : memref<32768x1024xf32, #tpu.memory_space<hbm>>)
    } else {
    }
    return
  }
}

module attributes {stable_mosaic.version = 14 : i64} {
  func.func @_lnscore_body(%arg0: i32, %arg1: memref<1x512x1024xf32, #tpu.memory_space<vmem>>, %arg2: memref<1024xf32, #tpu.memory_space<vmem>>, %arg3: memref<1024xf32, #tpu.memory_space<vmem>>, %arg4: memref<1x512x1024xf32, #tpu.memory_space<vmem>>, %arg5: memref<1x1x512xi32, #tpu.memory_space<vmem>>) attributes {dimension_semantics = [#tpu.dimension_semantics<arbitrary>], iteration_bounds = array<i64: 64>, scalar_prefetch = 0 : i64, scratch_operands = 0 : i64, tpu.core_type = #tpu.core_type<tc>, window_params = [{transform_indices = @transform_0, window_bounds = array<i64: 1, 512, 1024>}, {pipeline_mode = #tpu.pipeline_mode<synchronous>, transform_indices = @transform_1, window_bounds = array<i64: 1024>}, {pipeline_mode = #tpu.pipeline_mode<synchronous>, transform_indices = @transform_2, window_bounds = array<i64: 1024>}, {transform_indices = @transform_3, window_bounds = array<i64: 1, 512, 1024>}, {transform_indices = @transform_4, window_bounds = array<i64: 1, 1, 512>}]} {
    %get3A = arith.constant 0 : index
    %get3A_0 = arith.constant 0 : index
    %get3A_1 = arith.constant 0 : index
    %get3A_2 = vector.load %arg1[%get3A, %get3A_0, %get3A_1] : memref<1x512x1024xf32, #tpu.memory_space<vmem>>, vector<1x512x1024xf32>
    %get3A_3 = vector.shape_cast %get3A_2 : vector<1x512x1024xf32> to vector<512x1024xf32>
    %mul3A = arith.mulf %get3A_3, %get3A_3 : vector<512x1024xf32>
    %reduce_sum3A = arith.constant dense<0.000000e+00> : vector<512xf32>
    %reduce_sum3A_4 = vector.multi_reduction <add>, %mul3A, %reduce_sum3A [1] : vector<512x1024xf32> to vector<512xf32>
    %sqrt3A = math.sqrt %reduce_sum3A_4 : vector<512xf32>
    %bitcast_convert_type3A = tpu.bitcast %sqrt3A : vector<512xf32> -> vector<512xi32>
    %broadcast_in_dim3A = vector.shape_cast %bitcast_convert_type3A : vector<512xi32> to vector<1x1x512xi32>
    %swap3A = arith.constant 0 : index
    %swap3A_5 = arith.constant 0 : index
    %swap3A_6 = arith.constant 0 : index
    %swap3A_7 = vector.load %arg5[%swap3A, %swap3A_5, %swap3A_6] : memref<1x1x512xi32, #tpu.memory_space<vmem>>, vector<1x1x512xi32>
    tpu.vector_store %arg5[%swap3A, %swap3A_5, %swap3A_6], %broadcast_in_dim3A {strides = array<i32>} : memref<1x1x512xi32, #tpu.memory_space<vmem>>, vector<1x1x512xi32>,
    %reduce_sum3A_8 = arith.constant dense<0.000000e+00> : vector<512xf32>
    %reduce_sum3A_9 = vector.multi_reduction <add>, %get3A_3, %reduce_sum3A_8 [1] : vector<512x1024xf32> to vector<512xf32>
    %broadcast_in_dim3A_10 = vector.shape_cast %reduce_sum3A_9 : vector<512xf32> to vector<512x1xf32>
    %div3A = arith.constant 1.024000e+03 : f32
    %div3A_11 = vector.broadcast %div3A : f32 to vector<512x1xf32>
    %div3A_12 = arith.divf %broadcast_in_dim3A_10, %div3A_11 : vector<512x1xf32>
    %sub3A = vector.broadcast %div3A_12 : vector<512x1xf32> to vector<512x1024xf32>
    %sub3A_13 = arith.subf %get3A_3, %sub3A : vector<512x1024xf32>
    %integer_pow3A = arith.mulf %sub3A_13, %sub3A_13 : vector<512x1024xf32>
    %reduce_sum3A_14 = arith.constant dense<0.000000e+00> : vector<512xf32>
    %reduce_sum3A_15 = vector.multi_reduction <add>, %integer_pow3A, %reduce_sum3A_14 [1] : vector<512x1024xf32> to vector<512xf32>
    %broadcast_in_dim3A_16 = vector.shape_cast %reduce_sum3A_15 : vector<512xf32> to vector<512x1xf32>
    %div3A_17 = arith.constant 1.024000e+03 : f32
    %div3A_18 = vector.broadcast %div3A_17 : f32 to vector<512x1xf32>
    %div3A_19 = arith.divf %broadcast_in_dim3A_16, %div3A_18 : vector<512x1xf32>
    %sub3A_20 = vector.broadcast %div3A_12 : vector<512x1xf32> to vector<512x1024xf32>
    %sub3A_21 = arith.subf %get3A_3, %sub3A_20 : vector<512x1024xf32>
    %add3A = arith.constant 9.99999974E-6 : f32
    %add3A_22 = vector.broadcast %add3A : f32 to vector<512x1xf32>
    %add3A_23 = arith.addf %div3A_19, %add3A_22 : vector<512x1xf32>
    %sqrt3A_24 = math.sqrt %add3A_23 : vector<512x1xf32>
    %div3A_25 = vector.broadcast %sqrt3A_24 : vector<512x1xf32> to vector<512x1024xf32>
    %div3A_26 = arith.divf %sub3A_21, %div3A_25 : vector<512x1024xf32>
    %get3A_27 = arith.constant 0 : index
    %get3A_28 = vector.load %arg2[%get3A_27] : memref<1024xf32, #tpu.memory_space<vmem>>, vector<1024xf32>
    %broadcast_in_dim3A_29 = vector.shape_cast %get3A_28 : vector<1024xf32> to vector<1x1024xf32>
    %mul3A_30 = vector.broadcast %broadcast_in_dim3A_29 : vector<1x1024xf32> to vector<512x1024xf32>
    %mul3A_31 = arith.mulf %div3A_26, %mul3A_30 : vector<512x1024xf32>
    %get3A_32 = arith.constant 0 : index
    %get3A_33 = vector.load %arg3[%get3A_32] : memref<1024xf32, #tpu.memory_space<vmem>>, vector<1024xf32>
    %broadcast_in_dim3A_34 = vector.shape_cast %get3A_33 : vector<1024xf32> to vector<1x1024xf32>
    %add3A_35 = vector.broadcast %broadcast_in_dim3A_34 : vector<1x1024xf32> to vector<512x1024xf32>
    %add3A_36 = arith.addf %mul3A_31, %add3A_35 : vector<512x1024xf32>
    %swap3A_37 = arith.constant 0 : index
    %swap3A_38 = arith.constant 0 : index
    %swap3A_39 = arith.constant 0 : index
    %swap3A_40 = vector.load %arg4[%swap3A_37, %swap3A_38, %swap3A_39] : memref<1x512x1024xf32, #tpu.memory_space<vmem>>, vector<1x512x1024xf32>
    %swap3A_41 = vector.shape_cast %swap3A_40 : vector<1x512x1024xf32> to vector<512x1024xf32>
    %swap3A_42 = vector.shape_cast %add3A_36 : vector<512x1024xf32> to vector<1x512x1024xf32>
    tpu.vector_store %arg4[%swap3A_37, %swap3A_38, %swap3A_39], %swap3A_42 {strides = array<i32>} : memref<1x512x1024xf32, #tpu.memory_space<vmem>>, vector<1x512x1024xf32>,
    return
  }
  func.func @transform_0(%arg0: i32) -> (i32, i32, i32) {
    %c0_i32 = arith.constant 0 : i32
    %c0_i32_0 = arith.constant 0 : i32
    %c0_i32_1 = arith.constant 0 : i32
    return %arg0, %c0_i32, %c0_i32_0 : i32, i32, i32
  }
  func.func @transform_1(%arg0: i32) -> i32 {
    %c0_i32 = arith.constant 0 : i32
    %c0_i32_0 = arith.constant 0 : i32
    return %c0_i32 : i32
  }
  func.func @transform_2(%arg0: i32) -> i32 {
    %c0_i32 = arith.constant 0 : i32
    %c0_i32_0 = arith.constant 0 : i32
    return %c0_i32 : i32
  }
  func.func @transform_3(%arg0: i32) -> (i32, i32, i32) {
    %c0_i32 = arith.constant 0 : i32
    %c0_i32_0 = arith.constant 0 : i32
    %c0_i32_1 = arith.constant 0 : i32
    return %arg0, %c0_i32, %c0_i32_0 : i32, i32, i32
  }
  func.func @transform_4(%arg0: i32) -> (i32, i32, i32) {
    %c0_i32 = arith.constant 0 : i32
    %c0_i32_0 = arith.constant 0 : i32
    %c0_i32_1 = arith.constant 0 : i32
    return %arg0, %c0_i32, %c0_i32_0 : i32, i32, i32
  }
}

</mosaic_0001>

<sc_bundles>
// kernel: kernel.4.cloned.1.call-start
scs
__scs_entry_jumppad:
0x0: {  	(pc) =	sbr.rel $0x88, $3  }
0x1: {  	(tag) =	ssettag $0x0;
	lr =	simm.s32 $0x1  }
0x2: {  	[smem:$0x3F9E] =	sst lr;
	_ =	strace $0xD0000000  }
0x3: {  	_ = 	snop  }
0x4: {  	_ = 	snop  }
0x5: {  	_ = 	snop  }
0x6: {  	_ = 	snop  }
0x7: {  	_ = 	snop  }
__scs_overlays_trampoline_lowered:
0x8: {  	[smem:$0x3FAD] =	sst s0  }
0x9: {  	[smem:$0x3FAE] =	sst s1  }
0xa: {  	[smem:$0x3FAF] =	sst s2  }
0xb: {  	[smem:$0x3FB0] =	sst s3  }
0xc: {  	[smem:$0x3FB1] =	sst s4  }
0xd: {  	[smem:$0x3FB2] =	sst s5  }
0xe: {  	[smem:$0x3FB3] =	sst s6  }
0xf: {  	[smem:$0x3FB4] =	sst s7  }
0x10: {  	[smem:$0x3FB5] =	sst s8  }
0x11: {  	[smem:$0x3FB6] =	sst s9;
	s0 =	simm.s32 @!p0 $0x0  }
0x12: {  	s1 =	sld [smem:$0x3F9C];
	s0 =	simm.s32 @p0 $0x1  }
0x13: {  	[smem:$0x3FB7] =	sst s0;
	s0 =	simm.s32 @!p1 $0x0  }
0x14: {  	s2 =	sld [smem:$0x3F9B];
	s0 =	simm.s32 @p1 $0x1  }
0x15: {  	[smem:$0x3FB8] =	sst s0;
	s0 =	simm.s32 @!p2 $0x0  }
0x16: {  	s3 =	sld [smem:$0x3FDB];
	s0 =	simm.s32 @p2 $0x1  }
0x17: {  	s4 =	simm.s32 $0x1BF5;
	[smem:$0x3FBA] =	sst s0  }
0x18: {  	s0 =	sld [smem:$0x3F9D];
	_ =	swait.ge [sflag:s4], $0x0  }
0x19: {  	s7 =	sld [smem:$0x3F9E]  }
0x1a: {  	s8 =	sadd.s32 $0xFFFFE003, lr  }
0x1b: {  	s9 =	sadd.s32 $0xFFFFFEF7, lr;
	s5 =	simm.s32 $0xFFFFFFFF;
	p2 =	slt.u32 s8, $0xFFFFF086  }
0x1c: {  	p1 =	slt.u32 s9, $0xF7A;
	s5 =	simm.s32 @!p2 $0x0  }
0x1d: {  	s5 =	simm.s32 @p1 $0x1;
	p0 =	seq.s32 s7, s2  }
0x1e: {  	s7 =	smul.u32 @!p0 $0xF7A, s2;
	p2 =	seq.s32 @!p0 s5, $0x0  }
0x1f: {  	s9 =	smul.u32 $0xF7A, s1;
	s8 =	simm.s32 @!p0 $0x1BF5;
	p2 =	por !p2, p0  }
0x20: {  	[sflag:s8] =	ssyncset.s32 @!p0 $0xFFFFF086;
	s6 =	sadd.s32 @!p0 s3, s7;
	s7 =	simm.s32 @!p0 $0x108  }
0x21: {  	s3 =	sadd.s32 s3, s9;
	s6 =	sadd.s32 @!p0 $0x88, s6;
	s7 =	simm.s32 @p2 $0x1082  }
0x22: {  	[simem:s7], [sflag:s8] =	dma.local @!p0 [hbm:s6], $0xF7A  }
0x23: {  	s9 =	sor.u32 $0xD0000000, s2;
	s6 =	simm.s32 $0x108;
	_ =	swait.ge @!p0 [sflag:s8], $0x0  }
0x24: {  	s3 =	sadd.s32 $0x88, s3;
	s6 =	simm.s32 @!p1 $0x1082;
	[sflag:s4] =	ssyncset.s32 $0xFFFFF086  }
0x25: {  	[simem:s6], [sflag:s4] =	dma.local [hbm:s3], $0xF7A  }
0x26: {  	[smem:$0x3F9E] =	sst s1;
	(tag) =	ssettag s2;
	_ =	strace s9  }
0x27: {  	s1 =	sld [smem:$0x3FAE]  }
0x28: {  	s2 =	sld [smem:$0x3FAF]  }
0x29: {  	s4 =	sld [smem:$0x3FB1]  }
0x2a: {  	p0 =	seq.s32 s5, $0x0;
	s5 =	sld [smem:$0x3FB2]  }
0x2b: {  	s6 =	sld [smem:$0x3FB3]  }
0x2c: {  	s7 =	sld [smem:$0x3FB4]  }
0x2d: {  	s3 =	simm.s32 $0x108;
	s8 =	sld [smem:$0x3FB5]  }
0x2e: {  	s3 =	simm.s32 @!p0 $0x1082;
	s9 =	sld [smem:$0x3FB6]  }
0x2f: {  	lr =	sadd.s32 s0, s3;
	s0 =	sld [smem:$0x3FAD]  }
0x30: {  	s3 =	sld [smem:$0x3FB0]  }
0x31: {  	[smem:$0x3FB9] =	sst s10  }
0x32: {  	s10 =	sld [smem:$0x3FB7];
	_ =	sdelay $0x3  }
0x33: {  	p0 =	seq.s32 s10, $0x1;
	s10 =	sld [smem:$0x3FB9];
	_ =	sdelay $0x3  }
0x34: {  	[smem:$0x3FB9] =	sst s10  }
0x35: {  	s10 =	sld [smem:$0x3FB8];
	_ =	sdelay $0x3  }
0x36: {  	p1 =	seq.s32 s10, $0x1;
	s10 =	sld [smem:$0x3FB9];
	_ =	sdelay $0x3  }
0x37: {  	[smem:$0x3FB9] =	sst s10  }
0x38: {  	s10 =	sld [smem:$0x3FBA]  }
0x39: {  	_ = 	snop;
	(pc) =	sbr.ind lr, $3  }
0x3a: {  	_ = 	snop  }
0x3b: {  	_ = 	snop  }
0x3c: {  	p2 =	seq.s32 s10, $0x1;
	s10 =	sld [smem:$0x3FB9]  }
0x3d: {  	_ =	shalt  }
0x3e: {  	_ =	shalt  }
0x3f: {  	_ =	shalt  }
0x40: {  	_ =	shalt  }
0x41: {  	_ =	shalt  }
0x42: {  	_ =	shalt  }
0x43: {  	_ =	shalt  }
0x44: {  	_ =	shalt  }
0x45: {  	_ =	shalt  }
0x46: {  	_ =	shalt  }
0x47: {  	_ =	shalt  }
0x48: {  	_ =	shalt  }
0x49: {  	_ =	shalt  }
0x4a: {  	_ =	shalt  }
0x4b: {  	_ =	shalt  }
0x4c: {  	_ =	shalt  }
0x4d: {  	_ =	shalt  }
0x4e: {  	_ =	shalt  }
0x4f: {  	_ =	shalt  }
0x50: {  	_ =	shalt  }
0x51: {  	_ =	shalt  }
0x52: {  	_ =	shalt  }
0x53: {  	_ =	shalt  }
0x54: {  	_ =	shalt  }
0x55: {  	_ =	shalt  }
0x56: {  	_ =	shalt  }
0x57: {  	_ =	shalt  }
0x58: {  	_ =	shalt  }
0x59: {  	_ =	shalt  }
0x5a: {  	_ =	shalt  }
0x5b: {  	_ =	shalt  }
0x5c: {  	_ =	shalt  }
0x5d: {  	_ =	shalt  }
0x5e: {  	_ =	shalt  }
0x5f: {  	_ =	shalt  }
0x60: {  	_ =	shalt  }
0x61: {  	_ =	shalt  }
0x62: {  	_ =	shalt  }
0x63: {  	_ =	shalt  }
0x64: {  	_ =	shalt  }
0x65: {  	_ =	shalt  }
0x66: {  	_ =	shalt  }
0x67: {  	_ =	shalt  }
0x68: {  	_ =	shalt  }
0x69: {  	_ =	shalt  }
0x6a: {  	_ =	shalt  }
0x6b: {  	_ =	shalt  }
0x6c: {  	_ =	shalt  }
0x6d: {  	_ =	shalt  }
0x6e: {  	_ =	shalt  }
0x6f: {  	_ =	shalt  }
0x70: {  	_ =	shalt  }
0x71: {  	_ =	shalt  }
0x72: {  	_ =	shalt  }
0x73: {  	_ =	shalt  }
0x74: {  	_ =	shalt  }
0x75: {  	_ =	shalt  }
0x76: {  	_ =	shalt  }
0x77: {  	_ =	shalt  }
0x78: {  	_ =	shalt  }
0x79: {  	_ =	shalt  }
0x7a: {  	_ =	shalt  }
0x7b: {  	_ =	shalt  }
0x7c: {  	_ =	shalt  }
0x7d: {  	_ =	shalt  }
0x7e: {  	_ =	shalt  }
0x7f: {  	_ =	shalt  }
0x80: {  	_ =	shalt  }
0x81: {  	_ =	shalt  }
0x82: {  	_ =	shalt  }
0x83: {  	_ =	shalt  }
0x84: {  	_ =	shalt  }
0x85: {  	_ =	shalt  }
0x86: {  	_ =	shalt  }
0x87: {  	_ =	shalt  }
.Lfunc_end0:
.L_simem_size_0:
called_computation_lowered:
.L_overlay_start_0:
0x88: {  	s2 =	sld [smem:$0x3FD9]  }
0x89: {  	s3 =	sld [smem:$0x3FFE];
	_ =	sdelay $0x1  }
0x8a: {  	s1 =	srdreg.scid  }
0x8b: {  	s0 =	sand.u32 $0x1, s1  }
0x8c: {  	s17 =	sshll.u32 s0, $0xA;
	s2 =	sadd.s32 s3, s2  }
0x8d: {  	s2 =	sadd.s32 s2, s17  }
0x8e: {  	[smem:$0x3FC5] =	sst s2  }
0x8f: {  	_ = 	snop  }
0x90: {  	s2 =	sld [smem:$0x3FD0];
	(tm) =	ssettm $0x1  }
0x91: {  	s18 =	sld [smem:$0x3FFB];
	_ =	sdelay $0x3  }
0x92: {  	_ =	strace s18  }
0x93: {  	s3 =	sld [smem:$0x3FFC];
	_ =	sdelay $0x3  }
0x94: {  	_ =	strace s3  }
0x95: {  	s3 =	sld [smem:$0x3FFD];
	_ =	sdelay $0x3  }
0x96: {  	_ =	strace s3  }
0x97: {  	_ =	strace $0x8FFFFFFF  }
0x98: {  	s19 =	sld [smem:$0x3FDB];
	_ =	sdelay $0x1  }
0x99: {  	s4 =	simm.s32 $_scs_section_size  }
0x9a: {  	s5 =	simm.s32 $_size__tile_overlayer_lowered;
	s6 =	simm.s32 $_tile_overlayer_lowered  }
0x9b: {  	s22 =	simm.s32 $0x1BFF;
	s21 =	sshll.u32 s6, $0x1;
	s3 =	sadd.s32 s4, s19  }
0x9c: {  	s7 =	simm.s32 $0x0;
	s20 =	sshll.u32 s5, $0x1;
	s5 =	sadd.s32 s21, s3  }
0x9d: {  	[timem:s7], [sflag:s22] =	dma.local [hbm:s5], s20  }
0x9e: {  	_ =	swait.ge [sflag:s22], s20  }
0x9f: {  	s4 =	ssub.s32 $0x0, s20;
	[sflag:s22] =	ssyncset.done $0x0  }
0xa0: {  	[sflag:s22] =	ssyncadd.s32 s4;
	_ =	sdelay $0x1  }
0xa1: {  	s23 =	simm.s32 $0x1B8B  }
0xa2: {  	_ =	swait.ge [sflag:s23], $0x1  }
0xa3: {  	[sflag:s23] =	ssyncset.done $0x0  }
0xa4: {  	s25 =	simm.s32 $0x1B8E;
	s24 =	sld [smem:$0x3FFE];
	[sflag:s23] =	ssyncadd.s32 $0xFFFFFFFF  }
0xa5: {  	s26 =	simm.s32 $execute0_lowered;
	[smem:$0x3FD2] =	sst s25  }
0xa6: {  	s5 =	sshll.u32 s26, $0x1;
	_ =	strace $0x80000046;
	[dreg:$0x1] =	wrdreg $0xFFFFFFFF  }
0xa7: {  	s28 =	simm.s32 $_size_execute0_lowered;
	s3 =	sadd.s32 s3, s5;
	[dreg:$0x0] =	wrdreg $0x0  }
0xa8: {  	s5 =	sshll.u32 s28, $0x1;
	[dreg:$0x2] =	wrdreg s3  }
0xa9: {  	[dreg:$0x3] =	wrdreg s5  }
0xaa: {  	[dreg:$0x4] =	wrdreg $0xC0  }
0xab: {  	_ =	task [dreg:s7], $0x5FFFF  }
0xac: {  	[dreg:$0x1] =	wrdreg $0xFFFFFFFF  }
0xad: {  	[dreg:$0x0] =	wrdreg $0x60  }
0xae: {  	[dreg:$0x2] =	wrdreg s24  }
0xaf: {  	[dreg:$0x3] =	wrdreg s2  }
0xb0: {  	[dreg:$0x4] =	wrdreg $0x161800  }
0xb1: {  	[dreg:$0x5] =	wrdreg $0x9  }
0xb2: {  	_ =	task.clear_ibuf [dreg:s7], $0x6FFFF;
	_ =	strace $0x90000046  }
0xb3: {  	s29 =	simm.s32 $0x9;
	_ =	strace $0x80000048  }
0xb4: {  	_ =	swait.ge [sflag:s29], $0x1  }
0xb5: {  	[sflag:s29] =	ssyncadd.s32 $0xFFFFFFFF  }
0xb6: {  	_ =	strace $0x90000048  }
0xb7: {  	_ =	sfence  }
0xb8: {  	s30 =	sld [smem:$0x0];
	_ =	sdelay $0x2  }
0xb9: {  	s31 =	sshll.u32 s1, $0xD;
	s1 =	sshrl.u32 s1, $0x2  }
0xba: {  	s3 =	sand.u32 $0x4000, s31;
	s1 =	sadd.s32 s1, s30  }
0xbb: {  	s0 =	sor.u32 s3, s0;
	s1 =	sshll.u32 s1, $0x11  }
0xbc: {  	s0 =	sor.u32 s1, s0  }
0xbd: {  	s0 =	sadd.s32 $0x8F2B, s0  }
0xbe: {  	[sflag:s0] =	ssyncadd.remote.s32 $0x1  }
0xbf: {  	_ =	sfence.sel $0xFFFF  }
0xc0: {  	[dreg:$0x0] =	wrdreg $0xFFFFFFFF;
	(pc) =	sbr.abs _section_cstart, $3  }
0xc1: {  	[dreg:$0x1] =	wrdreg $0xFFFFFFFF  }
0xc2: {  	_ =	task.clear_ibuf [dreg:s7], $0x2FFFF;
	_ =	strace $0x9FFFFFFF  }
0xc3: {  	(tm) =	ssettm $0x7FFFFFFF  }
tec
execute0_lowered:
.L_overlay_start_1:
0x0: {  	(tag) =	ssettag $0x1  }
0x1: {  	s0 =	srdreg.scid  }
0x2: {  	s10 =	stileid.u32;
	s6 =	rddreg [dreg:$0x0];
	s0 =	sand.u32 $0x1, s0  }
0x3: {  	s3 =	simm.s32 $0x1;
	s2 =	rddreg [dreg:$0x1];
	s1 =	sshll.u32 s0, $0x4  }
0x4: {  	s7 =	rddreg [dreg:$0x2];
	s5 =	sand.u32 $0x7, s10;
	s1 =	sor.u32 s10, s1  }
0x5: {  	s19 =	simm.s32 $0x2000;
	p2 =	sne.s32 s5, $0x0;
	p1 =	seq.s32 s1, $0x0  }
0x6: {  	s20 =	simm.s32 $0x3100;
	s9 =	sadd.s32 $0x1600, s6;
	p1 =	por !p2, !p1  }
0x7: {  	s25 =	sadd.s32 $0x100, s2;
	s26 =	sor.u32 $0x18, s10;
	p1 =	por !p1, !p1  }
0x8: {  	s28 =	sadd.s32 $0x200, s2;
	s1 =	sshrl.u32 s1, $0x3;
	s3 =	simm.s32 @!p1 $0x0  }
0x9: {  	s2 =	sadd.s32 $0x300, s2;
	s1 =	ssub.s32 s1, s3;
	s3 =	simm.s32 $0x0  }
0xa: {  	s0 =	ssub.s32 $0x2, s0;
	s24 =	sshll.u32 s5, $0x7;
	[smem:$0x7FF] =	sst s3  }
0xb: {  	s21 =	sshrl.u32 s0, $0x1;
	_ =	strace $0x80000047;
	[dreg:$0xa] =	wrdreg s24  }
0xc: {  	s29 =	sshll.u32 s26, $0x7;
	s0 =	ssub.s32 s0, s21;
	[dreg:$0xb] =	wrdreg s25  }
0xd: {  	s30 =	smax.u32 s0, $0x1;
	s0 =	simm.s32 @!p2 $0x0;
	[dreg:$0xc] =	wrdreg s28  }
0xe: {  	s0 =	simm.s32 @p2 $0x1;
	p1 =	sgt.u32 s26, $0x19;
	[dreg:$0xd] =	wrdreg s2  }
0xf: {  	s13 =	sshll.u32 s1, $0xD;
	s4 =	sshll.u32 s1, $0x7;
	[dreg:$0x7] =	wrdreg s29  }
0x10: {  	s1 =	sshll.u32 s1, $0xC;
	s8 =	sand.u32 $0xFFFF8000, s13;
	[dreg:$0x4] =	wrdreg s9  }
0x11: {  	s4 =	sand.u32 $0x180, s4;
	s1 =	sand.u32 $0x1000, s1;
	[dreg:$0x8] =	wrdreg s30  }
0x12: {  	s31 =	sor.u32 $0x70, s13;
	s13 =	simm.s32 $0x2;
	[smem:$0x7FC] =	sst s0  }
.Ltmp0:
0x13: {  	s0 =	simm.s32 @!p1 $0x0;
	s8 =	sor.u32 s4, s8;
	(pc) =	sbr.rel .LBB2_1-.Ltmp0, $4  }
0x14: {  	v0 =	vlaneseq.u32;
	s23 =	sadd.s32 s1, s7;
	[dreg:$0x9] =	wrdreg s31;
	s8 =	sshrl.u32 s8, $0x3  }
0x15: {  	v4 =	vmul.u32 $0xFFFFFFFF, v0;
	s0 =	simm.s32 @p1 $0x1;
	[dreg:$0x6] =	wrdreg s23;
	s8 =	sadd.s32 s8, s6  }
0x16: {  	v1 =	vimm.s32 $0x0;
	v2 =	vmul.u32 $0x100, v0;
	s4 =	simm.s32 $0x1;
	[smem:$0x7FD] =	sst s0;
	s22 =	sadd.s32 $0x600, s8  }
0x17: {  	v3 =	vimm.s32 $0x1;
	v5 =	vmul.u32 $0x80, v0;
	v4 =	vadd.s32 $0xF, v4;
	s7 =	simm.s32 $0x6180;
	[dreg:$0x5] =	wrdreg s22;
	s22 =	simm.s32 $0x0  }
.LBB2_75:
0x18: {  	_ =	swait.ge [sflag:s17], $0x10000  }
0x19: {  	[sflag:s17] =	ssyncset.done $0x0  }
0x1a: {  	[sflag:s17] =	ssyncadd.s32 $0xFFFF0000  }
0x1b: {  	_ =	swait.ge [sflag:s17], $0x10000  }
0x1c: {  	[sflag:s17] =	ssyncset.done $0x0  }
0x1d: {  	[sflag:s17] =	ssyncadd.s32 $0xFFFF0000  }
0x1e: {  	_ =	swait.ge [sflag:s17], $0x10000  }
0x1f: {  	s22 =	sadd.s32 $0x1, s22;
	s0 =	rddreg [dreg:$0x8]  }
0x20: {  	p0 =	sne.s32 s22, s0  }
.Ltmp1:
0x21: {  	_ = 	snop;
	(pc) =	sbr.rel @!p0 .LBB2_76-.Ltmp1, $3  }
0x22: {  	_ =	sdelay $0x1  }
0x23: {  	[sflag:s17] =	ssyncset.done $0x0  }
0x24: {  	s4 =	simm.s32 $0x1;
	[sflag:s17] =	ssyncadd.s32 $0xFFFF0000  }
.LBB2_1:
.Ltmp2:
0x25: {  	(pc) =	sbr.rel @p2 .LBB2_73-.Ltmp2, $4  }
0x26: {  	_ = 	snop  }
0x27: {  	[dreg:$0xe] =	wrdreg s22  }
0x28: {  	s0 =	rddreg [dreg:$0x4]  }
0x29: {  	[tilespmem:s7], [sflag:$0x1] =	stream.linear.gather [hbm4b:s0+s3], $0x10000, $0x38;
	[tilespmem:$0x16250] =	vst v63  }
0x2a: {  	s0 =	rddreg [dreg:$0x5];
	s1 =	simm.s32 $0x80;
	s5 =	simm.s32 $0x200  }
0x2b: {  	[tilespmem:s3], [sflag:$0x2] =	stream.strided.gather [hbm4b:s0+s1], $0x2000, s5, s1, $0x38;
	[tilespmem:$0x16250] =	vst v63  }
0x2c: {  	_ =	swait.ge [sflag:s13], $0x2000  }
0x2d: {  	[sflag:s13] =	ssyncset.done $0x0  }
0x2e: {  	s1 =	simm.s32 $0x2040;
	[sflag:s13] =	ssyncadd.s32 $0xFFFFE000  }
0x2f: {  	[tilespmem:s1+$0xFFFFFFC0] =	vst v1  }
0x30: {  	[tilespmem:s1+$0x30] =	vst v1  }
0x31: {  	[tilespmem:s1+$0x20] =	vst v1  }
0x32: {  	[tilespmem:s1+$0x10] =	vst v1  }
0x33: {  	[tilespmem:s1+$0x0] =	vst v1  }
0x34: {  	[tilespmem:s1+$0xFFFFFFF0] =	vst v1  }
0x35: {  	s5 =	simm.s32 $0x0;
	[tilespmem:s1+$0xFFFFFFE0] =	vst v1  }
.LBB2_3:
0x36: {  	s5 =	sadd.s32 $0x8, s5;
	[tilespmem:s1+$0xFFFFFFD0] =	vst v1;
	s1 =	sadd.s32 $0x80, s1;
	s0 =	simm.s32 $0x40  }
0x37: {  	[tilespmem:s1+$0xFFFFFFC0] =	vst v1;
	p1 =	slt.u32 s5, $0xF8  }
0x38: {  	[tilespmem:s1+$0x30] =	vst v1  }
.Ltmp3:
0x39: {  	[tilespmem:s1+$0x20] =	vst v1;
	(pc) =	sbr.rel @p1 .LBB2_3-.Ltmp3, $4  }
0x3a: {  	[tilespmem:s1+$0x10] =	vst v1  }
0x3b: {  	[tilespmem:s1+$0x0] =	vst v1  }
0x3c: {  	[tilespmem:s1+$0xFFFFFFF0] =	vst v1  }
0x3d: {  	[tilespmem:s1+$0xFFFFFFE0] =	vst v1  }
0x3e: {  	[tilespmem:s1+$0xFFFFFFD0] =	vst v1  }
0x3f: {  	v6 =	vld [tilespmem:s0+$0x30]  }
0x40: {  	v7 =	vld [tilespmem:s0+$0xFFFFFFD0]  }
0x41: {  	v8 =	vld [tilespmem:s0+$0xFFFFFFE0]  }
0x42: {  	v9 =	vld [tilespmem:s0+$0xFFFFFFF0];
	_ =	sdelay $0x1  }
0x43: {  	v10 =	vld [tilespmem:s0+$0x0];
	v6 =	vshrl.u32 v6, $0x17  }
0x44: {  	v11 =	vld [tilespmem:s0+$0x10];
	v7 =	vshrl.u32 v7, $0x17;
	v6 =	vand.u32 $0xFF, v6  }
0x45: {  	v14 =	vld [tilespmem:s0+$0xFFFFFFC0];
	v8 =	vshrl.u32 v8, $0x17;
	v7 =	vand.u32 $0xFF, v7;
	v13 =	vor.u32 v2, v6  }
0x46: {  	v12 =	vld [tilespmem:s0+$0x20];
	v7 =	vor.u32 v2, v7;
	v6 =	vand.u32 $0xFF, v8;
	v8 =	vshrl.u32 v9, $0x17  }
0x47: {  	v9 =	vor.u32 v2, v6;
	v6 =	vand.u32 $0xFF, v8  }
0x48: {  	v8 =	vshrl.u32 v10, $0x17;
	v10 =	vor.u32 v2, v6;
	_ =	sdelay $0x1  }
0x49: {  	v63 =	vshrl.u32 v14, $0x17;
	v6 =	vand.u32 $0xFF, v8;
	v8 =	vshrl.u32 v11, $0x17;
	[tilespmem:v13+s19+$0x0] =	vst.idx.add.s32.msk $0xffff, v3  }
0x4a: {  	v11 =	vshrl.u32 v12, $0x17;
	v6 =	vor.u32 v2, v6;
	v8 =	vand.u32 $0xFF, v8;
	[tilespmem:v7+s19+$0x0] =	vst.idx.add.s32.msk $0xffff, v3  }
0x4b: {  	s1 =	simm.s32 $0x2810;
	v7 =	vor.u32 v2, v8;
	v8 =	vand.u32 $0xFF, v11;
	v11 =	vand.u32 $0xFF, v63;
	[tilespmem:v9+s19+$0x0] =	vst.idx.add.s32.msk $0xffff, v3  }
0x4c: {  	s5 =	simm.s32 $0x3010;
	s6 =	simm.s32 $0xC0;
	s0 =	simm.s32 $0x0;
	v8 =	vor.u32 v2, v8;
	v9 =	vor.u32 v2, v11;
	[tilespmem:v10+s19+$0x0] =	vst.idx.add.s32.msk $0xffff, v3  }
.LBB2_5:
0x4d: {  	v10 =	vld [tilespmem:s6+$0x30];
	s0 =	sadd.s32 $0x8, s0  }
0x4e: {  	v11 =	vld [tilespmem:s6+$0xFFFFFFD0];
	p1 =	slt.u32 s0, $0x1F8  }
0x4f: {  	v12 =	vld [tilespmem:s6+$0xFFFFFFE0]  }
0x50: {  	v13 =	vld [tilespmem:s6+$0xFFFFFFF0]  }
0x51: {  	v14 =	vld [tilespmem:s6+$0x0]  }
0x52: {  	v15 =	vld [tilespmem:s6+$0x10];
	v10 =	vshrl.u32 v10, $0x17  }
0x53: {  	v11 =	vshrl.u32 v11, $0x17;
	v16 =	vld [tilespmem:s6+$0x20];
	v10 =	vand.u32 $0xFF, v10  }
0x54: {  	v17 =	vld [tilespmem:s6+$0xFFFFFFC0];
	v11 =	vand.u32 $0xFF, v11;
	v12 =	vshrl.u32 v12, $0x17;
	v10 =	vor.u32 v2, v10  }
0x55: {  	v11 =	vor.u32 v2, v11;
	v12 =	vand.u32 $0xFF, v12;
	v13 =	vshrl.u32 v13, $0x17;
	[tilespmem:v9+s19+$0x0] =	vst.idx.add.s32.msk $0xffff, v3  }
0x56: {  	v12 =	vor.u32 v2, v12;
	v9 =	vand.u32 $0xFF, v13;
	v13 =	vshrl.u32 v14, $0x17;
	[tilespmem:v6+s19+$0x0] =	vst.idx.add.s32.msk $0xffff, v3  }
0x57: {  	v14 =	vor.u32 v2, v9;
	v6 =	vand.u32 $0xFF, v13;
	v9 =	vshrl.u32 v15, $0x17;
	[tilespmem:v7+s19+$0x0] =	vst.idx.add.s32.msk $0xffff, v3  }
.Ltmp4:
0x58: {  	s21 =	simm.s32 $0x0;
	v6 =	vor.u32 v2, v6;
	v7 =	vand.u32 $0xFF, v9;
	v9 =	vshrl.u32 v16, $0x17;
	[tilespmem:v8+s19+$0x0] =	vst.idx.add.s32.msk $0xffff, v3;
	(pc) =	sbr.rel @p1 .LBB2_5-.Ltmp4, $4  }
0x59: {  	v8 =	vshrl.u32 v17, $0x17;
	v7 =	vor.u32 v2, v7;
	v9 =	vand.u32 $0xFF, v9;
	[tilespmem:v10+s19+$0x0] =	vst.idx.add.s32.msk $0xffff, v3  }
0x5a: {  	v10 =	vand.u32 $0xFF, v8;
	[tilespmem:v11+s19+$0x0] =	vst.idx.add.s32.msk $0xffff, v3;
	v8 =	vor.u32 v2, v9  }
0x5b: {  	v9 =	vor.u32 v2, v10;
	[tilespmem:v12+s19+$0x0] =	vst.idx.add.s32.msk $0xffff, v3  }
0x5c: {  	s6 =	sadd.s32 $0x80, s6;
	[tilespmem:v14+s19+$0x0] =	vst.idx.add.s32.msk $0xffff, v3  }
0x5d: {  	_ =	sdelay $0x3  }
0x5e: {  	[tilespmem:v9+s19+$0x0] =	vst.idx.add.s32.msk $0xffff, v3  }
0x5f: {  	[tilespmem:v6+s19+$0x0] =	vst.idx.add.s32.msk $0xffff, v3  }
0x60: {  	[tilespmem:v7+s19+$0x0] =	vst.idx.add.s32.msk $0xffff, v3  }
0x61: {  	[tilespmem:v8+s19+$0x0] =	vst.idx.add.s32.msk $0xffff, v3  }
0x62: {  	s0 =	sand.u32 $0xE0, s21;
	v6 =	vld [tilespmem:s1+$0xFFFFF7F0]  }
0x63: {  	v7 =	vld [tilespmem:s0+$0x2100]  }
0x64: {  	v8 =	vld [tilespmem:s0+$0x2200]  }
0x65: {  	v9 =	vld [tilespmem:s0+$0x2300]  }
0x66: {  	v10 =	vld [tilespmem:s0+$0x2400]  }
0x67: {  	v11 =	vld [tilespmem:s0+$0x2500]  }
0x68: {  	v12 =	vld [tilespmem:s0+$0x2600]  }
0x69: {  	v13 =	vld [tilespmem:s0+$0x2700]  }
0x6a: {  	v14 =	vld [tilespmem:s0+$0x2800]  }
0x6b: {  	v15 =	vld [tilespmem:s0+$0x2900]  }
0x6c: {  	v16 =	vld [tilespmem:s0+$0x2A00]  }
0x6d: {  	v17 =	vld [tilespmem:s0+$0x2B00]  }
0x6e: {  	v18 =	vld [tilespmem:s0+$0x2C00]  }
0x6f: {  	v19 =	vld [tilespmem:s0+$0x2D00]  }
0x70: {  	v20 =	vld [tilespmem:s0+$0x2E00]  }
0x71: {  	v21 =	vld [tilespmem:s0+$0x2F00]  }
0x72: {  	v6 =	vadd.s32 v6, v7;
	v7 =	vld [tilespmem:s1+$0xFFFFF800]  }
0x73: {  	v6 =	vadd.s32 v8, v6;
	v8 =	vld [tilespmem:s1+$0xFFFFF900]  }
0x74: {  	v6 =	vadd.s32 v9, v6;
	v9 =	vld [tilespmem:s1+$0xFFFFFA00]  }
0x75: {  	v6 =	vadd.s32 v10, v6;
	v10 =	vld [tilespmem:s1+$0xFFFFFB00]  }
0x76: {  	v6 =	vadd.s32 v11, v6;
	v11 =	vld [tilespmem:s1+$0xFFFFFC00]  }
0x77: {  	v61 =	vld [tilespmem:s1+$0xFFFFFD00];
	v6 =	vadd.s32 v12, v6  }
0x78: {  	v6 =	vadd.s32 v13, v6;
	v7 =	vadd.s32 v7, v8;
	v8 =	vld [tilespmem:s1+$0xFFFFFE00]  }
0x79: {  	v6 =	vadd.s32 v14, v6;
	v7 =	vadd.s32 v9, v7;
	v9 =	vld [tilespmem:s1+$0xFFFFFF00]  }
0x7a: {  	v6 =	vadd.s32 v15, v6;
	v7 =	vadd.s32 v10, v7;
	v10 =	vld [tilespmem:s1+$0x0]  }
0x7b: {  	v6 =	vadd.s32 v16, v6;
	v7 =	vadd.s32 v11, v7;
	v11 =	vld [tilespmem:s1+$0x100]  }
0x7c: {  	v62 =	vld [tilespmem:s1+$0x200];
	v6 =	vadd.s32 v17, v6;
	v7 =	vadd.s32 v61, v7  }
0x7d: {  	v63 =	vadd.s32 v18, v6;
	v7 =	vadd.s32 v8, v7;
	v6 =	vld [tilespmem:s1+$0x300]  }
0x7e: {  	v8 =	vadd.s32 v19, v63;
	v9 =	vadd.s32 v9, v7;
	v7 =	vld [tilespmem:s1+$0x400]  }
0x7f: {  	v13 =	vadd.s32 v20, v8;
	v9 =	vadd.s32 v10, v9;
	v8 =	vld [tilespmem:s1+$0x500]  }
0x80: {  	s7 =	simm.s32 $0x0;
	s6 =	simm.s32 $0xFF;
	v10 =	vadd.s32 v21, v13;
	v11 =	vadd.s32 v11, v9;
	v9 =	vld [tilespmem:s1+$0x600]  }
0x81: {  	s13 =	simm.s32 $0x20;
	s0 =	simm.s32 $0x30F0;
	[tilespmem:s5+$0xFFFFFFF0] =	vst v10;
	v11 =	vadd.s32 v62, v11;
	v10 =	vld [tilespmem:s1+$0x700];
	s1 =	simm.s32 $0x2830  }
.LBB2_7:
0x82: {  	v12 =	vld [tilespmem:s1+$0xFFFFF7F0];
	s14 =	sand.u32 $0xE0, s13;
	s7 =	sadd.s32 $0x2, s7;
	v6 =	vadd.s32 v6, v11  }
0x83: {  	v11 =	vld [tilespmem:s14+$0x2100];
	p2 =	slt.u32 s7, $0xE;
	v6 =	vadd.s32 v7, v6  }
0x84: {  	v7 =	vld [tilespmem:s14+$0x2200];
	v6 =	vadd.s32 v8, v6  }
0x85: {  	v8 =	vld [tilespmem:s14+$0x2300];
	v6 =	vadd.s32 v9, v6  }
0x86: {  	v9 =	vld [tilespmem:s14+$0x2400];
	v6 =	vadd.s32 v10, v6  }
0x87: {  	v10 =	vld [tilespmem:s14+$0x2500];
	[tilespmem:s5+$0x0] =	vst v6  }
0x88: {  	v6 =	vadd.s32 v12, v11;
	v11 =	vld [tilespmem:s14+$0x2600]  }
0x89: {  	v6 =	vadd.s32 v7, v6;
	v7 =	vld [tilespmem:s14+$0x2700]  }
0x8a: {  	v6 =	vadd.s32 v8, v6;
	v8 =	vld [tilespmem:s14+$0x2800]  }
0x8b: {  	v6 =	vadd.s32 v9, v6;
	v9 =	vld [tilespmem:s14+$0x2900]  }
0x8c: {  	v6 =	vadd.s32 v10, v6;
	v10 =	vld [tilespmem:s14+$0x2A00]  }
0x8d: {  	v6 =	vadd.s32 v11, v6;
	v11 =	vld [tilespmem:s14+$0x2B00]  }
0x8e: {  	v6 =	vadd.s32 v7, v6;
	v7 =	vld [tilespmem:s14+$0x2C00]  }
0x8f: {  	v6 =	vadd.s32 v8, v6;
	v8 =	vld [tilespmem:s14+$0x2D00]  }
0x90: {  	v6 =	vadd.s32 v9, v6;
	v9 =	vld [tilespmem:s14+$0x2E00]  }
0x91: {  	v6 =	vadd.s32 v10, v6;
	v10 =	vld [tilespmem:s14+$0x2F00]  }
0x92: {  	v6 =	vadd.s32 v11, v6;
	v11 =	vld [tilespmem:s1+$0xFFFFF800]  }
0x93: {  	v6 =	vadd.s32 v7, v6;
	v7 =	vld [tilespmem:s1+$0xFFFFF900]  }
0x94: {  	v6 =	vadd.s32 v8, v6;
	v8 =	vld [tilespmem:s1+$0xFFFFFA00]  }
0x95: {  	v6 =	vadd.s32 v9, v6;
	v9 =	vld [tilespmem:s1+$0xFFFFFB00]  }
0x96: {  	s5 =	sadd.s32 $0x20, s5;
	v6 =	vadd.s32 v10, v6;
	v10 =	vld [tilespmem:s1+$0xFFFFFC00]  }
0x97: {  	[tilespmem:s5+$0xFFFFFFF0] =	vst v6;
	v6 =	vld [tilespmem:s1+$0xFFFFFD00]  }
0x98: {  	v7 =	vadd.s32 v11, v7;
	v11 =	vld [tilespmem:s1+$0xFFFFFE00]  }
0x99: {  	v7 =	vadd.s32 v8, v7;
	v8 =	vld [tilespmem:s1+$0xFFFFFF00]  }
0x9a: {  	v7 =	vadd.s32 v9, v7;
	v9 =	vld [tilespmem:s1+$0x0]  }
0x9b: {  	v7 =	vadd.s32 v10, v7;
	v10 =	vld [tilespmem:s1+$0x100]  }
0x9c: {  	v6 =	vadd.s32 v6, v7;
	v12 =	vld [tilespmem:s1+$0x200]  }
.Ltmp5:
0x9d: {  	v7 =	vadd.s32 v11, v6;
	v6 =	vld [tilespmem:s1+$0x300];
	(pc) =	sbr.rel @p2 .LBB2_7-.Ltmp5, $4  }
0x9e: {  	v8 =	vadd.s32 v8, v7;
	v7 =	vld [tilespmem:s1+$0x400]  }
0x9f: {  	v9 =	vadd.s32 v9, v8;
	v8 =	vld [tilespmem:s1+$0x500]  }
0xa0: {  	v10 =	vadd.s32 v10, v9;
	v9 =	vld [tilespmem:s1+$0x600]  }
0xa1: {  	s13 =	sadd.s32 $0x20, s13;
	v11 =	vadd.s32 v12, v10;
	v10 =	vld [tilespmem:s1+$0x700];
	s1 =	sadd.s32 $0x20, s1  }
0xa2: {  	v6 =	vadd.s32 v6, v11  }
0xa3: {  	v6 =	vadd.s32 v7, v6  }
0xa4: {  	v6 =	vadd.s32 v8, v6  }
0xa5: {  	v6 =	vadd.s32 v9, v6  }
0xa6: {  	v6 =	vadd.s32 v10, v6  }
0xa7: {  	[tilespmem:s5+$0x0] =	vst v6  }
0xa8: {  	p1 =	por $0x0, $0x0;
	v10 =	vld [tilespmem:s0+$0x0]  }
.Ltmp6:
0xa9: {  	_ = 	snop;
	(pc) =	sbr.rel @p1 .LBB2_9-.Ltmp6, $3  }
0xaa: {  	_ =	sdelay $0x1  }
0xab: {  	s13 =	simm.s32 $0xEF;
	p2 =	por $0x0, $0x0;
	p3 =	por $0x0, $0x0  }
0xac: {  	p4 =	por $0x0, $0x0;
	p5 =	por $0x0, $0x0;
	p0 =	por $0x0, $0x0;
	(xrf0) =	vadd.scan.msk.s32 $0xffff, v10  }
0xad: {  	s0 =	simm.s32 $0x30E0  }
0xae: {  	p1 =	por $0x0, $0x0;
	v7 =	vld [tilespmem:s0+$0x0]  }
.Ltmp7:
0xaf: {  	_ = 	snop;
	(pc) =	sbr.rel @p1 .LBB2_11-.Ltmp7, $3  }
0xb0: {  	v11 =	vperm.xlane v10, v4;
	_ =	sdelay $0x1  }
0xb1: {  	(xrf0) =	vadd.scan.msk.s32 $0xffff, v11;
	v6, _, _ =	vpop (xrf0)  }
0xb2: {  	s7 =	simm.s32 $0xDF;
	p2 =	por $0x1, $0x1;
	(v2sf) =	vpush v6, $0xF;
	(xrf0) =	vadd.scan.msk.s32 $0xffff, v7  }
0xb3: {  	_ =	sdelay $0x2  }
0xb4: {  	s0 =	simm.s32 $0x30D0  }
0xb5: {  	p1 =	por $0x0, $0x0;
	v10 =	vld [tilespmem:s0+$0x0];
	v8, _, _ =	vpop (xrf0)  }
.Ltmp8:
0xb6: {  	v6 =	vsub.s32 v8, v11;
	v11 =	vperm.xlane v7, v4;
	v7 =	vadd.s32 s21, v8;
	(pc) =	sbr.rel @p1 .LBB2_13-.Ltmp8, $4  }
0xb7: {  	v6 =	vadd.s32 s21, v6  }
0xb8: {  	vm0 =	vgt.s32 v7, $0x1998;
	vm1 =	vlt.s32 v6, $0x1999  }
0xb9: {  	(xrf0) =	vadd.scan.msk.s32 $0xffff, v11;
	v7, _, _ =	vpop (xrf0);
	vm1 =	vmand vm0, vm1  }
0xba: {  	s5 =	simm.s32 $0xCF;
	p3 =	por $0x1, $0x1;
	(xrf0) =	vadd.scan.msk.s32 $0xffff, v10;
	(v2sf) =	vpush v7, $0xF;
	v12 =	vsel vm1, $0x1, v1;
	v13 =	vnsel vm1, $0x0, v0  }
0xbb: {  	_ =	sdelay $0x2  }
0xbc: {  	(xrf0) =	vadd.scan.msk.s32 $0xffff, v12  }
0xbd: {  	(xrf0) =	vadd.scan.msk.s32 $0xffff, v13;
	s31 =	spop (v2sf)  }
0xbe: {  	s0 =	simm.s32 $0x30C0;
	v8, _, _ =	vpop (xrf0);
	s22 =	sadd.s32 $0x0, s31  }
0xbf: {  	v9 =	vnsel vm1, $0x0, v6;
	p1 =	por $0x0, $0x0;
	v7 =	vld [tilespmem:s0+$0x0];
	v6 =	vsub.s32 v8, v11;
	v8 =	vadd.s32 s22, v8  }
.Ltmp9:
0xc0: {  	_ = 	snop;
	(pc) =	sbr.rel @p1 .LBB2_15-.Ltmp9, $4  }
0xc1: {  	v11 =	vperm.xlane v10, v4;
	v10, _, _ =	vpop (xrf0);
	v6 =	vadd.s32 s22, v6  }
0xc2: {  	(xrf0) =	vadd.scan.msk.s32 $0xffff, v9;
	(v2sf) =	vpush v10, $0xF;
	vm0 =	vgt.s32 v8, $0x1998;
	vm1 =	vlt.s32 v6, $0x1999;
	v8, _, _ =	vpop (xrf0)  }
0xc3: {  	(xrf0) =	vadd.scan.msk.s32 $0xffff, v11;
	vm1 =	vmand vm0, vm1;
	(v2sf) =	vpush v8, $0xF;
	v8, _, _ =	vpop (xrf0)  }
0xc4: {  	s14 =	simm.s32 $0xBF;
	p4 =	por $0x1, $0x1;
	(xrf0) =	vadd.scan.msk.s32 $0xffff, v7;
	v12 =	vsel vm1, $0x1, v1;
	v13 =	vnsel vm1, $0x0, v0;
	(v2sf) =	vpush v8, $0xF  }
0xc5: {  	(xrf0) =	vadd.scan.msk.s32 $0xffff, v12  }
0xc6: {  	(xrf0) =	vadd.scan.msk.s32 $0xffff, v13;
	_ =	sdelay $0x1  }
0xc7: {  	v6 =	vnsel vm1, $0x0, v6;
	v8, _, _ =	vpop (xrf0)  }
0xc8: {  	v9, _, _ =	vpop (xrf0)  }
0xc9: {  	s31 =	spop (v2sf);
	(v2sf) =	vpush v8, $0xF;
	v63, _, _ =	vpop (xrf0)  }
0xca: {  	(xrf0) =	vadd.scan.msk.s32 $0xffff, v6;
	(v2sf) =	vpush v63, $0xF;
	v6, _, _ =	vpop (xrf0)  }
0xcb: {  	(v2sf) =	vpush v6, $0xF;
	v6, _, _ =	vpop (xrf0)  }
0xcc: {  	(v2sf) =	vpush v6, $0xF;
	_ =	sdelay $0x2  }
0xcd: {  	s0 =	simm.s32 $0x30B0  }
0xce: {  	p1 =	por $0x0, $0x0;
	v10 =	vld [tilespmem:s0+$0x0]  }
.Ltmp10:
0xcf: {  	s22 =	sadd.s32 s22, s31;
	v8 =	vsub.s32 v9, v11;
	(pc) =	sbr.rel @p1 .LBB2_17-.Ltmp10, $4  }
0xd0: {  	v11 =	vperm.xlane v7, v4;
	v7 =	vadd.s32 s22, v8;
	v8 =	vadd.s32 s22, v9  }
0xd1: {  	vm0 =	vgt.s32 v8, $0x1998;
	vm1 =	vlt.s32 v7, $0x1999  }
0xd2: {  	(xrf0) =	vadd.scan.msk.s32 $0xffff, v11;
	vm0 =	vmand vm0, vm1  }
0xd3: {  	s1 =	simm.s32 $0xAF;
	p5 =	por $0x1, $0x1;
	(xrf0) =	vadd.scan.msk.s32 $0xffff, v10;
	v8 =	vsel vm0, $0x1, v1;
	v9 =	vnsel vm0, $0x0, v0  }
0xd4: {  	(xrf0) =	vadd.scan.msk.s32 $0xffff, v8  }
0xd5: {  	(xrf0) =	vadd.scan.msk.s32 $0xffff, v9;
	_ =	sdelay $0x1  }
0xd6: {  	v6, _, _ =	vpop (xrf0)  }
0xd7: {  	v12, _, _ =	vpop (xrf0)  }
0xd8: {  	(v2sf) =	vpush v6, $0xF;
	v6 =	vsub.s32 v12, v11;
	v11 =	vperm.xlane v10, v4;
	v10, _, _ =	vpop (xrf0)  }
0xd9: {  	(v2sf) =	vpush v10, $0xF;
	v10, _, _ =	vpop (xrf0)  }
0xda: {  	(v2sf) =	vpush v10, $0xF;
	v10, _, _ =	vpop (xrf0)  }
0xdb: {  	s16 =	spop (v2sf);
	s0 =	simm.s32 $0x30A0;
	p1 =	por $0x0, $0x0;
	v13 =	vnsel vm0, $0x0, v7;
	(v2sf) =	vpush v10, $0xF  }
0xdc: {  	p0 =	por $0x1, $0x1;
	s26 =	simm.s32 $0x9F;
	s25 =	simm.s32 $0x0;
	v14 =	vld [tilespmem:s0+$0x0];
	(xrf0) =	vadd.scan.msk.s32 $0xffff, v13  }
.Ltmp11:
0xdd: {  	s23 =	spop (v2sf);
	s22 =	sadd.s32 s22, s16;
	(pc) =	sbr.rel @p1 .LBB2_19-.Ltmp11, $4  }
0xde: {  	s24 =	simm.s32 $0x0;
	s29 =	simm.s32 $0x0;
	p6 =	sgt.s32 s23, $0x0;
	v12 =	vadd.s32 s22, v12;
	v6 =	vadd.s32 s22, v6  }
0xdf: {  	s30 =	simm.s32 $0xDF;
	s31 =	spop (v2sf);
	p0 =	por !p0, !p6;
	vm1 =	vgt.s32 v12, $0x1998;
	vm2 =	vlt.s32 v6, $0x1999;
	(xrf0) =	vadd.scan.msk.s32 $0xffff, v11  }
0xe0: {  	s16 =	ssub.s32 $0xFF, s31;
	s28 =	spop (v2sf);
	p6 =	por !p0, !p0;
	vm1 =	vmand vm1, vm2  }
0xe1: {  	s25 =	smov.u32 @p6 s16;
	s24 =	smov.u32 @p6 s28;
	s28 =	simm.s32 $0xEF;
	(xrf0) =	vadd.scan.msk.s32 $0xffff, v14;
	v12 =	vsel vm1, $0x1, v1;
	v13 =	vnsel vm1, $0x0, v0  }
.LBB2_20:
0xe2: {  	p1 =	seq.s32 s26, $0xF;
	(xrf0) =	vadd.scan.msk.s32 $0xffff, v12;
	v10, _, _ =	vpop (xrf0);
	s16 =	smov.u32 s5;
	s5 =	smov.u32 s14  }
0xe3: {  	s14 =	smov.u32 s1;
	s1 =	smov.u32 s26;
	(xrf0) =	vadd.scan.msk.s32 $0xffff, v13;
	(v2sf) =	vpush v10, $0xF  }
0xe4: {  	s0 =	sadd.s32 $0xFFFFFFF0, s0;
	v6 =	vnsel vm1, $0x0, v6  }
0xe5: {  	s29 =	sor.u32 s29, s23;
	v10 =	vld [tilespmem:s0+$0x0];
	v12, _, _ =	vpop (xrf0);
	(xrf0) =	vadd.scan.msk.s32 $0xffff, v6;
	s31 =	spop (v2sf)  }
.Ltmp12:
0xe6: {  	v6 =	vsub.s32 v12, v11;
	v11 =	vperm.xlane v14, v4;
	s22 =	sadd.s32 s22, s31;
	s23 =	spop (v2sf);
	(pc) =	sbr.rel @!p1 .LBB2_20-.Ltmp12, $4  }
0xe7: {  	p6 =	seq.s32 s29, $0x0;
	v13, _, _ =	vpop (xrf0);
	v6 =	vadd.s32 s22, v6;
	v15 =	vadd.s32 s22, v12;
	p0 =	sgt.s32 s23, $0x0;
	s31 =	spop (v2sf)  }
0xe8: {  	(xrf0) =	vadd.scan.msk.s32 $0xffff, v11;
	(v2sf) =	vpush v13, $0xF;
	vm1 =	vgt.s32 v15, $0x1998;
	vm2 =	vlt.s32 v6, $0x1999;
	v12, _, _ =	vpop (xrf0);
	p0 =	por !p6, !p0;
	s31 =	ssub.s32 s28, s31;
	s28 =	smov.u32 s30  }
0xe9: {  	s30 =	smov.u32 s16;
	vm1 =	vmand vm1, vm2;
	(v2sf) =	vpush v12, $0xF;
	v14, _, _ =	vpop (xrf0);
	p0 =	por !p0, !p0;
	s12 =	spop (v2sf)  }
0xea: {  	s26 =	sadd.s32 $0xFFFFFFF0, s26;
	(xrf0) =	vadd.scan.msk.s32 $0xffff, v10;
	v12 =	vsel vm1, $0x1, v1;
	v13 =	vnsel vm1, $0x0, v0;
	(v2sf) =	vpush v14, $0xF;
	s25 =	smov.u32 @p0 s31;
	s24 =	smov.u32 @p0 s12;
	v14 =	vmovc v10  }
0xeb: {  	s26 =	smov.u32 s5;
	s5 =	smov.u32 s1;
	v10 =	vmov v14;
	p0 =	por $0x1, $0x1  }
.LBB2_22:
0xec: {  	_ = 	snop  }
0xed: {  	(xrf0) =	vadd.scan.msk.s32 @p3 $0xffff, v12;
	v12, _, _ =	vpop @p4 (xrf0);
	s0 =	spop @p3 (v2sf)  }
0xee: {  	v6 =	vnsel @p3 vm1, $0x0, v6;
	s1 =	simm.s32 $0x0;
	(xrf0) =	vadd.scan.msk.s32 @p3 $0xffff, v13;
	s0 =	sadd.s32 @p3 s22, s0;
	v13, _, _ =	vpop @p2 (xrf0)  }
0xef: {  	(xrf0) =	vadd.scan.msk.s32 @p3 $0xffff, v6;
	s1 =	smov.u32 @p3 s0;
	v6 =	vsub.s32 @p2 v13, v11  }
0xf0: {  	v10 =	vperm.xlane v10, v4;
	v11 =	vadd.s32 @p2 s1, v13;
	v6 =	vadd.s32 @p2 s1, v6  }
0xf1: {  	vm1 =	vgt.s32 @p2 v11, $0x1998;
	vm2 =	vlt.s32 @p2 v6, $0x1999  }
0xf2: {  	(v2sf) =	vpush @p4 v12, $0xF;
	(xrf0) =	vadd.scan.msk.s32 $0xffff, v10;
	vm1 =	vmand @p2 vm1, vm2  }
0xf3: {  	v12 =	vsel @p2 vm1, $0x1, v1  }
0xf4: {  	s12 =	simm.s32 $0x0;
	s16 =	spop @p5 (v2sf);
	s0 =	sor.u32 @p0 s29, s23;
	v60, _, _ =	vpop (xrf0);
	v8 =	vpsel p2, v12, v8  }
0xf5: {  	s12 =	smov.u32 @p0 s0;
	s0 =	spop @p5 (v2sf);
	(v2sf) =	vpush v60, $0xF;
	v11, _, _ =	vpop @p3 (xrf0)  }
0xf6: {  	s22 =	spop @p5 (v2sf);
	(v2sf) =	vpush @p3 v11, $0xF;
	v11, _, _ =	vpop @p3 (xrf0)  }
0xf7: {  	p0 =	sgt.s32 @p5 s16, $0x0;
	p1 =	seq.s32 @p5 s12, $0x0;
	(xrf0) =	vadd.scan.msk.s32 @p2 $0xffff, v8;
	v8, _, _ =	vpop @p3 (xrf0);
	s23 =	spop @p2 (v2sf)  }
0xf8: {  	p0 =	por @p5 !p1, !p0;
	v6 =	vpsel p2, v6, v7;
	vm0 =	vmmov @p2 vm1;
	v12 =	vnsel @p2 vm1, $0x0, v0;
	v61, _, _ =	vpop (xrf0);
	s1 =	sadd.s32 @p2 s1, s23;
	s23 =	simm.s32 $0x0  }
0xf9: {  	s7 =	smov.u32 @p2 s14;
	p0 =	por @p5 !p0, !p0;
	v6 =	vnsel @p2 vm0, $0x0, v6;
	v9 =	vpsel p2, v12, v9;
	v7 =	vsub.s32 v61, v10;
	s23 =	smov.u32 @p2 s1  }
0xfa: {  	s14 =	smov.u32 s6;
	s0 =	ssub.s32 @p5 s28, s0;
	p1 =	por !p0, !p5;
	(v2sf) =	vpush @p3 v11, $0xF;
	(xrf0) =	vadd.scan.msk.s32 @p2 $0xffff, v9;
	v7 =	vadd.s32 s23, v7;
	v62 =	vadd.s32 s23, v61  }
0xfb: {  	s16 =	smov.u32 @p5 s16;
	s0 =	smov.u32 @p1 s25;
	(v2sf) =	vpush @p3 v8, $0xF;
	s1 =	smov.u32 @p4 s30;
	vm14 =	vgt.s32 v62, $0x1998;
	vm15 =	vlt.s32 v7, $0x1999  }
0xfc: {  	s25 =	smov.u32 @p3 s26;
	s22 =	smov.u32 @p1 s24;
	s14 =	smov.u32 @p4 s1;
	vm0 =	vmand vm14, vm15  }
0xfd: {  	(xrf0) =	vadd.scan.msk.s32 @p2 $0xffff, v6;
	s1 =	sor.u32 @p5 s12, s16;
	s12 =	simm.s32 $0x0;
	s16 =	spop @p4 (v2sf);
	v6, _, _ =	vpop @p2 (xrf0);
	v63 =	vsel vm0, $0x1, v1  }
0xfe: {  	s12 =	smov.u32 @p5 s1;
	s1 =	simm.s32 $0x0;
	p0 =	sgt.s32 @p4 s16, $0x0;
	(v2sf) =	vpush @p2 v6, $0xF;
	(xrf0) =	vadd.scan.msk.s32 $0xffff, v63  }
0xff: {  	p1 =	seq.s32 @p4 s12, $0x0;
	s1 =	smov.u32 @p5 s0;
	s0 =	simm.s32 $0x0;
	v6 =	vnsel vm0, $0x0, v0  }
0x100: {  	p0 =	por @p4 !p1, !p0;
	s0 =	smov.u32 @p5 s22;
	s22 =	spop @p4 (v2sf);
	v8, _, _ =	vpop @p2 (xrf0);
	(xrf0) =	vadd.scan.msk.s32 $0xffff, v6  }
0x101: {  	p0 =	por @p4 !p0, !p0;
	s14 =	ssub.s32 @p4 s14, s22;
	s22 =	spop @p4 (v2sf);
	(v2sf) =	vpush @p2 v8, $0xF;
	v6 =	vnsel vm0, $0x0, v7  }
0x102: {  	s23 =	smov.u32 @p3 s25;
	p0 =	por !p0, !p4  }
0x103: {  	s13 =	smov.u32 @p3 s23;
	v7, _, _ =	vpop @p2 (xrf0);
	s14 =	smov.u32 @p0 s1;
	s22 =	smov.u32 @p0 s0  }
0x104: {  	(xrf0) =	vadd.scan.msk.s32 $0xffff, v6;
	(v2sf) =	vpush @p2 v7, $0xF;
	s0 =	smov.u32 @p2 s7;
	s1 =	smov.u32 @p4 s16;
	s7 =	smov.u32 @p3 s13;
	v6, _, _ =	vpop (xrf0)  }
0x105: {  	s29 =	spop (v2sf);
	s1 =	sor.u32 @p4 s12, s1;
	s12 =	simm.s32 $0x0;
	(v2sf) =	vpush v6, $0xF  }
0x106: {  	s6 =	smov.u32 @p2 s0;
	s13 =	spop @p3 (v2sf);
	s12 =	smov.u32 @p4 s1;
	v6, _, _ =	vpop (xrf0)  }
0x107: {  	s0 =	simm.s32 $0x0;
	p0 =	sgt.s32 @p3 s13, $0x0;
	p1 =	seq.s32 @p3 s12, $0x0;
	(v2sf) =	vpush v6, $0xF  }
0x108: {  	s1 =	simm.s32 $0x0;
	s0 =	smov.u32 @p4 s22;
	p0 =	por @p3 !p1, !p0  }
0x109: {  	s1 =	smov.u32 @p4 s14;
	p0 =	por @p3 !p0, !p0;
	s14 =	spop @p3 (v2sf)  }
0x10a: {  	p0 =	por !p0, !p3;
	s7 =	ssub.s32 @p3 s7, s14;
	s14 =	spop @p3 (v2sf)  }
0x10b: {  	s7 =	smov.u32 @p0 s1;
	s14 =	smov.u32 @p0 s0;
	s0 =	smov.u32 @p3 s13  }
0x10c: {  	s1 =	smov.u32 @p2 s6;
	s6 =	simm.s32 $0x0;
	s0 =	sor.u32 @p3 s12, s0  }
0x10d: {  	s6 =	smov.u32 @p3 s0;
	s12 =	spop @p2 (v2sf)  }
0x10e: {  	v6, _, _ =	vpop (xrf0);
	p1 =	seq.s32 @p2 s6, $0x0;
	p0 =	sgt.s32 @p2 s12, $0x0  }
0x10f: {  	(v2sf) =	vpush v6, $0xF;
	s1 =	smov.u32 @p2 s1;
	p0 =	por @p2 !p1, !p0  }
0x110: {  	s0 =	simm.s32 $0x0;
	s13 =	spop @p2 (v2sf);
	p0 =	por @p2 !p0, !p0  }
0x111: {  	s0 =	smov.u32 @p3 s7;
	s1 =	ssub.s32 @p2 s1, s13;
	p0 =	por !p0, !p2  }
0x112: {  	s12 =	smov.u32 @p2 s12;
	s1 =	smov.u32 @p0 s0;
	s0 =	simm.s32 $0x0  }
0x113: {  	s13 =	spop @p2 (v2sf);
	s0 =	smov.u32 @p2 s1;
	s1 =	sor.u32 @p2 s6, s12  }
0x114: {  	s7 =	simm.s32 $0x0;
	s21 =	smov.u32 @p2 s1;
	s30 =	spop (v2sf)  }
0x115: {  	s7 =	smov.u32 @p3 s14;
	p6 =	seq.s32 s21, $0x0;
	p5 =	sgt.s32 s30, $0x0  }
0x116: {  	s13 =	smov.u32 @p0 s7;
	s31 =	spop (v2sf);
	p0 =	por !p6, !p5  }
0x117: {  	s1 =	ssub.s32 s5, s31;
	p0 =	por !p0, !p0  }
0x118: {  	s0 =	smov.u32 @p0 s1;
	s1 =	simm.s32 $0x2040  }
0x119: {  	[tilespmem:s1+$0xFFFFFFC0] =	vst v1  }
0x11a: {  	[tilespmem:s1+$0x30] =	vst v1  }
0x11b: {  	[tilespmem:s1+$0x20] =	vst v1  }
0x11c: {  	[tilespmem:s1+$0x10] =	vst v1  }
0x11d: {  	s6 =	simm.s32 $0x0;
	[tilespmem:s1+$0x0] =	vst v1  }
0x11e: {  	s6 =	smov.u32 @p2 s13;
	s5 =	spop (v2sf);
	[tilespmem:s1+$0xFFFFFFF0] =	vst v1  }
0x11f: {  	s6 =	smov.u32 @p0 s5;
	s5 =	simm.s32 $0x0;
	[tilespmem:s1+$0xFFFFFFE0] =	vst v1  }
.LBB2_23:
0x120: {  	s5 =	sadd.s32 $0x8, s5;
	[tilespmem:s1+$0xFFFFFFD0] =	vst v1;
	s1 =	sadd.s32 $0x80, s1  }
0x121: {  	[tilespmem:s1+$0xFFFFFFC0] =	vst v1;
	p0 =	slt.u32 s5, $0xF8  }
0x122: {  	[tilespmem:s1+$0x30] =	vst v1  }
.Ltmp13:
0x123: {  	[tilespmem:s1+$0x20] =	vst v1;
	(pc) =	sbr.rel @p0 .LBB2_23-.Ltmp13, $4  }
0x124: {  	[tilespmem:s1+$0x10] =	vst v1  }
0x125: {  	[tilespmem:s1+$0x0] =	vst v1  }
0x126: {  	[tilespmem:s1+$0xFFFFFFF0] =	vst v1  }
0x127: {  	[tilespmem:s1+$0xFFFFFFE0] =	vst v1  }
0x128: {  	[tilespmem:s1+$0xFFFFFFD0] =	vst v1;
	s31 =	simm.s32 $0x40  }
0x129: {  	v7 =	vld [tilespmem:s31+$0xFFFFFFC0]  }
0x12a: {  	v9 =	vld [tilespmem:s31+$0x30]  }
0x12b: {  	v8 =	vld [tilespmem:s31+$0xFFFFFFF0];
	_ =	sdelay $0x1  }
0x12c: {  	s21 =	sshll.u32 s0, $0x17  }
0x12d: {  	v6 =	vmov s21;
	v13 =	vld [tilespmem:s31+$0xFFFFFFE0];
	v10 =	vand.u32 $0x7F800000, v7;
	v7 =	vshrl.u32 v7, $0xF  }
0x12e: {  	v11 =	vld [tilespmem:s31+$0x0];
	v12 =	vshrl.u32 v9, $0xF;
	vm0 =	veq.s32 v10, v6;
	v7 =	vand.u32 $0xFF, v7  }
0x12f: {  	v10 =	vshrl.u32 v8, $0xF;
	v8 =	vand.u32 $0x7F800000, v8;
	v14 =	vor.u32 v2, v7  }
0x130: {  	v9 =	vand.u32 $0x7F800000, v9;
	v10 =	vand.u32 $0xFF, v10;
	v7 =	vld [tilespmem:s31+$0x20];
	vm1 =	veq.s32 v8, v6  }
0x131: {  	v15 =	vand.u32 $0xFF, v12;
	vm2 =	veq.s32 v9, v6;
	v8 =	vld [tilespmem:s31+$0xFFFFFFD0];
	v10 =	vor.u32 v2, v10  }
0x132: {  	v9 =	vor.u32 v2, v15  }
0x133: {  	v16 =	vshrl.u32 v11, $0xF;
	v12 =	vshrl.u32 v13, $0xF;
	v15 =	vand.u32 $0x7F800000, v11;
	v11 =	vld [tilespmem:s31+$0x10]  }
0x134: {  	s0 =	simm.s32 $0x0;
	s1 =	simm.s32 $0xC0;
	v13 =	vand.u32 $0x7F800000, v13;
	[tilespmem:v14+s19+$0x0] =	vst.idx.add.s32.msk vm0, v3;
	vm0 =	veq.s32 v15, v6;
	v14 =	vand.u32 $0xFF, v16  }
.LBB2_25:
0x135: {  	v15 =	vld [tilespmem:s1+$0xFFFFFFF0];
	s0 =	sadd.s32 $0x8, s0;
	vm5 =	veq.s32 v13, v6;
	v12 =	vand.u32 $0xFF, v12;
	v13 =	vor.u32 v2, v14  }
0x136: {  	v14 =	vand.u32 $0x7F800000, v8;
	p2 =	slt.u32 s0, $0x1F8;
	v12 =	vor.u32 v2, v12;
	[tilespmem:v10+s19+$0x0] =	vst.idx.add.s32.msk vm1, v3;
	v10 =	vand.u32 $0x7F800000, v7  }
0x137: {  	vm4 =	veq.s32 v14, v6;
	v7 =	vshrl.u32 v7, $0xF;
	vm3 =	veq.s32 v10, v6;
	[tilespmem:v9+s19+$0x0] =	vst.idx.add.s32.msk vm2, v3  }
0x138: {  	v8 =	vshrl.u32 v8, $0xF;
	v7 =	vand.u32 $0xFF, v7;
	v9 =	vld [tilespmem:s1+$0xFFFFFFC0];
	v10 =	vshrl.u32 v11, $0xF  }
0x139: {  	v8 =	vand.u32 $0xFF, v8;
	v11 =	vand.u32 $0x7F800000, v11;
	v16 =	vor.u32 v2, v7;
	v14 =	vld [tilespmem:s1+$0x30]  }
0x13a: {  	vm6 =	veq.s32 v11, v6;
	v10 =	vand.u32 $0xFF, v10;
	v17 =	vshrl.u32 v15, $0xF;
	v7 =	vld [tilespmem:s1+$0x20]  }
0x13b: {  	v18 =	vor.u32 v2, v8;
	v19 =	vor.u32 v2, v10;
	v11 =	vld [tilespmem:s1+$0xFFFFFFE0]  }
0x13c: {  	[tilespmem:v12+s19+$0x0] =	vst.idx.add.s32.msk vm5, v3  }
0x13d: {  	v8 =	vand.u32 $0x7F800000, v9;
	v9 =	vshrl.u32 v9, $0xF;
	[tilespmem:v13+s19+$0x0] =	vst.idx.add.s32.msk vm0, v3  }
0x13e: {  	vm0 =	veq.s32 v8, v6;
	v8 =	vand.u32 $0xFF, v9;
	v9 =	vand.u32 $0x7F800000, v15;
	v15 =	vld [tilespmem:s1+$0x0]  }
0x13f: {  	v10 =	vand.u32 $0xFF, v17;
	v12 =	vshrl.u32 v14, $0xF;
	v20 =	vor.u32 v2, v8;
	v8 =	vld [tilespmem:s1+$0xFFFFFFD0]  }
.Ltmp14:
0x140: {  	vm1 =	veq.s32 v9, v6;
	v9 =	vand.u32 $0x7F800000, v14;
	v13 =	vand.u32 $0xFF, v12;
	[tilespmem:v18+s19+$0x0] =	vst.idx.add.s32.msk vm4, v3;
	(pc) =	sbr.rel @p2 .LBB2_25-.Ltmp14, $4  }
0x141: {  	v10 =	vor.u32 v2, v10;
	vm2 =	veq.s32 v9, v6;
	[tilespmem:v16+s19+$0x0] =	vst.idx.add.s32.msk vm3, v3  }
0x142: {  	v12 =	vshrl.u32 v11, $0xF;
	v9 =	vor.u32 v2, v13;
	[tilespmem:v19+s19+$0x0] =	vst.idx.add.s32.msk vm6, v3  }
0x143: {  	v13 =	vand.u32 $0x7F800000, v11;
	v14 =	vand.u32 $0x7F800000, v15;
	v15 =	vshrl.u32 v15, $0xF;
	v11 =	vld [tilespmem:s1+$0x10]  }
0x144: {  	s5 =	simm.s32 $0x3010;
	s7 =	simm.s32 $0x0;
	s1 =	sadd.s32 $0x80, s1;
	[tilespmem:v20+s19+$0x0] =	vst.idx.add.s32.msk vm0, v3;
	vm0 =	veq.s32 v14, v6;
	v14 =	vand.u32 $0xFF, v15  }
0x145: {  	vm3 =	veq.s32 v13, v6;
	v12 =	vand.u32 $0xFF, v12;
	v56 =	vor.u32 v2, v14  }
0x146: {  	v57 =	vand.u32 $0x7F800000, v8;
	v15 =	vand.u32 $0x7F800000, v7;
	v8 =	vshrl.u32 v8, $0xF  }
0x147: {  	v7 =	vshrl.u32 v7, $0xF;
	v12 =	vor.u32 v2, v12;
	vm4 =	veq.s32 v57, v6  }
0x148: {  	vm5 =	veq.s32 v15, v6;
	v8 =	vand.u32 $0xFF, v8;
	v7 =	vand.u32 $0xFF, v7  }
0x149: {  	v8 =	vor.u32 v2, v8;
	v58 =	vshrl.u32 v11, $0xF;
	v11 =	vand.u32 $0x7F800000, v11  }
0x14a: {  	[tilespmem:v10+s19+$0x0] =	vst.idx.add.s32.msk vm1, v3;
	v7 =	vor.u32 v2, v7;
	vm15 =	veq.s32 v11, v6;
	v6 =	vand.u32 $0xFF, v58  }
0x14b: {  	[tilespmem:v9+s19+$0x0] =	vst.idx.add.s32.msk vm2, v3;
	v6 =	vor.u32 v2, v6  }
0x14c: {  	[tilespmem:v56+s19+$0x0] =	vst.idx.add.s32.msk vm0, v3  }
0x14d: {  	[tilespmem:v12+s19+$0x0] =	vst.idx.add.s32.msk vm3, v3  }
0x14e: {  	[tilespmem:v8+s19+$0x0] =	vst.idx.add.s32.msk vm4, v3  }
0x14f: {  	[tilespmem:v7+s19+$0x0] =	vst.idx.add.s32.msk vm5, v3  }
0x150: {  	s1 =	simm.s32 $0x2810;
	[tilespmem:v6+s19+$0x0] =	vst.idx.add.s32.msk vm15, v3  }
0x151: {  	s0 =	sand.u32 $0xE0, s7;
	v6 =	vld [tilespmem:s1+$0xFFFFF7F0]  }
0x152: {  	v7 =	vld [tilespmem:s0+$0x2100]  }
0x153: {  	v8 =	vld [tilespmem:s0+$0x2200]  }
0x154: {  	v9 =	vld [tilespmem:s0+$0x2300]  }
0x155: {  	v10 =	vld [tilespmem:s0+$0x2400]  }
0x156: {  	v11 =	vld [tilespmem:s0+$0x2500]  }
0x157: {  	v12 =	vld [tilespmem:s0+$0x2600]  }
0x158: {  	v13 =	vld [tilespmem:s0+$0x2700]  }
0x159: {  	v59 =	vld [tilespmem:s0+$0x2800]  }
0x15a: {  	v60 =	vld [tilespmem:s0+$0x2900]  }
0x15b: {  	v16 =	vld [tilespmem:s0+$0x2A00]  }
0x15c: {  	v17 =	vld [tilespmem:s0+$0x2B00]  }
0x15d: {  	v18 =	vld [tilespmem:s0+$0x2C00]  }
0x15e: {  	v19 =	vld [tilespmem:s0+$0x2D00]  }
0x15f: {  	v20 =	vld [tilespmem:s0+$0x2E00]  }
0x160: {  	v21 =	vld [tilespmem:s0+$0x2F00]  }
0x161: {  	v6 =	vadd.s32 v6, v7;
	v7 =	vld [tilespmem:s1+$0xFFFFF800]  }
0x162: {  	v6 =	vadd.s32 v8, v6;
	v8 =	vld [tilespmem:s1+$0xFFFFF900]  }
0x163: {  	v6 =	vadd.s32 v9, v6;
	v9 =	vld [tilespmem:s1+$0xFFFFFA00]  }
0x164: {  	v6 =	vadd.s32 v10, v6;
	v10 =	vld [tilespmem:s1+$0xFFFFFB00]  }
0x165: {  	v6 =	vadd.s32 v11, v6;
	v11 =	vld [tilespmem:s1+$0xFFFFFC00]  }
0x166: {  	v61 =	vld [tilespmem:s1+$0xFFFFFD00];
	v6 =	vadd.s32 v12, v6  }
0x167: {  	v6 =	vadd.s32 v13, v6;
	v7 =	vadd.s32 v7, v8;
	v8 =	vld [tilespmem:s1+$0xFFFFFE00]  }
0x168: {  	v6 =	vadd.s32 v59, v6;
	v7 =	vadd.s32 v9, v7;
	v9 =	vld [tilespmem:s1+$0xFFFFFF00]  }
0x169: {  	v6 =	vadd.s32 v60, v6;
	v7 =	vadd.s32 v10, v7;
	v10 =	vld [tilespmem:s1+$0x0]  }
0x16a: {  	v6 =	vadd.s32 v16, v6;
	v7 =	vadd.s32 v11, v7;
	v11 =	vld [tilespmem:s1+$0x100]  }
0x16b: {  	v62 =	vld [tilespmem:s1+$0x200];
	v6 =	vadd.s32 v17, v6;
	v7 =	vadd.s32 v61, v7  }
0x16c: {  	v63 =	vadd.s32 v18, v6;
	v7 =	vadd.s32 v8, v7;
	v6 =	vld [tilespmem:s1+$0x300]  }
0x16d: {  	v8 =	vadd.s32 v19, v63;
	v9 =	vadd.s32 v9, v7;
	v7 =	vld [tilespmem:s1+$0x400]  }
0x16e: {  	v13 =	vadd.s32 v20, v8;
	v9 =	vadd.s32 v10, v9;
	v8 =	vld [tilespmem:s1+$0x500]  }
0x16f: {  	v10 =	vadd.s32 v21, v13;
	v11 =	vadd.s32 v11, v9;
	v9 =	vld [tilespmem:s1+$0x600]  }
0x170: {  	s7 =	simm.s32 $0x20;
	s0 =	simm.s32 $0x0;
	[tilespmem:s5+$0xFFFFFFF0] =	vst v10;
	v11 =	vadd.s32 v62, v11;
	v10 =	vld [tilespmem:s1+$0x700];
	s1 =	simm.s32 $0x2830  }
.LBB2_27:
0x171: {  	v12 =	vld [tilespmem:s1+$0xFFFFF7F0];
	s12 =	sand.u32 $0xE0, s7;
	s0 =	sadd.s32 $0x2, s0;
	v6 =	vadd.s32 v6, v11  }
0x172: {  	v11 =	vld [tilespmem:s12+$0x2100];
	p2 =	slt.u32 s0, $0xE;
	v6 =	vadd.s32 v7, v6  }
0x173: {  	v7 =	vld [tilespmem:s12+$0x2200];
	v6 =	vadd.s32 v8, v6  }
0x174: {  	v8 =	vld [tilespmem:s12+$0x2300];
	v6 =	vadd.s32 v9, v6  }
0x175: {  	v9 =	vld [tilespmem:s12+$0x2400];
	v6 =	vadd.s32 v10, v6  }
0x176: {  	v10 =	vld [tilespmem:s12+$0x2500];
	[tilespmem:s5+$0x0] =	vst v6  }
0x177: {  	v6 =	vadd.s32 v12, v11;
	v11 =	vld [tilespmem:s12+$0x2600]  }
0x178: {  	v6 =	vadd.s32 v7, v6;
	v7 =	vld [tilespmem:s12+$0x2700]  }
0x179: {  	v6 =	vadd.s32 v8, v6;
	v8 =	vld [tilespmem:s12+$0x2800]  }
0x17a: {  	v6 =	vadd.s32 v9, v6;
	v9 =	vld [tilespmem:s12+$0x2900]  }
0x17b: {  	v6 =	vadd.s32 v10, v6;
	v10 =	vld [tilespmem:s12+$0x2A00]  }
0x17c: {  	v6 =	vadd.s32 v11, v6;
	v11 =	vld [tilespmem:s12+$0x2B00]  }
0x17d: {  	v6 =	vadd.s32 v7, v6;
	v7 =	vld [tilespmem:s12+$0x2C00]  }
0x17e: {  	v6 =	vadd.s32 v8, v6;
	v8 =	vld [tilespmem:s12+$0x2D00]  }
0x17f: {  	v6 =	vadd.s32 v9, v6;
	v9 =	vld [tilespmem:s12+$0x2E00]  }
0x180: {  	v6 =	vadd.s32 v10, v6;
	v10 =	vld [tilespmem:s12+$0x2F00]  }
0x181: {  	v6 =	vadd.s32 v11, v6;
	v11 =	vld [tilespmem:s1+$0xFFFFF800]  }
0x182: {  	v6 =	vadd.s32 v7, v6;
	v7 =	vld [tilespmem:s1+$0xFFFFF900]  }
0x183: {  	v6 =	vadd.s32 v8, v6;
	v8 =	vld [tilespmem:s1+$0xFFFFFA00]  }
0x184: {  	v6 =	vadd.s32 v9, v6;
	v9 =	vld [tilespmem:s1+$0xFFFFFB00]  }
0x185: {  	s5 =	sadd.s32 $0x20, s5;
	v6 =	vadd.s32 v10, v6;
	v10 =	vld [tilespmem:s1+$0xFFFFFC00]  }
0x186: {  	[tilespmem:s5+$0xFFFFFFF0] =	vst v6;
	v6 =	vld [tilespmem:s1+$0xFFFFFD00]  }
0x187: {  	v7 =	vadd.s32 v11, v7;
	v11 =	vld [tilespmem:s1+$0xFFFFFE00]  }
0x188: {  	v7 =	vadd.s32 v8, v7;
	v8 =	vld [tilespmem:s1+$0xFFFFFF00]  }
0x189: {  	v7 =	vadd.s32 v9, v7;
	v9 =	vld [tilespmem:s1+$0x0]  }
0x18a: {  	v7 =	vadd.s32 v10, v7;
	v10 =	vld [tilespmem:s1+$0x100]  }
0x18b: {  	v6 =	vadd.s32 v6, v7;
	v12 =	vld [tilespmem:s1+$0x200]  }
.Ltmp15:
0x18c: {  	v7 =	vadd.s32 v11, v6;
	v6 =	vld [tilespmem:s1+$0x300];
	(pc) =	sbr.rel @p2 .LBB2_27-.Ltmp15, $4  }
0x18d: {  	v8 =	vadd.s32 v8, v7;
	v7 =	vld [tilespmem:s1+$0x400]  }
0x18e: {  	v9 =	vadd.s32 v9, v8;
	v8 =	vld [tilespmem:s1+$0x500]  }
0x18f: {  	v10 =	vadd.s32 v10, v9;
	v9 =	vld [tilespmem:s1+$0x600]  }
0x190: {  	s7 =	sadd.s32 $0x20, s7;
	v11 =	vadd.s32 v12, v10;
	v10 =	vld [tilespmem:s1+$0x700];
	s1 =	sadd.s32 $0x20, s1  }
0x191: {  	v6 =	vadd.s32 v6, v11  }
0x192: {  	v6 =	vadd.s32 v7, v6  }
0x193: {  	v6 =	vadd.s32 v8, v6  }
0x194: {  	v6 =	vadd.s32 v9, v6  }
0x195: {  	v6 =	vadd.s32 v10, v6  }
0x196: {  	s0 =	simm.s32 $0x30F0;
	[tilespmem:s5+$0x0] =	vst v6  }
0x197: {  	p0 =	por $0x0, $0x0;
	v9 =	vld [tilespmem:s0+$0x0]  }
.Ltmp16:
0x198: {  	_ = 	snop;
	(pc) =	sbr.rel @p0 .LBB2_29-.Ltmp16, $4  }
0x199: {  	_ = 	snop  }
0x19a: {  	s31 =	ssub.s32 $0x1999, s6;
	s7 =	simm.s32 $0xFF;
	s22 =	simm.s32 $0xEF  }
0x19b: {  	p2 =	por $0x0, $0x0;
	p3 =	por $0x0, $0x0;
	p4 =	por $0x0, $0x0  }
0x19c: {  	p5 =	por $0x0, $0x0;
	p1 =	por $0x0, $0x0;
	s5 =	simm.s32 $0x0;
	v6 =	vmov s31;
	(xrf0) =	vadd.scan.msk.s32 $0xffff, v9  }
0x19d: {  	s0 =	simm.s32 $0x30E0  }
0x19e: {  	p0 =	por $0x0, $0x0;
	v8 =	vld [tilespmem:s0+$0x0]  }
.Ltmp17:
0x19f: {  	_ = 	snop;
	(pc) =	sbr.rel @p0 .LBB2_31-.Ltmp17, $3  }
0x1a0: {  	v12 =	vperm.xlane v9, v4;
	_ =	sdelay $0x1  }
0x1a1: {  	(xrf0) =	vadd.scan.msk.s32 $0xffff, v12;
	v7, _, _ =	vpop (xrf0)  }
0x1a2: {  	s14 =	simm.s32 $0xDF;
	p2 =	por $0x1, $0x1;
	(v2sf) =	vpush v7, $0xF;
	(xrf0) =	vadd.scan.msk.s32 $0xffff, v8  }
0x1a3: {  	_ =	sdelay $0x2  }
0x1a4: {  	s0 =	simm.s32 $0x30D0  }
0x1a5: {  	p0 =	por $0x0, $0x0;
	v9 =	vld [tilespmem:s0+$0x0];
	v10, _, _ =	vpop (xrf0)  }
.Ltmp18:
0x1a6: {  	v7 =	vsub.s32 v10, v12;
	v12 =	vperm.xlane v8, v4;
	v8 =	vadd.s32 s5, v10;
	(pc) =	sbr.rel @p0 .LBB2_33-.Ltmp18, $4  }
0x1a7: {  	v7 =	vadd.s32 s5, v7  }
0x1a8: {  	vm0 =	vge.s32 v8, v6;
	vm1 =	vlt.s32 v7, v6  }
0x1a9: {  	(xrf0) =	vadd.scan.msk.s32 $0xffff, v12;
	v8, _, _ =	vpop (xrf0);
	vm1 =	vmand vm0, vm1  }
0x1aa: {  	s29 =	simm.s32 $0xCF;
	p3 =	por $0x1, $0x1;
	(xrf0) =	vadd.scan.msk.s32 $0xffff, v9;
	(v2sf) =	vpush v8, $0xF;
	v13 =	vsel vm1, $0x1, v1;
	v14 =	vnsel vm1, $0x0, v0  }
0x1ab: {  	_ = 	snop  }
0x1ac: {  	(xrf0) =	vadd.scan.msk.s32 $0xffff, v13  }
0x1ad: {  	(xrf0) =	vadd.scan.msk.s32 $0xffff, v14  }
0x1ae: {  	s0 =	simm.s32 $0x30C0  }
0x1af: {  	p0 =	por $0x0, $0x0;
	v8 =	vld [tilespmem:s0+$0x0];
	v10, _, _ =	vpop (xrf0);
	s31 =	spop (v2sf)  }
.Ltmp19:
0x1b0: {  	v11 =	vnsel vm1, $0x0, v7;
	v7 =	vsub.s32 v10, v12;
	s24 =	sadd.s32 $0x0, s31;
	(pc) =	sbr.rel @p0 .LBB2_35-.Ltmp19, $4  }
0x1b1: {  	v12 =	vperm.xlane v9, v4;
	v9, _, _ =	vpop (xrf0);
	v7 =	vadd.s32 s24, v7;
	v10 =	vadd.s32 s24, v10  }
0x1b2: {  	(xrf0) =	vadd.scan.msk.s32 $0xffff, v11;
	(v2sf) =	vpush v9, $0xF;
	v9, _, _ =	vpop (xrf0);
	vm0 =	vge.s32 v10, v6;
	vm1 =	vlt.s32 v7, v6  }
0x1b3: {  	(xrf0) =	vadd.scan.msk.s32 $0xffff, v12;
	(v2sf) =	vpush v9, $0xF;
	v9, _, _ =	vpop (xrf0);
	vm1 =	vmand vm0, vm1  }
0x1b4: {  	s23 =	simm.s32 $0xBF;
	p4 =	por $0x1, $0x1;
	(xrf0) =	vadd.scan.msk.s32 $0xffff, v8;
	(v2sf) =	vpush v9, $0xF;
	v13 =	vsel vm1, $0x1, v1;
	v14 =	vnsel vm1, $0x0, v0  }
0x1b5: {  	(xrf0) =	vadd.scan.msk.s32 $0xffff, v13  }
0x1b6: {  	(xrf0) =	vadd.scan.msk.s32 $0xffff, v14;
	_ =	sdelay $0x1  }
0x1b7: {  	v7 =	vnsel vm1, $0x0, v7;
	v10, _, _ =	vpop (xrf0)  }
0x1b8: {  	v11, _, _ =	vpop (xrf0)  }
0x1b9: {  	s31 =	spop (v2sf);
	(v2sf) =	vpush v10, $0xF;
	v13, _, _ =	vpop (xrf0)  }
0x1ba: {  	(xrf0) =	vadd.scan.msk.s32 $0xffff, v7;
	(v2sf) =	vpush v13, $0xF;
	v7, _, _ =	vpop (xrf0)  }
0x1bb: {  	(v2sf) =	vpush v7, $0xF;
	v7, _, _ =	vpop (xrf0)  }
0x1bc: {  	(v2sf) =	vpush v7, $0xF;
	_ =	sdelay $0x2  }
0x1bd: {  	s0 =	simm.s32 $0x30B0  }
0x1be: {  	p0 =	por $0x0, $0x0;
	v9 =	vld [tilespmem:s0+$0x0]  }
.Ltmp20:
0x1bf: {  	v10 =	vsub.s32 v11, v12;
	s24 =	sadd.s32 s24, s31;
	(pc) =	sbr.rel @p0 .LBB2_37-.Ltmp20, $4  }
0x1c0: {  	v12 =	vperm.xlane v8, v4;
	v8 =	vadd.s32 s24, v10;
	v10 =	vadd.s32 s24, v11  }
0x1c1: {  	vm0 =	vge.s32 v10, v6;
	vm1 =	vlt.s32 v8, v6  }
0x1c2: {  	(xrf0) =	vadd.scan.msk.s32 $0xffff, v12;
	vm0 =	vmand vm0, vm1  }
0x1c3: {  	s13 =	simm.s32 $0xAF;
	p5 =	por $0x1, $0x1;
	(xrf0) =	vadd.scan.msk.s32 $0xffff, v9;
	v10 =	vsel vm0, $0x1, v1;
	v11 =	vnsel vm0, $0x0, v0  }
0x1c4: {  	(xrf0) =	vadd.scan.msk.s32 $0xffff, v10  }
0x1c5: {  	(xrf0) =	vadd.scan.msk.s32 $0xffff, v11;
	_ =	sdelay $0x1  }
0x1c6: {  	v7, _, _ =	vpop (xrf0)  }
0x1c7: {  	v13, _, _ =	vpop (xrf0)  }
0x1c8: {  	(v2sf) =	vpush v7, $0xF;
	v7 =	vsub.s32 v13, v12;
	v12 =	vperm.xlane v9, v4;
	v9, _, _ =	vpop (xrf0)  }
0x1c9: {  	(v2sf) =	vpush v9, $0xF;
	v9, _, _ =	vpop (xrf0)  }
0x1ca: {  	(v2sf) =	vpush v9, $0xF;
	v9, _, _ =	vpop (xrf0)  }
0x1cb: {  	s1 =	spop (v2sf);
	s0 =	simm.s32 $0x30A0;
	p1 =	por $0x0, $0x0;
	v14 =	vnsel vm0, $0x0, v8;
	(v2sf) =	vpush v9, $0xF  }
0x1cc: {  	p6 =	por $0x1, $0x1;
	s16 =	simm.s32 $0x9F;
	s28 =	simm.s32 $0x0;
	v15 =	vld [tilespmem:s0+$0x0];
	(xrf0) =	vadd.scan.msk.s32 $0xffff, v14  }
.Ltmp21:
0x1cd: {  	s25 =	spop (v2sf);
	s24 =	sadd.s32 s24, s1;
	(pc) =	sbr.rel @p1 .LBB2_39-.Ltmp21, $4  }
0x1ce: {  	s31 =	simm.s32 $0x0;
	p0 =	sgt.s32 s25, $0x0;
	s26 =	spop (v2sf);
	v13 =	vadd.s32 s24, v13;
	v7 =	vadd.s32 s24, v7  }
0x1cf: {  	s30 =	simm.s32 $0xEF;
	p0 =	por !p6, !p0;
	s1 =	ssub.s32 $0xFF, s26;
	vm1 =	vge.s32 v13, v6;
	vm2 =	vlt.s32 v7, v6;
	(xrf0) =	vadd.scan.msk.s32 $0xffff, v12  }
0x1d0: {  	s12 =	spop (v2sf);
	s26 =	simm.s32 $0x0;
	p6 =	por !p0, !p0;
	vm1 =	vmand vm1, vm2  }
0x1d1: {  	s28 =	smov.u32 @p6 s1;
	s26 =	smov.u32 @p6 s12;
	s1 =	simm.s32 $0xDF;
	(xrf0) =	vadd.scan.msk.s32 $0xffff, v15;
	v13 =	vsel vm1, $0x1, v1;
	v14 =	vnsel vm1, $0x0, v0  }
.LBB2_40:
0x1d2: {  	p1 =	seq.s32 s16, $0xF;
	(xrf0) =	vadd.scan.msk.s32 $0xffff, v13;
	v9, _, _ =	vpop (xrf0);
	s12 =	smov.u32 s29;
	s29 =	smov.u32 s23  }
0x1d3: {  	s23 =	smov.u32 s13;
	s13 =	smov.u32 s16;
	(xrf0) =	vadd.scan.msk.s32 $0xffff, v14;
	(v2sf) =	vpush v9, $0xF  }
0x1d4: {  	s0 =	sadd.s32 $0xFFFFFFF0, s0;
	v7 =	vnsel vm1, $0x0, v7  }
0x1d5: {  	s31 =	sor.u32 s31, s25;
	v9 =	vld [tilespmem:s0+$0x0];
	v13, _, _ =	vpop (xrf0);
	(xrf0) =	vadd.scan.msk.s32 $0xffff, v7;
	s15 =	spop (v2sf)  }
.Ltmp22:
0x1d6: {  	v7 =	vsub.s32 v13, v12;
	v12 =	vperm.xlane v15, v4;
	s24 =	sadd.s32 s24, s15;
	s25 =	spop (v2sf);
	(pc) =	sbr.rel @!p1 .LBB2_40-.Ltmp22, $4  }
0x1d7: {  	p6 =	seq.s32 s31, $0x0;
	v14, _, _ =	vpop (xrf0);
	v7 =	vadd.s32 s24, v7;
	v16 =	vadd.s32 s24, v13;
	p0 =	sgt.s32 s25, $0x0;
	s15 =	spop (v2sf)  }
0x1d8: {  	(xrf0) =	vadd.scan.msk.s32 $0xffff, v12;
	(v2sf) =	vpush v14, $0xF;
	vm1 =	vge.s32 v16, v6;
	vm2 =	vlt.s32 v7, v6;
	v13, _, _ =	vpop (xrf0);
	p0 =	por !p6, !p0;
	s15 =	ssub.s32 s30, s15;
	s30 =	smov.u32 s1  }
0x1d9: {  	s1 =	smov.u32 s12;
	vm1 =	vmand vm1, vm2;
	(v2sf) =	vpush v13, $0xF;
	v15, _, _ =	vpop (xrf0);
	p0 =	por !p0, !p0;
	s18 =	spop (v2sf)  }
0x1da: {  	s16 =	sadd.s32 $0xFFFFFFF0, s16;
	(xrf0) =	vadd.scan.msk.s32 $0xffff, v9;
	v13 =	vsel vm1, $0x1, v1;
	v14 =	vnsel vm1, $0x0, v0;
	(v2sf) =	vpush v15, $0xF;
	s28 =	smov.u32 @p0 s15;
	s26 =	smov.u32 @p0 s18;
	v15 =	vmovc v9  }
0x1db: {  	s0 =	smov.u32 s29;
	s29 =	smov.u32 s13;
	v9 =	vmov v15;
	p1 =	por $0x1, $0x1  }
.LBB2_42:
0x1dc: {  	_ = 	snop  }
0x1dd: {  	(xrf0) =	vadd.scan.msk.s32 @p3 $0xffff, v13;
	v13, _, _ =	vpop @p4 (xrf0);
	s12 =	spop @p3 (v2sf)  }
0x1de: {  	v7 =	vnsel @p3 vm1, $0x0, v7;
	s13 =	simm.s32 $0x0;
	(xrf0) =	vadd.scan.msk.s32 @p3 $0xffff, v14;
	s12 =	sadd.s32 @p3 s24, s12;
	v14, _, _ =	vpop @p2 (xrf0)  }
0x1df: {  	(xrf0) =	vadd.scan.msk.s32 @p3 $0xffff, v7;
	s13 =	smov.u32 @p3 s12;
	v7 =	vsub.s32 @p2 v14, v12  }
0x1e0: {  	v9 =	vperm.xlane v9, v4;
	v12 =	vadd.s32 @p2 s13, v14;
	v7 =	vadd.s32 @p2 s13, v7  }
0x1e1: {  	vm1 =	vge.s32 @p2 v12, v6;
	vm2 =	vlt.s32 @p2 v7, v6  }
0x1e2: {  	(v2sf) =	vpush @p4 v13, $0xF;
	(xrf0) =	vadd.scan.msk.s32 $0xffff, v9;
	vm1 =	vmand @p2 vm1, vm2  }
0x1e3: {  	v13 =	vsel @p2 vm1, $0x1, v1  }
0x1e4: {  	s15 =	simm.s32 $0x0;
	s16 =	spop @p5 (v2sf);
	s12 =	sor.u32 @p1 s31, s25;
	v60, _, _ =	vpop (xrf0);
	v10 =	vpsel p2, v13, v10  }
0x1e5: {  	s15 =	smov.u32 @p1 s12;
	s12 =	spop @p5 (v2sf);
	(v2sf) =	vpush v60, $0xF;
	v12, _, _ =	vpop @p3 (xrf0)  }
0x1e6: {  	s18 =	spop @p5 (v2sf);
	(v2sf) =	vpush @p3 v12, $0xF;
	v12, _, _ =	vpop @p3 (xrf0)  }
0x1e7: {  	p0 =	sgt.s32 @p5 s16, $0x0;
	(xrf0) =	vadd.scan.msk.s32 @p2 $0xffff, v10;
	v10, _, _ =	vpop @p3 (xrf0);
	s24 =	spop @p2 (v2sf)  }
0x1e8: {  	p1 =	seq.s32 @p5 s15, $0x0;
	v7 =	vpsel p2, v7, v8;
	v13 =	vnsel @p2 vm1, $0x0, v0;
	v61, _, _ =	vpop (xrf0);
	s13 =	sadd.s32 @p2 s13, s24;
	s24 =	simm.s32 $0x0  }
0x1e9: {  	p0 =	por @p5 !p1, !p0;
	vm0 =	vmmov @p2 vm1;
	v11 =	vpsel p2, v13, v11;
	v62 =	vsub.s32 v61, v9;
	s24 =	smov.u32 @p2 s13  }
0x1ea: {  	s22 =	smov.u32 @p3 s0;
	p0 =	por @p5 !p0, !p0;
	(v2sf) =	vpush @p3 v12, $0xF;
	(xrf0) =	vadd.scan.msk.s32 @p2 $0xffff, v11;
	v8 =	vadd.s32 s24, v62;
	v63 =	vadd.s32 s24, v61  }
0x1eb: {  	s16 =	smov.u32 @p5 s16;
	s12 =	ssub.s32 @p5 s30, s12;
	p1 =	por !p0, !p5;
	(v2sf) =	vpush @p3 v10, $0xF;
	vm14 =	vge.s32 v63, v6;
	vm15 =	vlt.s32 v8, v6  }
0x1ec: {  	s0 =	sor.u32 @p5 s15, s16;
	s12 =	smov.u32 @p1 s28;
	v7 =	vnsel @p2 vm0, $0x0, v7;
	s13 =	smov.u32 s7;
	vm0 =	vmand vm14, vm15  }
0x1ed: {  	(xrf0) =	vadd.scan.msk.s32 @p2 $0xffff, v7;
	s15 =	spop @p4 (v2sf);
	s13 =	smov.u32 @p4 s1;
	s1 =	simm.s32 $0x0;
	v6, _, _ =	vpop @p2 (xrf0);
	v7 =	vsel vm0, $0x1, v1  }
0x1ee: {  	s18 =	smov.u32 @p1 s26;
	p0 =	sgt.s32 @p4 s15, $0x0;
	s1 =	smov.u32 @p5 s0;
	(v2sf) =	vpush @p2 v6, $0xF;
	(xrf0) =	vadd.scan.msk.s32 $0xffff, v7  }
0x1ef: {  	s16 =	spop @p4 (v2sf);
	s0 =	simm.s32 $0x0;
	p1 =	seq.s32 @p4 s1, $0x0;
	v6 =	vnsel vm0, $0x0, v0  }
0x1f0: {  	s13 =	ssub.s32 @p4 s13, s16;
	s0 =	smov.u32 @p5 s12;
	p0 =	por @p4 !p1, !p0;
	v7, _, _ =	vpop @p2 (xrf0);
	(xrf0) =	vadd.scan.msk.s32 $0xffff, v6  }
0x1f1: {  	s12 =	simm.s32 $0x0;
	s16 =	spop @p4 (v2sf);
	p0 =	por @p4 !p0, !p0;
	v6 =	vnsel vm0, $0x0, v8;
	(v2sf) =	vpush @p2 v7, $0xF  }
0x1f2: {  	s14 =	smov.u32 @p2 s23;
	s12 =	smov.u32 @p5 s18;
	p0 =	por !p0, !p4  }
0x1f3: {  	s18 =	smov.u32 @p3 s22;
	s13 =	smov.u32 @p0 s0;
	s16 =	smov.u32 @p0 s12;
	v7, _, _ =	vpop @p2 (xrf0)  }
0x1f4: {  	s0 =	smov.u32 @p2 s14;
	s12 =	smov.u32 @p4 s15;
	s14 =	smov.u32 @p3 s18;
	(xrf0) =	vadd.scan.msk.s32 $0xffff, v6;
	(v2sf) =	vpush @p2 v7, $0xF;
	v6, _, _ =	vpop (xrf0)  }
0x1f5: {  	s28 =	spop (v2sf);
	s1 =	sor.u32 @p4 s1, s12;
	s12 =	simm.s32 $0x0;
	(v2sf) =	vpush v6, $0xF  }
0x1f6: {  	s7 =	smov.u32 @p2 s0;
	s15 =	spop @p3 (v2sf);
	s12 =	smov.u32 @p4 s1;
	v6, _, _ =	vpop (xrf0)  }
0x1f7: {  	s0 =	simm.s32 $0x0;
	p0 =	sgt.s32 @p3 s15, $0x0;
	p1 =	seq.s32 @p3 s12, $0x0;
	(v2sf) =	vpush v6, $0xF  }
0x1f8: {  	s1 =	simm.s32 $0x0;
	s0 =	smov.u32 @p4 s16;
	p0 =	por @p3 !p1, !p0  }
0x1f9: {  	s1 =	smov.u32 @p4 s13;
	p0 =	por @p3 !p0, !p0;
	s13 =	spop @p3 (v2sf)  }
0x1fa: {  	p0 =	por !p0, !p3;
	s13 =	ssub.s32 @p3 s14, s13;
	s14 =	spop @p3 (v2sf)  }
0x1fb: {  	s13 =	smov.u32 @p0 s1;
	s14 =	smov.u32 @p0 s0;
	s0 =	smov.u32 @p3 s15  }
0x1fc: {  	s1 =	smov.u32 @p2 s7;
	s7 =	simm.s32 $0x0;
	s0 =	sor.u32 @p3 s12, s0  }
0x1fd: {  	s1 =	smov.u32 @p2 s1;
	s7 =	smov.u32 @p3 s0;
	s12 =	spop @p2 (v2sf)  }
0x1fe: {  	v6, _, _ =	vpop (xrf0);
	s0 =	simm.s32 $0x0;
	p1 =	seq.s32 @p2 s7, $0x0;
	p0 =	sgt.s32 @p2 s12, $0x0  }
0x1ff: {  	(v2sf) =	vpush v6, $0xF;
	s0 =	smov.u32 @p3 s13;
	s13 =	simm.s32 $0x0;
	p0 =	por @p2 !p1, !p0  }
0x200: {  	s13 =	smov.u32 @p3 s14;
	p0 =	por @p2 !p0, !p0;
	s14 =	spop @p2 (v2sf)  }
0x201: {  	p0 =	por !p0, !p2;
	s1 =	ssub.s32 @p2 s1, s14  }
0x202: {  	s12 =	smov.u32 @p2 s12;
	s1 =	smov.u32 @p0 s0;
	s0 =	simm.s32 $0x0  }
0x203: {  	s14 =	spop @p2 (v2sf);
	s0 =	smov.u32 @p2 s1;
	s1 =	sor.u32 @p2 s7, s12  }
0x204: {  	s30 =	spop (v2sf);
	s5 =	smov.u32 @p2 s1  }
0x205: {  	p5 =	sgt.s32 s30, $0x0;
	p6 =	seq.s32 s5, $0x0  }
0x206: {  	s14 =	smov.u32 @p0 s13;
	s31 =	spop (v2sf);
	p0 =	por !p6, !p5  }
0x207: {  	s1 =	ssub.s32 s29, s31;
	p0 =	por !p0, !p0  }
0x208: {  	s0 =	smov.u32 @p0 s1;
	s1 =	simm.s32 $0x2040  }
0x209: {  	[tilespmem:s1+$0xFFFFFFC0] =	vst v1  }
0x20a: {  	[tilespmem:s1+$0x30] =	vst v1  }
0x20b: {  	[tilespmem:s1+$0x20] =	vst v1  }
0x20c: {  	[tilespmem:s1+$0x10] =	vst v1  }
0x20d: {  	s7 =	simm.s32 $0x0;
	[tilespmem:s1+$0x0] =	vst v1  }
0x20e: {  	s7 =	smov.u32 @p2 s14;
	s5 =	spop (v2sf);
	[tilespmem:s1+$0xFFFFFFF0] =	vst v1  }
0x20f: {  	s7 =	smov.u32 @p0 s5;
	s5 =	simm.s32 $0x0;
	[tilespmem:s1+$0xFFFFFFE0] =	vst v1  }
.LBB2_43:
0x210: {  	s5 =	sadd.s32 $0x8, s5;
	[tilespmem:s1+$0xFFFFFFD0] =	vst v1;
	s1 =	sadd.s32 $0x80, s1  }
0x211: {  	[tilespmem:s1+$0xFFFFFFC0] =	vst v1;
	p0 =	slt.u32 s5, $0xF8  }
0x212: {  	[tilespmem:s1+$0x30] =	vst v1  }
.Ltmp23:
0x213: {  	[tilespmem:s1+$0x20] =	vst v1;
	(pc) =	sbr.rel @p0 .LBB2_43-.Ltmp23, $4  }
0x214: {  	[tilespmem:s1+$0x10] =	vst v1  }
0x215: {  	[tilespmem:s1+$0x0] =	vst v1  }
0x216: {  	[tilespmem:s1+$0xFFFFFFF0] =	vst v1  }
0x217: {  	[tilespmem:s1+$0xFFFFFFE0] =	vst v1  }
0x218: {  	[tilespmem:s1+$0xFFFFFFD0] =	vst v1;
	s31 =	simm.s32 $0x40  }
0x219: {  	v7 =	vld [tilespmem:s31+$0xFFFFFFC0]  }
0x21a: {  	v9 =	vld [tilespmem:s31+$0x30]  }
0x21b: {  	v8 =	vld [tilespmem:s31+$0xFFFFFFF0]  }
0x21c: {  	s0 =	sshll.u32 s0, $0xF  }
0x21d: {  	s21 =	sor.u32 s21, s0  }
0x21e: {  	v13 =	vld [tilespmem:s31+$0xFFFFFFE0];
	v6 =	vmov s21;
	v10 =	vand.u32 $0x7FFF8000, v7;
	v7 =	vshrl.u32 v7, $0x7  }
0x21f: {  	v11 =	vld [tilespmem:s31+$0x0];
	v12 =	vshrl.u32 v9, $0x7;
	vm0 =	veq.s32 v10, v6;
	v7 =	vand.u32 $0xFF, v7  }
0x220: {  	v10 =	vshrl.u32 v8, $0x7;
	v8 =	vand.u32 $0x7FFF8000, v8;
	v14 =	vor.u32 v2, v7  }
0x221: {  	v9 =	vand.u32 $0x7FFF8000, v9;
	v10 =	vand.u32 $0xFF, v10;
	v7 =	vld [tilespmem:s31+$0x20];
	vm1 =	veq.s32 v8, v6  }
0x222: {  	v15 =	vand.u32 $0xFF, v12;
	vm2 =	veq.s32 v9, v6;
	v8 =	vld [tilespmem:s31+$0xFFFFFFD0];
	v10 =	vor.u32 v2, v10  }
0x223: {  	v9 =	vor.u32 v2, v15  }
0x224: {  	v16 =	vshrl.u32 v11, $0x7;
	v12 =	vshrl.u32 v13, $0x7;
	v15 =	vand.u32 $0x7FFF8000, v11;
	v11 =	vld [tilespmem:s31+$0x10]  }
0x225: {  	s1 =	simm.s32 $0xC0;
	s0 =	simm.s32 $0x0;
	v13 =	vand.u32 $0x7FFF8000, v13;
	[tilespmem:v14+s19+$0x0] =	vst.idx.add.s32.msk vm0, v3;
	vm0 =	veq.s32 v15, v6;
	v14 =	vand.u32 $0xFF, v16  }
.LBB2_45:
0x226: {  	v15 =	vld [tilespmem:s1+$0xFFFFFFF0];
	s0 =	sadd.s32 $0x8, s0;
	vm5 =	veq.s32 v13, v6;
	v12 =	vand.u32 $0xFF, v12;
	v13 =	vor.u32 v2, v14  }
0x227: {  	v14 =	vand.u32 $0x7FFF8000, v8;
	p2 =	slt.u32 s0, $0x1F8;
	v12 =	vor.u32 v2, v12;
	[tilespmem:v10+s19+$0x0] =	vst.idx.add.s32.msk vm1, v3;
	v10 =	vand.u32 $0x7FFF8000, v7  }
0x228: {  	vm4 =	veq.s32 v14, v6;
	v7 =	vshrl.u32 v7, $0x7;
	vm3 =	veq.s32 v10, v6;
	[tilespmem:v9+s19+$0x0] =	vst.idx.add.s32.msk vm2, v3  }
0x229: {  	v8 =	vshrl.u32 v8, $0x7;
	v7 =	vand.u32 $0xFF, v7;
	v9 =	vld [tilespmem:s1+$0xFFFFFFC0];
	v10 =	vshrl.u32 v11, $0x7  }
0x22a: {  	v8 =	vand.u32 $0xFF, v8;
	v11 =	vand.u32 $0x7FFF8000, v11;
	v16 =	vor.u32 v2, v7;
	v14 =	vld [tilespmem:s1+$0x30]  }
0x22b: {  	vm6 =	veq.s32 v11, v6;
	v10 =	vand.u32 $0xFF, v10;
	v17 =	vshrl.u32 v15, $0x7;
	v7 =	vld [tilespmem:s1+$0x20]  }
0x22c: {  	v18 =	vor.u32 v2, v8;
	v19 =	vor.u32 v2, v10;
	v11 =	vld [tilespmem:s1+$0xFFFFFFE0]  }
0x22d: {  	[tilespmem:v12+s19+$0x0] =	vst.idx.add.s32.msk vm5, v3  }
0x22e: {  	v8 =	vand.u32 $0x7FFF8000, v9;
	v9 =	vshrl.u32 v9, $0x7;
	[tilespmem:v13+s19+$0x0] =	vst.idx.add.s32.msk vm0, v3  }
0x22f: {  	vm0 =	veq.s32 v8, v6;
	v8 =	vand.u32 $0xFF, v9;
	v9 =	vand.u32 $0x7FFF8000, v15;
	v15 =	vld [tilespmem:s1+$0x0]  }
0x230: {  	v10 =	vand.u32 $0xFF, v17;
	v12 =	vshrl.u32 v14, $0x7;
	v20 =	vor.u32 v2, v8;
	v8 =	vld [tilespmem:s1+$0xFFFFFFD0]  }
.Ltmp24:
0x231: {  	vm1 =	veq.s32 v9, v6;
	v9 =	vand.u32 $0x7FFF8000, v14;
	v13 =	vand.u32 $0xFF, v12;
	[tilespmem:v18+s19+$0x0] =	vst.idx.add.s32.msk vm4, v3;
	(pc) =	sbr.rel @p2 .LBB2_45-.Ltmp24, $4  }
0x232: {  	v10 =	vor.u32 v2, v10;
	vm2 =	veq.s32 v9, v6;
	[tilespmem:v16+s19+$0x0] =	vst.idx.add.s32.msk vm3, v3  }
0x233: {  	v12 =	vshrl.u32 v11, $0x7;
	v9 =	vor.u32 v2, v13;
	[tilespmem:v19+s19+$0x0] =	vst.idx.add.s32.msk vm6, v3  }
0x234: {  	v13 =	vand.u32 $0x7FFF8000, v11;
	v14 =	vand.u32 $0x7FFF8000, v15;
	v15 =	vshrl.u32 v15, $0x7;
	v11 =	vld [tilespmem:s1+$0x10]  }
0x235: {  	s5 =	simm.s32 $0x3010;
	s13 =	simm.s32 $0x0;
	s1 =	sadd.s32 $0x80, s1;
	[tilespmem:v20+s19+$0x0] =	vst.idx.add.s32.msk vm0, v3;
	vm0 =	veq.s32 v14, v6;
	v14 =	vand.u32 $0xFF, v15  }
0x236: {  	vm3 =	veq.s32 v13, v6;
	v12 =	vand.u32 $0xFF, v12;
	v56 =	vor.u32 v2, v14  }
0x237: {  	v57 =	vand.u32 $0x7FFF8000, v8;
	v15 =	vand.u32 $0x7FFF8000, v7;
	v8 =	vshrl.u32 v8, $0x7  }
0x238: {  	v7 =	vshrl.u32 v7, $0x7;
	v12 =	vor.u32 v2, v12;
	vm4 =	veq.s32 v57, v6  }
0x239: {  	vm5 =	veq.s32 v15, v6;
	v8 =	vand.u32 $0xFF, v8;
	v7 =	vand.u32 $0xFF, v7  }
0x23a: {  	v8 =	vor.u32 v2, v8;
	v58 =	vshrl.u32 v11, $0x7;
	v11 =	vand.u32 $0x7FFF8000, v11  }
0x23b: {  	[tilespmem:v10+s19+$0x0] =	vst.idx.add.s32.msk vm1, v3;
	v7 =	vor.u32 v2, v7;
	vm15 =	veq.s32 v11, v6;
	v6 =	vand.u32 $0xFF, v58  }
0x23c: {  	[tilespmem:v9+s19+$0x0] =	vst.idx.add.s32.msk vm2, v3;
	v6 =	vor.u32 v2, v6  }
0x23d: {  	[tilespmem:v56+s19+$0x0] =	vst.idx.add.s32.msk vm0, v3  }
0x23e: {  	[tilespmem:v12+s19+$0x0] =	vst.idx.add.s32.msk vm3, v3  }
0x23f: {  	[tilespmem:v8+s19+$0x0] =	vst.idx.add.s32.msk vm4, v3  }
0x240: {  	[tilespmem:v7+s19+$0x0] =	vst.idx.add.s32.msk vm5, v3  }
0x241: {  	s1 =	simm.s32 $0x2810;
	[tilespmem:v6+s19+$0x0] =	vst.idx.add.s32.msk vm15, v3  }
0x242: {  	s0 =	sand.u32 $0xE0, s13;
	v6 =	vld [tilespmem:s1+$0xFFFFF7F0]  }
0x243: {  	v7 =	vld [tilespmem:s0+$0x2100]  }
0x244: {  	v8 =	vld [tilespmem:s0+$0x2200]  }
0x245: {  	v9 =	vld [tilespmem:s0+$0x2300]  }
0x246: {  	v10 =	vld [tilespmem:s0+$0x2400]  }
0x247: {  	v11 =	vld [tilespmem:s0+$0x2500]  }
0x248: {  	v12 =	vld [tilespmem:s0+$0x2600]  }
0x249: {  	v13 =	vld [tilespmem:s0+$0x2700]  }
0x24a: {  	v59 =	vld [tilespmem:s0+$0x2800]  }
0x24b: {  	v60 =	vld [tilespmem:s0+$0x2900]  }
0x24c: {  	v16 =	vld [tilespmem:s0+$0x2A00]  }
0x24d: {  	v17 =	vld [tilespmem:s0+$0x2B00]  }
0x24e: {  	v18 =	vld [tilespmem:s0+$0x2C00]  }
0x24f: {  	v19 =	vld [tilespmem:s0+$0x2D00]  }
0x250: {  	v20 =	vld [tilespmem:s0+$0x2E00]  }
0x251: {  	v21 =	vld [tilespmem:s0+$0x2F00]  }
0x252: {  	v6 =	vadd.s32 v6, v7;
	v7 =	vld [tilespmem:s1+$0xFFFFF800]  }
0x253: {  	v6 =	vadd.s32 v8, v6;
	v8 =	vld [tilespmem:s1+$0xFFFFF900]  }
0x254: {  	v6 =	vadd.s32 v9, v6;
	v9 =	vld [tilespmem:s1+$0xFFFFFA00]  }
0x255: {  	v6 =	vadd.s32 v10, v6;
	v10 =	vld [tilespmem:s1+$0xFFFFFB00]  }
0x256: {  	v6 =	vadd.s32 v11, v6;
	v11 =	vld [tilespmem:s1+$0xFFFFFC00]  }
0x257: {  	v61 =	vld [tilespmem:s1+$0xFFFFFD00];
	v6 =	vadd.s32 v12, v6  }
0x258: {  	v6 =	vadd.s32 v13, v6;
	v7 =	vadd.s32 v7, v8;
	v8 =	vld [tilespmem:s1+$0xFFFFFE00]  }
0x259: {  	v6 =	vadd.s32 v59, v6;
	v7 =	vadd.s32 v9, v7;
	v9 =	vld [tilespmem:s1+$0xFFFFFF00]  }
0x25a: {  	v6 =	vadd.s32 v60, v6;
	v7 =	vadd.s32 v10, v7;
	v10 =	vld [tilespmem:s1+$0x0]  }
0x25b: {  	v6 =	vadd.s32 v16, v6;
	v7 =	vadd.s32 v11, v7;
	v11 =	vld [tilespmem:s1+$0x100]  }
0x25c: {  	v62 =	vld [tilespmem:s1+$0x200];
	v6 =	vadd.s32 v17, v6;
	v7 =	vadd.s32 v61, v7  }
0x25d: {  	v63 =	vadd.s32 v18, v6;
	v7 =	vadd.s32 v8, v7;
	v6 =	vld [tilespmem:s1+$0x300]  }
0x25e: {  	v8 =	vadd.s32 v19, v63;
	v9 =	vadd.s32 v9, v7;
	v7 =	vld [tilespmem:s1+$0x400]  }
0x25f: {  	v13 =	vadd.s32 v20, v8;
	v9 =	vadd.s32 v10, v9;
	v8 =	vld [tilespmem:s1+$0x500]  }
0x260: {  	v10 =	vadd.s32 v21, v13;
	v11 =	vadd.s32 v11, v9;
	v9 =	vld [tilespmem:s1+$0x600]  }
0x261: {  	s13 =	simm.s32 $0x20;
	s0 =	simm.s32 $0x0;
	[tilespmem:s5+$0xFFFFFFF0] =	vst v10;
	v11 =	vadd.s32 v62, v11;
	v10 =	vld [tilespmem:s1+$0x700];
	s1 =	simm.s32 $0x2830  }
.LBB2_47:
0x262: {  	v12 =	vld [tilespmem:s1+$0xFFFFF7F0];
	s12 =	sand.u32 $0xE0, s13;
	s0 =	sadd.s32 $0x2, s0;
	v6 =	vadd.s32 v6, v11  }
0x263: {  	v11 =	vld [tilespmem:s12+$0x2100];
	p2 =	slt.u32 s0, $0xE;
	v6 =	vadd.s32 v7, v6  }
0x264: {  	v7 =	vld [tilespmem:s12+$0x2200];
	v6 =	vadd.s32 v8, v6  }
0x265: {  	v8 =	vld [tilespmem:s12+$0x2300];
	v6 =	vadd.s32 v9, v6  }
0x266: {  	v9 =	vld [tilespmem:s12+$0x2400];
	v6 =	vadd.s32 v10, v6  }
0x267: {  	v10 =	vld [tilespmem:s12+$0x2500];
	[tilespmem:s5+$0x0] =	vst v6  }
0x268: {  	v6 =	vadd.s32 v12, v11;
	v11 =	vld [tilespmem:s12+$0x2600]  }
0x269: {  	v6 =	vadd.s32 v7, v6;
	v7 =	vld [tilespmem:s12+$0x2700]  }
0x26a: {  	v6 =	vadd.s32 v8, v6;
	v8 =	vld [tilespmem:s12+$0x2800]  }
0x26b: {  	v6 =	vadd.s32 v9, v6;
	v9 =	vld [tilespmem:s12+$0x2900]  }
0x26c: {  	v6 =	vadd.s32 v10, v6;
	v10 =	vld [tilespmem:s12+$0x2A00]  }
0x26d: {  	v6 =	vadd.s32 v11, v6;
	v11 =	vld [tilespmem:s12+$0x2B00]  }
0x26e: {  	v6 =	vadd.s32 v7, v6;
	v7 =	vld [tilespmem:s12+$0x2C00]  }
0x26f: {  	v6 =	vadd.s32 v8, v6;
	v8 =	vld [tilespmem:s12+$0x2D00]  }
0x270: {  	v6 =	vadd.s32 v9, v6;
	v9 =	vld [tilespmem:s12+$0x2E00]  }
0x271: {  	v6 =	vadd.s32 v10, v6;
	v10 =	vld [tilespmem:s12+$0x2F00]  }
0x272: {  	v6 =	vadd.s32 v11, v6;
	v11 =	vld [tilespmem:s1+$0xFFFFF800]  }
0x273: {  	v6 =	vadd.s32 v7, v6;
	v7 =	vld [tilespmem:s1+$0xFFFFF900]  }
0x274: {  	v6 =	vadd.s32 v8, v6;
	v8 =	vld [tilespmem:s1+$0xFFFFFA00]  }
0x275: {  	v6 =	vadd.s32 v9, v6;
	v9 =	vld [tilespmem:s1+$0xFFFFFB00]  }
0x276: {  	s5 =	sadd.s32 $0x20, s5;
	v6 =	vadd.s32 v10, v6;
	v10 =	vld [tilespmem:s1+$0xFFFFFC00]  }
0x277: {  	[tilespmem:s5+$0xFFFFFFF0] =	vst v6;
	v6 =	vld [tilespmem:s1+$0xFFFFFD00]  }
0x278: {  	v7 =	vadd.s32 v11, v7;
	v11 =	vld [tilespmem:s1+$0xFFFFFE00]  }
0x279: {  	v7 =	vadd.s32 v8, v7;
	v8 =	vld [tilespmem:s1+$0xFFFFFF00]  }
0x27a: {  	v7 =	vadd.s32 v9, v7;
	v9 =	vld [tilespmem:s1+$0x0]  }
0x27b: {  	v7 =	vadd.s32 v10, v7;
	v10 =	vld [tilespmem:s1+$0x100]  }
0x27c: {  	v6 =	vadd.s32 v6, v7;
	v12 =	vld [tilespmem:s1+$0x200]  }
.Ltmp25:
0x27d: {  	v7 =	vadd.s32 v11, v6;
	v6 =	vld [tilespmem:s1+$0x300];
	(pc) =	sbr.rel @p2 .LBB2_47-.Ltmp25, $4  }
0x27e: {  	v8 =	vadd.s32 v8, v7;
	v7 =	vld [tilespmem:s1+$0x400]  }
0x27f: {  	v9 =	vadd.s32 v9, v8;
	v8 =	vld [tilespmem:s1+$0x500]  }
0x280: {  	v10 =	vadd.s32 v10, v9;
	v9 =	vld [tilespmem:s1+$0x600]  }
0x281: {  	s13 =	sadd.s32 $0x20, s13;
	v11 =	vadd.s32 v12, v10;
	v10 =	vld [tilespmem:s1+$0x700];
	s1 =	sadd.s32 $0x20, s1  }
0x282: {  	v6 =	vadd.s32 v6, v11  }
0x283: {  	v6 =	vadd.s32 v7, v6  }
0x284: {  	v6 =	vadd.s32 v8, v6  }
0x285: {  	v6 =	vadd.s32 v9, v6  }
0x286: {  	v6 =	vadd.s32 v10, v6  }
0x287: {  	s0 =	simm.s32 $0x30F0;
	[tilespmem:s5+$0x0] =	vst v6  }
0x288: {  	p0 =	por $0x0, $0x0;
	v9 =	vld [tilespmem:s0+$0x0]  }
.Ltmp26:
0x289: {  	_ = 	snop;
	(pc) =	sbr.rel @p0 .LBB2_49-.Ltmp26, $4  }
0x28a: {  	s6 =	sadd.s32 s6, s7  }
0x28b: {  	s7 =	simm.s32 $0xFF;
	s22 =	simm.s32 $0xEF;
	p2 =	por $0x0, $0x0  }
0x28c: {  	p3 =	por $0x0, $0x0;
	p4 =	por $0x0, $0x0;
	s31 =	ssub.s32 $0x1999, s6  }
0x28d: {  	p5 =	por $0x0, $0x0;
	p1 =	por $0x0, $0x0;
	s5 =	simm.s32 $0x0;
	v6 =	vmov s31;
	(xrf0) =	vadd.scan.msk.s32 $0xffff, v9  }
0x28e: {  	s0 =	simm.s32 $0x30E0  }
0x28f: {  	p0 =	por $0x0, $0x0;
	v8 =	vld [tilespmem:s0+$0x0]  }
.Ltmp27:
0x290: {  	_ = 	snop;
	(pc) =	sbr.rel @p0 .LBB2_51-.Ltmp27, $3  }
0x291: {  	v12 =	vperm.xlane v9, v4;
	_ =	sdelay $0x1  }
0x292: {  	(xrf0) =	vadd.scan.msk.s32 $0xffff, v12;
	v7, _, _ =	vpop (xrf0)  }
0x293: {  	s14 =	simm.s32 $0xDF;
	p2 =	por $0x1, $0x1;
	(v2sf) =	vpush v7, $0xF;
	(xrf0) =	vadd.scan.msk.s32 $0xffff, v8  }
0x294: {  	_ =	sdelay $0x2  }
0x295: {  	s0 =	simm.s32 $0x30D0  }
0x296: {  	p0 =	por $0x0, $0x0;
	v9 =	vld [tilespmem:s0+$0x0];
	v10, _, _ =	vpop (xrf0)  }
.Ltmp28:
0x297: {  	v7 =	vsub.s32 v10, v12;
	v12 =	vperm.xlane v8, v4;
	v8 =	vadd.s32 s5, v10;
	(pc) =	sbr.rel @p0 .LBB2_53-.Ltmp28, $4  }
0x298: {  	v7 =	vadd.s32 s5, v7  }
0x299: {  	vm0 =	vge.s32 v8, v6;
	vm1 =	vlt.s32 v7, v6  }
0x29a: {  	(xrf0) =	vadd.scan.msk.s32 $0xffff, v12;
	v8, _, _ =	vpop (xrf0);
	vm1 =	vmand vm0, vm1  }
0x29b: {  	s13 =	simm.s32 $0xCF;
	p3 =	por $0x1, $0x1;
	(xrf0) =	vadd.scan.msk.s32 $0xffff, v9;
	(v2sf) =	vpush v8, $0xF;
	v13 =	vsel vm1, $0x1, v1;
	v14 =	vnsel vm1, $0x0, v0  }
0x29c: {  	_ = 	snop  }
0x29d: {  	(xrf0) =	vadd.scan.msk.s32 $0xffff, v13  }
0x29e: {  	(xrf0) =	vadd.scan.msk.s32 $0xffff, v14  }
0x29f: {  	s0 =	simm.s32 $0x30C0  }
0x2a0: {  	p0 =	por $0x0, $0x0;
	v8 =	vld [tilespmem:s0+$0x0];
	v10, _, _ =	vpop (xrf0);
	s31 =	spop (v2sf)  }
.Ltmp29:
0x2a1: {  	v11 =	vnsel vm1, $0x0, v7;
	v7 =	vsub.s32 v10, v12;
	s24 =	sadd.s32 $0x0, s31;
	(pc) =	sbr.rel @p0 .LBB2_55-.Ltmp29, $4  }
0x2a2: {  	v12 =	vperm.xlane v9, v4;
	v9, _, _ =	vpop (xrf0);
	v7 =	vadd.s32 s24, v7;
	v10 =	vadd.s32 s24, v10  }
0x2a3: {  	(xrf0) =	vadd.scan.msk.s32 $0xffff, v11;
	(v2sf) =	vpush v9, $0xF;
	v9, _, _ =	vpop (xrf0);
	vm0 =	vge.s32 v10, v6;
	vm1 =	vlt.s32 v7, v6  }
0x2a4: {  	(xrf0) =	vadd.scan.msk.s32 $0xffff, v12;
	(v2sf) =	vpush v9, $0xF;
	v9, _, _ =	vpop (xrf0);
	vm1 =	vmand vm0, vm1  }
0x2a5: {  	s23 =	simm.s32 $0xBF;
	p4 =	por $0x1, $0x1;
	(xrf0) =	vadd.scan.msk.s32 $0xffff, v8;
	(v2sf) =	vpush v9, $0xF;
	v13 =	vsel vm1, $0x1, v1;
	v14 =	vnsel vm1, $0x0, v0  }
0x2a6: {  	(xrf0) =	vadd.scan.msk.s32 $0xffff, v13  }
0x2a7: {  	(xrf0) =	vadd.scan.msk.s32 $0xffff, v14;
	_ =	sdelay $0x1  }
0x2a8: {  	v7 =	vnsel vm1, $0x0, v7;
	v10, _, _ =	vpop (xrf0)  }
0x2a9: {  	v11, _, _ =	vpop (xrf0)  }
0x2aa: {  	s31 =	spop (v2sf);
	(v2sf) =	vpush v10, $0xF;
	v13, _, _ =	vpop (xrf0)  }
0x2ab: {  	(xrf0) =	vadd.scan.msk.s32 $0xffff, v7;
	(v2sf) =	vpush v13, $0xF;
	v7, _, _ =	vpop (xrf0)  }
0x2ac: {  	(v2sf) =	vpush v7, $0xF;
	v7, _, _ =	vpop (xrf0)  }
0x2ad: {  	(v2sf) =	vpush v7, $0xF;
	_ =	sdelay $0x2  }
0x2ae: {  	s0 =	simm.s32 $0x30B0  }
0x2af: {  	p0 =	por $0x0, $0x0;
	v9 =	vld [tilespmem:s0+$0x0]  }
.Ltmp30:
0x2b0: {  	v10 =	vsub.s32 v11, v12;
	s24 =	sadd.s32 s24, s31;
	(pc) =	sbr.rel @p0 .LBB2_57-.Ltmp30, $4  }
0x2b1: {  	v12 =	vperm.xlane v8, v4;
	v8 =	vadd.s32 s24, v10;
	v10 =	vadd.s32 s24, v11  }
0x2b2: {  	vm0 =	vge.s32 v10, v6;
	vm1 =	vlt.s32 v8, v6  }
0x2b3: {  	(xrf0) =	vadd.scan.msk.s32 $0xffff, v12;
	vm0 =	vmand vm0, vm1  }
0x2b4: {  	p5 =	por $0x1, $0x1;
	s0 =	simm.s32 $0xAF;
	(xrf0) =	vadd.scan.msk.s32 $0xffff, v9;
	v10 =	vsel vm0, $0x1, v1;
	v11 =	vnsel vm0, $0x0, v0  }
0x2b5: {  	(xrf0) =	vadd.scan.msk.s32 $0xffff, v10  }
0x2b6: {  	(xrf0) =	vadd.scan.msk.s32 $0xffff, v11;
	_ =	sdelay $0x1  }
0x2b7: {  	v7, _, _ =	vpop (xrf0)  }
0x2b8: {  	v13, _, _ =	vpop (xrf0)  }
0x2b9: {  	(v2sf) =	vpush v7, $0xF;
	v7 =	vsub.s32 v13, v12;
	v12 =	vperm.xlane v9, v4;
	v9, _, _ =	vpop (xrf0)  }
0x2ba: {  	(v2sf) =	vpush v9, $0xF;
	v9, _, _ =	vpop (xrf0)  }
0x2bb: {  	(v2sf) =	vpush v9, $0xF;
	v9, _, _ =	vpop (xrf0)  }
0x2bc: {  	s1 =	spop (v2sf);
	s29 =	simm.s32 $0x30A0;
	p1 =	por $0x0, $0x0;
	v14 =	vnsel vm0, $0x0, v8;
	(v2sf) =	vpush v9, $0xF  }
0x2bd: {  	p6 =	por $0x1, $0x1;
	s16 =	simm.s32 $0x9F;
	s28 =	simm.s32 $0x0;
	v15 =	vld [tilespmem:s29+$0x0];
	(xrf0) =	vadd.scan.msk.s32 $0xffff, v14  }
.Ltmp31:
0x2be: {  	s25 =	spop (v2sf);
	s24 =	sadd.s32 s24, s1;
	(pc) =	sbr.rel @p1 .LBB2_59-.Ltmp31, $4  }
0x2bf: {  	s31 =	simm.s32 $0x0;
	p0 =	sgt.s32 s25, $0x0;
	s26 =	spop (v2sf);
	v13 =	vadd.s32 s24, v13;
	v7 =	vadd.s32 s24, v7  }
0x2c0: {  	s30 =	simm.s32 $0xEF;
	p0 =	por !p6, !p0;
	s1 =	ssub.s32 $0xFF, s26;
	vm1 =	vge.s32 v13, v6;
	vm2 =	vlt.s32 v7, v6;
	(xrf0) =	vadd.scan.msk.s32 $0xffff, v12  }
0x2c1: {  	s12 =	spop (v2sf);
	s26 =	simm.s32 $0x0;
	p6 =	por !p0, !p0;
	vm1 =	vmand vm1, vm2  }
0x2c2: {  	s28 =	smov.u32 @p6 s1;
	s26 =	smov.u32 @p6 s12;
	s1 =	simm.s32 $0xDF;
	(xrf0) =	vadd.scan.msk.s32 $0xffff, v15;
	v13 =	vsel vm1, $0x1, v1;
	v14 =	vnsel vm1, $0x0, v0  }
.LBB2_60:
0x2c3: {  	p1 =	seq.s32 s16, $0xF;
	(xrf0) =	vadd.scan.msk.s32 $0xffff, v13;
	v9, _, _ =	vpop (xrf0);
	s12 =	smov.u32 s13;
	s13 =	smov.u32 s23  }
0x2c4: {  	s23 =	smov.u32 s0;
	s0 =	smov.u32 s16;
	(xrf0) =	vadd.scan.msk.s32 $0xffff, v14;
	(v2sf) =	vpush v9, $0xF  }
0x2c5: {  	s29 =	sadd.s32 $0xFFFFFFF0, s29;
	v7 =	vnsel vm1, $0x0, v7  }
0x2c6: {  	s31 =	sor.u32 s31, s25;
	v9 =	vld [tilespmem:s29+$0x0];
	v13, _, _ =	vpop (xrf0);
	(xrf0) =	vadd.scan.msk.s32 $0xffff, v7;
	s15 =	spop (v2sf)  }
.Ltmp32:
0x2c7: {  	v7 =	vsub.s32 v13, v12;
	v12 =	vperm.xlane v15, v4;
	s24 =	sadd.s32 s24, s15;
	s25 =	spop (v2sf);
	(pc) =	sbr.rel @!p1 .LBB2_60-.Ltmp32, $4  }
0x2c8: {  	p6 =	seq.s32 s31, $0x0;
	v14, _, _ =	vpop (xrf0);
	v7 =	vadd.s32 s24, v7;
	v16 =	vadd.s32 s24, v13;
	p0 =	sgt.s32 s25, $0x0;
	s15 =	spop (v2sf)  }
0x2c9: {  	(xrf0) =	vadd.scan.msk.s32 $0xffff, v12;
	(v2sf) =	vpush v14, $0xF;
	vm1 =	vge.s32 v16, v6;
	vm2 =	vlt.s32 v7, v6;
	v13, _, _ =	vpop (xrf0);
	p0 =	por !p6, !p0;
	s15 =	ssub.s32 s30, s15;
	s30 =	smov.u32 s1  }
0x2ca: {  	s1 =	smov.u32 s12;
	vm1 =	vmand vm1, vm2;
	(v2sf) =	vpush v13, $0xF;
	v15, _, _ =	vpop (xrf0);
	p0 =	por !p0, !p0;
	s18 =	spop (v2sf)  }
0x2cb: {  	s16 =	sadd.s32 $0xFFFFFFF0, s16;
	(xrf0) =	vadd.scan.msk.s32 $0xffff, v9;
	v13 =	vsel vm1, $0x1, v1;
	v14 =	vnsel vm1, $0x0, v0;
	(v2sf) =	vpush v15, $0xF;
	s28 =	smov.u32 @p0 s15;
	s26 =	smov.u32 @p0 s18;
	v15 =	vmovc v9  }
0x2cc: {  	s29 =	smov.u32 s13;
	s13 =	smov.u32 s0;
	v9 =	vmov v15;
	p1 =	por $0x1, $0x1  }
.LBB2_62:
0x2cd: {  	_ = 	snop  }
0x2ce: {  	(xrf0) =	vadd.scan.msk.s32 @p3 $0xffff, v13;
	v13, _, _ =	vpop @p4 (xrf0);
	s0 =	spop @p3 (v2sf)  }
0x2cf: {  	v7 =	vnsel @p3 vm1, $0x0, v7;
	s12 =	simm.s32 $0x0;
	(xrf0) =	vadd.scan.msk.s32 @p3 $0xffff, v14;
	s0 =	sadd.s32 @p3 s24, s0;
	v14, _, _ =	vpop @p2 (xrf0)  }
0x2d0: {  	(xrf0) =	vadd.scan.msk.s32 @p3 $0xffff, v7;
	s12 =	smov.u32 @p3 s0;
	v7 =	vsub.s32 @p2 v14, v12  }
0x2d1: {  	v9 =	vperm.xlane v9, v4;
	v12 =	vadd.s32 @p2 s12, v14;
	v7 =	vadd.s32 @p2 s12, v7  }
0x2d2: {  	vm1 =	vge.s32 @p2 v12, v6;
	vm2 =	vlt.s32 @p2 v7, v6  }
0x2d3: {  	(v2sf) =	vpush @p4 v13, $0xF;
	(xrf0) =	vadd.scan.msk.s32 $0xffff, v9;
	vm1 =	vmand @p2 vm1, vm2  }
0x2d4: {  	v13 =	vsel @p2 vm1, $0x1, v1  }
0x2d5: {  	s15 =	simm.s32 $0x0;
	s16 =	spop @p5 (v2sf);
	s0 =	sor.u32 @p1 s31, s25;
	v60, _, _ =	vpop (xrf0);
	v10 =	vpsel p2, v13, v10  }
0x2d6: {  	s15 =	smov.u32 @p1 s0;
	s0 =	spop @p5 (v2sf);
	(v2sf) =	vpush v60, $0xF;
	v12, _, _ =	vpop @p3 (xrf0)  }
0x2d7: {  	s18 =	spop @p5 (v2sf);
	(v2sf) =	vpush @p3 v12, $0xF;
	v12, _, _ =	vpop @p3 (xrf0)  }
0x2d8: {  	p0 =	sgt.s32 @p5 s16, $0x0;
	(xrf0) =	vadd.scan.msk.s32 @p2 $0xffff, v10;
	v10, _, _ =	vpop @p3 (xrf0);
	s24 =	spop @p2 (v2sf)  }
0x2d9: {  	p1 =	seq.s32 @p5 s15, $0x0;
	v7 =	vpsel p2, v7, v8;
	v13 =	vnsel @p2 vm1, $0x0, v0;
	v61, _, _ =	vpop (xrf0);
	s12 =	sadd.s32 @p2 s12, s24;
	s24 =	simm.s32 $0x0  }
0x2da: {  	p0 =	por @p5 !p1, !p0;
	vm0 =	vmmov @p2 vm1;
	v11 =	vpsel p2, v13, v11;
	v62 =	vsub.s32 v61, v9;
	s24 =	smov.u32 @p2 s12  }
0x2db: {  	s25 =	smov.u32 @p3 s29;
	s16 =	smov.u32 @p5 s16;
	p0 =	por @p5 !p0, !p0;
	(v2sf) =	vpush @p3 v12, $0xF;
	(xrf0) =	vadd.scan.msk.s32 @p2 $0xffff, v11;
	v8 =	vadd.s32 s24, v62;
	v63 =	vadd.s32 s24, v61  }
0x2dc: {  	s0 =	ssub.s32 @p5 s30, s0;
	p1 =	por !p0, !p5;
	(v2sf) =	vpush @p3 v10, $0xF;
	s12 =	smov.u32 s7;
	vm14 =	vge.s32 v63, v6;
	vm15 =	vlt.s32 v8, v6  }
0x2dd: {  	s0 =	smov.u32 @p1 s28;
	s18 =	smov.u32 @p1 s26;
	v7 =	vnsel @p2 vm0, $0x0, v7;
	s12 =	smov.u32 @p4 s1;
	vm0 =	vmand vm14, vm15  }
0x2de: {  	(xrf0) =	vadd.scan.msk.s32 @p2 $0xffff, v7;
	s1 =	sor.u32 @p5 s15, s16;
	s15 =	simm.s32 $0x0;
	s16 =	spop @p4 (v2sf);
	v6, _, _ =	vpop @p2 (xrf0);
	v7 =	vsel vm0, $0x1, v1  }
0x2df: {  	s15 =	smov.u32 @p5 s1;
	s1 =	simm.s32 $0x0;
	p0 =	sgt.s32 @p4 s16, $0x0;
	(v2sf) =	vpush @p2 v6, $0xF;
	(xrf0) =	vadd.scan.msk.s32 $0xffff, v7  }
0x2e0: {  	p1 =	seq.s32 @p4 s15, $0x0;
	s1 =	smov.u32 @p5 s0;
	s0 =	simm.s32 $0x0;
	v6 =	vnsel vm0, $0x0, v0  }
0x2e1: {  	p0 =	por @p4 !p1, !p0;
	s0 =	smov.u32 @p5 s18;
	s18 =	spop @p4 (v2sf);
	v7, _, _ =	vpop @p2 (xrf0);
	(xrf0) =	vadd.scan.msk.s32 $0xffff, v6  }
0x2e2: {  	p0 =	por @p4 !p0, !p0;
	s12 =	ssub.s32 @p4 s12, s18;
	s18 =	spop @p4 (v2sf);
	v6 =	vnsel vm0, $0x0, v8;
	(v2sf) =	vpush @p2 v7, $0xF  }
0x2e3: {  	s14 =	smov.u32 @p2 s23;
	s23 =	smov.u32 @p3 s25;
	p0 =	por !p0, !p4  }
0x2e4: {  	s22 =	smov.u32 @p3 s23;
	s12 =	smov.u32 @p0 s1;
	s18 =	smov.u32 @p0 s0;
	v7, _, _ =	vpop @p2 (xrf0)  }
0x2e5: {  	s0 =	smov.u32 @p2 s14;
	s1 =	smov.u32 @p4 s16;
	s14 =	smov.u32 @p3 s22;
	(xrf0) =	vadd.scan.msk.s32 $0xffff, v6;
	(v2sf) =	vpush @p2 v7, $0xF;
	v6, _, _ =	vpop (xrf0)  }
0x2e6: {  	s29 =	spop (v2sf);
	s1 =	sor.u32 @p4 s15, s1;
	s15 =	simm.s32 $0x0;
	(v2sf) =	vpush v6, $0xF  }
0x2e7: {  	s7 =	smov.u32 @p2 s0;
	s16 =	spop @p3 (v2sf);
	s15 =	smov.u32 @p4 s1;
	v6, _, _ =	vpop (xrf0)  }
0x2e8: {  	s0 =	simm.s32 $0x0;
	p0 =	sgt.s32 @p3 s16, $0x0;
	p1 =	seq.s32 @p3 s15, $0x0;
	(v2sf) =	vpush v6, $0xF  }
0x2e9: {  	s1 =	simm.s32 $0x0;
	s0 =	smov.u32 @p4 s18;
	p0 =	por @p3 !p1, !p0  }
0x2ea: {  	s1 =	smov.u32 @p4 s12;
	p0 =	por @p3 !p0, !p0;
	s12 =	spop @p3 (v2sf)  }
0x2eb: {  	p0 =	por !p0, !p3;
	s12 =	ssub.s32 @p3 s14, s12;
	s14 =	spop @p3 (v2sf)  }
0x2ec: {  	s12 =	smov.u32 @p0 s1;
	s14 =	smov.u32 @p0 s0;
	s0 =	smov.u32 @p3 s16  }
0x2ed: {  	s1 =	smov.u32 @p2 s7;
	s7 =	simm.s32 $0x0;
	s0 =	sor.u32 @p3 s15, s0  }
0x2ee: {  	s1 =	smov.u32 @p2 s1;
	s7 =	smov.u32 @p3 s0;
	s15 =	spop @p2 (v2sf)  }
0x2ef: {  	v6, _, _ =	vpop (xrf0);
	s0 =	simm.s32 $0x0;
	p1 =	seq.s32 @p2 s7, $0x0;
	p0 =	sgt.s32 @p2 s15, $0x0  }
0x2f0: {  	(v2sf) =	vpush v6, $0xF;
	s0 =	smov.u32 @p3 s12;
	s12 =	simm.s32 $0x0;
	p0 =	por @p2 !p1, !p0  }
0x2f1: {  	s12 =	smov.u32 @p3 s14;
	p0 =	por @p2 !p0, !p0;
	s14 =	spop @p2 (v2sf)  }
0x2f2: {  	p0 =	por !p0, !p2;
	s1 =	ssub.s32 @p2 s1, s14  }
0x2f3: {  	s15 =	smov.u32 @p2 s15;
	s1 =	smov.u32 @p0 s0;
	s0 =	simm.s32 $0x0  }
0x2f4: {  	s14 =	spop @p2 (v2sf);
	s0 =	smov.u32 @p2 s1;
	s1 =	sor.u32 @p2 s7, s15  }
0x2f5: {  	s30 =	spop (v2sf);
	s5 =	smov.u32 @p2 s1  }
0x2f6: {  	p5 =	sgt.s32 s30, $0x0;
	p6 =	seq.s32 s5, $0x0  }
0x2f7: {  	s14 =	smov.u32 @p0 s12;
	s31 =	spop (v2sf);
	p0 =	por !p6, !p5  }
0x2f8: {  	s1 =	ssub.s32 s13, s31;
	p0 =	por !p0, !p0  }
0x2f9: {  	s0 =	smov.u32 @p0 s1;
	s1 =	simm.s32 $0x2040  }
0x2fa: {  	[tilespmem:s1+$0xFFFFFFC0] =	vst v1  }
0x2fb: {  	[tilespmem:s1+$0x30] =	vst v1  }
0x2fc: {  	[tilespmem:s1+$0x20] =	vst v1  }
0x2fd: {  	[tilespmem:s1+$0x10] =	vst v1  }
0x2fe: {  	s7 =	simm.s32 $0x0;
	[tilespmem:s1+$0x0] =	vst v1  }
0x2ff: {  	s7 =	smov.u32 @p2 s14;
	s5 =	spop (v2sf);
	[tilespmem:s1+$0xFFFFFFF0] =	vst v1  }
0x300: {  	s7 =	smov.u32 @p0 s5;
	s5 =	simm.s32 $0x0;
	[tilespmem:s1+$0xFFFFFFE0] =	vst v1  }
.LBB2_63:
0x301: {  	s5 =	sadd.s32 $0x8, s5;
	[tilespmem:s1+$0xFFFFFFD0] =	vst v1;
	s1 =	sadd.s32 $0x80, s1  }
0x302: {  	[tilespmem:s1+$0xFFFFFFC0] =	vst v1;
	p0 =	slt.u32 s5, $0x78  }
0x303: {  	[tilespmem:s1+$0x30] =	vst v1  }
.Ltmp33:
0x304: {  	[tilespmem:s1+$0x20] =	vst v1;
	(pc) =	sbr.rel @p0 .LBB2_63-.Ltmp33, $4  }
0x305: {  	[tilespmem:s1+$0x10] =	vst v1  }
0x306: {  	[tilespmem:s1+$0x0] =	vst v1  }
0x307: {  	[tilespmem:s1+$0xFFFFFFF0] =	vst v1  }
0x308: {  	[tilespmem:s1+$0xFFFFFFE0] =	vst v1  }
0x309: {  	[tilespmem:s1+$0xFFFFFFD0] =	vst v1;
	s31 =	simm.s32 $0x40  }
0x30a: {  	v7 =	vld [tilespmem:s31+$0xFFFFFFC0]  }
0x30b: {  	v9 =	vld [tilespmem:s31+$0xFFFFFFE0];
	_ =	sdelay $0x1  }
0x30c: {  	s0 =	sshll.u32 s0, $0x7  }
0x30d: {  	s21 =	sor.u32 s21, s0;
	v11 =	vld [tilespmem:s31+$0xFFFFFFF0]  }
0x30e: {  	v13 =	vld [tilespmem:s31+$0x20];
	v6 =	vmov s21;
	v8 =	vand.u32 $0x7FFFFF80, v7  }
0x30f: {  	v7 =	vand.u32 $0x7F, v7;
	v10 =	vand.u32 $0x7FFFFF80, v9;
	vm3 =	veq.s32 v8, v6  }
0x310: {  	v15 =	vld [tilespmem:s31+$0x30];
	v9 =	vand.u32 $0x7F, v9;
	v14 =	vor.u32 v5, v7;
	vm2 =	veq.s32 v10, v6  }
0x311: {  	v7 =	vld [tilespmem:s31+$0xFFFFFFD0];
	v10 =	vor.u32 v5, v9;
	_ =	sdelay $0x1  }
0x312: {  	v16 =	vand.u32 $0x7FFFFF80, v13;
	v8 =	vand.u32 $0x7F, v11;
	v9 =	vand.u32 $0x7FFFFF80, v11;
	v11 =	vld [tilespmem:s31+$0x10]  }
0x313: {  	v12 =	vld [tilespmem:s31+$0x0];
	vm1 =	veq.s32 v16, v6;
	vm0 =	veq.s32 v9, v6;
	v9 =	vand.u32 $0x7F, v13  }
0x314: {  	s13 =	simm.s32 $0xC0;
	s0 =	simm.s32 $0x0;
	v13 =	vand.u32 $0x7F, v15;
	v9 =	vor.u32 v5, v9;
	[tilespmem:v14+s19+$0x0] =	vst.idx.add.s32.msk vm3, v3;
	v14 =	vand.u32 $0x7FFFFF80, v15  }
.LBB2_65:
0x315: {  	s0 =	sadd.s32 $0x8, s0;
	v15 =	vand.u32 $0x7FFFFF80, v7;
	[tilespmem:v10+s19+$0x0] =	vst.idx.add.s32.msk vm2, v3;
	vm3 =	veq.s32 v14, v6;
	s1 =	simm.s32 $0x2400  }
0x316: {  	v7 =	vand.u32 $0x7F, v7;
	v10 =	vor.u32 v5, v8;
	v14 =	vld [tilespmem:s13+$0xFFFFFFF0];
	p2 =	slt.u32 s0, $0x1F8;
	vm4 =	veq.s32 v15, v6  }
0x317: {  	v13 =	vor.u32 v5, v13;
	v16 =	vor.u32 v5, v7;
	v15 =	vld [tilespmem:s13+$0xFFFFFFE0];
	v7 =	vand.u32 $0x7FFFFF80, v11  }
0x318: {  	v17 =	vld [tilespmem:s13+$0xFFFFFFC0];
	v8 =	vand.u32 $0x7FFFFF80, v12;
	vm5 =	veq.s32 v7, v6;
	v7 =	vand.u32 $0x7F, v11  }
0x319: {  	v18 =	vld [tilespmem:s13+$0x30];
	vm6 =	veq.s32 v8, v6;
	v8 =	vand.u32 $0x7F, v12;
	v11 =	vor.u32 v5, v7  }
0x31a: {  	v19 =	vld [tilespmem:s13+$0x20];
	v12 =	vor.u32 v5, v8  }
0x31b: {  	v7 =	vld [tilespmem:s13+$0xFFFFFFD0];
	v8 =	vand.u32 $0x7F, v14  }
0x31c: {  	[tilespmem:v10+s19+$0x0] =	vst.idx.add.s32.msk vm0, v3  }
0x31d: {  	v20 =	vand.u32 $0x7FFFFF80, v15;
	v15 =	vand.u32 $0x7F, v15;
	v10 =	vand.u32 $0x7FFFFF80, v17;
	[tilespmem:v9+s19+$0x0] =	vst.idx.add.s32.msk vm1, v3  }
0x31e: {  	v9 =	vand.u32 $0x7F, v17;
	vm2 =	veq.s32 v20, v6;
	vm7 =	veq.s32 v10, v6;
	[tilespmem:v11+s19+$0x0] =	vst.idx.add.s32.msk vm5, v3  }
0x31f: {  	v9 =	vor.u32 v5, v9;
	v10 =	vor.u32 v5, v15;
	[tilespmem:v12+s19+$0x0] =	vst.idx.add.s32.msk vm6, v3  }
.Ltmp34:
0x320: {  	v11 =	vand.u32 $0x7FFFFF80, v14;
	[tilespmem:v13+s19+$0x0] =	vst.idx.add.s32.msk vm3, v3;
	(pc) =	sbr.rel @p2 .LBB2_65-.Ltmp34, $4  }
0x321: {  	vm0 =	veq.s32 v11, v6;
	[tilespmem:v16+s19+$0x0] =	vst.idx.add.s32.msk vm4, v3  }
0x322: {  	v13 =	vand.u32 $0x7FFFFF80, v19;
	v11 =	vld [tilespmem:s13+$0x10]  }
0x323: {  	vm1 =	veq.s32 v13, v6;
	v13 =	vand.u32 $0x7F, v19;
	v12 =	vld [tilespmem:s13+$0x0]  }
0x324: {  	s5 =	simm.s32 $0x3010;
	v14 =	vand.u32 $0x7FFFFF80, v18;
	s13 =	sadd.s32 $0x80, s13;
	[tilespmem:v9+s19+$0x0] =	vst.idx.add.s32.msk vm7, v3;
	v9 =	vor.u32 v5, v13;
	v13 =	vand.u32 $0x7F, v18  }
0x325: {  	_ = 	snop  }
0x326: {  	v8 =	vor.u32 v5, v8  }
0x327: {  	v56 =	vand.u32 $0x7FFFFF80, v7;
	vm5 =	veq.s32 v14, v6;
	v15 =	vand.u32 $0x7FFFFF80, v11  }
0x328: {  	vm15 =	veq.s32 v56, v6;
	v11 =	vand.u32 $0x7F, v11;
	vm3 =	veq.s32 v15, v6  }
0x329: {  	v16 =	vand.u32 $0x7FFFFF80, v12;
	v55 =	vand.u32 $0x7F, v12;
	v11 =	vor.u32 v5, v11  }
0x32a: {  	vm4 =	veq.s32 v16, v6;
	v6 =	vand.u32 $0x7F, v7;
	v7 =	vor.u32 v5, v13  }
0x32b: {  	[tilespmem:v10+s19+$0x0] =	vst.idx.add.s32.msk vm2, v3;
	v12 =	vor.u32 v5, v55  }
0x32c: {  	[tilespmem:v9+s19+$0x0] =	vst.idx.add.s32.msk vm1, v3;
	v6 =	vor.u32 v5, v6  }
0x32d: {  	[tilespmem:v8+s19+$0x0] =	vst.idx.add.s32.msk vm0, v3  }
0x32e: {  	[tilespmem:v11+s19+$0x0] =	vst.idx.add.s32.msk vm3, v3  }
0x32f: {  	[tilespmem:v7+s19+$0x0] =	vst.idx.add.s32.msk vm5, v3  }
0x330: {  	[tilespmem:v12+s19+$0x0] =	vst.idx.add.s32.msk vm4, v3  }
0x331: {  	[tilespmem:v6+s19+$0x0] =	vst.idx.add.s32.msk vm15, v3  }
0x332: {  	v6 =	vld [tilespmem:s1+$0xFFFFFC10]  }
0x333: {  	v7 =	vld [tilespmem:s1+$0xFFFFFC90]  }
0x334: {  	v8 =	vld [tilespmem:s1+$0xFFFFFD10]  }
0x335: {  	v9 =	vld [tilespmem:s1+$0xFFFFFD90]  }
0x336: {  	v10 =	vld [tilespmem:s1+$0xFFFFFE10]  }
0x337: {  	v11 =	vld [tilespmem:s1+$0xFFFFFE90]  }
0x338: {  	v12 =	vld [tilespmem:s1+$0xFFFFFF10]  }
0x339: {  	v57 =	vld [tilespmem:s1+$0xFFFFFF90]  }
0x33a: {  	v58 =	vld [tilespmem:s1+$0x10]  }
0x33b: {  	v59 =	vld [tilespmem:s1+$0x90]  }
0x33c: {  	v60 =	vld [tilespmem:s1+$0x110]  }
0x33d: {  	v17 =	vld [tilespmem:s1+$0x190]  }
0x33e: {  	v18 =	vld [tilespmem:s1+$0x210]  }
0x33f: {  	v19 =	vld [tilespmem:s1+$0x290]  }
0x340: {  	v20 =	vld [tilespmem:s1+$0x310]  }
0x341: {  	v21 =	vld [tilespmem:s1+$0x390]  }
0x342: {  	v6 =	vadd.s32 v6, v7;
	v7 =	vld [tilespmem:s1+$0xFFFFFC80]  }
0x343: {  	v6 =	vadd.s32 v8, v6;
	v8 =	vld [tilespmem:s1+$0xFFFFFC00]  }
0x344: {  	v6 =	vadd.s32 v9, v6;
	v9 =	vld [tilespmem:s1+$0xFFFFFD00]  }
0x345: {  	v6 =	vadd.s32 v10, v6;
	v10 =	vld [tilespmem:s1+$0xFFFFFD80]  }
0x346: {  	v6 =	vadd.s32 v11, v6;
	v11 =	vld [tilespmem:s1+$0xFFFFFE00]  }
0x347: {  	v61 =	vld [tilespmem:s1+$0xFFFFFE80];
	v6 =	vadd.s32 v12, v6  }
0x348: {  	v6 =	vadd.s32 v57, v6;
	v7 =	vadd.s32 v8, v7;
	v8 =	vld [tilespmem:s1+$0xFFFFFF00]  }
0x349: {  	v6 =	vadd.s32 v58, v6;
	v7 =	vadd.s32 v9, v7;
	v9 =	vld [tilespmem:s1+$0xFFFFFF80]  }
0x34a: {  	v6 =	vadd.s32 v59, v6;
	v7 =	vadd.s32 v10, v7;
	v10 =	vld [tilespmem:s1+$0x0]  }
0x34b: {  	v6 =	vadd.s32 v60, v6;
	v7 =	vadd.s32 v11, v7;
	v11 =	vld [tilespmem:s1+$0x80]  }
0x34c: {  	v62 =	vld [tilespmem:s1+$0x100];
	v6 =	vadd.s32 v17, v6;
	v7 =	vadd.s32 v61, v7  }
0x34d: {  	v63 =	vadd.s32 v18, v6;
	v7 =	vadd.s32 v8, v7;
	v6 =	vld [tilespmem:s1+$0x180]  }
0x34e: {  	v8 =	vadd.s32 v19, v63;
	v9 =	vadd.s32 v9, v7;
	v7 =	vld [tilespmem:s1+$0x200]  }
0x34f: {  	v13 =	vadd.s32 v20, v8;
	v9 =	vadd.s32 v10, v9;
	v8 =	vld [tilespmem:s1+$0x280]  }
0x350: {  	v10 =	vadd.s32 v21, v13;
	v11 =	vadd.s32 v11, v9;
	v9 =	vld [tilespmem:s1+$0x300]  }
0x351: {  	s0 =	simm.s32 $0x0;
	[tilespmem:s5+$0x0] =	vst v10;
	v11 =	vadd.s32 v62, v11;
	v10 =	vld [tilespmem:s1+$0x380];
	s1 =	simm.s32 $0x2420  }
.LBB2_67:
0x352: {  	v12 =	vld [tilespmem:s1+$0xFFFFFC10];
	v6 =	vadd.s32 v6, v11  }
0x353: {  	s0 =	sadd.s32 $0x2, s0;
	v11 =	vld [tilespmem:s1+$0xFFFFFC90];
	v6 =	vadd.s32 v7, v6  }
0x354: {  	p2 =	slt.u32 s0, $0x6;
	v7 =	vld [tilespmem:s1+$0xFFFFFD10];
	v6 =	vadd.s32 v8, v6  }
0x355: {  	v8 =	vld [tilespmem:s1+$0xFFFFFD90];
	v6 =	vadd.s32 v9, v6  }
0x356: {  	v9 =	vld [tilespmem:s1+$0xFFFFFE10];
	v6 =	vadd.s32 v10, v6  }
0x357: {  	v10 =	vld [tilespmem:s1+$0xFFFFFE90];
	[tilespmem:s5+$0xFFFFFFF0] =	vst v6  }
0x358: {  	v6 =	vadd.s32 v12, v11;
	v11 =	vld [tilespmem:s1+$0xFFFFFF10]  }
0x359: {  	v6 =	vadd.s32 v7, v6;
	v7 =	vld [tilespmem:s1+$0xFFFFFF90]  }
0x35a: {  	v6 =	vadd.s32 v8, v6;
	v8 =	vld [tilespmem:s1+$0x10]  }
0x35b: {  	v6 =	vadd.s32 v9, v6;
	v9 =	vld [tilespmem:s1+$0x90]  }
0x35c: {  	v6 =	vadd.s32 v10, v6;
	v10 =	vld [tilespmem:s1+$0x110]  }
0x35d: {  	v6 =	vadd.s32 v11, v6;
	v11 =	vld [tilespmem:s1+$0x190]  }
0x35e: {  	v6 =	vadd.s32 v7, v6;
	v7 =	vld [tilespmem:s1+$0x210]  }
0x35f: {  	v6 =	vadd.s32 v8, v6;
	v8 =	vld [tilespmem:s1+$0x290]  }
0x360: {  	v6 =	vadd.s32 v9, v6;
	v9 =	vld [tilespmem:s1+$0x310]  }
0x361: {  	v6 =	vadd.s32 v10, v6;
	v10 =	vld [tilespmem:s1+$0x390]  }
0x362: {  	v12 =	vld [tilespmem:s1+$0xFFFFFC80];
	v6 =	vadd.s32 v11, v6  }
0x363: {  	v11 =	vld [tilespmem:s1+$0xFFFFFC00];
	v6 =	vadd.s32 v7, v6  }
0x364: {  	v7 =	vld [tilespmem:s1+$0xFFFFFD00];
	v6 =	vadd.s32 v8, v6  }
0x365: {  	v8 =	vld [tilespmem:s1+$0xFFFFFD80];
	v6 =	vadd.s32 v9, v6  }
0x366: {  	s5 =	sadd.s32 $0x20, s5;
	v9 =	vld [tilespmem:s1+$0xFFFFFE00];
	v6 =	vadd.s32 v10, v6  }
0x367: {  	v10 =	vld [tilespmem:s1+$0xFFFFFE80];
	[tilespmem:s5+$0x0] =	vst v6  }
0x368: {  	v6 =	vadd.s32 v11, v12;
	v11 =	vld [tilespmem:s1+$0xFFFFFF00]  }
0x369: {  	v6 =	vadd.s32 v7, v6;
	v7 =	vld [tilespmem:s1+$0xFFFFFF80]  }
0x36a: {  	v6 =	vadd.s32 v8, v6;
	v8 =	vld [tilespmem:s1+$0x0]  }
0x36b: {  	v6 =	vadd.s32 v9, v6;
	v9 =	vld [tilespmem:s1+$0x80]  }
0x36c: {  	v6 =	vadd.s32 v10, v6;
	v10 =	vld [tilespmem:s1+$0x100]  }
.Ltmp35:
0x36d: {  	v11 =	vadd.s32 v11, v6;
	v6 =	vld [tilespmem:s1+$0x180];
	(pc) =	sbr.rel @p2 .LBB2_67-.Ltmp35, $4  }
0x36e: {  	v11 =	vadd.s32 v7, v11;
	v7 =	vld [tilespmem:s1+$0x200]  }
0x36f: {  	v11 =	vadd.s32 v8, v11;
	v8 =	vld [tilespmem:s1+$0x280]  }
0x370: {  	v11 =	vadd.s32 v9, v11;
	v9 =	vld [tilespmem:s1+$0x300]  }
0x371: {  	v11 =	vadd.s32 v10, v11;
	v10 =	vld [tilespmem:s1+$0x380];
	s1 =	sadd.s32 $0x20, s1  }
0x372: {  	v6 =	vadd.s32 v6, v11  }
0x373: {  	v6 =	vadd.s32 v7, v6  }
0x374: {  	v6 =	vadd.s32 v8, v6  }
0x375: {  	v6 =	vadd.s32 v9, v6  }
0x376: {  	v6 =	vadd.s32 v10, v6  }
0x377: {  	s0 =	simm.s32 $0x3070;
	[tilespmem:s5+$0xFFFFFFF0] =	vst v6  }
0x378: {  	v6 =	vld [tilespmem:s0+$0x0];
	_ =	sdelay $0x4  }
0x379: {  	(xrf0) =	vadd.scan.msk.s32 $0xffff, v6;
	_ =	sdelay $0x1  }
0x37a: {  	s23 =	simm.s32 $0x3060  }
0x37b: {  	v7 =	vld [tilespmem:s23+$0x0]  }
0x37c: {  	v8 =	vperm.xlane v6, v4;
	_ =	sdelay $0x1  }
0x37d: {  	(xrf0) =	vadd.scan.msk.s32 $0xffff, v8;
	v6, _, _ =	vpop (xrf0)  }
0x37e: {  	(v2sf) =	vpush v6, $0xF  }
0x37f: {  	(xrf0) =	vadd.scan.msk.s32 $0xffff, v7;
	_ =	sdelay $0x2  }
0x380: {  	s24 =	simm.s32 $0x3050  }
0x381: {  	s5 =	sadd.s32 s6, s7;
	v9 =	vld [tilespmem:s24+$0x0];
	v10, _, _ =	vpop (xrf0)  }
0x382: {  	s6 =	simm.s32 $0x0;
	s1 =	ssub.s32 $0x1999, s5;
	v7 =	vperm.xlane v7, v4;
	v8 =	vsub.s32 v10, v8  }
0x383: {  	v6 =	vmov s1;
	v10 =	vadd.s32 s6, v10;
	v11, _, _ =	vpop (xrf0);
	v8 =	vadd.s32 s6, v8  }
0x384: {  	vm0 =	vge.s32 v10, v6;
	(v2sf) =	vpush v11, $0xF;
	vm1 =	vlt.s32 v8, v6  }
0x385: {  	(xrf0) =	vadd.scan.msk.s32 $0xffff, v7;
	vm0 =	vmand vm0, vm1  }
0x386: {  	(xrf0) =	vadd.scan.msk.s32 $0xffff, v9;
	v10 =	vsel vm0, $0x1, v1  }
0x387: {  	(xrf0) =	vadd.scan.msk.s32 $0xffff, v10;
	v10 =	vnsel vm0, $0x0, v0  }
0x388: {  	v8 =	vnsel vm0, $0x0, v8;
	(xrf0) =	vadd.scan.msk.s32 $0xffff, v10  }
0x389: {  	(xrf0) =	vadd.scan.msk.s32 $0xffff, v8;
	_ =	sdelay $0x1  }
0x38a: {  	v8 =	vperm.xlane v9, v4;
	v10, _, _ =	vpop (xrf0);
	s26 =	spop (v2sf)  }
0x38b: {  	s25 =	simm.s32 $0x3040;
	v9, _, _ =	vpop (xrf0);
	v7 =	vsub.s32 v10, v7;
	s0 =	sadd.s32 $0x0, s26  }
0x38c: {  	v11 =	vld [tilespmem:s25+$0x0];
	(xrf0) =	vadd.scan.msk.s32 $0xffff, v8;
	(v2sf) =	vpush v9, $0xF;
	v9, _, _ =	vpop (xrf0);
	v7 =	vadd.s32 s0, v7;
	v10 =	vadd.s32 s0, v10  }
0x38d: {  	(v2sf) =	vpush v9, $0xF;
	v9, _, _ =	vpop (xrf0);
	vm0 =	vge.s32 v10, v6;
	vm1 =	vlt.s32 v7, v6  }
0x38e: {  	(v2sf) =	vpush v9, $0xF;
	v9, _, _ =	vpop (xrf0);
	vm0 =	vmand vm0, vm1  }
0x38f: {  	(v2sf) =	vpush v9, $0xF;
	v9 =	vsel vm0, $0x1, v1;
	_ =	sdelay $0x1  }
0x390: {  	s28 =	simm.s32 $0x3030;
	(xrf0) =	vadd.scan.msk.s32 $0xffff, v11  }
0x391: {  	v12 =	vld [tilespmem:s28+$0x0];
	s29 =	spop (v2sf);
	v10 =	vnsel vm0, $0x0, v0;
	(xrf0) =	vadd.scan.msk.s32 $0xffff, v9;
	v9, _, _ =	vpop (xrf0)  }
0x392: {  	s0 =	sadd.s32 s0, s29;
	v7 =	vnsel vm0, $0x0, v7;
	(xrf0) =	vadd.scan.msk.s32 $0xffff, v10;
	v8 =	vsub.s32 v9, v8  }
0x393: {  	v10 =	vperm.xlane v11, v4;
	(xrf0) =	vadd.scan.msk.s32 $0xffff, v7;
	v7 =	vadd.s32 s0, v8;
	v8 =	vadd.s32 s0, v9  }
0x394: {  	vm0 =	vge.s32 v8, v6;
	vm1 =	vlt.s32 v7, v6  }
0x395: {  	(xrf0) =	vadd.scan.msk.s32 $0xffff, v10;
	vm0 =	vmand vm0, vm1  }
0x396: {  	(xrf0) =	vadd.scan.msk.s32 $0xffff, v12;
	v8, _, _ =	vpop (xrf0);
	v9 =	vsel vm0, $0x1, v1  }
0x397: {  	v11, _, _ =	vpop (xrf0);
	(xrf0) =	vadd.scan.msk.s32 $0xffff, v9;
	v9 =	vnsel vm0, $0x0, v0  }
0x398: {  	(xrf0) =	vadd.scan.msk.s32 $0xffff, v9  }
0x399: {  	(v2sf) =	vpush v8, $0xF;
	v8, _, _ =	vpop (xrf0)  }
0x39a: {  	(v2sf) =	vpush v11, $0xF;
	v13, _, _ =	vpop (xrf0)  }
0x39b: {  	s30 =	spop (v2sf);
	(v2sf) =	vpush v8, $0xF;
	v11, _, _ =	vpop (xrf0)  }
0x39c: {  	s25 =	spop (v2sf);
	(v2sf) =	vpush v13, $0xF;
	v8 =	vsub.s32 v11, v10;
	v10, _, _ =	vpop (xrf0)  }
0x39d: {  	(v2sf) =	vpush v10, $0xF;
	v10, _, _ =	vpop (xrf0)  }
0x39e: {  	s31 =	spop (v2sf);
	(v2sf) =	vpush v10, $0xF;
	v63, _, _ =	vpop (xrf0)  }
0x39f: {  	s26 =	simm.s32 $0x3020;
	v62 =	vnsel vm0, $0x0, v7;
	s15 =	spop (v2sf);
	(v2sf) =	vpush v63, $0xF  }
0x3a0: {  	s22 =	simm.s32 $0x4F;
	v9 =	vld [tilespmem:s26+$0x0];
	(xrf0) =	vadd.scan.msk.s32 $0xffff, v62  }
0x3a1: {  	p1 =	por $0x1, $0x1;
	s14 =	simm.s32 $0x3F;
	s0 =	sadd.s32 s0, s30;
	v7 =	vperm.xlane v12, v4  }
0x3a2: {  	s13 =	simm.s32 $0x2F;
	s16 =	simm.s32 $0x1F;
	p0 =	sgt.s32 s25, $0x0;
	v11 =	vadd.s32 s0, v11;
	v8 =	vadd.s32 s0, v8  }
0x3a3: {  	s7 =	simm.s32 $0x0;
	s24 =	simm.s32 $0x6F;
	p0 =	por !p1, !p0;
	vm0 =	vge.s32 v11, v6;
	(xrf0) =	vadd.scan.msk.s32 $0xffff, v7;
	vm1 =	vlt.s32 v8, v6  }
0x3a4: {  	s23 =	simm.s32 $0x0;
	s12 =	ssub.s32 $0x7F, s31;
	p0 =	por !p0, !p0;
	vm0 =	vmand vm0, vm1  }
0x3a5: {  	s1 =	simm.s32 $0x5F;
	s23 =	smov.u32 @p0 s12;
	s7 =	smov.u32 @p0 s15;
	(xrf0) =	vadd.scan.msk.s32 $0xffff, v9;
	v11 =	vsel vm0, $0x1, v1;
	v10 =	vnsel vm0, $0x0, v0  }
.LBB2_69:
0x3a6: {  	p1 =	sne.s32 s16, $0xF;
	(xrf0) =	vadd.scan.msk.s32 $0xffff, v11;
	v11, _, _ =	vpop (xrf0);
	s12 =	smov.u32 s22;
	s22 =	smov.u32 s14  }
0x3a7: {  	s14 =	smov.u32 s13;
	s13 =	smov.u32 s16;
	(xrf0) =	vadd.scan.msk.s32 $0xffff, v10;
	(v2sf) =	vpush v11, $0xF  }
0x3a8: {  	s26 =	sadd.s32 $0xFFFFFFF0, s26;
	v8 =	vnsel vm0, $0x0, v8  }
0x3a9: {  	s6 =	sor.u32 s6, s25;
	v12 =	vld [tilespmem:s26+$0x0];
	v10, _, _ =	vpop (xrf0);
	(xrf0) =	vadd.scan.msk.s32 $0xffff, v8;
	s15 =	spop (v2sf)  }
.Ltmp36:
0x3aa: {  	v8 =	vsub.s32 v10, v7;
	v7 =	vperm.xlane v9, v4;
	s0 =	sadd.s32 s0, s15;
	s25 =	spop (v2sf);
	(pc) =	sbr.rel @p1 .LBB2_69-.Ltmp36, $4  }
0x3ab: {  	p2 =	seq.s32 s6, $0x0;
	v9, _, _ =	vpop (xrf0);
	v8 =	vadd.s32 s0, v8;
	v10 =	vadd.s32 s0, v10;
	p0 =	sgt.s32 s25, $0x0;
	s15 =	spop (v2sf)  }
0x3ac: {  	(xrf0) =	vadd.scan.msk.s32 $0xffff, v7;
	(v2sf) =	vpush v9, $0xF;
	vm0 =	vge.s32 v10, v6;
	vm1 =	vlt.s32 v8, v6;
	v9, _, _ =	vpop (xrf0);
	p0 =	por !p2, !p0;
	s15 =	ssub.s32 s24, s15;
	s24 =	smov.u32 s1  }
0x3ad: {  	s1 =	smov.u32 s12;
	vm0 =	vmand vm0, vm1;
	(v2sf) =	vpush v9, $0xF;
	v9, _, _ =	vpop (xrf0);
	p0 =	por !p0, !p0;
	s18 =	spop (v2sf)  }
0x3ae: {  	s16 =	sadd.s32 $0xFFFFFFF0, s16;
	(xrf0) =	vadd.scan.msk.s32 $0xffff, v12;
	v11 =	vsel vm0, $0x1, v1;
	v10 =	vnsel vm0, $0x0, v0;
	(v2sf) =	vpush v9, $0xF;
	s23 =	smov.u32 @p0 s15;
	s7 =	smov.u32 @p0 s18;
	v9 =	vmovc v12  }
0x3af: {  	_ =	sdelay $0x2  }
0x3b0: {  	(xrf0) =	vadd.scan.msk.s32 $0xffff, v11;
	v8 =	vnsel vm0, $0x0, v8  }
0x3b1: {  	v9 =	vperm.xlane v9, v4;
	(xrf0) =	vadd.scan.msk.s32 $0xffff, v10  }
0x3b2: {  	(xrf0) =	vadd.scan.msk.s32 $0xffff, v8  }
0x3b3: {  	v8, _, _ =	vpop (xrf0);
	(xrf0) =	vadd.scan.msk.s32 $0xffff, v9  }
0x3b4: {  	s12 =	spop (v2sf);
	v10, _, _ =	vpop (xrf0)  }
0x3b5: {  	s12 =	sadd.s32 s0, s12;
	v11, _, _ =	vpop (xrf0)  }
0x3b6: {  	s15 =	spop (v2sf);
	v7 =	vsub.s32 v10, v7;
	v10 =	vadd.s32 s12, v10;
	v12, _, _ =	vpop (xrf0)  }
0x3b7: {  	s16 =	spop (v2sf);
	v13, _, _ =	vpop (xrf0)  }
0x3b8: {  	v7 =	vadd.s32 s12, v7;
	s0 =	spop (v2sf);
	v14, _, _ =	vpop (xrf0)  }
0x3b9: {  	vm0 =	vge.s32 v10, v6;
	vm1 =	vlt.s32 v7, v6;
	v10, _, _ =	vpop (xrf0);
	s18 =	spop (v2sf)  }
0x3ba: {  	vm0 =	vmand vm0, vm1;
	v9 =	vsub.s32 v10, v9;
	s12 =	sadd.s32 s12, s18  }
0x3bb: {  	v15 =	vsel vm0, $0x1, v1;
	v9 =	vadd.s32 s12, v9;
	v10 =	vadd.s32 s12, v10  }
0x3bc: {  	v16 =	vnsel vm0, $0x0, v0;
	(xrf0) =	vadd.scan.msk.s32 $0xffff, v15;
	vm1 =	vge.s32 v10, v6;
	vm2 =	vlt.s32 v9, v6  }
0x3bd: {  	(xrf0) =	vadd.scan.msk.s32 $0xffff, v16;
	v6 =	vnsel vm0, $0x0, v7;
	vm0 =	vmand vm1, vm2  }
0x3be: {  	(v2sf) =	vpush v8, $0xF;
	(xrf0) =	vadd.scan.msk.s32 $0xffff, v6;
	v6 =	vsel vm0, $0x1, v1  }
0x3bf: {  	(v2sf) =	vpush v11, $0xF;
	(xrf0) =	vadd.scan.msk.s32 $0xffff, v6  }
0x3c0: {  	(v2sf) =	vpush v12, $0xF;
	v7 =	vnsel vm0, $0x0, v0  }
0x3c1: {  	(v2sf) =	vpush v13, $0xF;
	(xrf0) =	vadd.scan.msk.s32 $0xffff, v7  }
0x3c2: {  	(v2sf) =	vpush v14, $0xF;
	v6, _, _ =	vpop (xrf0)  }
0x3c3: {  	(v2sf) =	vpush v6, $0xF;
	v6, _, _ =	vpop (xrf0)  }
0x3c4: {  	(v2sf) =	vpush v6, $0xF;
	v6, _, _ =	vpop (xrf0)  }
0x3c5: {  	(v2sf) =	vpush v6, $0xF;
	v6, _, _ =	vpop (xrf0)  }
0x3c6: {  	(v2sf) =	vpush v6, $0xF  }
0x3c7: {  	v6, _, _ =	vpop (xrf0)  }
0x3c8: {  	(v2sf) =	vpush v6, $0xF  }
0x3c9: {  	s8 =	sor.u32 s6, s25;
	s30 =	simm.s32 $0x40  }
0x3ca: {  	p1 =	seq.s32 s8, $0x0;
	p0 =	sgt.s32 s15, $0x0;
	s15 =	sor.u32 s8, s15  }
0x3cb: {  	p0 =	por !p1, !p0;
	s16 =	ssub.s32 s24, s16;
	s2 =	spop (v2sf)  }
0x3cc: {  	p6 =	seq.s32 s15, $0x0;
	p2 =	por !p0, !p0;
	s9 =	spop (v2sf)  }
0x3cd: {  	s23 =	smov.u32 @p2 s16;
	p5 =	sgt.s32 s2, $0x0;
	s6 =	spop (v2sf);
	v6 =	vnsel vm0, $0x0, v9  }
0x3ce: {  	s25 =	sor.u32 s15, s2;
	p0 =	por !p6, !p5;
	s10 =	spop (v2sf);
	(xrf0) =	vadd.scan.msk.s32 $0xffff, v6  }
0x3cf: {  	s1 =	ssub.s32 s1, s9;
	p1 =	por !p0, !p0;
	s11 =	spop (v2sf)  }
0x3d0: {  	p3 =	seq.s32 s25, $0x0;
	s23 =	smov.u32 @p1 s1;
	s17 =	spop (v2sf)  }
0x3d1: {  	p0 =	sgt.s32 s11, $0x0;
	s1 =	sor.u32 s25, s11;
	s24 =	spop (v2sf)  }
0x3d2: {  	s16 =	ssub.s32 s22, s17;
	p0 =	por !p3, !p0;
	s26 =	spop (v2sf)  }
0x3d3: {  	p5 =	seq.s32 s1, $0x0;
	p3 =	por !p0, !p0;
	s28 =	spop (v2sf)  }
0x3d4: {  	v8 =	vld [tilespmem:s30+$0xFFFFFFD0];
	s23 =	smov.u32 @p3 s16;
	v6, _, _ =	vpop (xrf0);
	s1 =	sor.u32 s1, s26;
	s18 =	spop (v2sf)  }
0x3d5: {  	v11 =	vld [tilespmem:s30+$0xFFFFFFE0];
	(v2sf) =	vpush v6, $0xF;
	p4 =	sgt.s32 s26, $0x0;
	p0 =	seq.s32 s1, $0x0;
	s29 =	spop (v2sf)  }
0x3d6: {  	v12 =	vld [tilespmem:s30+$0xFFFFFFC0];
	p4 =	por !p5, !p4;
	s12 =	ssub.s32 s14, s28;
	p6 =	sgt.s32 s29, $0x0  }
0x3d7: {  	v13 =	vld [tilespmem:s30+$0x10];
	p5 =	por !p4, !p4;
	s31 =	spop (v2sf);
	p0 =	por !p0, !p6  }
0x3d8: {  	v15 =	vld [tilespmem:s30+$0x20];
	s23 =	smov.u32 @p5 s12;
	s12 =	ssub.s32 s13, s31;
	p4 =	por !p0, !p0  }
0x3d9: {  	v10 =	vld [tilespmem:s30+$0x0];
	s23 =	smov.u32 @p4 s12  }
0x3da: {  	v14 =	vld [tilespmem:s30+$0x30];
	s12 =	sor.u32 s21, s23  }
0x3db: {  	v16 =	vld [tilespmem:s30+$0xFFFFFFF0];
	v6 =	vmov s12  }
0x3dc: {  	vm6 =	veq.s32 v8, v6  }
0x3dd: {  	vm3 =	veq.s32 v11, v6;
	v7 =	vsel vm6, $0x1, v1  }
0x3de: {  	vm2 =	veq.s32 v10, v6;
	vm0 =	veq.s32 v13, v6;
	(xrf0) =	vadd.scan.msk.s32 $0xffff, v7;
	v7 =	vsel vm3, $0x1, v1  }
0x3df: {  	vm4 =	veq.s32 v12, v6;
	vm7 =	veq.s32 v14, v6;
	v9 =	vsel vm2, $0x1, v1;
	(xrf0) =	vadd.scan.msk.s32 $0xffff, v7  }
0x3e0: {  	vm1 =	veq.s32 v15, v6;
	vm5 =	veq.s32 v16, v6;
	v7 =	vsel vm0, $0x1, v1;
	(xrf0) =	vadd.scan.msk.s32 $0xffff, v9  }
0x3e1: {  	s7 =	smov.u32 @p2 s0;
	v18 =	vsel vm7, $0x1, v1;
	v19 =	vsel vm1, $0x1, v1;
	v9 =	vmpcnt.ones.xlane vm4;
	(xrf0) =	vadd.scan.msk.s32 $0xffff, v7  }
0x3e2: {  	v17 =	vimm.s32 $0x0;
	s7 =	smov.u32 @p1 s6;
	v20 =	vsel vm5, $0x1, v1;
	v7 =	vmpcnt.ones.xlane vm6;
	(xrf0) =	vadd.scan.msk.s32 $0xffff, v18  }
0x3e3: {  	s7 =	smov.u32 @p3 s24;
	v22 =	vmpcnt.ones.xlane vm5;
	v18 =	vmpcnt.ones.xlane vm3;
	v9 =	vadd.s32 v17, v9;
	(xrf0) =	vadd.scan.msk.s32 $0xffff, v19  }
0x3e4: {  	s7 =	smov.u32 @p5 s18;
	s0 =	spop (v2sf);
	v21 =	vadd.s32 v9, v7;
	v7 =	vsel vm4, $0x1, v1;
	v19, _, _ =	vpop (xrf0);
	(xrf0) =	vadd.scan.msk.s32 $0xffff, v20;
	v20 =	vmpcnt.ones.xlane vm2  }
0x3e5: {  	s7 =	smov.u32 @p4 s0;
	v18 =	vadd.s32 v21, v18;
	v23, _, _ =	vpop (xrf0);
	(xrf0) =	vadd.scan.msk.s32 $0xffff, v7;
	v9 =	vadd.s32 v9, v19;
	v19 =	vmpcnt.ones.xlane vm1  }
0x3e6: {  	v24 =	vmpcnt.ones.xlane vm0;
	s0 =	sadd.s32 s7, s5;
	v22 =	vadd.s32 v18, v22;
	v25, _, _ =	vpop (xrf0)  }
0x3e7: {  	s0 =	ssub.s32 $0x1999, s0;
	v20 =	vadd.s32 v22, v20;
	v26, _, _ =	vpop (xrf0)  }
0x3e8: {  	vm9 =	vgt.s32 v8, v6;
	v7 =	vmov s0;
	v24 =	vadd.s32 v20, v24;
	v27, _, _ =	vpop (xrf0)  }
0x3e9: {  	v8 =	vmpcnt.ones.xlane vm7;
	vm8 =	vle.s32 v9, v7;
	v9 =	vadd.s32 v24, v19;
	v19, _, _ =	vpop (xrf0)  }
0x3ea: {  	v21 =	vadd.s32 v21, v23;
	vm6 =	vmand vm6, vm8;
	v27 =	vadd.s32 v9, v27;
	v28, _, _ =	vpop (xrf0)  }
0x3eb: {  	vm8 =	vgt.s32 v14, v6;
	vm6 =	vmor vm9, vm6;
	vm9 =	vle.s32 v27, v7;
	v14, _, _ =	vpop (xrf0)  }
0x3ec: {  	vm7 =	vmand vm7, vm9;
	vm9 =	vle.s32 v21, v7;
	v14 =	vadd.s32 v17, v14  }
0x3ed: {  	vm3 =	vmand vm3, vm9;
	vm7 =	vmor vm8, vm7;
	vm8 =	vgt.s32 v11, v6  }
0x3ee: {  	v11 =	vadd.s32 v22, v25;
	vm9 =	vle.s32 v14, v7;
	vm3 =	vmor vm8, vm3  }
0x3ef: {  	vm8 =	vgt.s32 v10, v6;
	v10 =	vadd.s32 v24, v19;
	vm4 =	vmand vm4, vm9  }
0x3f0: {  	vm9 =	vle.s32 v11, v7;
	v11 =	vadd.s32 v18, v28;
	vm3 =	vmneg vm3  }
0x3f1: {  	vm2 =	vmand vm2, vm9;
	vm9 =	vle.s32 v11, v7;
	v11 =	vadd.s32 v20, v26  }
0x3f2: {  	v19 =	vmpcnt.ones.xlane vm3;
	vm2 =	vmor vm8, vm2;
	vm8 =	vgt.s32 v12, v6  }
0x3f3: {  	vm5 =	vmand vm5, vm9;
	vm9 =	vgt.s32 v16, v6;
	vm8 =	vmor vm8, vm4  }
0x3f4: {  	vm5 =	vmor vm9, vm5;
	vm4 =	vle.s32 v10, v7;
	vm9 =	vgt.s32 v15, v6  }
0x3f5: {  	v15 =	vsel vm3, $0xFFFFFFFF, v1;
	vm1 =	vmand vm1, vm4;
	vm4 =	vle.s32 v11, v7  }
0x3f6: {  	vm0 =	vmand vm0, vm4;
	vm4 =	vmor vm9, vm1;
	vm1 =	vgt.s32 v13, v6  }
0x3f7: {  	vm5 =	vmneg vm5;
	vm10 =	vmor vm1, vm0;
	vm0 =	vmneg vm7  }
0x3f8: {  	vm9 =	vmneg vm6;
	vm1 =	vmneg vm2;
	v10 =	vsel vm0, $0x1, v1  }
0x3f9: {  	v21 =	vmpcnt.ones.xlane vm5;
	vm7 =	vmneg vm8;
	v11 =	vsel vm1, $0x1, v1;
	(xrf0) =	vadd.scan.msk.s32 $0xffff, v10  }
0x3fa: {  	v61 =	vsel vm5, $0x1, v1;
	v16 =	vsel vm9, $0xFFFFFFFF, v1;
	v12 =	vsel vm7, $0x1, v1;
	(xrf0) =	vadd.scan.msk.s32 $0xffff, v11  }
0x3fb: {  	v13 =	vmpcnt.ones.xlane vm9;
	v11 =	vsel vm9, $0x1, v1;
	(xrf0) =	vadd.scan.msk.s32 $0xffff, v12;
	v12 =	vmpcnt.ones.xlane vm7  }
0x3fc: {  	vm2 =	vmneg vm4;
	v18 =	vsel vm7, $0xFFFFFFFF, v1;
	v10 =	vsel vm3, $0x1, v1;
	(xrf0) =	vadd.scan.msk.s32 $0xffff, v11  }
0x3fd: {  	v20 =	vsel vm1, $0xFFFFFFFF, v1;
	v18 =	vadd.s32 v18, v17;
	(xrf0) =	vadd.scan.msk.s32 $0xffff, v10;
	v17 =	vadd.s32 v17, v12  }
0x3fe: {  	v14 =	vsel vm2, $0xFFFFFFFF, v1;
	v22 =	vmpcnt.ones.xlane vm1;
	v60 =	vadd.s32 v17, v13  }
0x3ff: {  	vm6 =	vmneg vm10;
	v10, _, _ =	vpop (xrf0);
	v29 =	vadd.s32 v15, v60;
	v15 =	vadd.s32 v60, v19  }
0x400: {  	v59 =	vsel vm2, $0x1, v1;
	v16 =	vadd.s32 v16, v17;
	v12, _, _ =	vpop (xrf0);
	v17 =	vadd.s32 v15, v21  }
0x401: {  	v23 =	vsel vm6, $0xFFFFFFFF, v1;
	v58 =	vsel vm6, $0x1, v1;
	v63 =	vmpcnt.ones.xlane vm6;
	v62, _, _ =	vpop (xrf0)  }
0x402: {  	v11 =	vsel vm0, $0xFFFFFFFF, v1;
	v13 =	vmpcnt.ones.xlane vm2;
	(xrf0) =	vadd.scan.msk.s32 $0xffff, v58;
	v19 =	vadd.s32 v62, v18;
	v18, _, _ =	vpop (xrf0)  }
0x403: {  	s13 =	simm.s32 $0x0;
	s21 =	simm.s32 $0xC0;
	s5 =	rddreg [dreg:$0x9];
	v21 =	vadd.s32 v20, v17;
	(xrf0) =	vadd.scan.msk.s32 $0xffff, v59;
	v18 =	vadd.s32 v18, v16;
	v16 =	vadd.s32 v17, v22;
	v17, _, _ =	vpop (xrf0)  }
0x404: {  	s7 =	sadd.s32 $0xFFFFFF90, s5;
	s6 =	sadd.s32 $0xFFFFFFA0, s5;
	s14 =	sadd.s32 $0x80, s5;
	(xrf0) =	vadd.scan.msk.s32 $0xffff, v61;
	v17 =	vadd.s32 v17, v29;
	v20 =	vadd.s32 v23, v16;
	v16 =	vadd.s32 v16, v63  }
.LBB2_71:
0x405: {  	_ = 	snop  }
0x406: {  	v22 =	vld [tilespmem:s21+$0xFFFFFFD0]  }
0x407: {  	v21 =	vadd.s32 v12, v21;
	v12 =	vadd.s32 v9, v8;
	v8 =	vor.u32 s7, v0;
	v25 =	vld [tilespmem:s21+$0xFFFFFFE0]  }
0x408: {  	v9 =	vor.u32 s6, v0;
	s28 =	sadd.s32 $0xFFFFFFB0, s5;
	v14 =	vadd.s32 v14, v16;
	v55 =	vld [tilespmem:s21+$0xFFFFFFF0];
	[tilespmem:v19+s20+$0x0] =	vst.idx.msk vm7, v8;
	v8 =	vsel vm5, $0xFFFFFFFF, v1;
	v24, _, _ =	vpop (xrf0)  }
0x409: {  	s29 =	sadd.s32 $0xFFFFFFD0, s5;
	[tilespmem:v18+s20+$0x0] =	vst.idx.msk vm9, v9;
	v9 =	vor.u32 s28, v0;
	v18 =	vld [tilespmem:s21+$0x20];
	v13 =	vadd.s32 v16, v13;
	v19 =	vadd.s32 v24, v20  }
0x40a: {  	s12 =	sadd.s32 $0xFFFFFFC0, s5;
	v16 =	vmpcnt.ones.xlane vm0;
	v8 =	vadd.s32 v8, v15;
	[tilespmem:v17+s20+$0x0] =	vst.idx.msk vm3, v9;
	v9 =	vor.u32 s29, v0;
	v17 =	vld [tilespmem:s21+$0xFFFFFFC0];
	v20, _, _ =	vpop (xrf0)  }
0x40b: {  	s31 =	sadd.s32 $0xFFFFFFE0, s5;
	v56 =	vld [tilespmem:s21+$0x10];
	v14 =	vadd.s32 v20, v14;
	v15, _, _ =	vpop (xrf0);
	vm8 =	veq.s32 v22, v6;
	v20 =	vor.u32 s12, v0  }
0x40c: {  	v23 =	vld [tilespmem:s21+$0x0];
	s30 =	sadd.s32 $0xFFFFFFF0, s5;
	[tilespmem:v21+s20+$0x0] =	vst.idx.msk vm1, v9;
	v9 =	vor.u32 s31, v0;
	vm4 =	veq.s32 v25, v6;
	v8 =	vadd.s32 v15, v8  }
0x40d: {  	vm7 =	veq.s32 v55, v6;
	v15 =	vor.u32 s30, v0;
	v21 =	vsel vm8, $0x1, v1  }
0x40e: {  	v26 =	vmpcnt.ones.xlane vm8;
	vm11 =	veq.s32 v18, v6;
	[tilespmem:v19+s20+$0x0] =	vst.idx.msk vm6, v9;
	v9 =	vadd.s32 v11, v13;
	v11 =	vld [tilespmem:s21+$0x30]  }
0x40f: {  	(xrf0) =	vadd.scan.msk.s32 $0xffff, v21;
	vm3 =	veq.s32 v17, v6;
	v21 =	vor.u32 s5, v0;
	v9 =	vadd.s32 v10, v9  }
0x410: {  	v19 =	vmpcnt.ones.xlane vm4;
	v13 =	vadd.s32 v13, v16;
	vm6 =	veq.s32 v56, v6;
	[tilespmem:v14+s20+$0x0] =	vst.idx.msk vm2, v15  }
0x411: {  	v10 =	vsel vm4, $0x1, v1;
	v16 =	vsel vm6, $0x1, v1;
	[tilespmem:v8+s20+$0x0] =	vst.idx.msk vm5, v20;
	vm5 =	veq.s32 v23, v6  }
0x412: {  	v8 =	vsel vm7, $0x1, v1;
	(xrf0) =	vadd.scan.msk.s32 $0xffff, v10;
	v10 =	vmpcnt.ones.xlane vm3;
	v14 =	vsel vm5, $0x1, v1  }
0x413: {  	v20 =	vsel vm11, $0x1, v1;
	v15 =	vmpcnt.ones.xlane vm5;
	vm10 =	veq.s32 v11, v6  }
0x414: {  	(xrf0) =	vadd.scan.msk.s32 $0xffff, v14;
	[tilespmem:v9+s20+$0x0] =	vst.idx.msk vm0, v21;
	v9 =	vadd.s32 v12, v10;
	vm0 =	vgt.s32 v22, v6  }
0x415: {  	v10 =	vsel vm10, $0x1, v1;
	v14, _, _ =	vpop (xrf0);
	(xrf0) =	vadd.scan.msk.s32 $0xffff, v16;
	v21 =	vmpcnt.ones.xlane vm7;
	v16 =	vadd.s32 v9, v26  }
0x416: {  	v22 =	vmpcnt.ones.xlane vm6;
	(xrf0) =	vadd.scan.msk.s32 $0xffff, v10;
	v57 =	vadd.s32 v9, v14;
	v10 =	vadd.s32 v16, v19  }
0x417: {  	v14 =	vmpcnt.ones.xlane vm11;
	(xrf0) =	vadd.scan.msk.s32 $0xffff, v20;
	vm9 =	vle.s32 v57, v7;
	v20 =	vadd.s32 v10, v21  }
0x418: {  	v9, _, _ =	vpop (xrf0);
	vm8 =	vmand vm8, vm9;
	v21 =	vimm.s32 $0x0;
	v15 =	vadd.s32 v20, v15  }
0x419: {  	(xrf0) =	vadd.scan.msk.s32 $0xffff, v8;
	vm2 =	vmor vm0, vm8;
	vm0 =	vgt.s32 v56, v6;
	v16 =	vadd.s32 v16, v9  }
0x41a: {  	v9 =	vimm.s32 $0x0;
	v21 =	vsel vm0, $0xFFFFFFFF, v21;
	vm0 =	vgt.s32 v18, v6  }
0x41b: {  	v19, _, _ =	vpop (xrf0);
	[tilespmem:$0x1FFF0] =	vst v21;
	v21 =	vadd.s32 v15, v22;
	v9 =	vsel vm0, $0xFFFFFFFF, v9  }
0x41c: {  	v58 =	vsel vm3, $0x1, v1;
	[tilespmem:$0x1FFE0] =	vst v9;
	v9 =	vadd.s32 v21, v14;
	v14, _, _ =	vpop (xrf0)  }
0x41d: {  	v27 =	vimm.s32 $0x0;
	vm12 =	vgt.s32 v17, v6;
	(xrf0) =	vadd.scan.msk.s32 $0xffff, v58;
	v17 =	vadd.s32 v20, v19;
	v18, _, _ =	vpop (xrf0)  }
0x41e: {  	vm1 =	vgt.s32 v25, v6;
	vm14 =	vle.s32 v17, v7;
	v17 =	vadd.s32 v9, v18;
	v18, _, _ =	vpop (xrf0)  }
0x41f: {  	v27 =	vsel vm1, $0xFFFFFFFF, v27;
	vm15 =	vgt.s32 v11, v6;
	v11, _, _ =	vpop (xrf0)  }
0x420: {  	[tilespmem:$0x1FFD0] =	vst v27;
	v10 =	vadd.s32 v10, v11  }
0x421: {  	vm9 =	vmneg vm2;
	vm2 =	vle.s32 v10, v7;
	v10 =	vld [tilespmem:$0x1FFD0]  }
0x422: {  	vm13 =	vgt.s32 v23, v6;
	vm1 =	vle.s32 v16, v7  }
0x423: {  	v8 =	vmpcnt.ones.xlane vm10;
	vm8 =	vgt.s32 v55, v6;
	vm1 =	vmand vm4, vm1;
	v11, _, _ =	vpop (xrf0)  }
0x424: {  	v16 =	vsel vm9, $0xFFFFFFFF, v1;
	v19 =	vsel vm9, $0x1, v1;
	v11 =	vadd.s32 v12, v11  }
0x425: {  	vm5 =	vmand vm5, vm14;
	vm0 =	vle.s32 v17, v7;
	vm4 =	vle.s32 v11, v7  }
0x426: {  	vm0 =	vmand vm10, vm0;
	vm4 =	vmand vm3, vm4;
	vm3 =	vnez.u8 v10  }
0x427: {  	v18 =	vadd.s32 v21, v18;
	vm0 =	vmor vm15, vm0;
	vm1 =	vmor vm3, vm1  }
0x428: {  	vm0 =	vmneg vm0;
	vm3 =	vmneg vm1;
	vm1 =	vmor vm13, vm5  }
0x429: {  	v17 =	vmpcnt.ones.xlane vm9;
	v10 =	vsel vm0, $0x1, v1;
	vm1 =	vmneg vm1  }
0x42a: {  	v12 =	vadd.s32 v15, v14;
	vm4 =	vmor vm12, vm4;
	(xrf0) =	vadd.scan.msk.s32 $0xffff, v10;
	v11 =	vsel vm1, $0x1, v1  }
0x42b: {  	vm10 =	vle.s32 v12, v7;
	vm2 =	vmand vm7, vm2;
	vm7 =	vmneg vm4;
	(xrf0) =	vadd.scan.msk.s32 $0xffff, v11;
	v11 =	vld [tilespmem:$0x1FFE0]  }
0x42c: {  	vm6 =	vmand vm6, vm10;
	v21 =	vmpcnt.ones.xlane vm7;
	v10 =	vsel vm7, $0x1, v1  }
0x42d: {  	vm4 =	vmor vm8, vm2;
	vm2 =	vle.s32 v18, v7;
	v18 =	vsel vm7, $0xFFFFFFFF, v1;
	(xrf0) =	vadd.scan.msk.s32 $0xffff, v10  }
0x42e: {  	vm2 =	vmand vm11, vm2;
	v18 =	vadd.s32 v18, v13;
	v21 =	vadd.s32 v13, v21;
	(xrf0) =	vadd.scan.msk.s32 $0xffff, v19;
	v19 =	vld [tilespmem:$0x1FFF0]  }
0x42f: {  	v15 =	vsel vm3, $0xFFFFFFFF, v1;
	v12 =	vsel vm3, $0x1, v1;
	v17 =	vadd.s32 v21, v17  }
0x430: {  	v16 =	vadd.s32 v16, v21;
	v20 =	vsel vm1, $0xFFFFFFFF, v1;
	vm5 =	vnez.u8 v11  }
0x431: {  	v22 =	vmpcnt.ones.xlane vm1;
	v63 =	vadd.s32 v15, v17;
	vm2 =	vmor vm5, vm2  }
0x432: {  	v10, _, _ =	vpop (xrf0);
	(xrf0) =	vadd.scan.msk.s32 $0xffff, v12;
	v11 =	vsel vm0, $0xFFFFFFFF, v1;
	vm5 =	vmneg vm4;
	vm2 =	vmneg vm2  }
0x433: {  	s13 =	sadd.s32 $0x8, s13;
	v23 =	vmpcnt.ones.xlane vm5;
	vm4 =	vnez.u8 v19;
	v19 =	vmpcnt.ones.xlane vm3  }
0x434: {  	p2 =	slt.u32 s13, $0x1F8;
	v12, _, _ =	vpop (xrf0);
	v62 =	vsel vm5, $0x1, v1;
	v14 =	vsel vm2, $0xFFFFFFFF, v1;
	vm4 =	vmor vm4, vm6  }
.Ltmp37:
0x435: {  	v28, _, _ =	vpop (xrf0);
	v61 =	vsel vm2, $0x1, v1;
	v13 =	vmpcnt.ones.xlane vm2;
	vm6 =	vmneg vm4;
	(pc) =	sbr.rel @p2 .LBB2_71-.Ltmp37, $4  }
0x436: {  	v15 =	vadd.s32 v17, v19;
	v19 =	vadd.s32 v28, v18;
	v60 =	vsel vm6, $0x1, v1  }
0x437: {  	s0 =	sadd.s32 $0xFFFFFF90, s14;
	s1 =	sadd.s32 $0xFFFFFFA0, s14;
	v18, _, _ =	vpop (xrf0);
	v59 =	vsel vm6, $0xFFFFFFFF, v1;
	v29 =	vmpcnt.ones.xlane vm6;
	v23 =	vadd.s32 v15, v23;
	(xrf0) =	vadd.scan.msk.s32 $0xffff, v60  }
0x438: {  	s7 =	smov.u32 s0;
	s6 =	smov.u32 s1;
	v18 =	vadd.s32 v18, v16;
	v17, _, _ =	vpop (xrf0);
	v21 =	vadd.s32 v20, v23;
	v16 =	vadd.s32 v23, v22;
	(xrf0) =	vadd.scan.msk.s32 $0xffff, v61  }
0x439: {  	s5 =	smov.u32 s14;
	s14 =	sadd.s32 $0x80, s14;
	s21 =	sadd.s32 $0x80, s21;
	v17 =	vadd.s32 v17, v63;
	v20 =	vadd.s32 v59, v16;
	v16 =	vadd.s32 v16, v29;
	(xrf0) =	vadd.scan.msk.s32 $0xffff, v62  }
0x43a: {  	_ =	sdelay $0x2  }
0x43b: {  	v7 =	vadd.s32 v12, v21;
	v8 =	vor.u32 s7, v0;
	v9 =	vsel vm5, $0xFFFFFFFF, v1;
	v6, _, _ =	vpop (xrf0)  }
0x43c: {  	v14 =	vadd.s32 v14, v16;
	v13 =	vadd.s32 v16, v13;
	v50, _, _ =	vpop (xrf0);
	v6 =	vadd.s32 v6, v20  }
0x43d: {  	v51 =	vor.u32 s6, v0;
	s0 =	sadd.s32 $0xFFFFFFB0, s5;
	[tilespmem:v19+s20+$0x0] =	vst.idx.msk vm7, v8;
	v9 =	vadd.s32 v9, v15;
	v52, _, _ =	vpop (xrf0);
	v12 =	vadd.s32 v50, v14  }
0x43e: {  	s24 =	sadd.s32 $0xFFFFFFD0, s5;
	[tilespmem:v18+s20+$0x0] =	vst.idx.msk vm9, v51;
	v53 =	vor.u32 s0, v0;
	v11 =	vadd.s32 v11, v13;
	v9 =	vadd.s32 v52, v9  }
0x43f: {  	s25 =	sadd.s32 $0xFFFFFFE0, s5;
	v54 =	vor.u32 s24, v0;
	[tilespmem:v17+s20+$0x0] =	vst.idx.msk vm3, v53;
	v10 =	vadd.s32 v10, v11  }
0x440: {  	s26 =	sadd.s32 $0xFFFFFFF0, s5;
	[tilespmem:v7+s20+$0x0] =	vst.idx.msk vm1, v54;
	v7 =	vor.u32 s25, v0  }
0x441: {  	s1 =	sadd.s32 $0xFFFFFFC0, s5;
	[tilespmem:v6+s20+$0x0] =	vst.idx.msk vm6, v7;
	v6 =	vor.u32 s26, v0  }
0x442: {  	v55 =	vor.u32 s1, v0;
	[tilespmem:v12+s20+$0x0] =	vst.idx.msk vm2, v6  }
0x443: {  	v6 =	vor.u32 s5, v0;
	[tilespmem:v9+s20+$0x0] =	vst.idx.msk vm5, v55  }
0x444: {  	[tilespmem:v10+s20+$0x0] =	vst.idx.msk vm0, v6  }
0x445: {  	v6 =	vld.msk [tilespmem:s20+$0x0], $0xffff;
	_ =	sdelay $0x1  }
0x446: {  	v7 =	vld [tilespmem:$0x3100]  }
0x447: {  	v8 =	vld [tilespmem:$0x3110]  }
0x448: {  	v9 =	vld [tilespmem:$0x3120]  }
0x449: {  	v10 =	vld [tilespmem:$0x3130];
	[tilespmem:$0x3767] =	vst v6  }
0x44a: {  	v56 =	vld [tilespmem:$0x3160];
	[tilespmem:$0x3777] =	vst v6  }
0x44b: {  	v57 =	vld [tilespmem:$0x3170];
	[tilespmem:$0x5180] =	vst v7  }
0x44c: {  	v58 =	vld [tilespmem:$0x3180];
	[tilespmem:$0x5190] =	vst v8  }
0x44d: {  	v6 =	vld [tilespmem:$0x3140];
	[tilespmem:$0x51A0] =	vst v9  }
0x44e: {  	v7 =	vld [tilespmem:$0x3150];
	[tilespmem:$0x51B0] =	vst v10  }
0x44f: {  	v59 =	vld [tilespmem:$0x31B0];
	[tilespmem:$0x5220] =	vst v56  }
0x450: {  	v60 =	vld [tilespmem:$0x31C0];
	[tilespmem:$0x5230] =	vst v57  }
0x451: {  	v61 =	vld [tilespmem:$0x31D0];
	[tilespmem:$0x5280] =	vst v58  }
0x452: {  	[tilespmem:$0x5200] =	vst v6;
	v6 =	vld [tilespmem:$0x3190]  }
0x453: {  	[tilespmem:$0x5210] =	vst v7;
	v7 =	vld [tilespmem:$0x31A0]  }
0x454: {  	v62 =	vld [tilespmem:$0x3200];
	[tilespmem:$0x52B0] =	vst v59  }
0x455: {  	v63 =	vld [tilespmem:$0x3210];
	[tilespmem:$0x5300] =	vst v60  }
0x456: {  	v12 =	vld [tilespmem:$0x3220];
	[tilespmem:$0x5310] =	vst v61  }
0x457: {  	[tilespmem:$0x5290] =	vst v6;
	v6 =	vld [tilespmem:$0x31E0]  }
0x458: {  	[tilespmem:$0x52A0] =	vst v7;
	v7 =	vld [tilespmem:$0x31F0]  }
0x459: {  	v13 =	vld [tilespmem:$0x3250];
	[tilespmem:$0x5380] =	vst v62  }
0x45a: {  	v14 =	vld [tilespmem:$0x3260];
	[tilespmem:$0x5390] =	vst v63  }
0x45b: {  	v15 =	vld [tilespmem:$0x3270];
	[tilespmem:$0x53A0] =	vst v12  }
0x45c: {  	[tilespmem:$0x5320] =	vst v6;
	v6 =	vld [tilespmem:$0x3230]  }
0x45d: {  	[tilespmem:$0x5330] =	vst v7;
	v7 =	vld [tilespmem:$0x3240]  }
0x45e: {  	v16 =	vld [tilespmem:$0x32A0];
	[tilespmem:$0x5410] =	vst v13  }
0x45f: {  	v17 =	vld [tilespmem:$0x32B0];
	[tilespmem:$0x5420] =	vst v14  }
0x460: {  	v18 =	vld [tilespmem:$0x32C0];
	[tilespmem:$0x5430] =	vst v15  }
0x461: {  	[tilespmem:$0x53B0] =	vst v6;
	v6 =	vld [tilespmem:$0x3280]  }
0x462: {  	[tilespmem:$0x5400] =	vst v7;
	v7 =	vld [tilespmem:$0x3290]  }
0x463: {  	v19 =	vld [tilespmem:$0x32F0];
	[tilespmem:$0x54A0] =	vst v16  }
0x464: {  	v20 =	vld [tilespmem:$0x3300];
	[tilespmem:$0x54B0] =	vst v17  }
0x465: {  	v21 =	vld [tilespmem:$0x3310];
	[tilespmem:$0x5500] =	vst v18  }
0x466: {  	[tilespmem:$0x5480] =	vst v6;
	v6 =	vld [tilespmem:$0x32D0]  }
0x467: {  	[tilespmem:$0x5490] =	vst v7;
	v7 =	vld [tilespmem:$0x32E0]  }
0x468: {  	v22 =	vld [tilespmem:$0x3340];
	[tilespmem:$0x5530] =	vst v19  }
0x469: {  	v23 =	vld [tilespmem:$0x3350];
	[tilespmem:$0x5580] =	vst v20  }
0x46a: {  	v24 =	vld [tilespmem:$0x3360];
	[tilespmem:$0x5590] =	vst v21  }
0x46b: {  	[tilespmem:$0x5510] =	vst v6;
	v6 =	vld [tilespmem:$0x3320]  }
0x46c: {  	[tilespmem:$0x5520] =	vst v7;
	v7 =	vld [tilespmem:$0x3330]  }
0x46d: {  	v25 =	vld [tilespmem:$0x3390];
	[tilespmem:$0x5600] =	vst v22  }
0x46e: {  	v26 =	vld [tilespmem:$0x33A0];
	[tilespmem:$0x5610] =	vst v23  }
0x46f: {  	v27 =	vld [tilespmem:$0x33B0];
	[tilespmem:$0x5620] =	vst v24  }
0x470: {  	[tilespmem:$0x55A0] =	vst v6;
	v6 =	vld [tilespmem:$0x3370]  }
0x471: {  	[tilespmem:$0x55B0] =	vst v7;
	v7 =	vld [tilespmem:$0x3380]  }
0x472: {  	v28 =	vld [tilespmem:$0x33E0];
	[tilespmem:$0x5690] =	vst v25  }
0x473: {  	v29 =	vld [tilespmem:$0x33F0];
	[tilespmem:$0x56A0] =	vst v26  }
0x474: {  	v30 =	vld [tilespmem:$0x3400];
	[tilespmem:$0x56B0] =	vst v27  }
0x475: {  	[tilespmem:$0x5630] =	vst v6;
	v6 =	vld [tilespmem:$0x33C0]  }
0x476: {  	[tilespmem:$0x5680] =	vst v7;
	v7 =	vld [tilespmem:$0x33D0]  }
0x477: {  	v31 =	vld [tilespmem:$0x3430];
	[tilespmem:$0x5720] =	vst v28  }
0x478: {  	v32 =	vld [tilespmem:$0x3440];
	[tilespmem:$0x5730] =	vst v29  }
0x479: {  	v33 =	vld [tilespmem:$0x3450];
	[tilespmem:$0x5780] =	vst v30  }
0x47a: {  	[tilespmem:$0x5700] =	vst v6;
	v6 =	vld [tilespmem:$0x3410]  }
0x47b: {  	[tilespmem:$0x5710] =	vst v7;
	v7 =	vld [tilespmem:$0x3420]  }
0x47c: {  	v34 =	vld [tilespmem:$0x3480];
	[tilespmem:$0x57B0] =	vst v31  }
0x47d: {  	v35 =	vld [tilespmem:$0x3490];
	[tilespmem:$0x5800] =	vst v32  }
0x47e: {  	v36 =	vld [tilespmem:$0x34A0];
	[tilespmem:$0x5810] =	vst v33  }
0x47f: {  	[tilespmem:$0x5790] =	vst v6;
	v6 =	vld [tilespmem:$0x3460]  }
0x480: {  	[tilespmem:$0x57A0] =	vst v7;
	v7 =	vld [tilespmem:$0x3470]  }
0x481: {  	v37 =	vld [tilespmem:$0x34D0];
	[tilespmem:$0x5880] =	vst v34  }
0x482: {  	v38 =	vld [tilespmem:$0x34E0];
	[tilespmem:$0x5890] =	vst v35  }
0x483: {  	v39 =	vld [tilespmem:$0x34F0];
	[tilespmem:$0x58A0] =	vst v36  }
0x484: {  	[tilespmem:$0x5820] =	vst v6;
	v6 =	vld [tilespmem:$0x34B0]  }
0x485: {  	[tilespmem:$0x5830] =	vst v7;
	v7 =	vld [tilespmem:$0x34C0]  }
0x486: {  	v40 =	vld [tilespmem:$0x3520];
	[tilespmem:$0x5910] =	vst v37  }
0x487: {  	v41 =	vld [tilespmem:$0x3530];
	[tilespmem:$0x5920] =	vst v38  }
0x488: {  	v42 =	vld [tilespmem:$0x3540];
	[tilespmem:$0x5930] =	vst v39  }
0x489: {  	[tilespmem:$0x58B0] =	vst v6;
	v6 =	vld [tilespmem:$0x3500]  }
0x48a: {  	[tilespmem:$0x5900] =	vst v7;
	v7 =	vld [tilespmem:$0x3510]  }
0x48b: {  	v43 =	vld [tilespmem:$0x3570];
	[tilespmem:$0x59A0] =	vst v40  }
0x48c: {  	v44 =	vld [tilespmem:$0x3580];
	[tilespmem:$0x59B0] =	vst v41  }
0x48d: {  	v45 =	vld [tilespmem:$0x3590];
	[tilespmem:$0x5A00] =	vst v42  }
0x48e: {  	[tilespmem:$0x5980] =	vst v6;
	v6 =	vld [tilespmem:$0x3550]  }
0x48f: {  	[tilespmem:$0x5990] =	vst v7;
	v7 =	vld [tilespmem:$0x3560]  }
0x490: {  	v46 =	vld [tilespmem:$0x35C0];
	[tilespmem:$0x5A30] =	vst v43  }
0x491: {  	v47 =	vld [tilespmem:$0x35D0];
	[tilespmem:$0x5A80] =	vst v44  }
0x492: {  	v48 =	vld [tilespmem:$0x35E0];
	[tilespmem:$0x5A90] =	vst v45  }
0x493: {  	[tilespmem:$0x5A10] =	vst v6;
	v6 =	vld [tilespmem:$0x35A0]  }
0x494: {  	[tilespmem:$0x5A20] =	vst v7;
	v7 =	vld [tilespmem:$0x35B0]  }
0x495: {  	v49 =	vld [tilespmem:$0x3610];
	[tilespmem:$0x5B00] =	vst v46  }
0x496: {  	v50 =	vld [tilespmem:$0x3620];
	[tilespmem:$0x5B10] =	vst v47  }
0x497: {  	v51 =	vld [tilespmem:$0x3630];
	[tilespmem:$0x5B20] =	vst v48  }
0x498: {  	[tilespmem:$0x5AA0] =	vst v6;
	v6 =	vld [tilespmem:$0x35F0]  }
0x499: {  	[tilespmem:$0x5AB0] =	vst v7;
	v7 =	vld [tilespmem:$0x3600]  }
0x49a: {  	v52 =	vld [tilespmem:$0x3660];
	[tilespmem:$0x5B90] =	vst v49  }
0x49b: {  	v53 =	vld [tilespmem:$0x3670];
	[tilespmem:$0x5BA0] =	vst v50  }
0x49c: {  	v54 =	vld [tilespmem:$0x3680];
	[tilespmem:$0x5BB0] =	vst v51  }
0x49d: {  	[tilespmem:$0x5B30] =	vst v6;
	v6 =	vld [tilespmem:$0x3640]  }
0x49e: {  	[tilespmem:$0x5B80] =	vst v7;
	v7 =	vld [tilespmem:$0x3650]  }
0x49f: {  	v55 =	vld [tilespmem:$0x36B0];
	[tilespmem:$0x5C20] =	vst v52  }
0x4a0: {  	[tilespmem:$0x5C30] =	vst v53;
	v56 =	vld [tilespmem:$0x36C0]  }
0x4a1: {  	[tilespmem:$0x5C80] =	vst v54;
	v57 =	vld [tilespmem:$0x36D0]  }
0x4a2: {  	[tilespmem:$0x5C00] =	vst v6;
	v6 =	vld [tilespmem:$0x3690]  }
0x4a3: {  	[tilespmem:$0x5C10] =	vst v7;
	v7 =	vld [tilespmem:$0x36A0]  }
0x4a4: {  	[tilespmem:$0x5CB0] =	vst v55;
	v58 =	vld [tilespmem:$0x3700]  }
0x4a5: {  	v59 =	vld [tilespmem:$0x3710];
	[tilespmem:$0x5D00] =	vst v56  }
0x4a6: {  	v60 =	vld [tilespmem:$0x3720];
	[tilespmem:$0x5D10] =	vst v57  }
0x4a7: {  	[tilespmem:$0x5C90] =	vst v6;
	v6 =	vld [tilespmem:$0x36E0]  }
0x4a8: {  	[tilespmem:$0x5CA0] =	vst v7;
	v7 =	vld [tilespmem:$0x36F0]  }
0x4a9: {  	v61 =	vld [tilespmem:$0x3750];
	[tilespmem:$0x5D80] =	vst v58  }
0x4aa: {  	v62 =	vld [tilespmem:$0x3760];
	[tilespmem:$0x5D90] =	vst v59  }
0x4ab: {  	v63 =	vld [tilespmem:$0x3770];
	[tilespmem:$0x5DA0] =	vst v60  }
0x4ac: {  	[tilespmem:$0x5D20] =	vst v6;
	v6 =	vld [tilespmem:$0x3730]  }
0x4ad: {  	[tilespmem:$0x5D30] =	vst v7;
	v7 =	vld [tilespmem:$0x3740]  }
0x4ae: {  	[tilespmem:$0x5E10] =	vst v61  }
0x4af: {  	[tilespmem:$0x5E20] =	vst v62  }
0x4b0: {  	[tilespmem:$0x5E30] =	vst v63  }
0x4b1: {  	[tilespmem:$0x5DB0] =	vst v6  }
0x4b2: {  	s29 =	simm.s32 $0x5180;
	s13 =	simm.s32 $0x2;
	s28 =	rddreg [dreg:$0x6];
	[tilespmem:$0x5E00] =	vst v7  }
0x4b3: {  	[spmem:s28] =	stream.linear.scatter [tilespmem:s29], [sflag:$0x2], $0xD00, $0x38;
	[tilespmem:$0x16250] =	vst v63  }
0x4b4: {  	_ =	swait.ge [sflag:s13], $0xD00  }
0x4b5: {  	s30 =	sld [smem:$0x7FC]  }
0x4b6: {  	s31 =	sld [smem:$0x7FD];
	_ =	sdelay $0x1  }
0x4b7: {  	s7 =	simm.s32 $0x6180;
	[sflag:s13] =	ssyncset.done $0x0  }
0x4b8: {  	[sflag:s13] =	ssyncadd.s32 $0xFFFFF300;
	p2 =	seq.s32 s30, $0x1;
	p1 =	seq.s32 s31, $0x1  }
.LBB2_73:
0x4b9: {  	[bflag:$0x0] =	sbarrier.arrive $0xFFFF  }
0x4ba: {  	s1 =	simm.s32 $0x5180;
	s0 =	rddreg [dreg:$0x6]  }
0x4bb: {  	[tilespmem:s1], [sflag:$0x2] =	stream.linear.gather [spmem:s0], $0xD00, $0x38;
	[tilespmem:$0x16250] =	vst v63  }
0x4bc: {  	_ =	swait.ge [sflag:s13], $0xD00  }
0x4bd: {  	[sflag:s13] =	ssyncset.done $0x0  }
0x4be: {  	[sflag:s13] =	ssyncadd.s32 $0xFFFFF300  }
0x4bf: {  	_ =	swait.ge [sflag:s4], $0x10000  }
0x4c0: {  	[sflag:s4] =	ssyncset.done $0x0  }
0x4c1: {  	s2 =	rddreg [dreg:$0xa];
	[sflag:s4] =	ssyncadd.s32 $0xFFFF0000  }
0x4c2: {  	v6 =	vld [tilespmem:s2+$0x5180];
	_ =	sdelay $0x4  }
0x4c3: {  	v7 =	vshll.u32 v6, $0x3  }
0x4c4: {  	v6 =	vand.u32 $0x7, v6;
	v7 =	vand.u32 $0xFFFFFFC0, v7  }
0x4c5: {  	v9 =	vor.u32 v6, v7;
	v7 =	vand.u32 $0x7, v0;
	v6 =	vshrl.u32 v0, $0x3  }
0x4c6: {  	v8 =	vperm.xlane v9, v7;
	v6 =	vmul.u32 $0x8, v6;
	_ =	sdelay $0x1  }
0x4c7: {  	v10 =	vadd.s32 v6, v8;
	_ =	sdelay $0x3  }
0x4c8: {  	vm0 =	vmmov $0xffff;
	s12 =	rddreg [dreg:$0x1]  }
0x4c9: {  	v8 =	vor.u32 $0x8, v0;
	[hbm4b:s12+s3] =	stream.indirect_vreg.scatter [tilespmem:s7], [sflag:$0x1], $0x80, v10, vm0, $0xb8;
	[tilespmem:$0x16250] =	vst v63  }
0x4ca: {  	s0 =	simm.s32 $0x6980;
	s10 =	rddreg [dreg:$0xb];
	v9 =	vperm.xlane v9, v8  }
0x4cb: {  	[hbm4b:s10+s3] =	stream.indirect_vreg.scatter [tilespmem:s0], [sflag:$0x1], $0x80, v10, vm0, $0xb8;
	[tilespmem:$0x16250] =	vst v63  }
0x4cc: {  	s1 =	simm.s32 $0x7180;
	s11 =	rddreg [dreg:$0xc];
	v9 =	vadd.s32 v6, v9  }
0x4cd: {  	[hbm4b:s11+s3] =	stream.indirect_vreg.scatter [tilespmem:s1], [sflag:$0x1], $0x80, v10, vm0, $0xb8;
	[tilespmem:$0x16250] =	vst v63  }
0x4ce: {  	s5 =	simm.s32 $0x7980;
	s4 =	rddreg [dreg:$0xd]  }
0x4cf: {  	[hbm4b:s4+s3] =	stream.indirect_vreg.scatter [tilespmem:s5], [sflag:$0x1], $0x80, v10, vm0, $0xb8;
	[tilespmem:$0x16250] =	vst v63  }
0x4d0: {  	s6 =	simm.s32 $0x8180  }
0x4d1: {  	[hbm4b:s12+s3] =	stream.indirect_vreg.scatter [tilespmem:s6], [sflag:$0x1], $0x80, v9, vm0, $0xb8;
	[tilespmem:$0x16250] =	vst v63  }
0x4d2: {  	s8 =	simm.s32 $0x8980  }
0x4d3: {  	[hbm4b:s10+s3] =	stream.indirect_vreg.scatter [tilespmem:s8], [sflag:$0x1], $0x80, v9, vm0, $0xb8;
	[tilespmem:$0x16250] =	vst v63  }
0x4d4: {  	s9 =	simm.s32 $0x9180  }
0x4d5: {  	[hbm4b:s11+s3] =	stream.indirect_vreg.scatter [tilespmem:s9], [sflag:$0x1], $0x80, v9, vm0, $0xb8;
	[tilespmem:$0x16250] =	vst v63  }
0x4d6: {  	s14 =	simm.s32 $0x9980  }
0x4d7: {  	[hbm4b:s4+s3] =	stream.indirect_vreg.scatter [tilespmem:s14], [sflag:$0x1], $0x80, v9, vm0, $0xb8;
	[tilespmem:$0x16250] =	vst v63  }
0x4d8: {  	v9 =	vld [tilespmem:s2+$0x5190];
	_ =	sdelay $0x4  }
0x4d9: {  	v10 =	vshll.u32 v9, $0x3  }
0x4da: {  	v9 =	vand.u32 $0x7, v9;
	v10 =	vand.u32 $0xFFFFFFC0, v10  }
0x4db: {  	v9 =	vor.u32 v9, v10  }
0x4dc: {  	v10 =	vperm.xlane v9, v7;
	_ =	sdelay $0x1  }
0x4dd: {  	v10 =	vadd.s32 v6, v10;
	_ =	sdelay $0x3  }
0x4de: {  	s15 =	simm.s32 $0xA180  }
0x4df: {  	[hbm4b:s12+s3] =	stream.indirect_vreg.scatter [tilespmem:s15], [sflag:$0x1], $0x80, v10, vm0, $0xb8;
	[tilespmem:$0x16250] =	vst v63  }
0x4e0: {  	s16 =	simm.s32 $0xA980;
	v9 =	vperm.xlane v9, v8  }
0x4e1: {  	[hbm4b:s10+s3] =	stream.indirect_vreg.scatter [tilespmem:s16], [sflag:$0x1], $0x80, v10, vm0, $0xb8;
	[tilespmem:$0x16250] =	vst v63  }
0x4e2: {  	s17 =	simm.s32 $0xB180;
	v9 =	vadd.s32 v6, v9  }
0x4e3: {  	[hbm4b:s11+s3] =	stream.indirect_vreg.scatter [tilespmem:s17], [sflag:$0x1], $0x80, v10, vm0, $0xb8;
	[tilespmem:$0x16250] =	vst v63  }
0x4e4: {  	s17 =	simm.s32 $0xB980  }
0x4e5: {  	[hbm4b:s4+s3] =	stream.indirect_vreg.scatter [tilespmem:s17], [sflag:$0x1], $0x80, v10, vm0, $0xb8;
	[tilespmem:$0x16250] =	vst v63  }
0x4e6: {  	s24 =	simm.s32 $0xC180  }
0x4e7: {  	[hbm4b:s12+s3] =	stream.indirect_vreg.scatter [tilespmem:s24], [sflag:$0x1], $0x80, v9, vm0, $0xb8;
	[tilespmem:$0x16250] =	vst v63  }
0x4e8: {  	s25 =	simm.s32 $0xC980  }
0x4e9: {  	[hbm4b:s10+s3] =	stream.indirect_vreg.scatter [tilespmem:s25], [sflag:$0x1], $0x80, v9, vm0, $0xb8;
	[tilespmem:$0x16250] =	vst v63  }
0x4ea: {  	s26 =	simm.s32 $0xD180  }
0x4eb: {  	[hbm4b:s11+s3] =	stream.indirect_vreg.scatter [tilespmem:s26], [sflag:$0x1], $0x80, v9, vm0, $0xb8;
	[tilespmem:$0x16250] =	vst v63  }
0x4ec: {  	s18 =	simm.s32 $0xD980  }
0x4ed: {  	[hbm4b:s4+s3] =	stream.indirect_vreg.scatter [tilespmem:s18], [sflag:$0x1], $0x80, v9, vm0, $0xb8;
	[tilespmem:$0x16250] =	vst v63  }
0x4ee: {  	v9 =	vld [tilespmem:s2+$0x51A0];
	_ =	sdelay $0x4  }
0x4ef: {  	v10 =	vshll.u32 v9, $0x3  }
0x4f0: {  	v9 =	vand.u32 $0x7, v9;
	v10 =	vand.u32 $0xFFFFFFC0, v10  }
0x4f1: {  	v9 =	vor.u32 v9, v10  }
0x4f2: {  	v10 =	vperm.xlane v9, v7;
	_ =	sdelay $0x1  }
0x4f3: {  	v10 =	vadd.s32 v6, v10;
	_ =	sdelay $0x3  }
0x4f4: {  	s28 =	simm.s32 $0xE180  }
0x4f5: {  	[hbm4b:s12+s3] =	stream.indirect_vreg.scatter [tilespmem:s28], [sflag:$0x1], $0x80, v10, vm0, $0xb8;
	[tilespmem:$0x16250] =	vst v63  }
0x4f6: {  	s30 =	simm.s32 $0xE980;
	v9 =	vperm.xlane v9, v8  }
0x4f7: {  	[hbm4b:s10+s3] =	stream.indirect_vreg.scatter [tilespmem:s30], [sflag:$0x1], $0x80, v10, vm0, $0xb8;
	[tilespmem:$0x16250] =	vst v63  }
0x4f8: {  	s31 =	simm.s32 $0xF180;
	v9 =	vadd.s32 v6, v9  }
0x4f9: {  	[hbm4b:s11+s3] =	stream.indirect_vreg.scatter [tilespmem:s31], [sflag:$0x1], $0x80, v10, vm0, $0xb8;
	[tilespmem:$0x16250] =	vst v63  }
0x4fa: {  	s21 =	simm.s32 $0xF980  }
0x4fb: {  	[hbm4b:s4+s3] =	stream.indirect_vreg.scatter [tilespmem:s21], [sflag:$0x1], $0x80, v10, vm0, $0xb8;
	[tilespmem:$0x16250] =	vst v63  }
0x4fc: {  	s22 =	simm.s32 $0x10180  }
0x4fd: {  	[hbm4b:s12+s3] =	stream.indirect_vreg.scatter [tilespmem:s22], [sflag:$0x1], $0x80, v9, vm0, $0xb8;
	[tilespmem:$0x16250] =	vst v63  }
0x4fe: {  	s23 =	simm.s32 $0x10980  }
0x4ff: {  	[hbm4b:s10+s3] =	stream.indirect_vreg.scatter [tilespmem:s23], [sflag:$0x1], $0x80, v9, vm0, $0xb8;
	[tilespmem:$0x16250] =	vst v63  }
0x500: {  	s14 =	simm.s32 $0x11180  }
0x501: {  	[hbm4b:s11+s3] =	stream.indirect_vreg.scatter [tilespmem:s14], [sflag:$0x1], $0x80, v9, vm0, $0xb8;
	[tilespmem:$0x16250] =	vst v63  }
0x502: {  	s9 =	simm.s32 $0x11980  }
0x503: {  	[hbm4b:s4+s3] =	stream.indirect_vreg.scatter [tilespmem:s9], [sflag:$0x1], $0x80, v9, vm0, $0xb8;
	[tilespmem:$0x16250] =	vst v63  }
0x504: {  	v9 =	vld [tilespmem:s2+$0x51B0];
	_ =	sdelay $0x4  }
0x505: {  	v10 =	vshll.u32 v9, $0x3  }
0x506: {  	v9 =	vand.u32 $0x7, v9;
	v10 =	vand.u32 $0xFFFFFFC0, v10  }
0x507: {  	v9 =	vor.u32 v9, v10  }
0x508: {  	v10 =	vperm.xlane v9, v7;
	_ =	sdelay $0x1  }
0x509: {  	v10 =	vadd.s32 v6, v10;
	_ =	sdelay $0x3  }
0x50a: {  	s29 =	simm.s32 $0x12180  }
0x50b: {  	[hbm4b:s12+s3] =	stream.indirect_vreg.scatter [tilespmem:s29], [sflag:$0x1], $0x80, v10, vm0, $0xb8;
	[tilespmem:$0x16250] =	vst v63  }
0x50c: {  	s15 =	simm.s32 $0x12980;
	v9 =	vperm.xlane v9, v8  }
0x50d: {  	[hbm4b:s10+s3] =	stream.indirect_vreg.scatter [tilespmem:s15], [sflag:$0x1], $0x80, v10, vm0, $0xb8;
	[tilespmem:$0x16250] =	vst v63  }
0x50e: {  	v9 =	vadd.s32 v6, v9;
	s15 =	simm.s32 $0x13180  }
0x50f: {  	[hbm4b:s11+s3] =	stream.indirect_vreg.scatter [tilespmem:s15], [sflag:$0x1], $0x80, v10, vm0, $0xb8;
	[tilespmem:$0x16250] =	vst v63  }
0x510: {  	s16 =	simm.s32 $0x13980  }
0x511: {  	[hbm4b:s4+s3] =	stream.indirect_vreg.scatter [tilespmem:s16], [sflag:$0x1], $0x80, v10, vm0, $0xb8;
	[tilespmem:$0x16250] =	vst v63  }
0x512: {  	s18 =	simm.s32 $0x14180  }
0x513: {  	[hbm4b:s12+s3] =	stream.indirect_vreg.scatter [tilespmem:s18], [sflag:$0x1], $0x80, v9, vm0, $0xb8;
	[tilespmem:$0x16250] =	vst v63  }
0x514: {  	s21 =	simm.s32 $0x14980  }
0x515: {  	[hbm4b:s10+s3] =	stream.indirect_vreg.scatter [tilespmem:s21], [sflag:$0x1], $0x80, v9, vm0, $0xb8;
	[tilespmem:$0x16250] =	vst v63  }
0x516: {  	s22 =	simm.s32 $0x15180  }
0x517: {  	[hbm4b:s11+s3] =	stream.indirect_vreg.scatter [tilespmem:s22], [sflag:$0x1], $0x80, v9, vm0, $0xb8;
	[tilespmem:$0x16250] =	vst v63  }
0x518: {  	s23 =	simm.s32 $0x15980  }
0x519: {  	[hbm4b:s4+s3] =	stream.indirect_vreg.scatter [tilespmem:s23], [sflag:$0x1], $0x80, v9, vm0, $0xb8;
	[tilespmem:$0x16250] =	vst v63  }
0x51a: {  	v9 =	vld [tilespmem:s2+$0x5580];
	_ =	sdelay $0x4  }
0x51b: {  	v10 =	vshll.u32 v9, $0x3  }
0x51c: {  	v9 =	vand.u32 $0x7, v9;
	v10 =	vand.u32 $0xFFFFFFC0, v10  }
0x51d: {  	v9 =	vor.u32 v9, v10  }
0x51e: {  	v10 =	vperm.xlane v9, v7;
	_ =	sdelay $0x1  }
0x51f: {  	v10 =	vadd.s32 v6, v10;
	_ =	sdelay $0x4  }
0x520: {  	[hbm4b:s12+s3] =	stream.indirect_vreg.scatter [tilespmem:s7], [sflag:$0x1], $0x80, v10, vm0, $0xb8;
	[tilespmem:$0x16250] =	vst v63  }
0x521: {  	v9 =	vperm.xlane v9, v8  }
0x522: {  	[hbm4b:s10+s3] =	stream.indirect_vreg.scatter [tilespmem:s0], [sflag:$0x1], $0x80, v10, vm0, $0xb8;
	[tilespmem:$0x16250] =	vst v63  }
0x523: {  	v9 =	vadd.s32 v6, v9  }
0x524: {  	[hbm4b:s11+s3] =	stream.indirect_vreg.scatter [tilespmem:s1], [sflag:$0x1], $0x80, v10, vm0, $0xb8;
	[tilespmem:$0x16250] =	vst v63  }
0x525: {  	_ = 	snop  }
0x526: {  	[hbm4b:s4+s3] =	stream.indirect_vreg.scatter [tilespmem:s5], [sflag:$0x1], $0x80, v10, vm0, $0xb8;
	[tilespmem:$0x16250] =	vst v63  }
0x527: {  	s6 =	simm.s32 $0x8180  }
0x528: {  	[hbm4b:s12+s3] =	stream.indirect_vreg.scatter [tilespmem:s6], [sflag:$0x1], $0x80, v9, vm0, $0xb8;
	[tilespmem:$0x16250] =	vst v63  }
0x529: {  	s6 =	simm.s32 $0x8980  }
0x52a: {  	[hbm4b:s10+s3] =	stream.indirect_vreg.scatter [tilespmem:s6], [sflag:$0x1], $0x80, v9, vm0, $0xb8;
	[tilespmem:$0x16250] =	vst v63  }
0x52b: {  	s6 =	simm.s32 $0x9180  }
0x52c: {  	[hbm4b:s11+s3] =	stream.indirect_vreg.scatter [tilespmem:s6], [sflag:$0x1], $0x80, v9, vm0, $0xb8;
	[tilespmem:$0x16250] =	vst v63  }
0x52d: {  	s8 =	simm.s32 $0x9980  }
0x52e: {  	[hbm4b:s4+s3] =	stream.indirect_vreg.scatter [tilespmem:s8], [sflag:$0x1], $0x80, v9, vm0, $0xb8;
	[tilespmem:$0x16250] =	vst v63  }
0x52f: {  	v9 =	vld [tilespmem:s2+$0x5590];
	_ =	sdelay $0x4  }
0x530: {  	v10 =	vshll.u32 v9, $0x3  }
0x531: {  	v9 =	vand.u32 $0x7, v9;
	v10 =	vand.u32 $0xFFFFFFC0, v10  }
0x532: {  	v9 =	vor.u32 v9, v10  }
0x533: {  	v10 =	vperm.xlane v9, v7;
	_ =	sdelay $0x1  }
0x534: {  	v10 =	vadd.s32 v6, v10;
	_ =	sdelay $0x3  }
0x535: {  	s8 =	simm.s32 $0xA180  }
0x536: {  	[hbm4b:s12+s3] =	stream.indirect_vreg.scatter [tilespmem:s8], [sflag:$0x1], $0x80, v10, vm0, $0xb8;
	[tilespmem:$0x16250] =	vst v63  }
0x537: {  	v9 =	vperm.xlane v9, v8;
	s8 =	simm.s32 $0xA980  }
0x538: {  	[hbm4b:s10+s3] =	stream.indirect_vreg.scatter [tilespmem:s8], [sflag:$0x1], $0x80, v10, vm0, $0xb8;
	[tilespmem:$0x16250] =	vst v63  }
0x539: {  	v9 =	vadd.s32 v6, v9;
	s8 =	simm.s32 $0xB180  }
0x53a: {  	[hbm4b:s11+s3] =	stream.indirect_vreg.scatter [tilespmem:s8], [sflag:$0x1], $0x80, v10, vm0, $0xb8;
	[tilespmem:$0x16250] =	vst v63  }
0x53b: {  	_ = 	snop  }
0x53c: {  	[hbm4b:s4+s3] =	stream.indirect_vreg.scatter [tilespmem:s17], [sflag:$0x1], $0x80, v10, vm0, $0xb8;
	[tilespmem:$0x16250] =	vst v63  }
0x53d: {  	_ = 	snop  }
0x53e: {  	[hbm4b:s12+s3] =	stream.indirect_vreg.scatter [tilespmem:s24], [sflag:$0x1], $0x80, v9, vm0, $0xb8;
	[tilespmem:$0x16250] =	vst v63  }
0x53f: {  	_ = 	snop  }
0x540: {  	[hbm4b:s10+s3] =	stream.indirect_vreg.scatter [tilespmem:s25], [sflag:$0x1], $0x80, v9, vm0, $0xb8;
	[tilespmem:$0x16250] =	vst v63  }
0x541: {  	_ = 	snop  }
0x542: {  	[hbm4b:s11+s3] =	stream.indirect_vreg.scatter [tilespmem:s26], [sflag:$0x1], $0x80, v9, vm0, $0xb8;
	[tilespmem:$0x16250] =	vst v63  }
0x543: {  	s8 =	simm.s32 $0xD980  }
0x544: {  	[hbm4b:s4+s3] =	stream.indirect_vreg.scatter [tilespmem:s8], [sflag:$0x1], $0x80, v9, vm0, $0xb8;
	[tilespmem:$0x16250] =	vst v63  }
0x545: {  	v9 =	vld [tilespmem:s2+$0x55A0];
	_ =	sdelay $0x4  }
0x546: {  	v10 =	vshll.u32 v9, $0x3  }
0x547: {  	v9 =	vand.u32 $0x7, v9;
	v10 =	vand.u32 $0xFFFFFFC0, v10  }
0x548: {  	v9 =	vor.u32 v9, v10  }
0x549: {  	v10 =	vperm.xlane v9, v7;
	_ =	sdelay $0x1  }
0x54a: {  	v10 =	vadd.s32 v6, v10;
	_ =	sdelay $0x4  }
0x54b: {  	[hbm4b:s12+s3] =	stream.indirect_vreg.scatter [tilespmem:s28], [sflag:$0x1], $0x80, v10, vm0, $0xb8;
	[tilespmem:$0x16250] =	vst v63  }
0x54c: {  	v9 =	vperm.xlane v9, v8  }
0x54d: {  	[hbm4b:s10+s3] =	stream.indirect_vreg.scatter [tilespmem:s30], [sflag:$0x1], $0x80, v10, vm0, $0xb8;
	[tilespmem:$0x16250] =	vst v63  }
0x54e: {  	v9 =	vadd.s32 v6, v9  }
0x54f: {  	[hbm4b:s11+s3] =	stream.indirect_vreg.scatter [tilespmem:s31], [sflag:$0x1], $0x80, v10, vm0, $0xb8;
	[tilespmem:$0x16250] =	vst v63  }
0x550: {  	s8 =	simm.s32 $0xF980  }
0x551: {  	[hbm4b:s4+s3] =	stream.indirect_vreg.scatter [tilespmem:s8], [sflag:$0x1], $0x80, v10, vm0, $0xb8;
	[tilespmem:$0x16250] =	vst v63  }
0x552: {  	s8 =	simm.s32 $0x10180  }
0x553: {  	[hbm4b:s12+s3] =	stream.indirect_vreg.scatter [tilespmem:s8], [sflag:$0x1], $0x80, v9, vm0, $0xb8;
	[tilespmem:$0x16250] =	vst v63  }
0x554: {  	s6 =	simm.s32 $0x10980  }
0x555: {  	[hbm4b:s10+s3] =	stream.indirect_vreg.scatter [tilespmem:s6], [sflag:$0x1], $0x80, v9, vm0, $0xb8;
	[tilespmem:$0x16250] =	vst v63  }
0x556: {  	_ = 	snop  }
0x557: {  	[hbm4b:s11+s3] =	stream.indirect_vreg.scatter [tilespmem:s14], [sflag:$0x1], $0x80, v9, vm0, $0xb8;
	[tilespmem:$0x16250] =	vst v63  }
0x558: {  	_ = 	snop  }
0x559: {  	[hbm4b:s4+s3] =	stream.indirect_vreg.scatter [tilespmem:s9], [sflag:$0x1], $0x80, v9, vm0, $0xb8;
	[tilespmem:$0x16250] =	vst v63  }
0x55a: {  	v9 =	vld [tilespmem:s2+$0x55B0];
	_ =	sdelay $0x4  }
0x55b: {  	v10 =	vshll.u32 v9, $0x3  }
0x55c: {  	v9 =	vand.u32 $0x7, v9;
	v10 =	vand.u32 $0xFFFFFFC0, v10  }
0x55d: {  	v9 =	vor.u32 v9, v10  }
0x55e: {  	v10 =	vperm.xlane v9, v7;
	_ =	sdelay $0x1  }
0x55f: {  	v10 =	vadd.s32 v6, v10;
	_ =	sdelay $0x4  }
0x560: {  	[hbm4b:s12+s3] =	stream.indirect_vreg.scatter [tilespmem:s29], [sflag:$0x1], $0x80, v10, vm0, $0xb8;
	[tilespmem:$0x16250] =	vst v63  }
0x561: {  	s8 =	simm.s32 $0x12980;
	v9 =	vperm.xlane v9, v8  }
0x562: {  	[hbm4b:s10+s3] =	stream.indirect_vreg.scatter [tilespmem:s8], [sflag:$0x1], $0x80, v10, vm0, $0xb8;
	[tilespmem:$0x16250] =	vst v63  }
0x563: {  	v9 =	vadd.s32 v6, v9  }
0x564: {  	[hbm4b:s11+s3] =	stream.indirect_vreg.scatter [tilespmem:s15], [sflag:$0x1], $0x80, v10, vm0, $0xb8;
	[tilespmem:$0x16250] =	vst v63  }
0x565: {  	_ = 	snop  }
0x566: {  	[hbm4b:s4+s3] =	stream.indirect_vreg.scatter [tilespmem:s16], [sflag:$0x1], $0x80, v10, vm0, $0xb8;
	[tilespmem:$0x16250] =	vst v63  }
0x567: {  	_ = 	snop  }
0x568: {  	[hbm4b:s12+s3] =	stream.indirect_vreg.scatter [tilespmem:s18], [sflag:$0x1], $0x80, v9, vm0, $0xb8;
	[tilespmem:$0x16250] =	vst v63  }
0x569: {  	_ = 	snop  }
0x56a: {  	[hbm4b:s10+s3] =	stream.indirect_vreg.scatter [tilespmem:s21], [sflag:$0x1], $0x80, v9, vm0, $0xb8;
	[tilespmem:$0x16250] =	vst v63  }
0x56b: {  	_ = 	snop  }
0x56c: {  	[hbm4b:s11+s3] =	stream.indirect_vreg.scatter [tilespmem:s22], [sflag:$0x1], $0x80, v9, vm0, $0xb8;
	[tilespmem:$0x16250] =	vst v63  }
0x56d: {  	_ = 	snop  }
0x56e: {  	[hbm4b:s4+s3] =	stream.indirect_vreg.scatter [tilespmem:s23], [sflag:$0x1], $0x80, v9, vm0, $0xb8;
	[tilespmem:$0x16250] =	vst v63  }
0x56f: {  	v9 =	vld [tilespmem:s2+$0x5980];
	_ =	sdelay $0x4  }
0x570: {  	v10 =	vshll.u32 v9, $0x3  }
0x571: {  	v9 =	vand.u32 $0x7, v9;
	v10 =	vand.u32 $0xFFFFFFC0, v10  }
0x572: {  	v9 =	vor.u32 v9, v10  }
0x573: {  	v10 =	vperm.xlane v9, v7;
	_ =	sdelay $0x1  }
0x574: {  	v10 =	vadd.s32 v6, v10;
	_ =	sdelay $0x4  }
0x575: {  	[hbm4b:s12+s3] =	stream.indirect_vreg.scatter [tilespmem:s7], [sflag:$0x1], $0x80, v10, vm0, $0xb8;
	[tilespmem:$0x16250] =	vst v63  }
0x576: {  	v9 =	vperm.xlane v9, v8  }
0x577: {  	[hbm4b:s10+s3] =	stream.indirect_vreg.scatter [tilespmem:s0], [sflag:$0x1], $0x80, v10, vm0, $0xb8;
	[tilespmem:$0x16250] =	vst v63  }
0x578: {  	v9 =	vadd.s32 v6, v9  }
0x579: {  	[hbm4b:s11+s3] =	stream.indirect_vreg.scatter [tilespmem:s1], [sflag:$0x1], $0x80, v10, vm0, $0xb8;
	[tilespmem:$0x16250] =	vst v63  }
0x57a: {  	_ = 	snop  }
0x57b: {  	[hbm4b:s4+s3] =	stream.indirect_vreg.scatter [tilespmem:s5], [sflag:$0x1], $0x80, v10, vm0, $0xb8;
	[tilespmem:$0x16250] =	vst v63  }
0x57c: {  	s8 =	simm.s32 $0x8180  }
0x57d: {  	[hbm4b:s12+s3] =	stream.indirect_vreg.scatter [tilespmem:s8], [sflag:$0x1], $0x80, v9, vm0, $0xb8;
	[tilespmem:$0x16250] =	vst v63  }
0x57e: {  	s1 =	simm.s32 $0x8980  }
0x57f: {  	[hbm4b:s10+s3] =	stream.indirect_vreg.scatter [tilespmem:s1], [sflag:$0x1], $0x80, v9, vm0, $0xb8;
	[tilespmem:$0x16250] =	vst v63  }
0x580: {  	s5 =	simm.s32 $0x9180  }
0x581: {  	[hbm4b:s11+s3] =	stream.indirect_vreg.scatter [tilespmem:s5], [sflag:$0x1], $0x80, v9, vm0, $0xb8;
	[tilespmem:$0x16250] =	vst v63  }
0x582: {  	s8 =	simm.s32 $0x9980  }
0x583: {  	[hbm4b:s4+s3] =	stream.indirect_vreg.scatter [tilespmem:s8], [sflag:$0x1], $0x80, v9, vm0, $0xb8;
	[tilespmem:$0x16250] =	vst v63  }
0x584: {  	v9 =	vld [tilespmem:s2+$0x5990];
	_ =	sdelay $0x4  }
0x585: {  	v10 =	vshll.u32 v9, $0x3  }
0x586: {  	v9 =	vand.u32 $0x7, v9;
	v10 =	vand.u32 $0xFFFFFFC0, v10  }
0x587: {  	v9 =	vor.u32 v9, v10  }
0x588: {  	v10 =	vperm.xlane v9, v7;
	_ =	sdelay $0x1  }
0x589: {  	v10 =	vadd.s32 v6, v10;
	_ =	sdelay $0x3  }
0x58a: {  	s1 =	simm.s32 $0xA180  }
0x58b: {  	[hbm4b:s12+s3] =	stream.indirect_vreg.scatter [tilespmem:s1], [sflag:$0x1], $0x80, v10, vm0, $0xb8;
	[tilespmem:$0x16250] =	vst v63  }
0x58c: {  	s5 =	simm.s32 $0xA980;
	v9 =	vperm.xlane v9, v8  }
0x58d: {  	[hbm4b:s10+s3] =	stream.indirect_vreg.scatter [tilespmem:s5], [sflag:$0x1], $0x80, v10, vm0, $0xb8;
	[tilespmem:$0x16250] =	vst v63  }
0x58e: {  	s8 =	simm.s32 $0xB180;
	v9 =	vadd.s32 v6, v9  }
0x58f: {  	[hbm4b:s11+s3] =	stream.indirect_vreg.scatter [tilespmem:s8], [sflag:$0x1], $0x80, v10, vm0, $0xb8;
	[tilespmem:$0x16250] =	vst v63  }
0x590: {  	_ = 	snop  }
0x591: {  	[hbm4b:s4+s3] =	stream.indirect_vreg.scatter [tilespmem:s17], [sflag:$0x1], $0x80, v10, vm0, $0xb8;
	[tilespmem:$0x16250] =	vst v63  }
0x592: {  	_ = 	snop  }
0x593: {  	[hbm4b:s12+s3] =	stream.indirect_vreg.scatter [tilespmem:s24], [sflag:$0x1], $0x80, v9, vm0, $0xb8;
	[tilespmem:$0x16250] =	vst v63  }
0x594: {  	_ = 	snop  }
0x595: {  	[hbm4b:s10+s3] =	stream.indirect_vreg.scatter [tilespmem:s25], [sflag:$0x1], $0x80, v9, vm0, $0xb8;
	[tilespmem:$0x16250] =	vst v63  }
0x596: {  	_ = 	snop  }
0x597: {  	[hbm4b:s11+s3] =	stream.indirect_vreg.scatter [tilespmem:s26], [sflag:$0x1], $0x80, v9, vm0, $0xb8;
	[tilespmem:$0x16250] =	vst v63  }
0x598: {  	s26 =	simm.s32 $0xD980  }
0x599: {  	[hbm4b:s4+s3] =	stream.indirect_vreg.scatter [tilespmem:s26], [sflag:$0x1], $0x80, v9, vm0, $0xb8;
	[tilespmem:$0x16250] =	vst v63  }
0x59a: {  	v9 =	vld [tilespmem:s2+$0x59A0];
	_ =	sdelay $0x4  }
0x59b: {  	v10 =	vshll.u32 v9, $0x3  }
0x59c: {  	v9 =	vand.u32 $0x7, v9;
	v10 =	vand.u32 $0xFFFFFFC0, v10  }
0x59d: {  	v9 =	vor.u32 v9, v10  }
0x59e: {  	v10 =	vperm.xlane v9, v7;
	_ =	sdelay $0x1  }
0x59f: {  	v10 =	vadd.s32 v6, v10;
	_ =	sdelay $0x4  }
0x5a0: {  	[hbm4b:s12+s3] =	stream.indirect_vreg.scatter [tilespmem:s28], [sflag:$0x1], $0x80, v10, vm0, $0xb8;
	[tilespmem:$0x16250] =	vst v63  }
0x5a1: {  	v9 =	vperm.xlane v9, v8  }
0x5a2: {  	[hbm4b:s10+s3] =	stream.indirect_vreg.scatter [tilespmem:s30], [sflag:$0x1], $0x80, v10, vm0, $0xb8;
	[tilespmem:$0x16250] =	vst v63  }
0x5a3: {  	v9 =	vadd.s32 v6, v9  }
0x5a4: {  	[hbm4b:s11+s3] =	stream.indirect_vreg.scatter [tilespmem:s31], [sflag:$0x1], $0x80, v10, vm0, $0xb8;
	[tilespmem:$0x16250] =	vst v63  }
0x5a5: {  	s1 =	simm.s32 $0xF980  }
0x5a6: {  	[hbm4b:s4+s3] =	stream.indirect_vreg.scatter [tilespmem:s1], [sflag:$0x1], $0x80, v10, vm0, $0xb8;
	[tilespmem:$0x16250] =	vst v63  }
0x5a7: {  	s5 =	simm.s32 $0x10180  }
0x5a8: {  	[hbm4b:s12+s3] =	stream.indirect_vreg.scatter [tilespmem:s5], [sflag:$0x1], $0x80, v9, vm0, $0xb8;
	[tilespmem:$0x16250] =	vst v63  }
0x5a9: {  	_ = 	snop  }
0x5aa: {  	[hbm4b:s10+s3] =	stream.indirect_vreg.scatter [tilespmem:s6], [sflag:$0x1], $0x80, v9, vm0, $0xb8;
	[tilespmem:$0x16250] =	vst v63  }
0x5ab: {  	_ = 	snop  }
0x5ac: {  	[hbm4b:s11+s3] =	stream.indirect_vreg.scatter [tilespmem:s14], [sflag:$0x1], $0x80, v9, vm0, $0xb8;
	[tilespmem:$0x16250] =	vst v63  }
0x5ad: {  	_ = 	snop  }
0x5ae: {  	[hbm4b:s4+s3] =	stream.indirect_vreg.scatter [tilespmem:s9], [sflag:$0x1], $0x80, v9, vm0, $0xb8;
	[tilespmem:$0x16250] =	vst v63  }
0x5af: {  	v9 =	vld [tilespmem:s2+$0x59B0];
	_ =	sdelay $0x4  }
0x5b0: {  	v10 =	vshll.u32 v9, $0x3  }
0x5b1: {  	v9 =	vand.u32 $0x7, v9;
	v10 =	vand.u32 $0xFFFFFFC0, v10  }
0x5b2: {  	v9 =	vor.u32 v9, v10  }
0x5b3: {  	v10 =	vperm.xlane v9, v7;
	_ =	sdelay $0x1  }
0x5b4: {  	v10 =	vadd.s32 v6, v10;
	_ =	sdelay $0x4  }
0x5b5: {  	[hbm4b:s12+s3] =	stream.indirect_vreg.scatter [tilespmem:s29], [sflag:$0x1], $0x80, v10, vm0, $0xb8;
	[tilespmem:$0x16250] =	vst v63  }
0x5b6: {  	s26 =	simm.s32 $0x12980;
	v9 =	vperm.xlane v9, v8  }
0x5b7: {  	[hbm4b:s10+s3] =	stream.indirect_vreg.scatter [tilespmem:s26], [sflag:$0x1], $0x80, v10, vm0, $0xb8;
	[tilespmem:$0x16250] =	vst v63  }
0x5b8: {  	s8 =	simm.s32 $0x10180;
	v9 =	vadd.s32 v6, v9  }
0x5b9: {  	[hbm4b:s11+s3] =	stream.indirect_vreg.scatter [tilespmem:s15], [sflag:$0x1], $0x80, v10, vm0, $0xb8;
	[tilespmem:$0x16250] =	vst v63  }
0x5ba: {  	s17 =	simm.s32 $0x1;
	s24 =	simm.s32 $0xC980;
	s25 =	simm.s32 $0xD180  }
0x5bb: {  	[hbm4b:s4+s3] =	stream.indirect_vreg.scatter [tilespmem:s16], [sflag:$0x1], $0x80, v10, vm0, $0xb8;
	[tilespmem:$0x16250] =	vst v63  }
0x5bc: {  	s28 =	simm.s32 $0xE980;
	s30 =	simm.s32 $0xF180;
	s31 =	simm.s32 $0xF980  }
0x5bd: {  	[hbm4b:s12+s3] =	stream.indirect_vreg.scatter [tilespmem:s18], [sflag:$0x1], $0x80, v9, vm0, $0xb8;
	[tilespmem:$0x16250] =	vst v63  }
0x5be: {  	s1 =	simm.s32 $0x13180;
	s5 =	simm.s32 $0x10980;
	s6 =	simm.s32 $0x11180  }
0x5bf: {  	[hbm4b:s10+s3] =	stream.indirect_vreg.scatter [tilespmem:s21], [sflag:$0x1], $0x80, v9, vm0, $0xb8;
	[tilespmem:$0x16250] =	vst v63  }
.Ltmp38:
0x5c0: {  	s14 =	simm.s32 $0x11980;
	s29 =	simm.s32 $0x12980;
	(pc) =	sbr.rel @p1 .LBB2_75-.Ltmp38, $4  }
0x5c1: {  	s15 =	simm.s32 $0x13980;
	s16 =	simm.s32 $0x14180;
	s12 =	simm.s32 $0x14980  }
0x5c2: {  	[hbm4b:s11+s3] =	stream.indirect_vreg.scatter [tilespmem:s22], [sflag:$0x1], $0x80, v9, vm0, $0xb8;
	[tilespmem:$0x16250] =	vst v63  }
0x5c3: {  	s18 =	simm.s32 $0x15180;
	s21 =	simm.s32 $0x15980;
	s22 =	rddreg [dreg:$0xe]  }
0x5c4: {  	[hbm4b:s4+s3] =	stream.indirect_vreg.scatter [tilespmem:s23], [sflag:$0x1], $0x80, v9, vm0, $0xb8;
	[tilespmem:$0x16250] =	vst v63  }
0x5c5: {  	s0 =	rddreg [dreg:$0x7]  }
0x5c6: {  	v9 =	vld [tilespmem:s0+$0x5180];
	_ =	sdelay $0x4  }
0x5c7: {  	v10 =	vshll.u32 v9, $0x3  }
0x5c8: {  	v9 =	vand.u32 $0x7, v9;
	v10 =	vand.u32 $0xFFFFFFC0, v10  }
0x5c9: {  	v9 =	vor.u32 v9, v10  }
0x5ca: {  	v10 =	vperm.xlane v9, v7;
	_ =	sdelay $0x1  }
0x5cb: {  	v10 =	vadd.s32 v6, v10;
	_ =	sdelay $0x3  }
0x5cc: {  	s2 =	rddreg [dreg:$0x1]  }
0x5cd: {  	[hbm4b:s2+s3] =	stream.indirect_vreg.scatter [tilespmem:s7], [sflag:$0x1], $0x80, v10, vm0, $0xb8;
	[tilespmem:$0x16250] =	vst v63  }
0x5ce: {  	s9 =	rddreg [dreg:$0xb];
	s4 =	simm.s32 $0x6980;
	v9 =	vperm.xlane v9, v8  }
0x5cf: {  	[hbm4b:s9+s3] =	stream.indirect_vreg.scatter [tilespmem:s4], [sflag:$0x1], $0x80, v10, vm0, $0xb8;
	[tilespmem:$0x16250] =	vst v63  }
0x5d0: {  	s10 =	rddreg [dreg:$0xc];
	s23 =	simm.s32 $0x7180;
	v9 =	vadd.s32 v6, v9  }
0x5d1: {  	[hbm4b:s10+s3] =	stream.indirect_vreg.scatter [tilespmem:s23], [sflag:$0x1], $0x80, v10, vm0, $0xb8;
	[tilespmem:$0x16250] =	vst v63  }
0x5d2: {  	s11 =	rddreg [dreg:$0xd];
	s26 =	simm.s32 $0x7980  }
0x5d3: {  	[hbm4b:s11+s3] =	stream.indirect_vreg.scatter [tilespmem:s26], [sflag:$0x1], $0x80, v10, vm0, $0xb8;
	[tilespmem:$0x16250] =	vst v63  }
0x5d4: {  	s23 =	simm.s32 $0x8180  }
0x5d5: {  	[hbm4b:s2+s3] =	stream.indirect_vreg.scatter [tilespmem:s23], [sflag:$0x1], $0x80, v9, vm0, $0xb8;
	[tilespmem:$0x16250] =	vst v63  }
0x5d6: {  	s26 =	simm.s32 $0x8980  }
0x5d7: {  	[hbm4b:s9+s3] =	stream.indirect_vreg.scatter [tilespmem:s26], [sflag:$0x1], $0x80, v9, vm0, $0xb8;
	[tilespmem:$0x16250] =	vst v63  }
0x5d8: {  	s23 =	simm.s32 $0x9180  }
0x5d9: {  	[hbm4b:s10+s3] =	stream.indirect_vreg.scatter [tilespmem:s23], [sflag:$0x1], $0x80, v9, vm0, $0xb8;
	[tilespmem:$0x16250] =	vst v63  }
0x5da: {  	s26 =	simm.s32 $0x9980  }
0x5db: {  	[hbm4b:s11+s3] =	stream.indirect_vreg.scatter [tilespmem:s26], [sflag:$0x1], $0x80, v9, vm0, $0xb8;
	[tilespmem:$0x16250] =	vst v63  }
0x5dc: {  	v9 =	vld [tilespmem:s0+$0x5190];
	_ =	sdelay $0x4  }
0x5dd: {  	v60 =	vshll.u32 v9, $0x3  }
0x5de: {  	v9 =	vand.u32 $0x7, v9;
	v10 =	vand.u32 $0xFFFFFFC0, v60  }
0x5df: {  	v9 =	vor.u32 v9, v10  }
0x5e0: {  	v10 =	vperm.xlane v9, v7;
	_ =	sdelay $0x1  }
0x5e1: {  	v10 =	vadd.s32 v6, v10;
	_ =	sdelay $0x3  }
0x5e2: {  	s23 =	simm.s32 $0xA180  }
0x5e3: {  	[hbm4b:s2+s3] =	stream.indirect_vreg.scatter [tilespmem:s23], [sflag:$0x1], $0x80, v10, vm0, $0xb8;
	[tilespmem:$0x16250] =	vst v63  }
0x5e4: {  	s26 =	simm.s32 $0xA980;
	v9 =	vperm.xlane v9, v8  }
0x5e5: {  	[hbm4b:s9+s3] =	stream.indirect_vreg.scatter [tilespmem:s26], [sflag:$0x1], $0x80, v10, vm0, $0xb8;
	[tilespmem:$0x16250] =	vst v63  }
0x5e6: {  	v9 =	vadd.s32 v6, v9;
	s23 =	simm.s32 $0xB180  }
0x5e7: {  	[hbm4b:s10+s3] =	stream.indirect_vreg.scatter [tilespmem:s23], [sflag:$0x1], $0x80, v10, vm0, $0xb8;
	[tilespmem:$0x16250] =	vst v63  }
0x5e8: {  	s26 =	simm.s32 $0xB980  }
0x5e9: {  	[hbm4b:s11+s3] =	stream.indirect_vreg.scatter [tilespmem:s26], [sflag:$0x1], $0x80, v10, vm0, $0xb8;
	[tilespmem:$0x16250] =	vst v63  }
0x5ea: {  	s23 =	simm.s32 $0xC180  }
0x5eb: {  	[hbm4b:s2+s3] =	stream.indirect_vreg.scatter [tilespmem:s23], [sflag:$0x1], $0x80, v9, vm0, $0xb8;
	[tilespmem:$0x16250] =	vst v63  }
0x5ec: {  	_ = 	snop  }
0x5ed: {  	[hbm4b:s9+s3] =	stream.indirect_vreg.scatter [tilespmem:s24], [sflag:$0x1], $0x80, v9, vm0, $0xb8;
	[tilespmem:$0x16250] =	vst v63  }
0x5ee: {  	_ = 	snop  }
0x5ef: {  	[hbm4b:s10+s3] =	stream.indirect_vreg.scatter [tilespmem:s25], [sflag:$0x1], $0x80, v9, vm0, $0xb8;
	[tilespmem:$0x16250] =	vst v63  }
0x5f0: {  	s25 =	simm.s32 $0xD980  }
0x5f1: {  	[hbm4b:s11+s3] =	stream.indirect_vreg.scatter [tilespmem:s25], [sflag:$0x1], $0x80, v9, vm0, $0xb8;
	[tilespmem:$0x16250] =	vst v63  }
0x5f2: {  	v9 =	vld [tilespmem:s0+$0x51A0];
	_ =	sdelay $0x4  }
0x5f3: {  	v61 =	vshll.u32 v9, $0x3  }
0x5f4: {  	v9 =	vand.u32 $0x7, v9;
	v10 =	vand.u32 $0xFFFFFFC0, v61  }
0x5f5: {  	v9 =	vor.u32 v9, v10  }
0x5f6: {  	v10 =	vperm.xlane v9, v7;
	_ =	sdelay $0x1  }
0x5f7: {  	v10 =	vadd.s32 v6, v10;
	_ =	sdelay $0x3  }
0x5f8: {  	s26 =	simm.s32 $0xE180  }
0x5f9: {  	[hbm4b:s2+s3] =	stream.indirect_vreg.scatter [tilespmem:s26], [sflag:$0x1], $0x80, v10, vm0, $0xb8;
	[tilespmem:$0x16250] =	vst v63  }
0x5fa: {  	v9 =	vperm.xlane v9, v8  }
0x5fb: {  	[hbm4b:s9+s3] =	stream.indirect_vreg.scatter [tilespmem:s28], [sflag:$0x1], $0x80, v10, vm0, $0xb8;
	[tilespmem:$0x16250] =	vst v63  }
0x5fc: {  	v9 =	vadd.s32 v6, v9  }
0x5fd: {  	[hbm4b:s10+s3] =	stream.indirect_vreg.scatter [tilespmem:s30], [sflag:$0x1], $0x80, v10, vm0, $0xb8;
	[tilespmem:$0x16250] =	vst v63  }
0x5fe: {  	_ = 	snop  }
0x5ff: {  	[hbm4b:s11+s3] =	stream.indirect_vreg.scatter [tilespmem:s31], [sflag:$0x1], $0x80, v10, vm0, $0xb8;
	[tilespmem:$0x16250] =	vst v63  }
0x600: {  	_ = 	snop  }
0x601: {  	[hbm4b:s2+s3] =	stream.indirect_vreg.scatter [tilespmem:s8], [sflag:$0x1], $0x80, v9, vm0, $0xb8;
	[tilespmem:$0x16250] =	vst v63  }
0x602: {  	_ = 	snop  }
0x603: {  	[hbm4b:s9+s3] =	stream.indirect_vreg.scatter [tilespmem:s5], [sflag:$0x1], $0x80, v9, vm0, $0xb8;
	[tilespmem:$0x16250] =	vst v63  }
0x604: {  	_ = 	snop  }
0x605: {  	[hbm4b:s10+s3] =	stream.indirect_vreg.scatter [tilespmem:s6], [sflag:$0x1], $0x80, v9, vm0, $0xb8;
	[tilespmem:$0x16250] =	vst v63  }
0x606: {  	_ = 	snop  }
0x607: {  	[hbm4b:s11+s3] =	stream.indirect_vreg.scatter [tilespmem:s14], [sflag:$0x1], $0x80, v9, vm0, $0xb8;
	[tilespmem:$0x16250] =	vst v63  }
0x608: {  	v9 =	vld [tilespmem:s0+$0x51B0];
	_ =	sdelay $0x4  }
0x609: {  	v62 =	vshll.u32 v9, $0x3  }
0x60a: {  	v9 =	vand.u32 $0x7, v9;
	v10 =	vand.u32 $0xFFFFFFC0, v62  }
0x60b: {  	v9 =	vor.u32 v9, v10  }
0x60c: {  	v7 =	vperm.xlane v9, v7;
	_ =	sdelay $0x1  }
0x60d: {  	v7 =	vadd.s32 v6, v7;
	_ =	sdelay $0x3  }
0x60e: {  	s31 =	simm.s32 $0x12180  }
0x60f: {  	[hbm4b:s2+s3] =	stream.indirect_vreg.scatter [tilespmem:s31], [sflag:$0x1], $0x80, v7, vm0, $0xb8;
	[tilespmem:$0x16250] =	vst v63  }
0x610: {  	v63 =	vperm.xlane v9, v8  }
0x611: {  	[hbm4b:s9+s3] =	stream.indirect_vreg.scatter [tilespmem:s29], [sflag:$0x1], $0x80, v7, vm0, $0xb8;
	[tilespmem:$0x16250] =	vst v63  }
0x612: {  	v6 =	vadd.s32 v6, v63  }
0x613: {  	[hbm4b:s10+s3] =	stream.indirect_vreg.scatter [tilespmem:s1], [sflag:$0x1], $0x80, v7, vm0, $0xb8;
	[tilespmem:$0x16250] =	vst v63  }
0x614: {  	_ = 	snop  }
0x615: {  	[hbm4b:s11+s3] =	stream.indirect_vreg.scatter [tilespmem:s15], [sflag:$0x1], $0x80, v7, vm0, $0xb8;
	[tilespmem:$0x16250] =	vst v63  }
0x616: {  	_ = 	snop  }
0x617: {  	[hbm4b:s2+s3] =	stream.indirect_vreg.scatter [tilespmem:s16], [sflag:$0x1], $0x80, v6, vm0, $0xb8;
	[tilespmem:$0x16250] =	vst v63  }
0x618: {  	_ = 	snop  }
0x619: {  	[hbm4b:s9+s3] =	stream.indirect_vreg.scatter [tilespmem:s12], [sflag:$0x1], $0x80, v6, vm0, $0xb8;
	[tilespmem:$0x16250] =	vst v63  }
0x61a: {  	_ = 	snop  }
0x61b: {  	[hbm4b:s10+s3] =	stream.indirect_vreg.scatter [tilespmem:s18], [sflag:$0x1], $0x80, v6, vm0, $0xb8;
	[tilespmem:$0x16250] =	vst v63  }
.Ltmp39:
0x61c: {  	_ = 	snop;
	(pc) =	sbr.rel .LBB2_75-.Ltmp39, $4  }
0x61d: {  	[hbm4b:s11+s3] =	stream.indirect_vreg.scatter [tilespmem:s21], [sflag:$0x1], $0x80, v6, vm0, $0xb8;
	[tilespmem:$0x16250] =	vst v63  }
0x61e: {  	_ =	swait.ge [sflag:s17], $0x10000  }
0x61f: {  	[sflag:s17] =	ssyncset.done $0x0  }
0x620: {  	[sflag:s17] =	ssyncadd.s32 $0xFFFF0000  }
.LBB2_9:
.Ltmp40:
0x621: {  	(pc) =	sbr.rel .LBB2_22-.Ltmp40, $3  }
0x622: {  	_ =	sdelay $0x1  }
0x623: {  	s5 =	simm.s32 $0xFF;
	s22 =	simm.s32 $0x0  }
0x624: {  	s29 =	simm.s32 $0x0;
	s25 =	simm.s32 $0x0;
	s24 =	simm.s32 $0x0  }
.LBB2_29:
.Ltmp41:
0x625: {  	(pc) =	sbr.rel .LBB2_42-.Ltmp41, $3  }
0x626: {  	_ =	sdelay $0x1  }
0x627: {  	s29 =	simm.s32 $0xFF;
	s24 =	simm.s32 $0x0  }
0x628: {  	s31 =	simm.s32 $0x0;
	s28 =	simm.s32 $0x0;
	s26 =	simm.s32 $0x0  }
.LBB2_49:
.Ltmp42:
0x629: {  	(pc) =	sbr.rel .LBB2_62-.Ltmp42, $3  }
0x62a: {  	_ =	sdelay $0x1  }
0x62b: {  	s13 =	simm.s32 $0xFF;
	s24 =	simm.s32 $0x0  }
0x62c: {  	s31 =	simm.s32 $0x0;
	s28 =	simm.s32 $0x0;
	s26 =	simm.s32 $0x0  }
.LBB2_11:
.Ltmp43:
0x62d: {  	(pc) =	sbr.rel .LBB2_22-.Ltmp43, $3  }
0x62e: {  	_ =	sdelay $0x1  }
0x62f: {  	s14 =	simm.s32 $0xFF;
	s5 =	simm.s32 $0xEF;
	s22 =	simm.s32 $0x0  }
0x630: {  	v10 =	vmov v7;
	s29 =	simm.s32 $0x0;
	s25 =	simm.s32 $0x0;
	s24 =	simm.s32 $0x0  }
.LBB2_31:
.Ltmp44:
0x631: {  	(pc) =	sbr.rel .LBB2_42-.Ltmp44, $3  }
0x632: {  	_ =	sdelay $0x1  }
0x633: {  	s23 =	simm.s32 $0xFF;
	s29 =	simm.s32 $0xEF;
	s24 =	simm.s32 $0x0  }
0x634: {  	v9 =	vmov v8;
	s31 =	simm.s32 $0x0;
	s28 =	simm.s32 $0x0;
	s26 =	simm.s32 $0x0  }
.LBB2_51:
.Ltmp45:
0x635: {  	(pc) =	sbr.rel .LBB2_62-.Ltmp45, $3  }
0x636: {  	_ =	sdelay $0x1  }
0x637: {  	s23 =	simm.s32 $0xFF;
	s13 =	simm.s32 $0xEF;
	s24 =	simm.s32 $0x0  }
0x638: {  	v9 =	vmov v8;
	s31 =	simm.s32 $0x0;
	s28 =	simm.s32 $0x0;
	s26 =	simm.s32 $0x0  }
.LBB2_13:
.Ltmp46:
0x639: {  	(pc) =	sbr.rel .LBB2_22-.Ltmp46, $4  }
0x63a: {  	_ = 	snop  }
0x63b: {  	s26 =	simm.s32 $0xFF  }
0x63c: {  	s14 =	simm.s32 $0xEF;
	s5 =	simm.s32 $0xDF;
	s22 =	simm.s32 $0x0  }
0x63d: {  	s29 =	simm.s32 $0x0;
	s25 =	simm.s32 $0x0;
	s24 =	simm.s32 $0x0  }
.LBB2_33:
.Ltmp47:
0x63e: {  	(pc) =	sbr.rel .LBB2_42-.Ltmp47, $4  }
0x63f: {  	_ = 	snop  }
0x640: {  	s0 =	simm.s32 $0xFF  }
0x641: {  	s23 =	simm.s32 $0xEF;
	s29 =	simm.s32 $0xDF;
	s24 =	simm.s32 $0x0  }
0x642: {  	s31 =	simm.s32 $0x0;
	s28 =	simm.s32 $0x0;
	s26 =	simm.s32 $0x0  }
.LBB2_53:
.Ltmp48:
0x643: {  	(pc) =	sbr.rel .LBB2_62-.Ltmp48, $4  }
0x644: {  	_ = 	snop  }
0x645: {  	s29 =	simm.s32 $0xFF  }
0x646: {  	s23 =	simm.s32 $0xEF;
	s13 =	simm.s32 $0xDF;
	s24 =	simm.s32 $0x0  }
0x647: {  	s31 =	simm.s32 $0x0;
	s28 =	simm.s32 $0x0;
	s26 =	simm.s32 $0x0  }
.LBB2_15:
.Ltmp49:
0x648: {  	(pc) =	sbr.rel .LBB2_22-.Ltmp49, $3  }
0x649: {  	_ =	sdelay $0x1  }
0x64a: {  	s26 =	simm.s32 $0xEF;
	s14 =	simm.s32 $0xDF;
	s29 =	simm.s32 $0x0  }
0x64b: {  	v10 =	vmov v7;
	s30 =	simm.s32 $0xFF;
	s25 =	simm.s32 $0x0;
	s24 =	simm.s32 $0x0  }
.LBB2_35:
.Ltmp50:
0x64c: {  	(pc) =	sbr.rel .LBB2_42-.Ltmp50, $3  }
0x64d: {  	_ =	sdelay $0x1  }
0x64e: {  	s0 =	simm.s32 $0xEF;
	s23 =	simm.s32 $0xDF;
	s31 =	simm.s32 $0x0  }
0x64f: {  	v9 =	vmov v8;
	s1 =	simm.s32 $0xFF;
	s28 =	simm.s32 $0x0;
	s26 =	simm.s32 $0x0  }
.LBB2_55:
.Ltmp51:
0x650: {  	(pc) =	sbr.rel .LBB2_62-.Ltmp51, $3  }
0x651: {  	_ =	sdelay $0x1  }
0x652: {  	s29 =	simm.s32 $0xEF;
	s23 =	simm.s32 $0xDF;
	s31 =	simm.s32 $0x0  }
0x653: {  	v9 =	vmov v8;
	s1 =	simm.s32 $0xFF;
	s28 =	simm.s32 $0x0;
	s26 =	simm.s32 $0x0  }
.LBB2_17:
.Ltmp52:
0x654: {  	(pc) =	sbr.rel .LBB2_22-.Ltmp52, $4  }
0x655: {  	_ = 	snop  }
0x656: {  	s26 =	simm.s32 $0xDF;
	s14 =	simm.s32 $0xCF  }
0x657: {  	s5 =	simm.s32 $0xBF;
	s29 =	simm.s32 $0x0;
	s28 =	simm.s32 $0xFF  }
0x658: {  	v12 =	vmovc v8;
	v13 =	vmov v9;
	vm1 =	vmmov vm0;
	v6 =	vmov v7;
	s30 =	simm.s32 $0xEF;
	s25 =	simm.s32 $0x0;
	s24 =	simm.s32 $0x0  }
.LBB2_37:
.Ltmp53:
0x659: {  	(pc) =	sbr.rel .LBB2_42-.Ltmp53, $4  }
0x65a: {  	_ = 	snop  }
0x65b: {  	s0 =	simm.s32 $0xDF;
	s23 =	simm.s32 $0xCF  }
0x65c: {  	s29 =	simm.s32 $0xBF;
	s31 =	simm.s32 $0x0;
	s30 =	simm.s32 $0xFF  }
0x65d: {  	v13 =	vmovc v10;
	v14 =	vmov v11;
	vm1 =	vmmov vm0;
	v7 =	vmov v8;
	s1 =	simm.s32 $0xEF;
	s28 =	simm.s32 $0x0;
	s26 =	simm.s32 $0x0  }
.LBB2_57:
.Ltmp54:
0x65e: {  	(pc) =	sbr.rel .LBB2_62-.Ltmp54, $4  }
0x65f: {  	_ = 	snop  }
0x660: {  	s29 =	simm.s32 $0xDF;
	s23 =	simm.s32 $0xCF  }
0x661: {  	s13 =	simm.s32 $0xBF;
	s31 =	simm.s32 $0x0;
	s30 =	simm.s32 $0xFF  }
0x662: {  	v13 =	vmovc v10;
	v14 =	vmov v11;
	vm1 =	vmmov vm0;
	v7 =	vmov v8;
	s1 =	simm.s32 $0xEF;
	s28 =	simm.s32 $0x0;
	s26 =	simm.s32 $0x0  }
.LBB2_19:
.Ltmp55:
0x663: {  	(pc) =	sbr.rel .LBB2_22-.Ltmp55, $3  }
0x664: {  	_ =	sdelay $0x1  }
0x665: {  	s26 =	simm.s32 $0xCF;
	s5 =	simm.s32 $0xAF;
	s29 =	simm.s32 $0x0  }
0x666: {  	v10 =	vmov v14;
	s28 =	simm.s32 $0xEF;
	s30 =	simm.s32 $0xDF;
	p0 =	por $0x1, $0x1  }
.LBB2_39:
.Ltmp56:
0x667: {  	(pc) =	sbr.rel .LBB2_42-.Ltmp56, $3  }
0x668: {  	_ =	sdelay $0x1  }
0x669: {  	s0 =	simm.s32 $0xCF;
	s29 =	simm.s32 $0xAF;
	s31 =	simm.s32 $0x0  }
0x66a: {  	v9 =	vmov v15;
	s30 =	simm.s32 $0xEF;
	s1 =	simm.s32 $0xDF;
	p1 =	por $0x1, $0x1  }
.LBB2_59:
.Ltmp57:
0x66b: {  	(pc) =	sbr.rel .LBB2_62-.Ltmp57, $3  }
0x66c: {  	_ =	sdelay $0x1  }
0x66d: {  	s29 =	simm.s32 $0xCF;
	s13 =	simm.s32 $0xAF;
	s31 =	simm.s32 $0x0  }
0x66e: {  	v9 =	vmov v15;
	s30 =	simm.s32 $0xEF;
	s1 =	simm.s32 $0xDF;
	p1 =	por $0x1, $0x1  }
.LBB2_76:
0x66f: {  	_ =	sfence.sel $0x180000  }
0x670: {  	[bflag:$0x0] =	sbarrier.arrive $0xFFFF  }
0x671: {  	_ =	strace $0x90000047  }
0x672: {  	s0 =	stileid.u32;
	[bflag:$0x2] =	sbarrier.arrive $0xFFFF  }
0x673: {  	p0 =	sne.s32 s0, $0x0;
	s0 =	rddreg [dreg:$0x3]  }
0x674: {  	s0 =	sadd.s32 @!p0 $0x100000, s0  }
0x675: {  	[sflag:s0] =	ssyncadd.tile.s32 @!p0 $0x1;
	_ =	shalt  }
.Lfunc_end2:
_tile_overlayer_lowered:
.L_overlay_start_2:
0x676: {  	(tag) =	ssettag $0x2  }
0x677: {  	s0 =	rddreg [dreg:$0x0];
	s2 =	stileid.u32  }
0x678: {  	s1 =	rddreg [dreg:$0x1];
	p0 =	sne.s32 s2, $0x0  }
0x679: {  	s3 =	rddreg [dreg:$0x2];
	[bflag:$0x3] =	sbarrier.arrive $0xFFFF;
	s2 =	simm.s32 @!p0 $0x1C02  }
0x67a: {  	[timem:s3], [sflag:s2] =	dma.local @!p0 [hbm:s0], s1  }
0x67b: {  	s0 =	simm.s32 @!p0 $0x2  }
0x67c: {  	_ =	swait.ge @!p0 [sflag:s0], s1  }
0x67d: {  	s1 =	ssub.s32 @!p0 $0x0, s1;
	[sflag:s0] =	ssyncset.done @!p0 $0x0  }
0x67e: {  	[sflag:s0] =	ssyncadd.s32 @!p0 s1  }
0x67f: {  	[bflag:$0x3] =	sbarrier.arrive $0xFFFF  }
0x680: {  	_ =	shalt  }

</sc_bundles>
